<compile_context>
chip_gen: v7x
topology: tpu7x:2x2x1
jax: 0.10.2.dev20260603
libtpu: 0.0.44.dev20260713+nightly
codegen_flags: <defaults>
</compile_context>

<pallas_src>
import jax
import jax.numpy as jnp
from jax import lax
from jax.experimental import pallas as pl
from jax.experimental.pallas import tpu as pltpu
from jax.experimental.pallas import tpu_sc as plsc

N_FIELDS = 26
VOCAB = 100000
EMBED_DIM = 32
BATCH = 1024
SEQ = 50

NUM_CORES = 2
NUM_SUBCORES = 16

IDXBLK = 8
IDXBLOCKS = [(k * IDXBLK, min(IDXBLK, SEQ - k * IDXBLK)) for k in range((SEQ + IDXBLK - 1) // IDXBLK)]
OUTBLK = 4
SUBS = []
for _k, (_s0, _sb) in enumerate(IDXBLOCKS):
    for _h in range(0, _sb, OUTBLK):
        SUBS.append((_k, _h, min(OUTBLK, _sb - _h)))


def _body(idx_hbm, tab_hbm, out_hbm, row, idxb, outb, rsem, isem, osem):
    cid = lax.axis_index("c")
    sid = lax.axis_index("s")
    e = sid * NUM_CORES + cid

    def row_copy(d):
        return pltpu.make_async_copy(tab_hbm.at[d, e], row, rsem)

    def idx_copy(d, k):
        s0, sb = IDXBLOCKS[k]
        return pltpu.make_async_copy(
            idx_hbm.at[d, pl.ds(s0, sb)], idxb.at[k % 2, pl.ds(0, sb)], isem
        )

    def out_copy(j, f):
        k, h, nr = SUBS[j]
        s0 = IDXBLOCKS[k][0] + h
        return [
            pltpu.make_async_copy(
                outb.at[j % 2, pl.ds(0, nr)], out_hbm.at[pl.ds(s0, nr), f], osem
            )
        ]

    row_copy(0).start()
    idx_copy(0, 0).start()

    def d_step(d, _):
        f = d * EMBED_DIM + e
        row_copy(d).wait()

        for j, (k, h, nr) in enumerate(SUBS):
            if h == 0:
                idx_copy(d, k).wait()
                if k + 1 < len(IDXBLOCKS):
                    idx_copy(d, k + 1).start()
            if j >= 2:
                for cp in out_copy(j - 2, f):
                    cp.wait()
            for ls in range(nr):
                @plsc.parallel_loop(0, BATCH, step=16, unroll=8)
                def gath(i):
                    iv = idxb[k % 2, h + ls, pl.ds(i, 16)]
                    outb[j % 2, ls, pl.ds(i, 16)] = plsc.load_gather(row, [iv])
            for cp in out_copy(j, f):
                cp.start()

        @pl.when(d + 1 < N_FIELDS)
        def _():
            row_copy(d + 1).start()
            idx_copy(d + 1, 0).start()

        for j in (len(SUBS) - 2, len(SUBS) - 1):
            for cp in out_copy(j, f):
                cp.wait()
        return 0

    lax.fori_loop(0, N_FIELDS, d_step, 0)


def kernel(inputs, tables):
    idx_t = jnp.transpose(inputs.astype(jnp.int32), (2, 1, 0))
    tab_t = jnp.transpose(tables, (0, 2, 1))
    mesh = plsc.VectorSubcoreMesh(core_axis_name="c", subcore_axis_name="s")
    out = pl.kernel(
        _body,
        out_type=jax.ShapeDtypeStruct((SEQ, N_FIELDS * EMBED_DIM, BATCH), jnp.float32),
        mesh=mesh,
        compiler_params=pltpu.CompilerParams(needs_layout_passes=False),
        scratch_types=[
            pltpu.VMEM((VOCAB,), jnp.float32),
            pltpu.VMEM((2, IDXBLK, BATCH), jnp.int32),
            pltpu.VMEM((2, OUTBLK, BATCH), jnp.float32),
            pltpu.SemaphoreType.DMA,
            pltpu.SemaphoreType.DMA,
            pltpu.SemaphoreType.DMA,
        ],
    )(idx_t, tab_t)
    return jnp.transpose(out, (2, 0, 1))

# --- scband reference (transcript-rebuilt; emitter-appended) ---
"""Pipeline reference for scband-embeddings-21036749816524 (READ-ONLY COPY).

The authoritative reference and input builder live on the scoring server;
editing this copy changes nothing except your own understanding.
"""

import jax, jax.numpy as jnp
import numpy as np

N_FIELDS = 26
VOCAB = 100000
EMBED_DIM = 32

def setup_inputs(seed: int = 0) -> dict:
    key = jax.random.key(seed)
    k1, k2 = jax.random.split(key)
    inputs = jax.random.randint(k1, (1024, 50, N_FIELDS), 0, VOCAB, dtype=jnp.int64)
    # 26 embedding tables of identical shape, stacked: [F, vocab, dim]
    # xavier_normal-style init per the reference's reset_parameters
    std = float(np.sqrt(2.0 / (VOCAB + EMBED_DIM)))
    tables = jax.random.normal(k2, (N_FIELDS, VOCAB, EMBED_DIM), dtype=jnp.float32) * std
    return {"inputs": inputs, "tables": tables}

def reference(inputs, tables):
    # seq_last=False branch: embed = cat([emb_d(inputs[:, :, d]) for d], dim=2)
    embeds = [tables[d][inputs[:, :, d]] for d in range(N_FIELDS)]
    return jnp.concatenate(embeds, axis=2)

if __name__ == "__main__":
    import jax
    _d = setup_inputs()
    print(jax.jit(kernel)(*tuple(_d.values())))

</pallas_src>

<mosaic_0001>
#map = affine_map<(d0, d1) -> (0, 0, 0)>
module attributes {stable_mosaic.version = 14 : i64} {
  func.func @_body(%arg0: i32, %arg1: i32, %arg2: memref<26x50x1024xi32, #tpu.memory_space<hbm>>, %arg3: memref<26x32x100000xf32, #tpu.memory_space<hbm>>, %arg4: memref<50x832x1024xf32, #tpu.memory_space<hbm>>, %arg5: memref<100000xf32, #tpu.memory_space<vmem>>, %arg6: memref<2x8x1024xi32, #tpu.memory_space<vmem>>, %arg7: memref<2x4x1024xf32, #tpu.memory_space<vmem>>, %arg8: memref<!tpu.dma_semaphore, #tpu.memory_space<semaphore_mem>>, %arg9: memref<!tpu.dma_semaphore, #tpu.memory_space<semaphore_mem>>, %arg10: memref<!tpu.dma_semaphore, #tpu.memory_space<semaphore_mem>>) attributes {dimension_semantics = [#tpu.dimension_semantics<core_parallel>, #tpu.dimension_semantics<subcore_parallel>], iteration_bounds = array<i64: 2, 16>, scalar_prefetch = 0 : i64, scratch_operands = 6 : i64, tpu.core_type = #tpu.core_type<sc_vector_subcore>, window_params = [{transform_indices = #map}, {transform_indices = #map}, {transform_indices = #map}]} {
    %mul3A = arith.constant 2 : i32
    %mul3A_0 = arith.muli %arg1, %mul3A : i32
    %add3A = arith.addi %mul3A_0, %arg0 : i32
    %dma_start3A = arith.constant 0 : i32
    %dma_start3A_1 = arith.constant 0 : i32
    %dma_start3A_2 = tpu.memref_slice %arg3[%dma_start3A, %add3A, %dma_start3A_1] : memref<26x32x100000xf32, #tpu.memory_space<hbm>> -> memref<1x1x100000xf32, #tpu.memory_space<hbm>>
    %dma_start3A_3 = tpu.memref_squeeze %dma_start3A_2 : memref<1x1x100000xf32, #tpu.memory_space<hbm>> -> memref<100000xf32, #tpu.memory_space<hbm>>
    %dma_start3A_4 = arith.constant 0 : i32
    %dma_start3A_5 = tpu.memref_slice %arg3[%dma_start3A, %add3A, %dma_start3A_4] : memref<26x32x100000xf32, #tpu.memory_space<hbm>> -> memref<1x1x100000xf32, #tpu.memory_space<hbm>>
    %dma_start3A_6 = tpu.memref_squeeze %dma_start3A_5 : memref<1x1x100000xf32, #tpu.memory_space<hbm>> -> memref<100000xf32, #tpu.memory_space<hbm>>
    tpu.enqueue_dma source(%dma_start3A_6 : memref<100000xf32, #tpu.memory_space<hbm>>) target(%arg5 : memref<100000xf32, #tpu.memory_space<vmem>>) target_semaphore(%arg8 : memref<!tpu.dma_semaphore, #tpu.memory_space<semaphore_mem>>)
    %dma_start3A_7 = arith.constant 0 : i32
    %dma_start3A_8 = arith.constant 0 : i32
    %dma_start3A_9 = arith.constant 0 : i32
    %dma_start3A_10 = arith.constant 0 : i32
    %dma_start3A_11 = tpu.memref_slice %arg6[%dma_start3A_8, %dma_start3A_9, %dma_start3A_10] : memref<2x8x1024xi32, #tpu.memory_space<vmem>> -> memref<1x8x1024xi32, #tpu.memory_space<vmem>>
    %dma_start3A_12 = tpu.memref_squeeze %dma_start3A_11 : memref<1x8x1024xi32, #tpu.memory_space<vmem>> -> memref<8x1024xi32, #tpu.memory_space<vmem>>
    %dma_start3A_13 = arith.constant 0 : i32
    %dma_start3A_14 = arith.constant 0 : i32
    %dma_start3A_15 = tpu.memref_slice %arg2[%dma_start3A_7, %dma_start3A_13, %dma_start3A_14] : memref<26x50x1024xi32, #tpu.memory_space<hbm>> -> memref<1x8x1024xi32, #tpu.memory_space<hbm>>
    %dma_start3A_16 = tpu.memref_squeeze %dma_start3A_15 : memref<1x8x1024xi32, #tpu.memory_space<hbm>> -> memref<8x1024xi32, #tpu.memory_space<hbm>>
    %dma_start3A_17 = arith.constant 0 : i32
    %dma_start3A_18 = arith.constant 0 : i32
    %dma_start3A_19 = tpu.memref_slice %arg6[%dma_start3A_8, %dma_start3A_17, %dma_start3A_18] : memref<2x8x1024xi32, #tpu.memory_space<vmem>> -> memref<1x8x1024xi32, #tpu.memory_space<vmem>>
    %dma_start3A_20 = tpu.memref_squeeze %dma_start3A_19 : memref<1x8x1024xi32, #tpu.memory_space<vmem>> -> memref<8x1024xi32, #tpu.memory_space<vmem>>
    %dma_start3A_21 = arith.constant 0 : i32
    %dma_start3A_22 = arith.constant 0 : i32
    %dma_start3A_23 = tpu.memref_slice %arg2[%dma_start3A_7, %dma_start3A_21, %dma_start3A_22] : memref<26x50x1024xi32, #tpu.memory_space<hbm>> -> memref<1x8x1024xi32, #tpu.memory_space<hbm>>
    %dma_start3A_24 = tpu.memref_squeeze %dma_start3A_23 : memref<1x8x1024xi32, #tpu.memory_space<hbm>> -> memref<8x1024xi32, #tpu.memory_space<hbm>>
    tpu.enqueue_dma source(%dma_start3A_24 : memref<8x1024xi32, #tpu.memory_space<hbm>>) target(%dma_start3A_20 : memref<8x1024xi32, #tpu.memory_space<vmem>>) target_semaphore(%arg9 : memref<!tpu.dma_semaphore, #tpu.memory_space<semaphore_mem>>)
    %scan3A = arith.constant 0 : i32
    %scan3A_25 = arith.constant 0 : i32
    %scan3A_26 = arith.constant 26 : i32
    %scan3A_27 = arith.addi %scan3A_25, %scan3A_26 : i32
    %scan3A_28 = arith.constant 1 : i32
    %scan3A_29 = scf.for %scan3A_31 = %scan3A_25 to %scan3A_27 step %scan3A_28 iter_args(%scan3A_32 = %scan3A) -> (i32)  : i32 {
      %mul3A_33 = arith.constant 32 : i32
      %mul3A_34 = arith.muli %scan3A_31, %mul3A_33 : i32
      %add3A_35 = arith.addi %mul3A_34, %add3A : i32
      %dma_wait3A = arith.constant 0 : i32
      %dma_wait3A_36 = tpu.memref_slice %arg3[%scan3A_31, %add3A, %dma_wait3A] : memref<26x32x100000xf32, #tpu.memory_space<hbm>> -> memref<1x1x100000xf32, #tpu.memory_space<hbm>>
      %dma_wait3A_37 = tpu.memref_squeeze %dma_wait3A_36 : memref<1x1x100000xf32, #tpu.memory_space<hbm>> -> memref<100000xf32, #tpu.memory_space<hbm>>
      %dma_wait3A_38 = arith.constant 0 : i32
      %dma_wait3A_39 = tpu.memref_slice %arg3[%scan3A_31, %add3A, %dma_wait3A_38] : memref<26x32x100000xf32, #tpu.memory_space<hbm>> -> memref<1x1x100000xf32, #tpu.memory_space<hbm>>
      %dma_wait3A_40 = tpu.memref_squeeze %dma_wait3A_39 : memref<1x1x100000xf32, #tpu.memory_space<hbm>> -> memref<100000xf32, #tpu.memory_space<hbm>>
      tpu.wait_dma2 semaphore(%arg8 : memref<!tpu.dma_semaphore, #tpu.memory_space<semaphore_mem>>) src(%dma_wait3A_40 : memref<100000xf32, #tpu.memory_space<hbm>>) dst(%arg5 : memref<100000xf32, #tpu.memory_space<vmem>>)
      %dma_wait3A_41 = arith.constant 0 : i32
      %dma_wait3A_42 = arith.constant 0 : i32
      %dma_wait3A_43 = arith.constant 0 : i32
      %dma_wait3A_44 = tpu.memref_slice %arg6[%dma_wait3A_41, %dma_wait3A_42, %dma_wait3A_43] : memref<2x8x1024xi32, #tpu.memory_space<vmem>> -> memref<1x8x1024xi32, #tpu.memory_space<vmem>>
      %dma_wait3A_45 = tpu.memref_squeeze %dma_wait3A_44 : memref<1x8x1024xi32, #tpu.memory_space<vmem>> -> memref<8x1024xi32, #tpu.memory_space<vmem>>
      %dma_wait3A_46 = arith.constant 0 : i32
      %dma_wait3A_47 = arith.constant 0 : i32
      %dma_wait3A_48 = tpu.memref_slice %arg2[%scan3A_31, %dma_wait3A_46, %dma_wait3A_47] : memref<26x50x1024xi32, #tpu.memory_space<hbm>> -> memref<1x8x1024xi32, #tpu.memory_space<hbm>>
      %dma_wait3A_49 = tpu.memref_squeeze %dma_wait3A_48 : memref<1x8x1024xi32, #tpu.memory_space<hbm>> -> memref<8x1024xi32, #tpu.memory_space<hbm>>
      %dma_wait3A_50 = arith.constant 0 : i32
      %dma_wait3A_51 = arith.constant 0 : i32
      %dma_wait3A_52 = tpu.memref_slice %arg6[%dma_wait3A_41, %dma_wait3A_50, %dma_wait3A_51] : memref<2x8x1024xi32, #tpu.memory_space<vmem>> -> memref<1x8x1024xi32, #tpu.memory_space<vmem>>
      %dma_wait3A_53 = tpu.memref_squeeze %dma_wait3A_52 : memref<1x8x1024xi32, #tpu.memory_space<vmem>> -> memref<8x1024xi32, #tpu.memory_space<vmem>>
      %dma_wait3A_54 = arith.constant 0 : i32
      %dma_wait3A_55 = arith.constant 0 : i32
      %dma_wait3A_56 = tpu.memref_slice %arg2[%scan3A_31, %dma_wait3A_54, %dma_wait3A_55] : memref<26x50x1024xi32, #tpu.memory_space<hbm>> -> memref<1x8x1024xi32, #tpu.memory_space<hbm>>
      %dma_wait3A_57 = tpu.memref_squeeze %dma_wait3A_56 : memref<1x8x1024xi32, #tpu.memory_space<hbm>> -> memref<8x1024xi32, #tpu.memory_space<hbm>>
      tpu.wait_dma2 semaphore(%arg9 : memref<!tpu.dma_semaphore, #tpu.memory_space<semaphore_mem>>) src(%dma_wait3A_57 : memref<8x1024xi32, #tpu.memory_space<hbm>>) dst(%dma_wait3A_53 : memref<8x1024xi32, #tpu.memory_space<vmem>>)
      %dma_start3A_58 = arith.constant 1 : i32
      %dma_start3A_59 = arith.constant 0 : i32
      %dma_start3A_60 = arith.constant 0 : i32
      %dma_start3A_61 = tpu.memref_slice %arg6[%dma_start3A_58, %dma_start3A_59, %dma_start3A_60] : memref<2x8x1024xi32, #tpu.memory_space<vmem>> -> memref<1x8x1024xi32, #tpu.memory_space<vmem>>
      %dma_start3A_62 = tpu.memref_squeeze %dma_start3A_61 : memref<1x8x1024xi32, #tpu.memory_space<vmem>> -> memref<8x1024xi32, #tpu.memory_space<vmem>>
      %dma_start3A_63 = arith.constant 8 : i32
      %dma_start3A_64 = arith.constant 0 : i32
      %dma_start3A_65 = tpu.memref_slice %arg2[%scan3A_31, %dma_start3A_63, %dma_start3A_64] : memref<26x50x1024xi32, #tpu.memory_space<hbm>> -> memref<1x8x1024xi32, #tpu.memory_space<hbm>>
      %dma_start3A_66 = tpu.memref_squeeze %dma_start3A_65 : memref<1x8x1024xi32, #tpu.memory_space<hbm>> -> memref<8x1024xi32, #tpu.memory_space<hbm>>
      %dma_start3A_67 = arith.constant 0 : i32
      %dma_start3A_68 = arith.constant 0 : i32
      %dma_start3A_69 = tpu.memref_slice %arg6[%dma_start3A_58, %dma_start3A_67, %dma_start3A_68] : memref<2x8x1024xi32, #tpu.memory_space<vmem>> -> memref<1x8x1024xi32, #tpu.memory_space<vmem>>
      %dma_start3A_70 = tpu.memref_squeeze %dma_start3A_69 : memref<1x8x1024xi32, #tpu.memory_space<vmem>> -> memref<8x1024xi32, #tpu.memory_space<vmem>>
      %dma_start3A_71 = arith.constant 8 : i32
      %dma_start3A_72 = arith.constant 0 : i32
      %dma_start3A_73 = tpu.memref_slice %arg2[%scan3A_31, %dma_start3A_71, %dma_start3A_72] : memref<26x50x1024xi32, #tpu.memory_space<hbm>> -> memref<1x8x1024xi32, #tpu.memory_space<hbm>>
      %dma_start3A_74 = tpu.memref_squeeze %dma_start3A_73 : memref<1x8x1024xi32, #tpu.memory_space<hbm>> -> memref<8x1024xi32, #tpu.memory_space<hbm>>
      tpu.enqueue_dma source(%dma_start3A_74 : memref<8x1024xi32, #tpu.memory_space<hbm>>) target(%dma_start3A_70 : memref<8x1024xi32, #tpu.memory_space<vmem>>) target_semaphore(%arg9 : memref<!tpu.dma_semaphore, #tpu.memory_space<semaphore_mem>>)
      %parallel_loop3A = arith.constant 0 : i32
      %parallel_loop3A_75 = arith.constant 1024 : i32
      %parallel_loop3A_76 = arith.constant 16 : i32
      scf.for %parallel_loop3A_858 = %parallel_loop3A to %parallel_loop3A_75 step %parallel_loop3A_76  : i32 {
        %parallel_loop3A_859 = arith.constant 0 : i32
        %parallel_loop3A_860 = arith.constant 0 : i32
        %parallel_loop3A_861 = arith.index_cast %parallel_loop3A_859 : i32 to index
        %parallel_loop3A_862 = arith.index_cast %parallel_loop3A_860 : i32 to index
        %parallel_loop3A_863 = arith.index_cast %parallel_loop3A_858 : i32 to index
        %parallel_loop3A_864 = tpu.vector_load %arg6[%parallel_loop3A_861, %parallel_loop3A_862, %parallel_loop3A_863] {strides = array<i32>} : memref<2x8x1024xi32, #tpu.memory_space<vmem>>, vector<16xi32>,
        %parallel_loop3A_865 = tpu.vector_load_idx %arg5[%parallel_loop3A_864] : memref<100000xf32, #tpu.memory_space<vmem>>[vector<16xi32>], vector<16xf32>,
        %parallel_loop3A_866 = arith.constant 0 : i32
        %parallel_loop3A_867 = arith.constant 0 : i32
        %parallel_loop3A_868 = arith.index_cast %parallel_loop3A_866 : i32 to index
        %parallel_loop3A_869 = arith.index_cast %parallel_loop3A_867 : i32 to index
        %parallel_loop3A_870 = arith.index_cast %parallel_loop3A_858 : i32 to index
        %parallel_loop3A_871 = tpu.vector_load %arg7[%parallel_loop3A_868, %parallel_loop3A_869, %parallel_loop3A_870] {strides = array<i32>} : memref<2x4x1024xf32, #tpu.memory_space<vmem>>, vector<16xf32>,
        tpu.vector_store %arg7[%parallel_loop3A_868, %parallel_loop3A_869, %parallel_loop3A_870], %parallel_loop3A_865 {strides = array<i32>} : memref<2x4x1024xf32, #tpu.memory_space<vmem>>, vector<16xf32>,
      } {sc.loop_unroll_factor = 8 : i64, sc.parallel_access}
      %parallel_loop3A_77 = arith.constant 0 : i32
      %parallel_loop3A_78 = arith.constant 1024 : i32
      %parallel_loop3A_79 = arith.constant 16 : i32
      scf.for %parallel_loop3A_858 = %parallel_loop3A_77 to %parallel_loop3A_78 step %parallel_loop3A_79  : i32 {
        %parallel_loop3A_859 = arith.constant 0 : i32
        %parallel_loop3A_860 = arith.constant 1 : i32
        %parallel_loop3A_861 = arith.index_cast %parallel_loop3A_859 : i32 to index
        %parallel_loop3A_862 = arith.index_cast %parallel_loop3A_860 : i32 to index
        %parallel_loop3A_863 = arith.index_cast %parallel_loop3A_858 : i32 to index
        %parallel_loop3A_864 = tpu.vector_load %arg6[%parallel_loop3A_861, %parallel_loop3A_862, %parallel_loop3A_863] {strides = array<i32>} : memref<2x8x1024xi32, #tpu.memory_space<vmem>>, vector<16xi32>,
        %parallel_loop3A_865 = tpu.vector_load_idx %arg5[%parallel_loop3A_864] : memref<100000xf32, #tpu.memory_space<vmem>>[vector<16xi32>], vector<16xf32>,
        %parallel_loop3A_866 = arith.constant 0 : i32
        %parallel_loop3A_867 = arith.constant 1 : i32
        %parallel_loop3A_868 = arith.index_cast %parallel_loop3A_866 : i32 to index
        %parallel_loop3A_869 = arith.index_cast %parallel_loop3A_867 : i32 to index
        %parallel_loop3A_870 = arith.index_cast %parallel_loop3A_858 : i32 to index
        %parallel_loop3A_871 = tpu.vector_load %arg7[%parallel_loop3A_868, %parallel_loop3A_869, %parallel_loop3A_870] {strides = array<i32>} : memref<2x4x1024xf32, #tpu.memory_space<vmem>>, vector<16xf32>,
        tpu.vector_store %arg7[%parallel_loop3A_868, %parallel_loop3A_869, %parallel_loop3A_870], %parallel_loop3A_865 {strides = array<i32>} : memref<2x4x1024xf32, #tpu.memory_space<vmem>>, vector<16xf32>,
      } {sc.loop_unroll_factor = 8 : i64, sc.parallel_access}
      %parallel_loop3A_80 = arith.constant 0 : i32
      %parallel_loop3A_81 = arith.constant 1024 : i32
      %parallel_loop3A_82 = arith.constant 16 : i32
      scf.for %parallel_loop3A_858 = %parallel_loop3A_80 to %parallel_loop3A_81 step %parallel_loop3A_82  : i32 {
        %parallel_loop3A_859 = arith.constant 0 : i32
        %parallel_loop3A_860 = arith.constant 2 : i32
        %parallel_loop3A_861 = arith.index_cast %parallel_loop3A_859 : i32 to index
        %parallel_loop3A_862 = arith.index_cast %parallel_loop3A_860 : i32 to index
        %parallel_loop3A_863 = arith.index_cast %parallel_loop3A_858 : i32 to index
        %parallel_loop3A_864 = tpu.vector_load %arg6[%parallel_loop3A_861, %parallel_loop3A_862, %parallel_loop3A_863] {strides = array<i32>} : memref<2x8x1024xi32, #tpu.memory_space<vmem>>, vector<16xi32>,
        %parallel_loop3A_865 = tpu.vector_load_idx %arg5[%parallel_loop3A_864] : memref<100000xf32, #tpu.memory_space<vmem>>[vector<16xi32>], vector<16xf32>,
        %parallel_loop3A_866 = arith.constant 0 : i32
        %parallel_loop3A_867 = arith.constant 2 : i32
        %parallel_loop3A_868 = arith.index_cast %parallel_loop3A_866 : i32 to index
        %parallel_loop3A_869 = arith.index_cast %parallel_loop3A_867 : i32 to index
        %parallel_loop3A_870 = arith.index_cast %parallel_loop3A_858 : i32 to index
        %parallel_loop3A_871 = tpu.vector_load %arg7[%parallel_loop3A_868, %parallel_loop3A_869, %parallel_loop3A_870] {strides = array<i32>} : memref<2x4x1024xf32, #tpu.memory_space<vmem>>, vector<16xf32>,
        tpu.vector_store %arg7[%parallel_loop3A_868, %parallel_loop3A_869, %parallel_loop3A_870], %parallel_loop3A_865 {strides = array<i32>} : memref<2x4x1024xf32, #tpu.memory_space<vmem>>, vector<16xf32>,
      } {sc.loop_unroll_factor = 8 : i64, sc.parallel_access}
      %parallel_loop3A_83 = arith.constant 0 : i32
      %parallel_loop3A_84 = arith.constant 1024 : i32
      %parallel_loop3A_85 = arith.constant 16 : i32
      scf.for %parallel_loop3A_858 = %parallel_loop3A_83 to %parallel_loop3A_84 step %parallel_loop3A_85  : i32 {
        %parallel_loop3A_859 = arith.constant 0 : i32
        %parallel_loop3A_860 = arith.constant 3 : i32
        %parallel_loop3A_861 = arith.index_cast %parallel_loop3A_859 : i32 to index
        %parallel_loop3A_862 = arith.index_cast %parallel_loop3A_860 : i32 to index
        %parallel_loop3A_863 = arith.index_cast %parallel_loop3A_858 : i32 to index
        %parallel_loop3A_864 = tpu.vector_load %arg6[%parallel_loop3A_861, %parallel_loop3A_862, %parallel_loop3A_863] {strides = array<i32>} : memref<2x8x1024xi32, #tpu.memory_space<vmem>>, vector<16xi32>,
        %parallel_loop3A_865 = tpu.vector_load_idx %arg5[%parallel_loop3A_864] : memref<100000xf32, #tpu.memory_space<vmem>>[vector<16xi32>], vector<16xf32>,
        %parallel_loop3A_866 = arith.constant 0 : i32
        %parallel_loop3A_867 = arith.constant 3 : i32
        %parallel_loop3A_868 = arith.index_cast %parallel_loop3A_866 : i32 to index
        %parallel_loop3A_869 = arith.index_cast %parallel_loop3A_867 : i32 to index
        %parallel_loop3A_870 = arith.index_cast %parallel_loop3A_858 : i32 to index
        %parallel_loop3A_871 = tpu.vector_load %arg7[%parallel_loop3A_868, %parallel_loop3A_869, %parallel_loop3A_870] {strides = array<i32>} : memref<2x4x1024xf32, #tpu.memory_space<vmem>>, vector<16xf32>,
        tpu.vector_store %arg7[%parallel_loop3A_868, %parallel_loop3A_869, %parallel_loop3A_870], %parallel_loop3A_865 {strides = array<i32>} : memref<2x4x1024xf32, #tpu.memory_space<vmem>>, vector<16xf32>,
      } {sc.loop_unroll_factor = 8 : i64, sc.parallel_access}
      %dma_start3A_86 = arith.constant 0 : i32
      %dma_start3A_87 = arith.constant 0 : i32
      %dma_start3A_88 = arith.constant 0 : i32
      %dma_start3A_89 = tpu.memref_slice %arg7[%dma_start3A_86, %dma_start3A_87, %dma_start3A_88] : memref<2x4x1024xf32, #tpu.memory_space<vmem>> -> memref<1x4x1024xf32, #tpu.memory_space<vmem>>
      %dma_start3A_90 = tpu.memref_squeeze %dma_start3A_89 : memref<1x4x1024xf32, #tpu.memory_space<vmem>> -> memref<4x1024xf32, #tpu.memory_space<vmem>>
      %dma_start3A_91 = arith.constant 0 : i32
      %dma_start3A_92 = arith.constant 0 : i32
      %dma_start3A_93 = tpu.memref_slice %arg4[%dma_start3A_91, %add3A_35, %dma_start3A_92] : memref<50x832x1024xf32, #tpu.memory_space<hbm>> -> memref<4x1x1024xf32, #tpu.memory_space<hbm>>
      %dma_start3A_94 = tpu.memref_squeeze %dma_start3A_93 : memref<4x1x1024xf32, #tpu.memory_space<hbm>> -> memref<4x1024xf32, #tpu.memory_space<hbm>>
      %dma_start3A_95 = arith.constant 0 : i32
      %dma_start3A_96 = arith.constant 0 : i32
      %dma_start3A_97 = tpu.memref_slice %arg4[%dma_start3A_95, %add3A_35, %dma_start3A_96] : memref<50x832x1024xf32, #tpu.memory_space<hbm>> -> memref<4x1x1024xf32, #tpu.memory_space<hbm>>
      %dma_start3A_98 = tpu.memref_squeeze %dma_start3A_97 : memref<4x1x1024xf32, #tpu.memory_space<hbm>> -> memref<4x1024xf32, #tpu.memory_space<hbm>>
      %dma_start3A_99 = arith.constant 0 : i32
      %dma_start3A_100 = arith.constant 0 : i32
      %dma_start3A_101 = tpu.memref_slice %arg7[%dma_start3A_86, %dma_start3A_99, %dma_start3A_100] : memref<2x4x1024xf32, #tpu.memory_space<vmem>> -> memref<1x4x1024xf32, #tpu.memory_space<vmem>>
      %dma_start3A_102 = tpu.memref_squeeze %dma_start3A_101 : memref<1x4x1024xf32, #tpu.memory_space<vmem>> -> memref<4x1024xf32, #tpu.memory_space<vmem>>
      tpu.enqueue_dma source(%dma_start3A_102 : memref<4x1024xf32, #tpu.memory_space<vmem>>) target(%dma_start3A_98 : memref<4x1024xf32, #tpu.memory_space<hbm>>) target_semaphore(%arg10 : memref<!tpu.dma_semaphore, #tpu.memory_space<semaphore_mem>>)
      %parallel_loop3A_103 = arith.constant 0 : i32
      %parallel_loop3A_104 = arith.constant 1024 : i32
      %parallel_loop3A_105 = arith.constant 16 : i32
      scf.for %parallel_loop3A_858 = %parallel_loop3A_103 to %parallel_loop3A_104 step %parallel_loop3A_105  : i32 {
        %parallel_loop3A_859 = arith.constant 0 : i32
        %parallel_loop3A_860 = arith.constant 4 : i32
        %parallel_loop3A_861 = arith.index_cast %parallel_loop3A_859 : i32 to index
        %parallel_loop3A_862 = arith.index_cast %parallel_loop3A_860 : i32 to index
        %parallel_loop3A_863 = arith.index_cast %parallel_loop3A_858 : i32 to index
        %parallel_loop3A_864 = tpu.vector_load %arg6[%parallel_loop3A_861, %parallel_loop3A_862, %parallel_loop3A_863] {strides = array<i32>} : memref<2x8x1024xi32, #tpu.memory_space<vmem>>, vector<16xi32>,
        %parallel_loop3A_865 = tpu.vector_load_idx %arg5[%parallel_loop3A_864] : memref<100000xf32, #tpu.memory_space<vmem>>[vector<16xi32>], vector<16xf32>,
        %parallel_loop3A_866 = arith.constant 1 : i32
        %parallel_loop3A_867 = arith.constant 0 : i32
        %parallel_loop3A_868 = arith.index_cast %parallel_loop3A_866 : i32 to index
        %parallel_loop3A_869 = arith.index_cast %parallel_loop3A_867 : i32 to index
        %parallel_loop3A_870 = arith.index_cast %parallel_loop3A_858 : i32 to index
        %parallel_loop3A_871 = tpu.vector_load %arg7[%parallel_loop3A_868, %parallel_loop3A_869, %parallel_loop3A_870] {strides = array<i32>} : memref<2x4x1024xf32, #tpu.memory_space<vmem>>, vector<16xf32>,
        tpu.vector_store %arg7[%parallel_loop3A_868, %parallel_loop3A_869, %parallel_loop3A_870], %parallel_loop3A_865 {strides = array<i32>} : memref<2x4x1024xf32, #tpu.memory_space<vmem>>, vector<16xf32>,
      } {sc.loop_unroll_factor = 8 : i64, sc.parallel_access}
      %parallel_loop3A_106 = arith.constant 0 : i32
      %parallel_loop3A_107 = arith.constant 1024 : i32
      %parallel_loop3A_108 = arith.constant 16 : i32
      scf.for %parallel_loop3A_858 = %parallel_loop3A_106 to %parallel_loop3A_107 step %parallel_loop3A_108  : i32 {
        %parallel_loop3A_859 = arith.constant 0 : i32
        %parallel_loop3A_860 = arith.constant 5 : i32
        %parallel_loop3A_861 = arith.index_cast %parallel_loop3A_859 : i32 to index
        %parallel_loop3A_862 = arith.index_cast %parallel_loop3A_860 : i32 to index
        %parallel_loop3A_863 = arith.index_cast %parallel_loop3A_858 : i32 to index
        %parallel_loop3A_864 = tpu.vector_load %arg6[%parallel_loop3A_861, %parallel_loop3A_862, %parallel_loop3A_863] {strides = array<i32>} : memref<2x8x1024xi32, #tpu.memory_space<vmem>>, vector<16xi32>,
        %parallel_loop3A_865 = tpu.vector_load_idx %arg5[%parallel_loop3A_864] : memref<100000xf32, #tpu.memory_space<vmem>>[vector<16xi32>], vector<16xf32>,
        %parallel_loop3A_866 = arith.constant 1 : i32
        %parallel_loop3A_867 = arith.constant 1 : i32
        %parallel_loop3A_868 = arith.index_cast %parallel_loop3A_866 : i32 to index
        %parallel_loop3A_869 = arith.index_cast %parallel_loop3A_867 : i32 to index
        %parallel_loop3A_870 = arith.index_cast %parallel_loop3A_858 : i32 to index
        %parallel_loop3A_871 = tpu.vector_load %arg7[%parallel_loop3A_868, %parallel_loop3A_869, %parallel_loop3A_870] {strides = array<i32>} : memref<2x4x1024xf32, #tpu.memory_space<vmem>>, vector<16xf32>,
        tpu.vector_store %arg7[%parallel_loop3A_868, %parallel_loop3A_869, %parallel_loop3A_870], %parallel_loop3A_865 {strides = array<i32>} : memref<2x4x1024xf32, #tpu.memory_space<vmem>>, vector<16xf32>,
      } {sc.loop_unroll_factor = 8 : i64, sc.parallel_access}
      %parallel_loop3A_109 = arith.constant 0 : i32
      %parallel_loop3A_110 = arith.constant 1024 : i32
      %parallel_loop3A_111 = arith.constant 16 : i32
      scf.for %parallel_loop3A_858 = %parallel_loop3A_109 to %parallel_loop3A_110 step %parallel_loop3A_111  : i32 {
        %parallel_loop3A_859 = arith.constant 0 : i32
        %parallel_loop3A_860 = arith.constant 6 : i32
        %parallel_loop3A_861 = arith.index_cast %parallel_loop3A_859 : i32 to index
        %parallel_loop3A_862 = arith.index_cast %parallel_loop3A_860 : i32 to index
        %parallel_loop3A_863 = arith.index_cast %parallel_loop3A_858 : i32 to index
        %parallel_loop3A_864 = tpu.vector_load %arg6[%parallel_loop3A_861, %parallel_loop3A_862, %parallel_loop3A_863] {strides = array<i32>} : memref<2x8x1024xi32, #tpu.memory_space<vmem>>, vector<16xi32>,
        %parallel_loop3A_865 = tpu.vector_load_idx %arg5[%parallel_loop3A_864] : memref<100000xf32, #tpu.memory_space<vmem>>[vector<16xi32>], vector<16xf32>,
        %parallel_loop3A_866 = arith.constant 1 : i32
        %parallel_loop3A_867 = arith.constant 2 : i32
        %parallel_loop3A_868 = arith.index_cast %parallel_loop3A_866 : i32 to index
        %parallel_loop3A_869 = arith.index_cast %parallel_loop3A_867 : i32 to index
        %parallel_loop3A_870 = arith.index_cast %parallel_loop3A_858 : i32 to index
        %parallel_loop3A_871 = tpu.vector_load %arg7[%parallel_loop3A_868, %parallel_loop3A_869, %parallel_loop3A_870] {strides = array<i32>} : memref<2x4x1024xf32, #tpu.memory_space<vmem>>, vector<16xf32>,
        tpu.vector_store %arg7[%parallel_loop3A_868, %parallel_loop3A_869, %parallel_loop3A_870], %parallel_loop3A_865 {strides = array<i32>} : memref<2x4x1024xf32, #tpu.memory_space<vmem>>, vector<16xf32>,
      } {sc.loop_unroll_factor = 8 : i64, sc.parallel_access}
      %parallel_loop3A_112 = arith.constant 0 : i32
      %parallel_loop3A_113 = arith.constant 1024 : i32
      %parallel_loop3A_114 = arith.constant 16 : i32
      scf.for %parallel_loop3A_858 = %parallel_loop3A_112 to %parallel_loop3A_113 step %parallel_loop3A_114  : i32 {
        %parallel_loop3A_859 = arith.constant 0 : i32
        %parallel_loop3A_860 = arith.constant 7 : i32
        %parallel_loop3A_861 = arith.index_cast %parallel_loop3A_859 : i32 to index
        %parallel_loop3A_862 = arith.index_cast %parallel_loop3A_860 : i32 to index
        %parallel_loop3A_863 = arith.index_cast %parallel_loop3A_858 : i32 to index
        %parallel_loop3A_864 = tpu.vector_load %arg6[%parallel_loop3A_861, %parallel_loop3A_862, %parallel_loop3A_863] {strides = array<i32>} : memref<2x8x1024xi32, #tpu.memory_space<vmem>>, vector<16xi32>,
        %parallel_loop3A_865 = tpu.vector_load_idx %arg5[%parallel_loop3A_864] : memref<100000xf32, #tpu.memory_space<vmem>>[vector<16xi32>], vector<16xf32>,
        %parallel_loop3A_866 = arith.constant 1 : i32
        %parallel_loop3A_867 = arith.constant 3 : i32
        %parallel_loop3A_868 = arith.index_cast %parallel_loop3A_866 : i32 to index
        %parallel_loop3A_869 = arith.index_cast %parallel_loop3A_867 : i32 to index
        %parallel_loop3A_870 = arith.index_cast %parallel_loop3A_858 : i32 to index
        %parallel_loop3A_871 = tpu.vector_load %arg7[%parallel_loop3A_868, %parallel_loop3A_869, %parallel_loop3A_870] {strides = array<i32>} : memref<2x4x1024xf32, #tpu.memory_space<vmem>>, vector<16xf32>,
        tpu.vector_store %arg7[%parallel_loop3A_868, %parallel_loop3A_869, %parallel_loop3A_870], %parallel_loop3A_865 {strides = array<i32>} : memref<2x4x1024xf32, #tpu.memory_space<vmem>>, vector<16xf32>,
      } {sc.loop_unroll_factor = 8 : i64, sc.parallel_access}
      %dma_start3A_115 = arith.constant 1 : i32
      %dma_start3A_116 = arith.constant 0 : i32
      %dma_start3A_117 = arith.constant 0 : i32
      %dma_start3A_118 = tpu.memref_slice %arg7[%dma_start3A_115, %dma_start3A_116, %dma_start3A_117] : memref<2x4x1024xf32, #tpu.memory_space<vmem>> -> memref<1x4x1024xf32, #tpu.memory_space<vmem>>
      %dma_start3A_119 = tpu.memref_squeeze %dma_start3A_118 : memref<1x4x1024xf32, #tpu.memory_space<vmem>> -> memref<4x1024xf32, #tpu.memory_space<vmem>>
      %dma_start3A_120 = arith.constant 4 : i32
      %dma_start3A_121 = arith.constant 0 : i32
      %dma_start3A_122 = tpu.memref_slice %arg4[%dma_start3A_120, %add3A_35, %dma_start3A_121] : memref<50x832x1024xf32, #tpu.memory_space<hbm>> -> memref<4x1x1024xf32, #tpu.memory_space<hbm>>
      %dma_start3A_123 = tpu.memref_squeeze %dma_start3A_122 : memref<4x1x1024xf32, #tpu.memory_space<hbm>> -> memref<4x1024xf32, #tpu.memory_space<hbm>>
      %dma_start3A_124 = arith.constant 4 : i32
      %dma_start3A_125 = arith.constant 0 : i32
      %dma_start3A_126 = tpu.memref_slice %arg4[%dma_start3A_124, %add3A_35, %dma_start3A_125] : memref<50x832x1024xf32, #tpu.memory_space<hbm>> -> memref<4x1x1024xf32, #tpu.memory_space<hbm>>
      %dma_start3A_127 = tpu.memref_squeeze %dma_start3A_126 : memref<4x1x1024xf32, #tpu.memory_space<hbm>> -> memref<4x1024xf32, #tpu.memory_space<hbm>>
      %dma_start3A_128 = arith.constant 0 : i32
      %dma_start3A_129 = arith.constant 0 : i32
      %dma_start3A_130 = tpu.memref_slice %arg7[%dma_start3A_115, %dma_start3A_128, %dma_start3A_129] : memref<2x4x1024xf32, #tpu.memory_space<vmem>> -> memref<1x4x1024xf32, #tpu.memory_space<vmem>>
      %dma_start3A_131 = tpu.memref_squeeze %dma_start3A_130 : memref<1x4x1024xf32, #tpu.memory_space<vmem>> -> memref<4x1024xf32, #tpu.memory_space<vmem>>
      tpu.enqueue_dma source(%dma_start3A_131 : memref<4x1024xf32, #tpu.memory_space<vmem>>) target(%dma_start3A_127 : memref<4x1024xf32, #tpu.memory_space<hbm>>) target_semaphore(%arg10 : memref<!tpu.dma_semaphore, #tpu.memory_space<semaphore_mem>>)
      %dma_wait3A_132 = arith.constant 1 : i32
      %dma_wait3A_133 = arith.constant 0 : i32
      %dma_wait3A_134 = arith.constant 0 : i32
      %dma_wait3A_135 = tpu.memref_slice %arg6[%dma_wait3A_132, %dma_wait3A_133, %dma_wait3A_134] : memref<2x8x1024xi32, #tpu.memory_space<vmem>> -> memref<1x8x1024xi32, #tpu.memory_space<vmem>>
      %dma_wait3A_136 = tpu.memref_squeeze %dma_wait3A_135 : memref<1x8x1024xi32, #tpu.memory_space<vmem>> -> memref<8x1024xi32, #tpu.memory_space<vmem>>
      %dma_wait3A_137 = arith.constant 8 : i32
      %dma_wait3A_138 = arith.constant 0 : i32
      %dma_wait3A_139 = tpu.memref_slice %arg2[%scan3A_31, %dma_wait3A_137, %dma_wait3A_138] : memref<26x50x1024xi32, #tpu.memory_space<hbm>> -> memref<1x8x1024xi32, #tpu.memory_space<hbm>>
      %dma_wait3A_140 = tpu.memref_squeeze %dma_wait3A_139 : memref<1x8x1024xi32, #tpu.memory_space<hbm>> -> memref<8x1024xi32, #tpu.memory_space<hbm>>
      %dma_wait3A_141 = arith.constant 0 : i32
      %dma_wait3A_142 = arith.constant 0 : i32
      %dma_wait3A_143 = tpu.memref_slice %arg6[%dma_wait3A_132, %dma_wait3A_141, %dma_wait3A_142] : memref<2x8x1024xi32, #tpu.memory_space<vmem>> -> memref<1x8x1024xi32, #tpu.memory_space<vmem>>
      %dma_wait3A_144 = tpu.memref_squeeze %dma_wait3A_143 : memref<1x8x1024xi32, #tpu.memory_space<vmem>> -> memref<8x1024xi32, #tpu.memory_space<vmem>>
      %dma_wait3A_145 = arith.constant 8 : i32
      %dma_wait3A_146 = arith.constant 0 : i32
      %dma_wait3A_147 = tpu.memref_slice %arg2[%scan3A_31, %dma_wait3A_145, %dma_wait3A_146] : memref<26x50x1024xi32, #tpu.memory_space<hbm>> -> memref<1x8x1024xi32, #tpu.memory_space<hbm>>
      %dma_wait3A_148 = tpu.memref_squeeze %dma_wait3A_147 : memref<1x8x1024xi32, #tpu.memory_space<hbm>> -> memref<8x1024xi32, #tpu.memory_space<hbm>>
      tpu.wait_dma2 semaphore(%arg9 : memref<!tpu.dma_semaphore, #tpu.memory_space<semaphore_mem>>) src(%dma_wait3A_148 : memref<8x1024xi32, #tpu.memory_space<hbm>>) dst(%dma_wait3A_144 : memref<8x1024xi32, #tpu.memory_space<vmem>>)
      %dma_start3A_149 = arith.constant 0 : i32
      %dma_start3A_150 = arith.constant 0 : i32
      %dma_start3A_151 = arith.constant 0 : i32
      %dma_start3A_152 = tpu.memref_slice %arg6[%dma_start3A_149, %dma_start3A_150, %dma_start3A_151] : memref<2x8x1024xi32, #tpu.memory_space<vmem>> -> memref<1x8x1024xi32, #tpu.memory_space<vmem>>
      %dma_start3A_153 = tpu.memref_squeeze %dma_start3A_152 : memref<1x8x1024xi32, #tpu.memory_space<vmem>> -> memref<8x1024xi32, #tpu.memory_space<vmem>>
      %dma_start3A_154 = arith.constant 16 : i32
      %dma_start3A_155 = arith.constant 0 : i32
      %dma_start3A_156 = tpu.memref_slice %arg2[%scan3A_31, %dma_start3A_154, %dma_start3A_155] : memref<26x50x1024xi32, #tpu.memory_space<hbm>> -> memref<1x8x1024xi32, #tpu.memory_space<hbm>>
      %dma_start3A_157 = tpu.memref_squeeze %dma_start3A_156 : memref<1x8x1024xi32, #tpu.memory_space<hbm>> -> memref<8x1024xi32, #tpu.memory_space<hbm>>
      %dma_start3A_158 = arith.constant 0 : i32
      %dma_start3A_159 = arith.constant 0 : i32
      %dma_start3A_160 = tpu.memref_slice %arg6[%dma_start3A_149, %dma_start3A_158, %dma_start3A_159] : memref<2x8x1024xi32, #tpu.memory_space<vmem>> -> memref<1x8x1024xi32, #tpu.memory_space<vmem>>
      %dma_start3A_161 = tpu.memref_squeeze %dma_start3A_160 : memref<1x8x1024xi32, #tpu.memory_space<vmem>> -> memref<8x1024xi32, #tpu.memory_space<vmem>>
      %dma_start3A_162 = arith.constant 16 : i32
      %dma_start3A_163 = arith.constant 0 : i32
      %dma_start3A_164 = tpu.memref_slice %arg2[%scan3A_31, %dma_start3A_162, %dma_start3A_163] : memref<26x50x1024xi32, #tpu.memory_space<hbm>> -> memref<1x8x1024xi32, #tpu.memory_space<hbm>>
      %dma_start3A_165 = tpu.memref_squeeze %dma_start3A_164 : memref<1x8x1024xi32, #tpu.memory_space<hbm>> -> memref<8x1024xi32, #tpu.memory_space<hbm>>
      tpu.enqueue_dma source(%dma_start3A_165 : memref<8x1024xi32, #tpu.memory_space<hbm>>) target(%dma_start3A_161 : memref<8x1024xi32, #tpu.memory_space<vmem>>) target_semaphore(%arg9 : memref<!tpu.dma_semaphore, #tpu.memory_space<semaphore_mem>>)
      %dma_wait3A_166 = arith.constant 0 : i32
      %dma_wait3A_167 = arith.constant 0 : i32
      %dma_wait3A_168 = arith.constant 0 : i32
      %dma_wait3A_169 = tpu.memref_slice %arg7[%dma_wait3A_166, %dma_wait3A_167, %dma_wait3A_168] : memref<2x4x1024xf32, #tpu.memory_space<vmem>> -> memref<1x4x1024xf32, #tpu.memory_space<vmem>>
      %dma_wait3A_170 = tpu.memref_squeeze %dma_wait3A_169 : memref<1x4x1024xf32, #tpu.memory_space<vmem>> -> memref<4x1024xf32, #tpu.memory_space<vmem>>
      %dma_wait3A_171 = arith.constant 0 : i32
      %dma_wait3A_172 = arith.constant 0 : i32
      %dma_wait3A_173 = tpu.memref_slice %arg4[%dma_wait3A_171, %add3A_35, %dma_wait3A_172] : memref<50x832x1024xf32, #tpu.memory_space<hbm>> -> memref<4x1x1024xf32, #tpu.memory_space<hbm>>
      %dma_wait3A_174 = tpu.memref_squeeze %dma_wait3A_173 : memref<4x1x1024xf32, #tpu.memory_space<hbm>> -> memref<4x1024xf32, #tpu.memory_space<hbm>>
      %dma_wait3A_175 = arith.constant 0 : i32
      %dma_wait3A_176 = arith.constant 0 : i32
      %dma_wait3A_177 = tpu.memref_slice %arg4[%dma_wait3A_175, %add3A_35, %dma_wait3A_176] : memref<50x832x1024xf32, #tpu.memory_space<hbm>> -> memref<4x1x1024xf32, #tpu.memory_space<hbm>>
      %dma_wait3A_178 = tpu.memref_squeeze %dma_wait3A_177 : memref<4x1x1024xf32, #tpu.memory_space<hbm>> -> memref<4x1024xf32, #tpu.memory_space<hbm>>
      %dma_wait3A_179 = arith.constant 0 : i32
      %dma_wait3A_180 = arith.constant 0 : i32
      %dma_wait3A_181 = tpu.memref_slice %arg7[%dma_wait3A_166, %dma_wait3A_179, %dma_wait3A_180] : memref<2x4x1024xf32, #tpu.memory_space<vmem>> -> memref<1x4x1024xf32, #tpu.memory_space<vmem>>
      %dma_wait3A_182 = tpu.memref_squeeze %dma_wait3A_181 : memref<1x4x1024xf32, #tpu.memory_space<vmem>> -> memref<4x1024xf32, #tpu.memory_space<vmem>>
      tpu.wait_dma2 semaphore(%arg10 : memref<!tpu.dma_semaphore, #tpu.memory_space<semaphore_mem>>) src(%dma_wait3A_182 : memref<4x1024xf32, #tpu.memory_space<vmem>>) dst(%dma_wait3A_178 : memref<4x1024xf32, #tpu.memory_space<hbm>>)
      %parallel_loop3A_183 = arith.constant 0 : i32
      %parallel_loop3A_184 = arith.constant 1024 : i32
      %parallel_loop3A_185 = arith.constant 16 : i32
      scf.for %parallel_loop3A_858 = %parallel_loop3A_183 to %parallel_loop3A_184 step %parallel_loop3A_185  : i32 {
        %parallel_loop3A_859 = arith.constant 1 : i32
        %parallel_loop3A_860 = arith.constant 0 : i32
        %parallel_loop3A_861 = arith.index_cast %parallel_loop3A_859 : i32 to index
        %parallel_loop3A_862 = arith.index_cast %parallel_loop3A_860 : i32 to index
        %parallel_loop3A_863 = arith.index_cast %parallel_loop3A_858 : i32 to index
        %parallel_loop3A_864 = tpu.vector_load %arg6[%parallel_loop3A_861, %parallel_loop3A_862, %parallel_loop3A_863] {strides = array<i32>} : memref<2x8x1024xi32, #tpu.memory_space<vmem>>, vector<16xi32>,
        %parallel_loop3A_865 = tpu.vector_load_idx %arg5[%parallel_loop3A_864] : memref<100000xf32, #tpu.memory_space<vmem>>[vector<16xi32>], vector<16xf32>,
        %parallel_loop3A_866 = arith.constant 0 : i32
        %parallel_loop3A_867 = arith.constant 0 : i32
        %parallel_loop3A_868 = arith.index_cast %parallel_loop3A_866 : i32 to index
        %parallel_loop3A_869 = arith.index_cast %parallel_loop3A_867 : i32 to index
        %parallel_loop3A_870 = arith.index_cast %parallel_loop3A_858 : i32 to index
        %parallel_loop3A_871 = tpu.vector_load %arg7[%parallel_loop3A_868, %parallel_loop3A_869, %parallel_loop3A_870] {strides = array<i32>} : memref<2x4x1024xf32, #tpu.memory_space<vmem>>, vector<16xf32>,
        tpu.vector_store %arg7[%parallel_loop3A_868, %parallel_loop3A_869, %parallel_loop3A_870], %parallel_loop3A_865 {strides = array<i32>} : memref<2x4x1024xf32, #tpu.memory_space<vmem>>, vector<16xf32>,
      } {sc.loop_unroll_factor = 8 : i64, sc.parallel_access}
      %parallel_loop3A_186 = arith.constant 0 : i32
      %parallel_loop3A_187 = arith.constant 1024 : i32
      %parallel_loop3A_188 = arith.constant 16 : i32
      scf.for %parallel_loop3A_858 = %parallel_loop3A_186 to %parallel_loop3A_187 step %parallel_loop3A_188  : i32 {
        %parallel_loop3A_859 = arith.constant 1 : i32
        %parallel_loop3A_860 = arith.constant 1 : i32
        %parallel_loop3A_861 = arith.index_cast %parallel_loop3A_859 : i32 to index
        %parallel_loop3A_862 = arith.index_cast %parallel_loop3A_860 : i32 to index
        %parallel_loop3A_863 = arith.index_cast %parallel_loop3A_858 : i32 to index
        %parallel_loop3A_864 = tpu.vector_load %arg6[%parallel_loop3A_861, %parallel_loop3A_862, %parallel_loop3A_863] {strides = array<i32>} : memref<2x8x1024xi32, #tpu.memory_space<vmem>>, vector<16xi32>,
        %parallel_loop3A_865 = tpu.vector_load_idx %arg5[%parallel_loop3A_864] : memref<100000xf32, #tpu.memory_space<vmem>>[vector<16xi32>], vector<16xf32>,
        %parallel_loop3A_866 = arith.constant 0 : i32
        %parallel_loop3A_867 = arith.constant 1 : i32
        %parallel_loop3A_868 = arith.index_cast %parallel_loop3A_866 : i32 to index
        %parallel_loop3A_869 = arith.index_cast %parallel_loop3A_867 : i32 to index
        %parallel_loop3A_870 = arith.index_cast %parallel_loop3A_858 : i32 to index
        %parallel_loop3A_871 = tpu.vector_load %arg7[%parallel_loop3A_868, %parallel_loop3A_869, %parallel_loop3A_870] {strides = array<i32>} : memref<2x4x1024xf32, #tpu.memory_space<vmem>>, vector<16xf32>,
        tpu.vector_store %arg7[%parallel_loop3A_868, %parallel_loop3A_869, %parallel_loop3A_870], %parallel_loop3A_865 {strides = array<i32>} : memref<2x4x1024xf32, #tpu.memory_space<vmem>>, vector<16xf32>,
      } {sc.loop_unroll_factor = 8 : i64, sc.parallel_access}
      %parallel_loop3A_189 = arith.constant 0 : i32
      %parallel_loop3A_190 = arith.constant 1024 : i32
      %parallel_loop3A_191 = arith.constant 16 : i32
      scf.for %parallel_loop3A_858 = %parallel_loop3A_189 to %parallel_loop3A_190 step %parallel_loop3A_191  : i32 {
        %parallel_loop3A_859 = arith.constant 1 : i32
        %parallel_loop3A_860 = arith.constant 2 : i32
        %parallel_loop3A_861 = arith.index_cast %parallel_loop3A_859 : i32 to index
        %parallel_loop3A_862 = arith.index_cast %parallel_loop3A_860 : i32 to index
        %parallel_loop3A_863 = arith.index_cast %parallel_loop3A_858 : i32 to index
        %parallel_loop3A_864 = tpu.vector_load %arg6[%parallel_loop3A_861, %parallel_loop3A_862, %parallel_loop3A_863] {strides = array<i32>} : memref<2x8x1024xi32, #tpu.memory_space<vmem>>, vector<16xi32>,
        %parallel_loop3A_865 = tpu.vector_load_idx %arg5[%parallel_loop3A_864] : memref<100000xf32, #tpu.memory_space<vmem>>[vector<16xi32>], vector<16xf32>,
        %parallel_loop3A_866 = arith.constant 0 : i32
        %parallel_loop3A_867 = arith.constant 2 : i32
        %parallel_loop3A_868 = arith.index_cast %parallel_loop3A_866 : i32 to index
        %parallel_loop3A_869 = arith.index_cast %parallel_loop3A_867 : i32 to index
        %parallel_loop3A_870 = arith.index_cast %parallel_loop3A_858 : i32 to index
        %parallel_loop3A_871 = tpu.vector_load %arg7[%parallel_loop3A_868, %parallel_loop3A_869, %parallel_loop3A_870] {strides = array<i32>} : memref<2x4x1024xf32, #tpu.memory_space<vmem>>, vector<16xf32>,
        tpu.vector_store %arg7[%parallel_loop3A_868, %parallel_loop3A_869, %parallel_loop3A_870], %parallel_loop3A_865 {strides = array<i32>} : memref<2x4x1024xf32, #tpu.memory_space<vmem>>, vector<16xf32>,
      } {sc.loop_unroll_factor = 8 : i64, sc.parallel_access}
      %parallel_loop3A_192 = arith.constant 0 : i32
      %parallel_loop3A_193 = arith.constant 1024 : i32
      %parallel_loop3A_194 = arith.constant 16 : i32
      scf.for %parallel_loop3A_858 = %parallel_loop3A_192 to %parallel_loop3A_193 step %parallel_loop3A_194  : i32 {
        %parallel_loop3A_859 = arith.constant 1 : i32
        %parallel_loop3A_860 = arith.constant 3 : i32
        %parallel_loop3A_861 = arith.index_cast %parallel_loop3A_859 : i32 to index
        %parallel_loop3A_862 = arith.index_cast %parallel_loop3A_860 : i32 to index
        %parallel_loop3A_863 = arith.index_cast %parallel_loop3A_858 : i32 to index
        %parallel_loop3A_864 = tpu.vector_load %arg6[%parallel_loop3A_861, %parallel_loop3A_862, %parallel_loop3A_863] {strides = array<i32>} : memref<2x8x1024xi32, #tpu.memory_space<vmem>>, vector<16xi32>,
        %parallel_loop3A_865 = tpu.vector_load_idx %arg5[%parallel_loop3A_864] : memref<100000xf32, #tpu.memory_space<vmem>>[vector<16xi32>], vector<16xf32>,
        %parallel_loop3A_866 = arith.constant 0 : i32
        %parallel_loop3A_867 = arith.constant 3 : i32
        %parallel_loop3A_868 = arith.index_cast %parallel_loop3A_866 : i32 to index
        %parallel_loop3A_869 = arith.index_cast %parallel_loop3A_867 : i32 to index
        %parallel_loop3A_870 = arith.index_cast %parallel_loop3A_858 : i32 to index
        %parallel_loop3A_871 = tpu.vector_load %arg7[%parallel_loop3A_868, %parallel_loop3A_869, %parallel_loop3A_870] {strides = array<i32>} : memref<2x4x1024xf32, #tpu.memory_space<vmem>>, vector<16xf32>,
        tpu.vector_store %arg7[%parallel_loop3A_868, %parallel_loop3A_869, %parallel_loop3A_870], %parallel_loop3A_865 {strides = array<i32>} : memref<2x4x1024xf32, #tpu.memory_space<vmem>>, vector<16xf32>,
      } {sc.loop_unroll_factor = 8 : i64, sc.parallel_access}
      %dma_start3A_195 = arith.constant 0 : i32
      %dma_start3A_196 = arith.constant 0 : i32
      %dma_start3A_197 = arith.constant 0 : i32
      %dma_start3A_198 = tpu.memref_slice %arg7[%dma_start3A_195, %dma_start3A_196, %dma_start3A_197] : memref<2x4x1024xf32, #tpu.memory_space<vmem>> -> memref<1x4x1024xf32, #tpu.memory_space<vmem>>
      %dma_start3A_199 = tpu.memref_squeeze %dma_start3A_198 : memref<1x4x1024xf32, #tpu.memory_space<vmem>> -> memref<4x1024xf32, #tpu.memory_space<vmem>>
      %dma_start3A_200 = arith.constant 8 : i32
      %dma_start3A_201 = arith.constant 0 : i32
      %dma_start3A_202 = tpu.memref_slice %arg4[%dma_start3A_200, %add3A_35, %dma_start3A_201] : memref<50x832x1024xf32, #tpu.memory_space<hbm>> -> memref<4x1x1024xf32, #tpu.memory_space<hbm>>
      %dma_start3A_203 = tpu.memref_squeeze %dma_start3A_202 : memref<4x1x1024xf32, #tpu.memory_space<hbm>> -> memref<4x1024xf32, #tpu.memory_space<hbm>>
      %dma_start3A_204 = arith.constant 8 : i32
      %dma_start3A_205 = arith.constant 0 : i32
      %dma_start3A_206 = tpu.memref_slice %arg4[%dma_start3A_204, %add3A_35, %dma_start3A_205] : memref<50x832x1024xf32, #tpu.memory_space<hbm>> -> memref<4x1x1024xf32, #tpu.memory_space<hbm>>
      %dma_start3A_207 = tpu.memref_squeeze %dma_start3A_206 : memref<4x1x1024xf32, #tpu.memory_space<hbm>> -> memref<4x1024xf32, #tpu.memory_space<hbm>>
      %dma_start3A_208 = arith.constant 0 : i32
      %dma_start3A_209 = arith.constant 0 : i32
      %dma_start3A_210 = tpu.memref_slice %arg7[%dma_start3A_195, %dma_start3A_208, %dma_start3A_209] : memref<2x4x1024xf32, #tpu.memory_space<vmem>> -> memref<1x4x1024xf32, #tpu.memory_space<vmem>>
      %dma_start3A_211 = tpu.memref_squeeze %dma_start3A_210 : memref<1x4x1024xf32, #tpu.memory_space<vmem>> -> memref<4x1024xf32, #tpu.memory_space<vmem>>
      tpu.enqueue_dma source(%dma_start3A_211 : memref<4x1024xf32, #tpu.memory_space<vmem>>) target(%dma_start3A_207 : memref<4x1024xf32, #tpu.memory_space<hbm>>) target_semaphore(%arg10 : memref<!tpu.dma_semaphore, #tpu.memory_space<semaphore_mem>>)
      %dma_wait3A_212 = arith.constant 1 : i32
      %dma_wait3A_213 = arith.constant 0 : i32
      %dma_wait3A_214 = arith.constant 0 : i32
      %dma_wait3A_215 = tpu.memref_slice %arg7[%dma_wait3A_212, %dma_wait3A_213, %dma_wait3A_214] : memref<2x4x1024xf32, #tpu.memory_space<vmem>> -> memref<1x4x1024xf32, #tpu.memory_space<vmem>>
      %dma_wait3A_216 = tpu.memref_squeeze %dma_wait3A_215 : memref<1x4x1024xf32, #tpu.memory_space<vmem>> -> memref<4x1024xf32, #tpu.memory_space<vmem>>
      %dma_wait3A_217 = arith.constant 4 : i32
      %dma_wait3A_218 = arith.constant 0 : i32
      %dma_wait3A_219 = tpu.memref_slice %arg4[%dma_wait3A_217, %add3A_35, %dma_wait3A_218] : memref<50x832x1024xf32, #tpu.memory_space<hbm>> -> memref<4x1x1024xf32, #tpu.memory_space<hbm>>
      %dma_wait3A_220 = tpu.memref_squeeze %dma_wait3A_219 : memref<4x1x1024xf32, #tpu.memory_space<hbm>> -> memref<4x1024xf32, #tpu.memory_space<hbm>>
      %dma_wait3A_221 = arith.constant 4 : i32
      %dma_wait3A_222 = arith.constant 0 : i32
      %dma_wait3A_223 = tpu.memref_slice %arg4[%dma_wait3A_221, %add3A_35, %dma_wait3A_222] : memref<50x832x1024xf32, #tpu.memory_space<hbm>> -> memref<4x1x1024xf32, #tpu.memory_space<hbm>>
      %dma_wait3A_224 = tpu.memref_squeeze %dma_wait3A_223 : memref<4x1x1024xf32, #tpu.memory_space<hbm>> -> memref<4x1024xf32, #tpu.memory_space<hbm>>
      %dma_wait3A_225 = arith.constant 0 : i32
      %dma_wait3A_226 = arith.constant 0 : i32
      %dma_wait3A_227 = tpu.memref_slice %arg7[%dma_wait3A_212, %dma_wait3A_225, %dma_wait3A_226] : memref<2x4x1024xf32, #tpu.memory_space<vmem>> -> memref<1x4x1024xf32, #tpu.memory_space<vmem>>
      %dma_wait3A_228 = tpu.memref_squeeze %dma_wait3A_227 : memref<1x4x1024xf32, #tpu.memory_space<vmem>> -> memref<4x1024xf32, #tpu.memory_space<vmem>>
      tpu.wait_dma2 semaphore(%arg10 : memref<!tpu.dma_semaphore, #tpu.memory_space<semaphore_mem>>) src(%dma_wait3A_228 : memref<4x1024xf32, #tpu.memory_space<vmem>>) dst(%dma_wait3A_224 : memref<4x1024xf32, #tpu.memory_space<hbm>>)
      %parallel_loop3A_229 = arith.constant 0 : i32
      %parallel_loop3A_230 = arith.constant 1024 : i32
      %parallel_loop3A_231 = arith.constant 16 : i32
      scf.for %parallel_loop3A_858 = %parallel_loop3A_229 to %parallel_loop3A_230 step %parallel_loop3A_231  : i32 {
        %parallel_loop3A_859 = arith.constant 1 : i32
        %parallel_loop3A_860 = arith.constant 4 : i32
        %parallel_loop3A_861 = arith.index_cast %parallel_loop3A_859 : i32 to index
        %parallel_loop3A_862 = arith.index_cast %parallel_loop3A_860 : i32 to index
        %parallel_loop3A_863 = arith.index_cast %parallel_loop3A_858 : i32 to index
        %parallel_loop3A_864 = tpu.vector_load %arg6[%parallel_loop3A_861, %parallel_loop3A_862, %parallel_loop3A_863] {strides = array<i32>} : memref<2x8x1024xi32, #tpu.memory_space<vmem>>, vector<16xi32>,
        %parallel_loop3A_865 = tpu.vector_load_idx %arg5[%parallel_loop3A_864] : memref<100000xf32, #tpu.memory_space<vmem>>[vector<16xi32>], vector<16xf32>,
        %parallel_loop3A_866 = arith.constant 1 : i32
        %parallel_loop3A_867 = arith.constant 0 : i32
        %parallel_loop3A_868 = arith.index_cast %parallel_loop3A_866 : i32 to index
        %parallel_loop3A_869 = arith.index_cast %parallel_loop3A_867 : i32 to index
        %parallel_loop3A_870 = arith.index_cast %parallel_loop3A_858 : i32 to index
        %parallel_loop3A_871 = tpu.vector_load %arg7[%parallel_loop3A_868, %parallel_loop3A_869, %parallel_loop3A_870] {strides = array<i32>} : memref<2x4x1024xf32, #tpu.memory_space<vmem>>, vector<16xf32>,
        tpu.vector_store %arg7[%parallel_loop3A_868, %parallel_loop3A_869, %parallel_loop3A_870], %parallel_loop3A_865 {strides = array<i32>} : memref<2x4x1024xf32, #tpu.memory_space<vmem>>, vector<16xf32>,
      } {sc.loop_unroll_factor = 8 : i64, sc.parallel_access}
      %parallel_loop3A_232 = arith.constant 0 : i32
      %parallel_loop3A_233 = arith.constant 1024 : i32
      %parallel_loop3A_234 = arith.constant 16 : i32
      scf.for %parallel_loop3A_858 = %parallel_loop3A_232 to %parallel_loop3A_233 step %parallel_loop3A_234  : i32 {
        %parallel_loop3A_859 = arith.constant 1 : i32
        %parallel_loop3A_860 = arith.constant 5 : i32
        %parallel_loop3A_861 = arith.index_cast %parallel_loop3A_859 : i32 to index
        %parallel_loop3A_862 = arith.index_cast %parallel_loop3A_860 : i32 to index
        %parallel_loop3A_863 = arith.index_cast %parallel_loop3A_858 : i32 to index
        %parallel_loop3A_864 = tpu.vector_load %arg6[%parallel_loop3A_861, %parallel_loop3A_862, %parallel_loop3A_863] {strides = array<i32>} : memref<2x8x1024xi32, #tpu.memory_space<vmem>>, vector<16xi32>,
        %parallel_loop3A_865 = tpu.vector_load_idx %arg5[%parallel_loop3A_864] : memref<100000xf32, #tpu.memory_space<vmem>>[vector<16xi32>], vector<16xf32>,
        %parallel_loop3A_866 = arith.constant 1 : i32
        %parallel_loop3A_867 = arith.constant 1 : i32
        %parallel_loop3A_868 = arith.index_cast %parallel_loop3A_866 : i32 to index
        %parallel_loop3A_869 = arith.index_cast %parallel_loop3A_867 : i32 to index
        %parallel_loop3A_870 = arith.index_cast %parallel_loop3A_858 : i32 to index
        %parallel_loop3A_871 = tpu.vector_load %arg7[%parallel_loop3A_868, %parallel_loop3A_869, %parallel_loop3A_870] {strides = array<i32>} : memref<2x4x1024xf32, #tpu.memory_space<vmem>>, vector<16xf32>,
        tpu.vector_store %arg7[%parallel_loop3A_868, %parallel_loop3A_869, %parallel_loop3A_870], %parallel_loop3A_865 {strides = array<i32>} : memref<2x4x1024xf32, #tpu.memory_space<vmem>>, vector<16xf32>,
      } {sc.loop_unroll_factor = 8 : i64, sc.parallel_access}
      %parallel_loop3A_235 = arith.constant 0 : i32
      %parallel_loop3A_236 = arith.constant 1024 : i32
      %parallel_loop3A_237 = arith.constant 16 : i32
      scf.for %parallel_loop3A_858 = %parallel_loop3A_235 to %parallel_loop3A_236 step %parallel_loop3A_237  : i32 {
        %parallel_loop3A_859 = arith.constant 1 : i32
        %parallel_loop3A_860 = arith.constant 6 : i32
        %parallel_loop3A_861 = arith.index_cast %parallel_loop3A_859 : i32 to index
        %parallel_loop3A_862 = arith.index_cast %parallel_loop3A_860 : i32 to index
        %parallel_loop3A_863 = arith.index_cast %parallel_loop3A_858 : i32 to index
        %parallel_loop3A_864 = tpu.vector_load %arg6[%parallel_loop3A_861, %parallel_loop3A_862, %parallel_loop3A_863] {strides = array<i32>} : memref<2x8x1024xi32, #tpu.memory_space<vmem>>, vector<16xi32>,
        %parallel_loop3A_865 = tpu.vector_load_idx %arg5[%parallel_loop3A_864] : memref<100000xf32, #tpu.memory_space<vmem>>[vector<16xi32>], vector<16xf32>,
        %parallel_loop3A_866 = arith.constant 1 : i32
        %parallel_loop3A_867 = arith.constant 2 : i32
        %parallel_loop3A_868 = arith.index_cast %parallel_loop3A_866 : i32 to index
        %parallel_loop3A_869 = arith.index_cast %parallel_loop3A_867 : i32 to index
        %parallel_loop3A_870 = arith.index_cast %parallel_loop3A_858 : i32 to index
        %parallel_loop3A_871 = tpu.vector_load %arg7[%parallel_loop3A_868, %parallel_loop3A_869, %parallel_loop3A_870] {strides = array<i32>} : memref<2x4x1024xf32, #tpu.memory_space<vmem>>, vector<16xf32>,
        tpu.vector_store %arg7[%parallel_loop3A_868, %parallel_loop3A_869, %parallel_loop3A_870], %parallel_loop3A_865 {strides = array<i32>} : memref<2x4x1024xf32, #tpu.memory_space<vmem>>, vector<16xf32>,
      } {sc.loop_unroll_factor = 8 : i64, sc.parallel_access}
      %parallel_loop3A_238 = arith.constant 0 : i32
      %parallel_loop3A_239 = arith.constant 1024 : i32
      %parallel_loop3A_240 = arith.constant 16 : i32
      scf.for %parallel_loop3A_858 = %parallel_loop3A_238 to %parallel_loop3A_239 step %parallel_loop3A_240  : i32 {
        %parallel_loop3A_859 = arith.constant 1 : i32
        %parallel_loop3A_860 = arith.constant 7 : i32
        %parallel_loop3A_861 = arith.index_cast %parallel_loop3A_859 : i32 to index
        %parallel_loop3A_862 = arith.index_cast %parallel_loop3A_860 : i32 to index
        %parallel_loop3A_863 = arith.index_cast %parallel_loop3A_858 : i32 to index
        %parallel_loop3A_864 = tpu.vector_load %arg6[%parallel_loop3A_861, %parallel_loop3A_862, %parallel_loop3A_863] {strides = array<i32>} : memref<2x8x1024xi32, #tpu.memory_space<vmem>>, vector<16xi32>,
        %parallel_loop3A_865 = tpu.vector_load_idx %arg5[%parallel_loop3A_864] : memref<100000xf32, #tpu.memory_space<vmem>>[vector<16xi32>], vector<16xf32>,
        %parallel_loop3A_866 = arith.constant 1 : i32
        %parallel_loop3A_867 = arith.constant 3 : i32
        %parallel_loop3A_868 = arith.index_cast %parallel_loop3A_866 : i32 to index
        %parallel_loop3A_869 = arith.index_cast %parallel_loop3A_867 : i32 to index
        %parallel_loop3A_870 = arith.index_cast %parallel_loop3A_858 : i32 to index
        %parallel_loop3A_871 = tpu.vector_load %arg7[%parallel_loop3A_868, %parallel_loop3A_869, %parallel_loop3A_870] {strides = array<i32>} : memref<2x4x1024xf32, #tpu.memory_space<vmem>>, vector<16xf32>,
        tpu.vector_store %arg7[%parallel_loop3A_868, %parallel_loop3A_869, %parallel_loop3A_870], %parallel_loop3A_865 {strides = array<i32>} : memref<2x4x1024xf32, #tpu.memory_space<vmem>>, vector<16xf32>,
      } {sc.loop_unroll_factor = 8 : i64, sc.parallel_access}
      %dma_start3A_241 = arith.constant 1 : i32
      %dma_start3A_242 = arith.constant 0 : i32
      %dma_start3A_243 = arith.constant 0 : i32
      %dma_start3A_244 = tpu.memref_slice %arg7[%dma_start3A_241, %dma_start3A_242, %dma_start3A_243] : memref<2x4x1024xf32, #tpu.memory_space<vmem>> -> memref<1x4x1024xf32, #tpu.memory_space<vmem>>
      %dma_start3A_245 = tpu.memref_squeeze %dma_start3A_244 : memref<1x4x1024xf32, #tpu.memory_space<vmem>> -> memref<4x1024xf32, #tpu.memory_space<vmem>>
      %dma_start3A_246 = arith.constant 12 : i32
      %dma_start3A_247 = arith.constant 0 : i32
      %dma_start3A_248 = tpu.memref_slice %arg4[%dma_start3A_246, %add3A_35, %dma_start3A_247] : memref<50x832x1024xf32, #tpu.memory_space<hbm>> -> memref<4x1x1024xf32, #tpu.memory_space<hbm>>
      %dma_start3A_249 = tpu.memref_squeeze %dma_start3A_248 : memref<4x1x1024xf32, #tpu.memory_space<hbm>> -> memref<4x1024xf32, #tpu.memory_space<hbm>>
      %dma_start3A_250 = arith.constant 12 : i32
      %dma_start3A_251 = arith.constant 0 : i32
      %dma_start3A_252 = tpu.memref_slice %arg4[%dma_start3A_250, %add3A_35, %dma_start3A_251] : memref<50x832x1024xf32, #tpu.memory_space<hbm>> -> memref<4x1x1024xf32, #tpu.memory_space<hbm>>
      %dma_start3A_253 = tpu.memref_squeeze %dma_start3A_252 : memref<4x1x1024xf32, #tpu.memory_space<hbm>> -> memref<4x1024xf32, #tpu.memory_space<hbm>>
      %dma_start3A_254 = arith.constant 0 : i32
      %dma_start3A_255 = arith.constant 0 : i32
      %dma_start3A_256 = tpu.memref_slice %arg7[%dma_start3A_241, %dma_start3A_254, %dma_start3A_255] : memref<2x4x1024xf32, #tpu.memory_space<vmem>> -> memref<1x4x1024xf32, #tpu.memory_space<vmem>>
      %dma_start3A_257 = tpu.memref_squeeze %dma_start3A_256 : memref<1x4x1024xf32, #tpu.memory_space<vmem>> -> memref<4x1024xf32, #tpu.memory_space<vmem>>
      tpu.enqueue_dma source(%dma_start3A_257 : memref<4x1024xf32, #tpu.memory_space<vmem>>) target(%dma_start3A_253 : memref<4x1024xf32, #tpu.memory_space<hbm>>) target_semaphore(%arg10 : memref<!tpu.dma_semaphore, #tpu.memory_space<semaphore_mem>>)
      %dma_wait3A_258 = arith.constant 0 : i32
      %dma_wait3A_259 = arith.constant 0 : i32
      %dma_wait3A_260 = arith.constant 0 : i32
      %dma_wait3A_261 = tpu.memref_slice %arg6[%dma_wait3A_258, %dma_wait3A_259, %dma_wait3A_260] : memref<2x8x1024xi32, #tpu.memory_space<vmem>> -> memref<1x8x1024xi32, #tpu.memory_space<vmem>>
      %dma_wait3A_262 = tpu.memref_squeeze %dma_wait3A_261 : memref<1x8x1024xi32, #tpu.memory_space<vmem>> -> memref<8x1024xi32, #tpu.memory_space<vmem>>
      %dma_wait3A_263 = arith.constant 16 : i32
      %dma_wait3A_264 = arith.constant 0 : i32
      %dma_wait3A_265 = tpu.memref_slice %arg2[%scan3A_31, %dma_wait3A_263, %dma_wait3A_264] : memref<26x50x1024xi32, #tpu.memory_space<hbm>> -> memref<1x8x1024xi32, #tpu.memory_space<hbm>>
      %dma_wait3A_266 = tpu.memref_squeeze %dma_wait3A_265 : memref<1x8x1024xi32, #tpu.memory_space<hbm>> -> memref<8x1024xi32, #tpu.memory_space<hbm>>
      %dma_wait3A_267 = arith.constant 0 : i32
      %dma_wait3A_268 = arith.constant 0 : i32
      %dma_wait3A_269 = tpu.memref_slice %arg6[%dma_wait3A_258, %dma_wait3A_267, %dma_wait3A_268] : memref<2x8x1024xi32, #tpu.memory_space<vmem>> -> memref<1x8x1024xi32, #tpu.memory_space<vmem>>
      %dma_wait3A_270 = tpu.memref_squeeze %dma_wait3A_269 : memref<1x8x1024xi32, #tpu.memory_space<vmem>> -> memref<8x1024xi32, #tpu.memory_space<vmem>>
      %dma_wait3A_271 = arith.constant 16 : i32
      %dma_wait3A_272 = arith.constant 0 : i32
      %dma_wait3A_273 = tpu.memref_slice %arg2[%scan3A_31, %dma_wait3A_271, %dma_wait3A_272] : memref<26x50x1024xi32, #tpu.memory_space<hbm>> -> memref<1x8x1024xi32, #tpu.memory_space<hbm>>
      %dma_wait3A_274 = tpu.memref_squeeze %dma_wait3A_273 : memref<1x8x1024xi32, #tpu.memory_space<hbm>> -> memref<8x1024xi32, #tpu.memory_space<hbm>>
      tpu.wait_dma2 semaphore(%arg9 : memref<!tpu.dma_semaphore, #tpu.memory_space<semaphore_mem>>) src(%dma_wait3A_274 : memref<8x1024xi32, #tpu.memory_space<hbm>>) dst(%dma_wait3A_270 : memref<8x1024xi32, #tpu.memory_space<vmem>>)
      %dma_start3A_275 = arith.constant 1 : i32
      %dma_start3A_276 = arith.constant 0 : i32
      %dma_start3A_277 = arith.constant 0 : i32
      %dma_start3A_278 = tpu.memref_slice %arg6[%dma_start3A_275, %dma_start3A_276, %dma_start3A_277] : memref<2x8x1024xi32, #tpu.memory_space<vmem>> -> memref<1x8x1024xi32, #tpu.memory_space<vmem>>
      %dma_start3A_279 = tpu.memref_squeeze %dma_start3A_278 : memref<1x8x1024xi32, #tpu.memory_space<vmem>> -> memref<8x1024xi32, #tpu.memory_space<vmem>>
      %dma_start3A_280 = arith.constant 24 : i32
      %dma_start3A_281 = arith.constant 0 : i32
      %dma_start3A_282 = tpu.memref_slice %arg2[%scan3A_31, %dma_start3A_280, %dma_start3A_281] : memref<26x50x1024xi32, #tpu.memory_space<hbm>> -> memref<1x8x1024xi32, #tpu.memory_space<hbm>>
      %dma_start3A_283 = tpu.memref_squeeze %dma_start3A_282 : memref<1x8x1024xi32, #tpu.memory_space<hbm>> -> memref<8x1024xi32, #tpu.memory_space<hbm>>
      %dma_start3A_284 = arith.constant 0 : i32
      %dma_start3A_285 = arith.constant 0 : i32
      %dma_start3A_286 = tpu.memref_slice %arg6[%dma_start3A_275, %dma_start3A_284, %dma_start3A_285] : memref<2x8x1024xi32, #tpu.memory_space<vmem>> -> memref<1x8x1024xi32, #tpu.memory_space<vmem>>
      %dma_start3A_287 = tpu.memref_squeeze %dma_start3A_286 : memref<1x8x1024xi32, #tpu.memory_space<vmem>> -> memref<8x1024xi32, #tpu.memory_space<vmem>>
      %dma_start3A_288 = arith.constant 24 : i32
      %dma_start3A_289 = arith.constant 0 : i32
      %dma_start3A_290 = tpu.memref_slice %arg2[%scan3A_31, %dma_start3A_288, %dma_start3A_289] : memref<26x50x1024xi32, #tpu.memory_space<hbm>> -> memref<1x8x1024xi32, #tpu.memory_space<hbm>>
      %dma_start3A_291 = tpu.memref_squeeze %dma_start3A_290 : memref<1x8x1024xi32, #tpu.memory_space<hbm>> -> memref<8x1024xi32, #tpu.memory_space<hbm>>
      tpu.enqueue_dma source(%dma_start3A_291 : memref<8x1024xi32, #tpu.memory_space<hbm>>) target(%dma_start3A_287 : memref<8x1024xi32, #tpu.memory_space<vmem>>) target_semaphore(%arg9 : memref<!tpu.dma_semaphore, #tpu.memory_space<semaphore_mem>>)
      %dma_wait3A_292 = arith.constant 0 : i32
      %dma_wait3A_293 = arith.constant 0 : i32
      %dma_wait3A_294 = arith.constant 0 : i32
      %dma_wait3A_295 = tpu.memref_slice %arg7[%dma_wait3A_292, %dma_wait3A_293, %dma_wait3A_294] : memref<2x4x1024xf32, #tpu.memory_space<vmem>> -> memref<1x4x1024xf32, #tpu.memory_space<vmem>>
      %dma_wait3A_296 = tpu.memref_squeeze %dma_wait3A_295 : memref<1x4x1024xf32, #tpu.memory_space<vmem>> -> memref<4x1024xf32, #tpu.memory_space<vmem>>
      %dma_wait3A_297 = arith.constant 8 : i32
      %dma_wait3A_298 = arith.constant 0 : i32
      %dma_wait3A_299 = tpu.memref_slice %arg4[%dma_wait3A_297, %add3A_35, %dma_wait3A_298] : memref<50x832x1024xf32, #tpu.memory_space<hbm>> -> memref<4x1x1024xf32, #tpu.memory_space<hbm>>
      %dma_wait3A_300 = tpu.memref_squeeze %dma_wait3A_299 : memref<4x1x1024xf32, #tpu.memory_space<hbm>> -> memref<4x1024xf32, #tpu.memory_space<hbm>>
      %dma_wait3A_301 = arith.constant 8 : i32
      %dma_wait3A_302 = arith.constant 0 : i32
      %dma_wait3A_303 = tpu.memref_slice %arg4[%dma_wait3A_301, %add3A_35, %dma_wait3A_302] : memref<50x832x1024xf32, #tpu.memory_space<hbm>> -> memref<4x1x1024xf32, #tpu.memory_space<hbm>>
      %dma_wait3A_304 = tpu.memref_squeeze %dma_wait3A_303 : memref<4x1x1024xf32, #tpu.memory_space<hbm>> -> memref<4x1024xf32, #tpu.memory_space<hbm>>
      %dma_wait3A_305 = arith.constant 0 : i32
      %dma_wait3A_306 = arith.constant 0 : i32
      %dma_wait3A_307 = tpu.memref_slice %arg7[%dma_wait3A_292, %dma_wait3A_305, %dma_wait3A_306] : memref<2x4x1024xf32, #tpu.memory_space<vmem>> -> memref<1x4x1024xf32, #tpu.memory_space<vmem>>
      %dma_wait3A_308 = tpu.memref_squeeze %dma_wait3A_307 : memref<1x4x1024xf32, #tpu.memory_space<vmem>> -> memref<4x1024xf32, #tpu.memory_space<vmem>>
      tpu.wait_dma2 semaphore(%arg10 : memref<!tpu.dma_semaphore, #tpu.memory_space<semaphore_mem>>) src(%dma_wait3A_308 : memref<4x1024xf32, #tpu.memory_space<vmem>>) dst(%dma_wait3A_304 : memref<4x1024xf32, #tpu.memory_space<hbm>>)
      %parallel_loop3A_309 = arith.constant 0 : i32
      %parallel_loop3A_310 = arith.constant 1024 : i32
      %parallel_loop3A_311 = arith.constant 16 : i32
      scf.for %parallel_loop3A_858 = %parallel_loop3A_309 to %parallel_loop3A_310 step %parallel_loop3A_311  : i32 {
        %parallel_loop3A_859 = arith.constant 0 : i32
        %parallel_loop3A_860 = arith.constant 0 : i32
        %parallel_loop3A_861 = arith.index_cast %parallel_loop3A_859 : i32 to index
        %parallel_loop3A_862 = arith.index_cast %parallel_loop3A_860 : i32 to index
        %parallel_loop3A_863 = arith.index_cast %parallel_loop3A_858 : i32 to index
        %parallel_loop3A_864 = tpu.vector_load %arg6[%parallel_loop3A_861, %parallel_loop3A_862, %parallel_loop3A_863] {strides = array<i32>} : memref<2x8x1024xi32, #tpu.memory_space<vmem>>, vector<16xi32>,
        %parallel_loop3A_865 = tpu.vector_load_idx %arg5[%parallel_loop3A_864] : memref<100000xf32, #tpu.memory_space<vmem>>[vector<16xi32>], vector<16xf32>,
        %parallel_loop3A_866 = arith.constant 0 : i32
        %parallel_loop3A_867 = arith.constant 0 : i32
        %parallel_loop3A_868 = arith.index_cast %parallel_loop3A_866 : i32 to index
        %parallel_loop3A_869 = arith.index_cast %parallel_loop3A_867 : i32 to index
        %parallel_loop3A_870 = arith.index_cast %parallel_loop3A_858 : i32 to index
        %parallel_loop3A_871 = tpu.vector_load %arg7[%parallel_loop3A_868, %parallel_loop3A_869, %parallel_loop3A_870] {strides = array<i32>} : memref<2x4x1024xf32, #tpu.memory_space<vmem>>, vector<16xf32>,
        tpu.vector_store %arg7[%parallel_loop3A_868, %parallel_loop3A_869, %parallel_loop3A_870], %parallel_loop3A_865 {strides = array<i32>} : memref<2x4x1024xf32, #tpu.memory_space<vmem>>, vector<16xf32>,
      } {sc.loop_unroll_factor = 8 : i64, sc.parallel_access}
      %parallel_loop3A_312 = arith.constant 0 : i32
      %parallel_loop3A_313 = arith.constant 1024 : i32
      %parallel_loop3A_314 = arith.constant 16 : i32
      scf.for %parallel_loop3A_858 = %parallel_loop3A_312 to %parallel_loop3A_313 step %parallel_loop3A_314  : i32 {
        %parallel_loop3A_859 = arith.constant 0 : i32
        %parallel_loop3A_860 = arith.constant 1 : i32
        %parallel_loop3A_861 = arith.index_cast %parallel_loop3A_859 : i32 to index
        %parallel_loop3A_862 = arith.index_cast %parallel_loop3A_860 : i32 to index
        %parallel_loop3A_863 = arith.index_cast %parallel_loop3A_858 : i32 to index
        %parallel_loop3A_864 = tpu.vector_load %arg6[%parallel_loop3A_861, %parallel_loop3A_862, %parallel_loop3A_863] {strides = array<i32>} : memref<2x8x1024xi32, #tpu.memory_space<vmem>>, vector<16xi32>,
        %parallel_loop3A_865 = tpu.vector_load_idx %arg5[%parallel_loop3A_864] : memref<100000xf32, #tpu.memory_space<vmem>>[vector<16xi32>], vector<16xf32>,
        %parallel_loop3A_866 = arith.constant 0 : i32
        %parallel_loop3A_867 = arith.constant 1 : i32
        %parallel_loop3A_868 = arith.index_cast %parallel_loop3A_866 : i32 to index
        %parallel_loop3A_869 = arith.index_cast %parallel_loop3A_867 : i32 to index
        %parallel_loop3A_870 = arith.index_cast %parallel_loop3A_858 : i32 to index
        %parallel_loop3A_871 = tpu.vector_load %arg7[%parallel_loop3A_868, %parallel_loop3A_869, %parallel_loop3A_870] {strides = array<i32>} : memref<2x4x1024xf32, #tpu.memory_space<vmem>>, vector<16xf32>,
        tpu.vector_store %arg7[%parallel_loop3A_868, %parallel_loop3A_869, %parallel_loop3A_870], %parallel_loop3A_865 {strides = array<i32>} : memref<2x4x1024xf32, #tpu.memory_space<vmem>>, vector<16xf32>,
      } {sc.loop_unroll_factor = 8 : i64, sc.parallel_access}
      %parallel_loop3A_315 = arith.constant 0 : i32
      %parallel_loop3A_316 = arith.constant 1024 : i32
      %parallel_loop3A_317 = arith.constant 16 : i32
      scf.for %parallel_loop3A_858 = %parallel_loop3A_315 to %parallel_loop3A_316 step %parallel_loop3A_317  : i32 {
        %parallel_loop3A_859 = arith.constant 0 : i32
        %parallel_loop3A_860 = arith.constant 2 : i32
        %parallel_loop3A_861 = arith.index_cast %parallel_loop3A_859 : i32 to index
        %parallel_loop3A_862 = arith.index_cast %parallel_loop3A_860 : i32 to index
        %parallel_loop3A_863 = arith.index_cast %parallel_loop3A_858 : i32 to index
        %parallel_loop3A_864 = tpu.vector_load %arg6[%parallel_loop3A_861, %parallel_loop3A_862, %parallel_loop3A_863] {strides = array<i32>} : memref<2x8x1024xi32, #tpu.memory_space<vmem>>, vector<16xi32>,
        %parallel_loop3A_865 = tpu.vector_load_idx %arg5[%parallel_loop3A_864] : memref<100000xf32, #tpu.memory_space<vmem>>[vector<16xi32>], vector<16xf32>,
        %parallel_loop3A_866 = arith.constant 0 : i32
        %parallel_loop3A_867 = arith.constant 2 : i32
        %parallel_loop3A_868 = arith.index_cast %parallel_loop3A_866 : i32 to index
        %parallel_loop3A_869 = arith.index_cast %parallel_loop3A_867 : i32 to index
        %parallel_loop3A_870 = arith.index_cast %parallel_loop3A_858 : i32 to index
        %parallel_loop3A_871 = tpu.vector_load %arg7[%parallel_loop3A_868, %parallel_loop3A_869, %parallel_loop3A_870] {strides = array<i32>} : memref<2x4x1024xf32, #tpu.memory_space<vmem>>, vector<16xf32>,
        tpu.vector_store %arg7[%parallel_loop3A_868, %parallel_loop3A_869, %parallel_loop3A_870], %parallel_loop3A_865 {strides = array<i32>} : memref<2x4x1024xf32, #tpu.memory_space<vmem>>, vector<16xf32>,
      } {sc.loop_unroll_factor = 8 : i64, sc.parallel_access}
      %parallel_loop3A_318 = arith.constant 0 : i32
      %parallel_loop3A_319 = arith.constant 1024 : i32
      %parallel_loop3A_320 = arith.constant 16 : i32
      scf.for %parallel_loop3A_858 = %parallel_loop3A_318 to %parallel_loop3A_319 step %parallel_loop3A_320  : i32 {
        %parallel_loop3A_859 = arith.constant 0 : i32
        %parallel_loop3A_860 = arith.constant 3 : i32
        %parallel_loop3A_861 = arith.index_cast %parallel_loop3A_859 : i32 to index
        %parallel_loop3A_862 = arith.index_cast %parallel_loop3A_860 : i32 to index
        %parallel_loop3A_863 = arith.index_cast %parallel_loop3A_858 : i32 to index
        %parallel_loop3A_864 = tpu.vector_load %arg6[%parallel_loop3A_861, %parallel_loop3A_862, %parallel_loop3A_863] {strides = array<i32>} : memref<2x8x1024xi32, #tpu.memory_space<vmem>>, vector<16xi32>,
        %parallel_loop3A_865 = tpu.vector_load_idx %arg5[%parallel_loop3A_864] : memref<100000xf32, #tpu.memory_space<vmem>>[vector<16xi32>], vector<16xf32>,
        %parallel_loop3A_866 = arith.constant 0 : i32
        %parallel_loop3A_867 = arith.constant 3 : i32
        %parallel_loop3A_868 = arith.index_cast %parallel_loop3A_866 : i32 to index
        %parallel_loop3A_869 = arith.index_cast %parallel_loop3A_867 : i32 to index
        %parallel_loop3A_870 = arith.index_cast %parallel_loop3A_858 : i32 to index
        %parallel_loop3A_871 = tpu.vector_load %arg7[%parallel_loop3A_868, %parallel_loop3A_869, %parallel_loop3A_870] {strides = array<i32>} : memref<2x4x1024xf32, #tpu.memory_space<vmem>>, vector<16xf32>,
        tpu.vector_store %arg7[%parallel_loop3A_868, %parallel_loop3A_869, %parallel_loop3A_870], %parallel_loop3A_865 {strides = array<i32>} : memref<2x4x1024xf32, #tpu.memory_space<vmem>>, vector<16xf32>,
      } {sc.loop_unroll_factor = 8 : i64, sc.parallel_access}
      %dma_start3A_321 = arith.constant 0 : i32
      %dma_start3A_322 = arith.constant 0 : i32
      %dma_start3A_323 = arith.constant 0 : i32
      %dma_start3A_324 = tpu.memref_slice %arg7[%dma_start3A_321, %dma_start3A_322, %dma_start3A_323] : memref<2x4x1024xf32, #tpu.memory_space<vmem>> -> memref<1x4x1024xf32, #tpu.memory_space<vmem>>
      %dma_start3A_325 = tpu.memref_squeeze %dma_start3A_324 : memref<1x4x1024xf32, #tpu.memory_space<vmem>> -> memref<4x1024xf32, #tpu.memory_space<vmem>>
      %dma_start3A_326 = arith.constant 16 : i32
      %dma_start3A_327 = arith.constant 0 : i32
      %dma_start3A_328 = tpu.memref_slice %arg4[%dma_start3A_326, %add3A_35, %dma_start3A_327] : memref<50x832x1024xf32, #tpu.memory_space<hbm>> -> memref<4x1x1024xf32, #tpu.memory_space<hbm>>
      %dma_start3A_329 = tpu.memref_squeeze %dma_start3A_328 : memref<4x1x1024xf32, #tpu.memory_space<hbm>> -> memref<4x1024xf32, #tpu.memory_space<hbm>>
      %dma_start3A_330 = arith.constant 16 : i32
      %dma_start3A_331 = arith.constant 0 : i32
      %dma_start3A_332 = tpu.memref_slice %arg4[%dma_start3A_330, %add3A_35, %dma_start3A_331] : memref<50x832x1024xf32, #tpu.memory_space<hbm>> -> memref<4x1x1024xf32, #tpu.memory_space<hbm>>
      %dma_start3A_333 = tpu.memref_squeeze %dma_start3A_332 : memref<4x1x1024xf32, #tpu.memory_space<hbm>> -> memref<4x1024xf32, #tpu.memory_space<hbm>>
      %dma_start3A_334 = arith.constant 0 : i32
      %dma_start3A_335 = arith.constant 0 : i32
      %dma_start3A_336 = tpu.memref_slice %arg7[%dma_start3A_321, %dma_start3A_334, %dma_start3A_335] : memref<2x4x1024xf32, #tpu.memory_space<vmem>> -> memref<1x4x1024xf32, #tpu.memory_space<vmem>>
      %dma_start3A_337 = tpu.memref_squeeze %dma_start3A_336 : memref<1x4x1024xf32, #tpu.memory_space<vmem>> -> memref<4x1024xf32, #tpu.memory_space<vmem>>
      tpu.enqueue_dma source(%dma_start3A_337 : memref<4x1024xf32, #tpu.memory_space<vmem>>) target(%dma_start3A_333 : memref<4x1024xf32, #tpu.memory_space<hbm>>) target_semaphore(%arg10 : memref<!tpu.dma_semaphore, #tpu.memory_space<semaphore_mem>>)
      %dma_wait3A_338 = arith.constant 1 : i32
      %dma_wait3A_339 = arith.constant 0 : i32
      %dma_wait3A_340 = arith.constant 0 : i32
      %dma_wait3A_341 = tpu.memref_slice %arg7[%dma_wait3A_338, %dma_wait3A_339, %dma_wait3A_340] : memref<2x4x1024xf32, #tpu.memory_space<vmem>> -> memref<1x4x1024xf32, #tpu.memory_space<vmem>>
      %dma_wait3A_342 = tpu.memref_squeeze %dma_wait3A_341 : memref<1x4x1024xf32, #tpu.memory_space<vmem>> -> memref<4x1024xf32, #tpu.memory_space<vmem>>
      %dma_wait3A_343 = arith.constant 12 : i32
      %dma_wait3A_344 = arith.constant 0 : i32
      %dma_wait3A_345 = tpu.memref_slice %arg4[%dma_wait3A_343, %add3A_35, %dma_wait3A_344] : memref<50x832x1024xf32, #tpu.memory_space<hbm>> -> memref<4x1x1024xf32, #tpu.memory_space<hbm>>
      %dma_wait3A_346 = tpu.memref_squeeze %dma_wait3A_345 : memref<4x1x1024xf32, #tpu.memory_space<hbm>> -> memref<4x1024xf32, #tpu.memory_space<hbm>>
      %dma_wait3A_347 = arith.constant 12 : i32
      %dma_wait3A_348 = arith.constant 0 : i32
      %dma_wait3A_349 = tpu.memref_slice %arg4[%dma_wait3A_347, %add3A_35, %dma_wait3A_348] : memref<50x832x1024xf32, #tpu.memory_space<hbm>> -> memref<4x1x1024xf32, #tpu.memory_space<hbm>>
      %dma_wait3A_350 = tpu.memref_squeeze %dma_wait3A_349 : memref<4x1x1024xf32, #tpu.memory_space<hbm>> -> memref<4x1024xf32, #tpu.memory_space<hbm>>
      %dma_wait3A_351 = arith.constant 0 : i32
      %dma_wait3A_352 = arith.constant 0 : i32
      %dma_wait3A_353 = tpu.memref_slice %arg7[%dma_wait3A_338, %dma_wait3A_351, %dma_wait3A_352] : memref<2x4x1024xf32, #tpu.memory_space<vmem>> -> memref<1x4x1024xf32, #tpu.memory_space<vmem>>
      %dma_wait3A_354 = tpu.memref_squeeze %dma_wait3A_353 : memref<1x4x1024xf32, #tpu.memory_space<vmem>> -> memref<4x1024xf32, #tpu.memory_space<vmem>>
      tpu.wait_dma2 semaphore(%arg10 : memref<!tpu.dma_semaphore, #tpu.memory_space<semaphore_mem>>) src(%dma_wait3A_354 : memref<4x1024xf32, #tpu.memory_space<vmem>>) dst(%dma_wait3A_350 : memref<4x1024xf32, #tpu.memory_space<hbm>>)
      %parallel_loop3A_355 = arith.constant 0 : i32
      %parallel_loop3A_356 = arith.constant 1024 : i32
      %parallel_loop3A_357 = arith.constant 16 : i32
      scf.for %parallel_loop3A_858 = %parallel_loop3A_355 to %parallel_loop3A_356 step %parallel_loop3A_357  : i32 {
        %parallel_loop3A_859 = arith.constant 0 : i32
        %parallel_loop3A_860 = arith.constant 4 : i32
        %parallel_loop3A_861 = arith.index_cast %parallel_loop3A_859 : i32 to index
        %parallel_loop3A_862 = arith.index_cast %parallel_loop3A_860 : i32 to index
        %parallel_loop3A_863 = arith.index_cast %parallel_loop3A_858 : i32 to index
        %parallel_loop3A_864 = tpu.vector_load %arg6[%parallel_loop3A_861, %parallel_loop3A_862, %parallel_loop3A_863] {strides = array<i32>} : memref<2x8x1024xi32, #tpu.memory_space<vmem>>, vector<16xi32>,
        %parallel_loop3A_865 = tpu.vector_load_idx %arg5[%parallel_loop3A_864] : memref<100000xf32, #tpu.memory_space<vmem>>[vector<16xi32>], vector<16xf32>,
        %parallel_loop3A_866 = arith.constant 1 : i32
        %parallel_loop3A_867 = arith.constant 0 : i32
        %parallel_loop3A_868 = arith.index_cast %parallel_loop3A_866 : i32 to index
        %parallel_loop3A_869 = arith.index_cast %parallel_loop3A_867 : i32 to index
        %parallel_loop3A_870 = arith.index_cast %parallel_loop3A_858 : i32 to index
        %parallel_loop3A_871 = tpu.vector_load %arg7[%parallel_loop3A_868, %parallel_loop3A_869, %parallel_loop3A_870] {strides = array<i32>} : memref<2x4x1024xf32, #tpu.memory_space<vmem>>, vector<16xf32>,
        tpu.vector_store %arg7[%parallel_loop3A_868, %parallel_loop3A_869, %parallel_loop3A_870], %parallel_loop3A_865 {strides = array<i32>} : memref<2x4x1024xf32, #tpu.memory_space<vmem>>, vector<16xf32>,
      } {sc.loop_unroll_factor = 8 : i64, sc.parallel_access}
      %parallel_loop3A_358 = arith.constant 0 : i32
      %parallel_loop3A_359 = arith.constant 1024 : i32
      %parallel_loop3A_360 = arith.constant 16 : i32
      scf.for %parallel_loop3A_858 = %parallel_loop3A_358 to %parallel_loop3A_359 step %parallel_loop3A_360  : i32 {
        %parallel_loop3A_859 = arith.constant 0 : i32
        %parallel_loop3A_860 = arith.constant 5 : i32
        %parallel_loop3A_861 = arith.index_cast %parallel_loop3A_859 : i32 to index
        %parallel_loop3A_862 = arith.index_cast %parallel_loop3A_860 : i32 to index
        %parallel_loop3A_863 = arith.index_cast %parallel_loop3A_858 : i32 to index
        %parallel_loop3A_864 = tpu.vector_load %arg6[%parallel_loop3A_861, %parallel_loop3A_862, %parallel_loop3A_863] {strides = array<i32>} : memref<2x8x1024xi32, #tpu.memory_space<vmem>>, vector<16xi32>,
        %parallel_loop3A_865 = tpu.vector_load_idx %arg5[%parallel_loop3A_864] : memref<100000xf32, #tpu.memory_space<vmem>>[vector<16xi32>], vector<16xf32>,
        %parallel_loop3A_866 = arith.constant 1 : i32
        %parallel_loop3A_867 = arith.constant 1 : i32
        %parallel_loop3A_868 = arith.index_cast %parallel_loop3A_866 : i32 to index
        %parallel_loop3A_869 = arith.index_cast %parallel_loop3A_867 : i32 to index
        %parallel_loop3A_870 = arith.index_cast %parallel_loop3A_858 : i32 to index
        %parallel_loop3A_871 = tpu.vector_load %arg7[%parallel_loop3A_868, %parallel_loop3A_869, %parallel_loop3A_870] {strides = array<i32>} : memref<2x4x1024xf32, #tpu.memory_space<vmem>>, vector<16xf32>,
        tpu.vector_store %arg7[%parallel_loop3A_868, %parallel_loop3A_869, %parallel_loop3A_870], %parallel_loop3A_865 {strides = array<i32>} : memref<2x4x1024xf32, #tpu.memory_space<vmem>>, vector<16xf32>,
      } {sc.loop_unroll_factor = 8 : i64, sc.parallel_access}
      %parallel_loop3A_361 = arith.constant 0 : i32
      %parallel_loop3A_362 = arith.constant 1024 : i32
      %parallel_loop3A_363 = arith.constant 16 : i32
      scf.for %parallel_loop3A_858 = %parallel_loop3A_361 to %parallel_loop3A_362 step %parallel_loop3A_363  : i32 {
        %parallel_loop3A_859 = arith.constant 0 : i32
        %parallel_loop3A_860 = arith.constant 6 : i32
        %parallel_loop3A_861 = arith.index_cast %parallel_loop3A_859 : i32 to index
        %parallel_loop3A_862 = arith.index_cast %parallel_loop3A_860 : i32 to index
        %parallel_loop3A_863 = arith.index_cast %parallel_loop3A_858 : i32 to index
        %parallel_loop3A_864 = tpu.vector_load %arg6[%parallel_loop3A_861, %parallel_loop3A_862, %parallel_loop3A_863] {strides = array<i32>} : memref<2x8x1024xi32, #tpu.memory_space<vmem>>, vector<16xi32>,
        %parallel_loop3A_865 = tpu.vector_load_idx %arg5[%parallel_loop3A_864] : memref<100000xf32, #tpu.memory_space<vmem>>[vector<16xi32>], vector<16xf32>,
        %parallel_loop3A_866 = arith.constant 1 : i32
        %parallel_loop3A_867 = arith.constant 2 : i32
        %parallel_loop3A_868 = arith.index_cast %parallel_loop3A_866 : i32 to index
        %parallel_loop3A_869 = arith.index_cast %parallel_loop3A_867 : i32 to index
        %parallel_loop3A_870 = arith.index_cast %parallel_loop3A_858 : i32 to index
        %parallel_loop3A_871 = tpu.vector_load %arg7[%parallel_loop3A_868, %parallel_loop3A_869, %parallel_loop3A_870] {strides = array<i32>} : memref<2x4x1024xf32, #tpu.memory_space<vmem>>, vector<16xf32>,
        tpu.vector_store %arg7[%parallel_loop3A_868, %parallel_loop3A_869, %parallel_loop3A_870], %parallel_loop3A_865 {strides = array<i32>} : memref<2x4x1024xf32, #tpu.memory_space<vmem>>, vector<16xf32>,
      } {sc.loop_unroll_factor = 8 : i64, sc.parallel_access}
      %parallel_loop3A_364 = arith.constant 0 : i32
      %parallel_loop3A_365 = arith.constant 1024 : i32
      %parallel_loop3A_366 = arith.constant 16 : i32
      scf.for %parallel_loop3A_858 = %parallel_loop3A_364 to %parallel_loop3A_365 step %parallel_loop3A_366  : i32 {
        %parallel_loop3A_859 = arith.constant 0 : i32
        %parallel_loop3A_860 = arith.constant 7 : i32
        %parallel_loop3A_861 = arith.index_cast %parallel_loop3A_859 : i32 to index
        %parallel_loop3A_862 = arith.index_cast %parallel_loop3A_860 : i32 to index
        %parallel_loop3A_863 = arith.index_cast %parallel_loop3A_858 : i32 to index
        %parallel_loop3A_864 = tpu.vector_load %arg6[%parallel_loop3A_861, %parallel_loop3A_862, %parallel_loop3A_863] {strides = array<i32>} : memref<2x8x1024xi32, #tpu.memory_space<vmem>>, vector<16xi32>,
        %parallel_loop3A_865 = tpu.vector_load_idx %arg5[%parallel_loop3A_864] : memref<100000xf32, #tpu.memory_space<vmem>>[vector<16xi32>], vector<16xf32>,
        %parallel_loop3A_866 = arith.constant 1 : i32
        %parallel_loop3A_867 = arith.constant 3 : i32
        %parallel_loop3A_868 = arith.index_cast %parallel_loop3A_866 : i32 to index
        %parallel_loop3A_869 = arith.index_cast %parallel_loop3A_867 : i32 to index
        %parallel_loop3A_870 = arith.index_cast %parallel_loop3A_858 : i32 to index
        %parallel_loop3A_871 = tpu.vector_load %arg7[%parallel_loop3A_868, %parallel_loop3A_869, %parallel_loop3A_870] {strides = array<i32>} : memref<2x4x1024xf32, #tpu.memory_space<vmem>>, vector<16xf32>,
        tpu.vector_store %arg7[%parallel_loop3A_868, %parallel_loop3A_869, %parallel_loop3A_870], %parallel_loop3A_865 {strides = array<i32>} : memref<2x4x1024xf32, #tpu.memory_space<vmem>>, vector<16xf32>,
      } {sc.loop_unroll_factor = 8 : i64, sc.parallel_access}
      %dma_start3A_367 = arith.constant 1 : i32
      %dma_start3A_368 = arith.constant 0 : i32
      %dma_start3A_369 = arith.constant 0 : i32
      %dma_start3A_370 = tpu.memref_slice %arg7[%dma_start3A_367, %dma_start3A_368, %dma_start3A_369] : memref<2x4x1024xf32, #tpu.memory_space<vmem>> -> memref<1x4x1024xf32, #tpu.memory_space<vmem>>
      %dma_start3A_371 = tpu.memref_squeeze %dma_start3A_370 : memref<1x4x1024xf32, #tpu.memory_space<vmem>> -> memref<4x1024xf32, #tpu.memory_space<vmem>>
      %dma_start3A_372 = arith.constant 20 : i32
      %dma_start3A_373 = arith.constant 0 : i32
      %dma_start3A_374 = tpu.memref_slice %arg4[%dma_start3A_372, %add3A_35, %dma_start3A_373] : memref<50x832x1024xf32, #tpu.memory_space<hbm>> -> memref<4x1x1024xf32, #tpu.memory_space<hbm>>
      %dma_start3A_375 = tpu.memref_squeeze %dma_start3A_374 : memref<4x1x1024xf32, #tpu.memory_space<hbm>> -> memref<4x1024xf32, #tpu.memory_space<hbm>>
      %dma_start3A_376 = arith.constant 20 : i32
      %dma_start3A_377 = arith.constant 0 : i32
      %dma_start3A_378 = tpu.memref_slice %arg4[%dma_start3A_376, %add3A_35, %dma_start3A_377] : memref<50x832x1024xf32, #tpu.memory_space<hbm>> -> memref<4x1x1024xf32, #tpu.memory_space<hbm>>
      %dma_start3A_379 = tpu.memref_squeeze %dma_start3A_378 : memref<4x1x1024xf32, #tpu.memory_space<hbm>> -> memref<4x1024xf32, #tpu.memory_space<hbm>>
      %dma_start3A_380 = arith.constant 0 : i32
      %dma_start3A_381 = arith.constant 0 : i32
      %dma_start3A_382 = tpu.memref_slice %arg7[%dma_start3A_367, %dma_start3A_380, %dma_start3A_381] : memref<2x4x1024xf32, #tpu.memory_space<vmem>> -> memref<1x4x1024xf32, #tpu.memory_space<vmem>>
      %dma_start3A_383 = tpu.memref_squeeze %dma_start3A_382 : memref<1x4x1024xf32, #tpu.memory_space<vmem>> -> memref<4x1024xf32, #tpu.memory_space<vmem>>
      tpu.enqueue_dma source(%dma_start3A_383 : memref<4x1024xf32, #tpu.memory_space<vmem>>) target(%dma_start3A_379 : memref<4x1024xf32, #tpu.memory_space<hbm>>) target_semaphore(%arg10 : memref<!tpu.dma_semaphore, #tpu.memory_space<semaphore_mem>>)
      %dma_wait3A_384 = arith.constant 1 : i32
      %dma_wait3A_385 = arith.constant 0 : i32
      %dma_wait3A_386 = arith.constant 0 : i32
      %dma_wait3A_387 = tpu.memref_slice %arg6[%dma_wait3A_384, %dma_wait3A_385, %dma_wait3A_386] : memref<2x8x1024xi32, #tpu.memory_space<vmem>> -> memref<1x8x1024xi32, #tpu.memory_space<vmem>>
      %dma_wait3A_388 = tpu.memref_squeeze %dma_wait3A_387 : memref<1x8x1024xi32, #tpu.memory_space<vmem>> -> memref<8x1024xi32, #tpu.memory_space<vmem>>
      %dma_wait3A_389 = arith.constant 24 : i32
      %dma_wait3A_390 = arith.constant 0 : i32
      %dma_wait3A_391 = tpu.memref_slice %arg2[%scan3A_31, %dma_wait3A_389, %dma_wait3A_390] : memref<26x50x1024xi32, #tpu.memory_space<hbm>> -> memref<1x8x1024xi32, #tpu.memory_space<hbm>>
      %dma_wait3A_392 = tpu.memref_squeeze %dma_wait3A_391 : memref<1x8x1024xi32, #tpu.memory_space<hbm>> -> memref<8x1024xi32, #tpu.memory_space<hbm>>
      %dma_wait3A_393 = arith.constant 0 : i32
      %dma_wait3A_394 = arith.constant 0 : i32
      %dma_wait3A_395 = tpu.memref_slice %arg6[%dma_wait3A_384, %dma_wait3A_393, %dma_wait3A_394] : memref<2x8x1024xi32, #tpu.memory_space<vmem>> -> memref<1x8x1024xi32, #tpu.memory_space<vmem>>
      %dma_wait3A_396 = tpu.memref_squeeze %dma_wait3A_395 : memref<1x8x1024xi32, #tpu.memory_space<vmem>> -> memref<8x1024xi32, #tpu.memory_space<vmem>>
      %dma_wait3A_397 = arith.constant 24 : i32
      %dma_wait3A_398 = arith.constant 0 : i32
      %dma_wait3A_399 = tpu.memref_slice %arg2[%scan3A_31, %dma_wait3A_397, %dma_wait3A_398] : memref<26x50x1024xi32, #tpu.memory_space<hbm>> -> memref<1x8x1024xi32, #tpu.memory_space<hbm>>
      %dma_wait3A_400 = tpu.memref_squeeze %dma_wait3A_399 : memref<1x8x1024xi32, #tpu.memory_space<hbm>> -> memref<8x1024xi32, #tpu.memory_space<hbm>>
      tpu.wait_dma2 semaphore(%arg9 : memref<!tpu.dma_semaphore, #tpu.memory_space<semaphore_mem>>) src(%dma_wait3A_400 : memref<8x1024xi32, #tpu.memory_space<hbm>>) dst(%dma_wait3A_396 : memref<8x1024xi32, #tpu.memory_space<vmem>>)
      %dma_start3A_401 = arith.constant 0 : i32
      %dma_start3A_402 = arith.constant 0 : i32
      %dma_start3A_403 = arith.constant 0 : i32
      %dma_start3A_404 = tpu.memref_slice %arg6[%dma_start3A_401, %dma_start3A_402, %dma_start3A_403] : memref<2x8x1024xi32, #tpu.memory_space<vmem>> -> memref<1x8x1024xi32, #tpu.memory_space<vmem>>
      %dma_start3A_405 = tpu.memref_squeeze %dma_start3A_404 : memref<1x8x1024xi32, #tpu.memory_space<vmem>> -> memref<8x1024xi32, #tpu.memory_space<vmem>>
      %dma_start3A_406 = arith.constant 32 : i32
      %dma_start3A_407 = arith.constant 0 : i32
      %dma_start3A_408 = tpu.memref_slice %arg2[%scan3A_31, %dma_start3A_406, %dma_start3A_407] : memref<26x50x1024xi32, #tpu.memory_space<hbm>> -> memref<1x8x1024xi32, #tpu.memory_space<hbm>>
      %dma_start3A_409 = tpu.memref_squeeze %dma_start3A_408 : memref<1x8x1024xi32, #tpu.memory_space<hbm>> -> memref<8x1024xi32, #tpu.memory_space<hbm>>
      %dma_start3A_410 = arith.constant 0 : i32
      %dma_start3A_411 = arith.constant 0 : i32
      %dma_start3A_412 = tpu.memref_slice %arg6[%dma_start3A_401, %dma_start3A_410, %dma_start3A_411] : memref<2x8x1024xi32, #tpu.memory_space<vmem>> -> memref<1x8x1024xi32, #tpu.memory_space<vmem>>
      %dma_start3A_413 = tpu.memref_squeeze %dma_start3A_412 : memref<1x8x1024xi32, #tpu.memory_space<vmem>> -> memref<8x1024xi32, #tpu.memory_space<vmem>>
      %dma_start3A_414 = arith.constant 32 : i32
      %dma_start3A_415 = arith.constant 0 : i32
      %dma_start3A_416 = tpu.memref_slice %arg2[%scan3A_31, %dma_start3A_414, %dma_start3A_415] : memref<26x50x1024xi32, #tpu.memory_space<hbm>> -> memref<1x8x1024xi32, #tpu.memory_space<hbm>>
      %dma_start3A_417 = tpu.memref_squeeze %dma_start3A_416 : memref<1x8x1024xi32, #tpu.memory_space<hbm>> -> memref<8x1024xi32, #tpu.memory_space<hbm>>
      tpu.enqueue_dma source(%dma_start3A_417 : memref<8x1024xi32, #tpu.memory_space<hbm>>) target(%dma_start3A_413 : memref<8x1024xi32, #tpu.memory_space<vmem>>) target_semaphore(%arg9 : memref<!tpu.dma_semaphore, #tpu.memory_space<semaphore_mem>>)
      %dma_wait3A_418 = arith.constant 0 : i32
      %dma_wait3A_419 = arith.constant 0 : i32
      %dma_wait3A_420 = arith.constant 0 : i32
      %dma_wait3A_421 = tpu.memref_slice %arg7[%dma_wait3A_418, %dma_wait3A_419, %dma_wait3A_420] : memref<2x4x1024xf32, #tpu.memory_space<vmem>> -> memref<1x4x1024xf32, #tpu.memory_space<vmem>>
      %dma_wait3A_422 = tpu.memref_squeeze %dma_wait3A_421 : memref<1x4x1024xf32, #tpu.memory_space<vmem>> -> memref<4x1024xf32, #tpu.memory_space<vmem>>
      %dma_wait3A_423 = arith.constant 16 : i32
      %dma_wait3A_424 = arith.constant 0 : i32
      %dma_wait3A_425 = tpu.memref_slice %arg4[%dma_wait3A_423, %add3A_35, %dma_wait3A_424] : memref<50x832x1024xf32, #tpu.memory_space<hbm>> -> memref<4x1x1024xf32, #tpu.memory_space<hbm>>
      %dma_wait3A_426 = tpu.memref_squeeze %dma_wait3A_425 : memref<4x1x1024xf32, #tpu.memory_space<hbm>> -> memref<4x1024xf32, #tpu.memory_space<hbm>>
      %dma_wait3A_427 = arith.constant 16 : i32
      %dma_wait3A_428 = arith.constant 0 : i32
      %dma_wait3A_429 = tpu.memref_slice %arg4[%dma_wait3A_427, %add3A_35, %dma_wait3A_428] : memref<50x832x1024xf32, #tpu.memory_space<hbm>> -> memref<4x1x1024xf32, #tpu.memory_space<hbm>>
      %dma_wait3A_430 = tpu.memref_squeeze %dma_wait3A_429 : memref<4x1x1024xf32, #tpu.memory_space<hbm>> -> memref<4x1024xf32, #tpu.memory_space<hbm>>
      %dma_wait3A_431 = arith.constant 0 : i32
      %dma_wait3A_432 = arith.constant 0 : i32
      %dma_wait3A_433 = tpu.memref_slice %arg7[%dma_wait3A_418, %dma_wait3A_431, %dma_wait3A_432] : memref<2x4x1024xf32, #tpu.memory_space<vmem>> -> memref<1x4x1024xf32, #tpu.memory_space<vmem>>
      %dma_wait3A_434 = tpu.memref_squeeze %dma_wait3A_433 : memref<1x4x1024xf32, #tpu.memory_space<vmem>> -> memref<4x1024xf32, #tpu.memory_space<vmem>>
      tpu.wait_dma2 semaphore(%arg10 : memref<!tpu.dma_semaphore, #tpu.memory_space<semaphore_mem>>) src(%dma_wait3A_434 : memref<4x1024xf32, #tpu.memory_space<vmem>>) dst(%dma_wait3A_430 : memref<4x1024xf32, #tpu.memory_space<hbm>>)
      %parallel_loop3A_435 = arith.constant 0 : i32
      %parallel_loop3A_436 = arith.constant 1024 : i32
      %parallel_loop3A_437 = arith.constant 16 : i32
      scf.for %parallel_loop3A_858 = %parallel_loop3A_435 to %parallel_loop3A_436 step %parallel_loop3A_437  : i32 {
        %parallel_loop3A_859 = arith.constant 1 : i32
        %parallel_loop3A_860 = arith.constant 0 : i32
        %parallel_loop3A_861 = arith.index_cast %parallel_loop3A_859 : i32 to index
        %parallel_loop3A_862 = arith.index_cast %parallel_loop3A_860 : i32 to index
        %parallel_loop3A_863 = arith.index_cast %parallel_loop3A_858 : i32 to index
        %parallel_loop3A_864 = tpu.vector_load %arg6[%parallel_loop3A_861, %parallel_loop3A_862, %parallel_loop3A_863] {strides = array<i32>} : memref<2x8x1024xi32, #tpu.memory_space<vmem>>, vector<16xi32>,
        %parallel_loop3A_865 = tpu.vector_load_idx %arg5[%parallel_loop3A_864] : memref<100000xf32, #tpu.memory_space<vmem>>[vector<16xi32>], vector<16xf32>,
        %parallel_loop3A_866 = arith.constant 0 : i32
        %parallel_loop3A_867 = arith.constant 0 : i32
        %parallel_loop3A_868 = arith.index_cast %parallel_loop3A_866 : i32 to index
        %parallel_loop3A_869 = arith.index_cast %parallel_loop3A_867 : i32 to index
        %parallel_loop3A_870 = arith.index_cast %parallel_loop3A_858 : i32 to index
        %parallel_loop3A_871 = tpu.vector_load %arg7[%parallel_loop3A_868, %parallel_loop3A_869, %parallel_loop3A_870] {strides = array<i32>} : memref<2x4x1024xf32, #tpu.memory_space<vmem>>, vector<16xf32>,
        tpu.vector_store %arg7[%parallel_loop3A_868, %parallel_loop3A_869, %parallel_loop3A_870], %parallel_loop3A_865 {strides = array<i32>} : memref<2x4x1024xf32, #tpu.memory_space<vmem>>, vector<16xf32>,
      } {sc.loop_unroll_factor = 8 : i64, sc.parallel_access}
      %parallel_loop3A_438 = arith.constant 0 : i32
      %parallel_loop3A_439 = arith.constant 1024 : i32
      %parallel_loop3A_440 = arith.constant 16 : i32
      scf.for %parallel_loop3A_858 = %parallel_loop3A_438 to %parallel_loop3A_439 step %parallel_loop3A_440  : i32 {
        %parallel_loop3A_859 = arith.constant 1 : i32
        %parallel_loop3A_860 = arith.constant 1 : i32
        %parallel_loop3A_861 = arith.index_cast %parallel_loop3A_859 : i32 to index
        %parallel_loop3A_862 = arith.index_cast %parallel_loop3A_860 : i32 to index
        %parallel_loop3A_863 = arith.index_cast %parallel_loop3A_858 : i32 to index
        %parallel_loop3A_864 = tpu.vector_load %arg6[%parallel_loop3A_861, %parallel_loop3A_862, %parallel_loop3A_863] {strides = array<i32>} : memref<2x8x1024xi32, #tpu.memory_space<vmem>>, vector<16xi32>,
        %parallel_loop3A_865 = tpu.vector_load_idx %arg5[%parallel_loop3A_864] : memref<100000xf32, #tpu.memory_space<vmem>>[vector<16xi32>], vector<16xf32>,
        %parallel_loop3A_866 = arith.constant 0 : i32
        %parallel_loop3A_867 = arith.constant 1 : i32
        %parallel_loop3A_868 = arith.index_cast %parallel_loop3A_866 : i32 to index
        %parallel_loop3A_869 = arith.index_cast %parallel_loop3A_867 : i32 to index
        %parallel_loop3A_870 = arith.index_cast %parallel_loop3A_858 : i32 to index
        %parallel_loop3A_871 = tpu.vector_load %arg7[%parallel_loop3A_868, %parallel_loop3A_869, %parallel_loop3A_870] {strides = array<i32>} : memref<2x4x1024xf32, #tpu.memory_space<vmem>>, vector<16xf32>,
        tpu.vector_store %arg7[%parallel_loop3A_868, %parallel_loop3A_869, %parallel_loop3A_870], %parallel_loop3A_865 {strides = array<i32>} : memref<2x4x1024xf32, #tpu.memory_space<vmem>>, vector<16xf32>,
      } {sc.loop_unroll_factor = 8 : i64, sc.parallel_access}
      %parallel_loop3A_441 = arith.constant 0 : i32
      %parallel_loop3A_442 = arith.constant 1024 : i32
      %parallel_loop3A_443 = arith.constant 16 : i32
      scf.for %parallel_loop3A_858 = %parallel_loop3A_441 to %parallel_loop3A_442 step %parallel_loop3A_443  : i32 {
        %parallel_loop3A_859 = arith.constant 1 : i32
        %parallel_loop3A_860 = arith.constant 2 : i32
        %parallel_loop3A_861 = arith.index_cast %parallel_loop3A_859 : i32 to index
        %parallel_loop3A_862 = arith.index_cast %parallel_loop3A_860 : i32 to index
        %parallel_loop3A_863 = arith.index_cast %parallel_loop3A_858 : i32 to index
        %parallel_loop3A_864 = tpu.vector_load %arg6[%parallel_loop3A_861, %parallel_loop3A_862, %parallel_loop3A_863] {strides = array<i32>} : memref<2x8x1024xi32, #tpu.memory_space<vmem>>, vector<16xi32>,
        %parallel_loop3A_865 = tpu.vector_load_idx %arg5[%parallel_loop3A_864] : memref<100000xf32, #tpu.memory_space<vmem>>[vector<16xi32>], vector<16xf32>,
        %parallel_loop3A_866 = arith.constant 0 : i32
        %parallel_loop3A_867 = arith.constant 2 : i32
        %parallel_loop3A_868 = arith.index_cast %parallel_loop3A_866 : i32 to index
        %parallel_loop3A_869 = arith.index_cast %parallel_loop3A_867 : i32 to index
        %parallel_loop3A_870 = arith.index_cast %parallel_loop3A_858 : i32 to index
        %parallel_loop3A_871 = tpu.vector_load %arg7[%parallel_loop3A_868, %parallel_loop3A_869, %parallel_loop3A_870] {strides = array<i32>} : memref<2x4x1024xf32, #tpu.memory_space<vmem>>, vector<16xf32>,
        tpu.vector_store %arg7[%parallel_loop3A_868, %parallel_loop3A_869, %parallel_loop3A_870], %parallel_loop3A_865 {strides = array<i32>} : memref<2x4x1024xf32, #tpu.memory_space<vmem>>, vector<16xf32>,
      } {sc.loop_unroll_factor = 8 : i64, sc.parallel_access}
      %parallel_loop3A_444 = arith.constant 0 : i32
      %parallel_loop3A_445 = arith.constant 1024 : i32
      %parallel_loop3A_446 = arith.constant 16 : i32
      scf.for %parallel_loop3A_858 = %parallel_loop3A_444 to %parallel_loop3A_445 step %parallel_loop3A_446  : i32 {
        %parallel_loop3A_859 = arith.constant 1 : i32
        %parallel_loop3A_860 = arith.constant 3 : i32
        %parallel_loop3A_861 = arith.index_cast %parallel_loop3A_859 : i32 to index
        %parallel_loop3A_862 = arith.index_cast %parallel_loop3A_860 : i32 to index
        %parallel_loop3A_863 = arith.index_cast %parallel_loop3A_858 : i32 to index
        %parallel_loop3A_864 = tpu.vector_load %arg6[%parallel_loop3A_861, %parallel_loop3A_862, %parallel_loop3A_863] {strides = array<i32>} : memref<2x8x1024xi32, #tpu.memory_space<vmem>>, vector<16xi32>,
        %parallel_loop3A_865 = tpu.vector_load_idx %arg5[%parallel_loop3A_864] : memref<100000xf32, #tpu.memory_space<vmem>>[vector<16xi32>], vector<16xf32>,
        %parallel_loop3A_866 = arith.constant 0 : i32
        %parallel_loop3A_867 = arith.constant 3 : i32
        %parallel_loop3A_868 = arith.index_cast %parallel_loop3A_866 : i32 to index
        %parallel_loop3A_869 = arith.index_cast %parallel_loop3A_867 : i32 to index
        %parallel_loop3A_870 = arith.index_cast %parallel_loop3A_858 : i32 to index
        %parallel_loop3A_871 = tpu.vector_load %arg7[%parallel_loop3A_868, %parallel_loop3A_869, %parallel_loop3A_870] {strides = array<i32>} : memref<2x4x1024xf32, #tpu.memory_space<vmem>>, vector<16xf32>,
        tpu.vector_store %arg7[%parallel_loop3A_868, %parallel_loop3A_869, %parallel_loop3A_870], %parallel_loop3A_865 {strides = array<i32>} : memref<2x4x1024xf32, #tpu.memory_space<vmem>>, vector<16xf32>,
      } {sc.loop_unroll_factor = 8 : i64, sc.parallel_access}
      %dma_start3A_447 = arith.constant 0 : i32
      %dma_start3A_448 = arith.constant 0 : i32
      %dma_start3A_449 = arith.constant 0 : i32
      %dma_start3A_450 = tpu.memref_slice %arg7[%dma_start3A_447, %dma_start3A_448, %dma_start3A_449] : memref<2x4x1024xf32, #tpu.memory_space<vmem>> -> memref<1x4x1024xf32, #tpu.memory_space<vmem>>
      %dma_start3A_451 = tpu.memref_squeeze %dma_start3A_450 : memref<1x4x1024xf32, #tpu.memory_space<vmem>> -> memref<4x1024xf32, #tpu.memory_space<vmem>>
      %dma_start3A_452 = arith.constant 24 : i32
      %dma_start3A_453 = arith.constant 0 : i32
      %dma_start3A_454 = tpu.memref_slice %arg4[%dma_start3A_452, %add3A_35, %dma_start3A_453] : memref<50x832x1024xf32, #tpu.memory_space<hbm>> -> memref<4x1x1024xf32, #tpu.memory_space<hbm>>
      %dma_start3A_455 = tpu.memref_squeeze %dma_start3A_454 : memref<4x1x1024xf32, #tpu.memory_space<hbm>> -> memref<4x1024xf32, #tpu.memory_space<hbm>>
      %dma_start3A_456 = arith.constant 24 : i32
      %dma_start3A_457 = arith.constant 0 : i32
      %dma_start3A_458 = tpu.memref_slice %arg4[%dma_start3A_456, %add3A_35, %dma_start3A_457] : memref<50x832x1024xf32, #tpu.memory_space<hbm>> -> memref<4x1x1024xf32, #tpu.memory_space<hbm>>
      %dma_start3A_459 = tpu.memref_squeeze %dma_start3A_458 : memref<4x1x1024xf32, #tpu.memory_space<hbm>> -> memref<4x1024xf32, #tpu.memory_space<hbm>>
      %dma_start3A_460 = arith.constant 0 : i32
      %dma_start3A_461 = arith.constant 0 : i32
      %dma_start3A_462 = tpu.memref_slice %arg7[%dma_start3A_447, %dma_start3A_460, %dma_start3A_461] : memref<2x4x1024xf32, #tpu.memory_space<vmem>> -> memref<1x4x1024xf32, #tpu.memory_space<vmem>>
      %dma_start3A_463 = tpu.memref_squeeze %dma_start3A_462 : memref<1x4x1024xf32, #tpu.memory_space<vmem>> -> memref<4x1024xf32, #tpu.memory_space<vmem>>
      tpu.enqueue_dma source(%dma_start3A_463 : memref<4x1024xf32, #tpu.memory_space<vmem>>) target(%dma_start3A_459 : memref<4x1024xf32, #tpu.memory_space<hbm>>) target_semaphore(%arg10 : memref<!tpu.dma_semaphore, #tpu.memory_space<semaphore_mem>>)
      %dma_wait3A_464 = arith.constant 1 : i32
      %dma_wait3A_465 = arith.constant 0 : i32
      %dma_wait3A_466 = arith.constant 0 : i32
      %dma_wait3A_467 = tpu.memref_slice %arg7[%dma_wait3A_464, %dma_wait3A_465, %dma_wait3A_466] : memref<2x4x1024xf32, #tpu.memory_space<vmem>> -> memref<1x4x1024xf32, #tpu.memory_space<vmem>>
      %dma_wait3A_468 = tpu.memref_squeeze %dma_wait3A_467 : memref<1x4x1024xf32, #tpu.memory_space<vmem>> -> memref<4x1024xf32, #tpu.memory_space<vmem>>
      %dma_wait3A_469 = arith.constant 20 : i32
      %dma_wait3A_470 = arith.constant 0 : i32
      %dma_wait3A_471 = tpu.memref_slice %arg4[%dma_wait3A_469, %add3A_35, %dma_wait3A_470] : memref<50x832x1024xf32, #tpu.memory_space<hbm>> -> memref<4x1x1024xf32, #tpu.memory_space<hbm>>
      %dma_wait3A_472 = tpu.memref_squeeze %dma_wait3A_471 : memref<4x1x1024xf32, #tpu.memory_space<hbm>> -> memref<4x1024xf32, #tpu.memory_space<hbm>>
      %dma_wait3A_473 = arith.constant 20 : i32
      %dma_wait3A_474 = arith.constant 0 : i32
      %dma_wait3A_475 = tpu.memref_slice %arg4[%dma_wait3A_473, %add3A_35, %dma_wait3A_474] : memref<50x832x1024xf32, #tpu.memory_space<hbm>> -> memref<4x1x1024xf32, #tpu.memory_space<hbm>>
      %dma_wait3A_476 = tpu.memref_squeeze %dma_wait3A_475 : memref<4x1x1024xf32, #tpu.memory_space<hbm>> -> memref<4x1024xf32, #tpu.memory_space<hbm>>
      %dma_wait3A_477 = arith.constant 0 : i32
      %dma_wait3A_478 = arith.constant 0 : i32
      %dma_wait3A_479 = tpu.memref_slice %arg7[%dma_wait3A_464, %dma_wait3A_477, %dma_wait3A_478] : memref<2x4x1024xf32, #tpu.memory_space<vmem>> -> memref<1x4x1024xf32, #tpu.memory_space<vmem>>
      %dma_wait3A_480 = tpu.memref_squeeze %dma_wait3A_479 : memref<1x4x1024xf32, #tpu.memory_space<vmem>> -> memref<4x1024xf32, #tpu.memory_space<vmem>>
      tpu.wait_dma2 semaphore(%arg10 : memref<!tpu.dma_semaphore, #tpu.memory_space<semaphore_mem>>) src(%dma_wait3A_480 : memref<4x1024xf32, #tpu.memory_space<vmem>>) dst(%dma_wait3A_476 : memref<4x1024xf32, #tpu.memory_space<hbm>>)
      %parallel_loop3A_481 = arith.constant 0 : i32
      %parallel_loop3A_482 = arith.constant 1024 : i32
      %parallel_loop3A_483 = arith.constant 16 : i32
      scf.for %parallel_loop3A_858 = %parallel_loop3A_481 to %parallel_loop3A_482 step %parallel_loop3A_483  : i32 {
        %parallel_loop3A_859 = arith.constant 1 : i32
        %parallel_loop3A_860 = arith.constant 4 : i32
        %parallel_loop3A_861 = arith.index_cast %parallel_loop3A_859 : i32 to index
        %parallel_loop3A_862 = arith.index_cast %parallel_loop3A_860 : i32 to index
        %parallel_loop3A_863 = arith.index_cast %parallel_loop3A_858 : i32 to index
        %parallel_loop3A_864 = tpu.vector_load %arg6[%parallel_loop3A_861, %parallel_loop3A_862, %parallel_loop3A_863] {strides = array<i32>} : memref<2x8x1024xi32, #tpu.memory_space<vmem>>, vector<16xi32>,
        %parallel_loop3A_865 = tpu.vector_load_idx %arg5[%parallel_loop3A_864] : memref<100000xf32, #tpu.memory_space<vmem>>[vector<16xi32>], vector<16xf32>,
        %parallel_loop3A_866 = arith.constant 1 : i32
        %parallel_loop3A_867 = arith.constant 0 : i32
        %parallel_loop3A_868 = arith.index_cast %parallel_loop3A_866 : i32 to index
        %parallel_loop3A_869 = arith.index_cast %parallel_loop3A_867 : i32 to index
        %parallel_loop3A_870 = arith.index_cast %parallel_loop3A_858 : i32 to index
        %parallel_loop3A_871 = tpu.vector_load %arg7[%parallel_loop3A_868, %parallel_loop3A_869, %parallel_loop3A_870] {strides = array<i32>} : memref<2x4x1024xf32, #tpu.memory_space<vmem>>, vector<16xf32>,
        tpu.vector_store %arg7[%parallel_loop3A_868, %parallel_loop3A_869, %parallel_loop3A_870], %parallel_loop3A_865 {strides = array<i32>} : memref<2x4x1024xf32, #tpu.memory_space<vmem>>, vector<16xf32>,
      } {sc.loop_unroll_factor = 8 : i64, sc.parallel_access}
      %parallel_loop3A_484 = arith.constant 0 : i32
      %parallel_loop3A_485 = arith.constant 1024 : i32
      %parallel_loop3A_486 = arith.constant 16 : i32
      scf.for %parallel_loop3A_858 = %parallel_loop3A_484 to %parallel_loop3A_485 step %parallel_loop3A_486  : i32 {
        %parallel_loop3A_859 = arith.constant 1 : i32
        %parallel_loop3A_860 = arith.constant 5 : i32
        %parallel_loop3A_861 = arith.index_cast %parallel_loop3A_859 : i32 to index
        %parallel_loop3A_862 = arith.index_cast %parallel_loop3A_860 : i32 to index
        %parallel_loop3A_863 = arith.index_cast %parallel_loop3A_858 : i32 to index
        %parallel_loop3A_864 = tpu.vector_load %arg6[%parallel_loop3A_861, %parallel_loop3A_862, %parallel_loop3A_863] {strides = array<i32>} : memref<2x8x1024xi32, #tpu.memory_space<vmem>>, vector<16xi32>,
        %parallel_loop3A_865 = tpu.vector_load_idx %arg5[%parallel_loop3A_864] : memref<100000xf32, #tpu.memory_space<vmem>>[vector<16xi32>], vector<16xf32>,
        %parallel_loop3A_866 = arith.constant 1 : i32
        %parallel_loop3A_867 = arith.constant 1 : i32
        %parallel_loop3A_868 = arith.index_cast %parallel_loop3A_866 : i32 to index
        %parallel_loop3A_869 = arith.index_cast %parallel_loop3A_867 : i32 to index
        %parallel_loop3A_870 = arith.index_cast %parallel_loop3A_858 : i32 to index
        %parallel_loop3A_871 = tpu.vector_load %arg7[%parallel_loop3A_868, %parallel_loop3A_869, %parallel_loop3A_870] {strides = array<i32>} : memref<2x4x1024xf32, #tpu.memory_space<vmem>>, vector<16xf32>,
        tpu.vector_store %arg7[%parallel_loop3A_868, %parallel_loop3A_869, %parallel_loop3A_870], %parallel_loop3A_865 {strides = array<i32>} : memref<2x4x1024xf32, #tpu.memory_space<vmem>>, vector<16xf32>,
      } {sc.loop_unroll_factor = 8 : i64, sc.parallel_access}
      %parallel_loop3A_487 = arith.constant 0 : i32
      %parallel_loop3A_488 = arith.constant 1024 : i32
      %parallel_loop3A_489 = arith.constant 16 : i32
      scf.for %parallel_loop3A_858 = %parallel_loop3A_487 to %parallel_loop3A_488 step %parallel_loop3A_489  : i32 {
        %parallel_loop3A_859 = arith.constant 1 : i32
        %parallel_loop3A_860 = arith.constant 6 : i32
        %parallel_loop3A_861 = arith.index_cast %parallel_loop3A_859 : i32 to index
        %parallel_loop3A_862 = arith.index_cast %parallel_loop3A_860 : i32 to index
        %parallel_loop3A_863 = arith.index_cast %parallel_loop3A_858 : i32 to index
        %parallel_loop3A_864 = tpu.vector_load %arg6[%parallel_loop3A_861, %parallel_loop3A_862, %parallel_loop3A_863] {strides = array<i32>} : memref<2x8x1024xi32, #tpu.memory_space<vmem>>, vector<16xi32>,
        %parallel_loop3A_865 = tpu.vector_load_idx %arg5[%parallel_loop3A_864] : memref<100000xf32, #tpu.memory_space<vmem>>[vector<16xi32>], vector<16xf32>,
        %parallel_loop3A_866 = arith.constant 1 : i32
        %parallel_loop3A_867 = arith.constant 2 : i32
        %parallel_loop3A_868 = arith.index_cast %parallel_loop3A_866 : i32 to index
        %parallel_loop3A_869 = arith.index_cast %parallel_loop3A_867 : i32 to index
        %parallel_loop3A_870 = arith.index_cast %parallel_loop3A_858 : i32 to index
        %parallel_loop3A_871 = tpu.vector_load %arg7[%parallel_loop3A_868, %parallel_loop3A_869, %parallel_loop3A_870] {strides = array<i32>} : memref<2x4x1024xf32, #tpu.memory_space<vmem>>, vector<16xf32>,
        tpu.vector_store %arg7[%parallel_loop3A_868, %parallel_loop3A_869, %parallel_loop3A_870], %parallel_loop3A_865 {strides = array<i32>} : memref<2x4x1024xf32, #tpu.memory_space<vmem>>, vector<16xf32>,
      } {sc.loop_unroll_factor = 8 : i64, sc.parallel_access}
      %parallel_loop3A_490 = arith.constant 0 : i32
      %parallel_loop3A_491 = arith.constant 1024 : i32
      %parallel_loop3A_492 = arith.constant 16 : i32
      scf.for %parallel_loop3A_858 = %parallel_loop3A_490 to %parallel_loop3A_491 step %parallel_loop3A_492  : i32 {
        %parallel_loop3A_859 = arith.constant 1 : i32
        %parallel_loop3A_860 = arith.constant 7 : i32
        %parallel_loop3A_861 = arith.index_cast %parallel_loop3A_859 : i32 to index
        %parallel_loop3A_862 = arith.index_cast %parallel_loop3A_860 : i32 to index
        %parallel_loop3A_863 = arith.index_cast %parallel_loop3A_858 : i32 to index
        %parallel_loop3A_864 = tpu.vector_load %arg6[%parallel_loop3A_861, %parallel_loop3A_862, %parallel_loop3A_863] {strides = array<i32>} : memref<2x8x1024xi32, #tpu.memory_space<vmem>>, vector<16xi32>,
        %parallel_loop3A_865 = tpu.vector_load_idx %arg5[%parallel_loop3A_864] : memref<100000xf32, #tpu.memory_space<vmem>>[vector<16xi32>], vector<16xf32>,
        %parallel_loop3A_866 = arith.constant 1 : i32
        %parallel_loop3A_867 = arith.constant 3 : i32
        %parallel_loop3A_868 = arith.index_cast %parallel_loop3A_866 : i32 to index
        %parallel_loop3A_869 = arith.index_cast %parallel_loop3A_867 : i32 to index
        %parallel_loop3A_870 = arith.index_cast %parallel_loop3A_858 : i32 to index
        %parallel_loop3A_871 = tpu.vector_load %arg7[%parallel_loop3A_868, %parallel_loop3A_869, %parallel_loop3A_870] {strides = array<i32>} : memref<2x4x1024xf32, #tpu.memory_space<vmem>>, vector<16xf32>,
        tpu.vector_store %arg7[%parallel_loop3A_868, %parallel_loop3A_869, %parallel_loop3A_870], %parallel_loop3A_865 {strides = array<i32>} : memref<2x4x1024xf32, #tpu.memory_space<vmem>>, vector<16xf32>,
      } {sc.loop_unroll_factor = 8 : i64, sc.parallel_access}
      %dma_start3A_493 = arith.constant 1 : i32
      %dma_start3A_494 = arith.constant 0 : i32
      %dma_start3A_495 = arith.constant 0 : i32
      %dma_start3A_496 = tpu.memref_slice %arg7[%dma_start3A_493, %dma_start3A_494, %dma_start3A_495] : memref<2x4x1024xf32, #tpu.memory_space<vmem>> -> memref<1x4x1024xf32, #tpu.memory_space<vmem>>
      %dma_start3A_497 = tpu.memref_squeeze %dma_start3A_496 : memref<1x4x1024xf32, #tpu.memory_space<vmem>> -> memref<4x1024xf32, #tpu.memory_space<vmem>>
      %dma_start3A_498 = arith.constant 28 : i32
      %dma_start3A_499 = arith.constant 0 : i32
      %dma_start3A_500 = tpu.memref_slice %arg4[%dma_start3A_498, %add3A_35, %dma_start3A_499] : memref<50x832x1024xf32, #tpu.memory_space<hbm>> -> memref<4x1x1024xf32, #tpu.memory_space<hbm>>
      %dma_start3A_501 = tpu.memref_squeeze %dma_start3A_500 : memref<4x1x1024xf32, #tpu.memory_space<hbm>> -> memref<4x1024xf32, #tpu.memory_space<hbm>>
      %dma_start3A_502 = arith.constant 28 : i32
      %dma_start3A_503 = arith.constant 0 : i32
      %dma_start3A_504 = tpu.memref_slice %arg4[%dma_start3A_502, %add3A_35, %dma_start3A_503] : memref<50x832x1024xf32, #tpu.memory_space<hbm>> -> memref<4x1x1024xf32, #tpu.memory_space<hbm>>
      %dma_start3A_505 = tpu.memref_squeeze %dma_start3A_504 : memref<4x1x1024xf32, #tpu.memory_space<hbm>> -> memref<4x1024xf32, #tpu.memory_space<hbm>>
      %dma_start3A_506 = arith.constant 0 : i32
      %dma_start3A_507 = arith.constant 0 : i32
      %dma_start3A_508 = tpu.memref_slice %arg7[%dma_start3A_493, %dma_start3A_506, %dma_start3A_507] : memref<2x4x1024xf32, #tpu.memory_space<vmem>> -> memref<1x4x1024xf32, #tpu.memory_space<vmem>>
      %dma_start3A_509 = tpu.memref_squeeze %dma_start3A_508 : memref<1x4x1024xf32, #tpu.memory_space<vmem>> -> memref<4x1024xf32, #tpu.memory_space<vmem>>
      tpu.enqueue_dma source(%dma_start3A_509 : memref<4x1024xf32, #tpu.memory_space<vmem>>) target(%dma_start3A_505 : memref<4x1024xf32, #tpu.memory_space<hbm>>) target_semaphore(%arg10 : memref<!tpu.dma_semaphore, #tpu.memory_space<semaphore_mem>>)
      %dma_wait3A_510 = arith.constant 0 : i32
      %dma_wait3A_511 = arith.constant 0 : i32
      %dma_wait3A_512 = arith.constant 0 : i32
      %dma_wait3A_513 = tpu.memref_slice %arg6[%dma_wait3A_510, %dma_wait3A_511, %dma_wait3A_512] : memref<2x8x1024xi32, #tpu.memory_space<vmem>> -> memref<1x8x1024xi32, #tpu.memory_space<vmem>>
      %dma_wait3A_514 = tpu.memref_squeeze %dma_wait3A_513 : memref<1x8x1024xi32, #tpu.memory_space<vmem>> -> memref<8x1024xi32, #tpu.memory_space<vmem>>
      %dma_wait3A_515 = arith.constant 32 : i32
      %dma_wait3A_516 = arith.constant 0 : i32
      %dma_wait3A_517 = tpu.memref_slice %arg2[%scan3A_31, %dma_wait3A_515, %dma_wait3A_516] : memref<26x50x1024xi32, #tpu.memory_space<hbm>> -> memref<1x8x1024xi32, #tpu.memory_space<hbm>>
      %dma_wait3A_518 = tpu.memref_squeeze %dma_wait3A_517 : memref<1x8x1024xi32, #tpu.memory_space<hbm>> -> memref<8x1024xi32, #tpu.memory_space<hbm>>
      %dma_wait3A_519 = arith.constant 0 : i32
      %dma_wait3A_520 = arith.constant 0 : i32
      %dma_wait3A_521 = tpu.memref_slice %arg6[%dma_wait3A_510, %dma_wait3A_519, %dma_wait3A_520] : memref<2x8x1024xi32, #tpu.memory_space<vmem>> -> memref<1x8x1024xi32, #tpu.memory_space<vmem>>
      %dma_wait3A_522 = tpu.memref_squeeze %dma_wait3A_521 : memref<1x8x1024xi32, #tpu.memory_space<vmem>> -> memref<8x1024xi32, #tpu.memory_space<vmem>>
      %dma_wait3A_523 = arith.constant 32 : i32
      %dma_wait3A_524 = arith.constant 0 : i32
      %dma_wait3A_525 = tpu.memref_slice %arg2[%scan3A_31, %dma_wait3A_523, %dma_wait3A_524] : memref<26x50x1024xi32, #tpu.memory_space<hbm>> -> memref<1x8x1024xi32, #tpu.memory_space<hbm>>
      %dma_wait3A_526 = tpu.memref_squeeze %dma_wait3A_525 : memref<1x8x1024xi32, #tpu.memory_space<hbm>> -> memref<8x1024xi32, #tpu.memory_space<hbm>>
      tpu.wait_dma2 semaphore(%arg9 : memref<!tpu.dma_semaphore, #tpu.memory_space<semaphore_mem>>) src(%dma_wait3A_526 : memref<8x1024xi32, #tpu.memory_space<hbm>>) dst(%dma_wait3A_522 : memref<8x1024xi32, #tpu.memory_space<vmem>>)
      %dma_start3A_527 = arith.constant 1 : i32
      %dma_start3A_528 = arith.constant 0 : i32
      %dma_start3A_529 = arith.constant 0 : i32
      %dma_start3A_530 = tpu.memref_slice %arg6[%dma_start3A_527, %dma_start3A_528, %dma_start3A_529] : memref<2x8x1024xi32, #tpu.memory_space<vmem>> -> memref<1x8x1024xi32, #tpu.memory_space<vmem>>
      %dma_start3A_531 = tpu.memref_squeeze %dma_start3A_530 : memref<1x8x1024xi32, #tpu.memory_space<vmem>> -> memref<8x1024xi32, #tpu.memory_space<vmem>>
      %dma_start3A_532 = arith.constant 40 : i32
      %dma_start3A_533 = arith.constant 0 : i32
      %dma_start3A_534 = tpu.memref_slice %arg2[%scan3A_31, %dma_start3A_532, %dma_start3A_533] : memref<26x50x1024xi32, #tpu.memory_space<hbm>> -> memref<1x8x1024xi32, #tpu.memory_space<hbm>>
      %dma_start3A_535 = tpu.memref_squeeze %dma_start3A_534 : memref<1x8x1024xi32, #tpu.memory_space<hbm>> -> memref<8x1024xi32, #tpu.memory_space<hbm>>
      %dma_start3A_536 = arith.constant 0 : i32
      %dma_start3A_537 = arith.constant 0 : i32
      %dma_start3A_538 = tpu.memref_slice %arg6[%dma_start3A_527, %dma_start3A_536, %dma_start3A_537] : memref<2x8x1024xi32, #tpu.memory_space<vmem>> -> memref<1x8x1024xi32, #tpu.memory_space<vmem>>
      %dma_start3A_539 = tpu.memref_squeeze %dma_start3A_538 : memref<1x8x1024xi32, #tpu.memory_space<vmem>> -> memref<8x1024xi32, #tpu.memory_space<vmem>>
      %dma_start3A_540 = arith.constant 40 : i32
      %dma_start3A_541 = arith.constant 0 : i32
      %dma_start3A_542 = tpu.memref_slice %arg2[%scan3A_31, %dma_start3A_540, %dma_start3A_541] : memref<26x50x1024xi32, #tpu.memory_space<hbm>> -> memref<1x8x1024xi32, #tpu.memory_space<hbm>>
      %dma_start3A_543 = tpu.memref_squeeze %dma_start3A_542 : memref<1x8x1024xi32, #tpu.memory_space<hbm>> -> memref<8x1024xi32, #tpu.memory_space<hbm>>
      tpu.enqueue_dma source(%dma_start3A_543 : memref<8x1024xi32, #tpu.memory_space<hbm>>) target(%dma_start3A_539 : memref<8x1024xi32, #tpu.memory_space<vmem>>) target_semaphore(%arg9 : memref<!tpu.dma_semaphore, #tpu.memory_space<semaphore_mem>>)
      %dma_wait3A_544 = arith.constant 0 : i32
      %dma_wait3A_545 = arith.constant 0 : i32
      %dma_wait3A_546 = arith.constant 0 : i32
      %dma_wait3A_547 = tpu.memref_slice %arg7[%dma_wait3A_544, %dma_wait3A_545, %dma_wait3A_546] : memref<2x4x1024xf32, #tpu.memory_space<vmem>> -> memref<1x4x1024xf32, #tpu.memory_space<vmem>>
      %dma_wait3A_548 = tpu.memref_squeeze %dma_wait3A_547 : memref<1x4x1024xf32, #tpu.memory_space<vmem>> -> memref<4x1024xf32, #tpu.memory_space<vmem>>
      %dma_wait3A_549 = arith.constant 24 : i32
      %dma_wait3A_550 = arith.constant 0 : i32
      %dma_wait3A_551 = tpu.memref_slice %arg4[%dma_wait3A_549, %add3A_35, %dma_wait3A_550] : memref<50x832x1024xf32, #tpu.memory_space<hbm>> -> memref<4x1x1024xf32, #tpu.memory_space<hbm>>
      %dma_wait3A_552 = tpu.memref_squeeze %dma_wait3A_551 : memref<4x1x1024xf32, #tpu.memory_space<hbm>> -> memref<4x1024xf32, #tpu.memory_space<hbm>>
      %dma_wait3A_553 = arith.constant 24 : i32
      %dma_wait3A_554 = arith.constant 0 : i32
      %dma_wait3A_555 = tpu.memref_slice %arg4[%dma_wait3A_553, %add3A_35, %dma_wait3A_554] : memref<50x832x1024xf32, #tpu.memory_space<hbm>> -> memref<4x1x1024xf32, #tpu.memory_space<hbm>>
      %dma_wait3A_556 = tpu.memref_squeeze %dma_wait3A_555 : memref<4x1x1024xf32, #tpu.memory_space<hbm>> -> memref<4x1024xf32, #tpu.memory_space<hbm>>
      %dma_wait3A_557 = arith.constant 0 : i32
      %dma_wait3A_558 = arith.constant 0 : i32
      %dma_wait3A_559 = tpu.memref_slice %arg7[%dma_wait3A_544, %dma_wait3A_557, %dma_wait3A_558] : memref<2x4x1024xf32, #tpu.memory_space<vmem>> -> memref<1x4x1024xf32, #tpu.memory_space<vmem>>
      %dma_wait3A_560 = tpu.memref_squeeze %dma_wait3A_559 : memref<1x4x1024xf32, #tpu.memory_space<vmem>> -> memref<4x1024xf32, #tpu.memory_space<vmem>>
      tpu.wait_dma2 semaphore(%arg10 : memref<!tpu.dma_semaphore, #tpu.memory_space<semaphore_mem>>) src(%dma_wait3A_560 : memref<4x1024xf32, #tpu.memory_space<vmem>>) dst(%dma_wait3A_556 : memref<4x1024xf32, #tpu.memory_space<hbm>>)
      %parallel_loop3A_561 = arith.constant 0 : i32
      %parallel_loop3A_562 = arith.constant 1024 : i32
      %parallel_loop3A_563 = arith.constant 16 : i32
      scf.for %parallel_loop3A_858 = %parallel_loop3A_561 to %parallel_loop3A_562 step %parallel_loop3A_563  : i32 {
        %parallel_loop3A_859 = arith.constant 0 : i32
        %parallel_loop3A_860 = arith.constant 0 : i32
        %parallel_loop3A_861 = arith.index_cast %parallel_loop3A_859 : i32 to index
        %parallel_loop3A_862 = arith.index_cast %parallel_loop3A_860 : i32 to index
        %parallel_loop3A_863 = arith.index_cast %parallel_loop3A_858 : i32 to index
        %parallel_loop3A_864 = tpu.vector_load %arg6[%parallel_loop3A_861, %parallel_loop3A_862, %parallel_loop3A_863] {strides = array<i32>} : memref<2x8x1024xi32, #tpu.memory_space<vmem>>, vector<16xi32>,
        %parallel_loop3A_865 = tpu.vector_load_idx %arg5[%parallel_loop3A_864] : memref<100000xf32, #tpu.memory_space<vmem>>[vector<16xi32>], vector<16xf32>,
        %parallel_loop3A_866 = arith.constant 0 : i32
        %parallel_loop3A_867 = arith.constant 0 : i32
        %parallel_loop3A_868 = arith.index_cast %parallel_loop3A_866 : i32 to index
        %parallel_loop3A_869 = arith.index_cast %parallel_loop3A_867 : i32 to index
        %parallel_loop3A_870 = arith.index_cast %parallel_loop3A_858 : i32 to index
        %parallel_loop3A_871 = tpu.vector_load %arg7[%parallel_loop3A_868, %parallel_loop3A_869, %parallel_loop3A_870] {strides = array<i32>} : memref<2x4x1024xf32, #tpu.memory_space<vmem>>, vector<16xf32>,
        tpu.vector_store %arg7[%parallel_loop3A_868, %parallel_loop3A_869, %parallel_loop3A_870], %parallel_loop3A_865 {strides = array<i32>} : memref<2x4x1024xf32, #tpu.memory_space<vmem>>, vector<16xf32>,
      } {sc.loop_unroll_factor = 8 : i64, sc.parallel_access}
      %parallel_loop3A_564 = arith.constant 0 : i32
      %parallel_loop3A_565 = arith.constant 1024 : i32
      %parallel_loop3A_566 = arith.constant 16 : i32
      scf.for %parallel_loop3A_858 = %parallel_loop3A_564 to %parallel_loop3A_565 step %parallel_loop3A_566  : i32 {
        %parallel_loop3A_859 = arith.constant 0 : i32
        %parallel_loop3A_860 = arith.constant 1 : i32
        %parallel_loop3A_861 = arith.index_cast %parallel_loop3A_859 : i32 to index
        %parallel_loop3A_862 = arith.index_cast %parallel_loop3A_860 : i32 to index
        %parallel_loop3A_863 = arith.index_cast %parallel_loop3A_858 : i32 to index
        %parallel_loop3A_864 = tpu.vector_load %arg6[%parallel_loop3A_861, %parallel_loop3A_862, %parallel_loop3A_863] {strides = array<i32>} : memref<2x8x1024xi32, #tpu.memory_space<vmem>>, vector<16xi32>,
        %parallel_loop3A_865 = tpu.vector_load_idx %arg5[%parallel_loop3A_864] : memref<100000xf32, #tpu.memory_space<vmem>>[vector<16xi32>], vector<16xf32>,
        %parallel_loop3A_866 = arith.constant 0 : i32
        %parallel_loop3A_867 = arith.constant 1 : i32
        %parallel_loop3A_868 = arith.index_cast %parallel_loop3A_866 : i32 to index
        %parallel_loop3A_869 = arith.index_cast %parallel_loop3A_867 : i32 to index
        %parallel_loop3A_870 = arith.index_cast %parallel_loop3A_858 : i32 to index
        %parallel_loop3A_871 = tpu.vector_load %arg7[%parallel_loop3A_868, %parallel_loop3A_869, %parallel_loop3A_870] {strides = array<i32>} : memref<2x4x1024xf32, #tpu.memory_space<vmem>>, vector<16xf32>,
        tpu.vector_store %arg7[%parallel_loop3A_868, %parallel_loop3A_869, %parallel_loop3A_870], %parallel_loop3A_865 {strides = array<i32>} : memref<2x4x1024xf32, #tpu.memory_space<vmem>>, vector<16xf32>,
      } {sc.loop_unroll_factor = 8 : i64, sc.parallel_access}
      %parallel_loop3A_567 = arith.constant 0 : i32
      %parallel_loop3A_568 = arith.constant 1024 : i32
      %parallel_loop3A_569 = arith.constant 16 : i32
      scf.for %parallel_loop3A_858 = %parallel_loop3A_567 to %parallel_loop3A_568 step %parallel_loop3A_569  : i32 {
        %parallel_loop3A_859 = arith.constant 0 : i32
        %parallel_loop3A_860 = arith.constant 2 : i32
        %parallel_loop3A_861 = arith.index_cast %parallel_loop3A_859 : i32 to index
        %parallel_loop3A_862 = arith.index_cast %parallel_loop3A_860 : i32 to index
        %parallel_loop3A_863 = arith.index_cast %parallel_loop3A_858 : i32 to index
        %parallel_loop3A_864 = tpu.vector_load %arg6[%parallel_loop3A_861, %parallel_loop3A_862, %parallel_loop3A_863] {strides = array<i32>} : memref<2x8x1024xi32, #tpu.memory_space<vmem>>, vector<16xi32>,
        %parallel_loop3A_865 = tpu.vector_load_idx %arg5[%parallel_loop3A_864] : memref<100000xf32, #tpu.memory_space<vmem>>[vector<16xi32>], vector<16xf32>,
        %parallel_loop3A_866 = arith.constant 0 : i32
        %parallel_loop3A_867 = arith.constant 2 : i32
        %parallel_loop3A_868 = arith.index_cast %parallel_loop3A_866 : i32 to index
        %parallel_loop3A_869 = arith.index_cast %parallel_loop3A_867 : i32 to index
        %parallel_loop3A_870 = arith.index_cast %parallel_loop3A_858 : i32 to index
        %parallel_loop3A_871 = tpu.vector_load %arg7[%parallel_loop3A_868, %parallel_loop3A_869, %parallel_loop3A_870] {strides = array<i32>} : memref<2x4x1024xf32, #tpu.memory_space<vmem>>, vector<16xf32>,
        tpu.vector_store %arg7[%parallel_loop3A_868, %parallel_loop3A_869, %parallel_loop3A_870], %parallel_loop3A_865 {strides = array<i32>} : memref<2x4x1024xf32, #tpu.memory_space<vmem>>, vector<16xf32>,
      } {sc.loop_unroll_factor = 8 : i64, sc.parallel_access}
      %parallel_loop3A_570 = arith.constant 0 : i32
      %parallel_loop3A_571 = arith.constant 1024 : i32
      %parallel_loop3A_572 = arith.constant 16 : i32
      scf.for %parallel_loop3A_858 = %parallel_loop3A_570 to %parallel_loop3A_571 step %parallel_loop3A_572  : i32 {
        %parallel_loop3A_859 = arith.constant 0 : i32
        %parallel_loop3A_860 = arith.constant 3 : i32
        %parallel_loop3A_861 = arith.index_cast %parallel_loop3A_859 : i32 to index
        %parallel_loop3A_862 = arith.index_cast %parallel_loop3A_860 : i32 to index
        %parallel_loop3A_863 = arith.index_cast %parallel_loop3A_858 : i32 to index
        %parallel_loop3A_864 = tpu.vector_load %arg6[%parallel_loop3A_861, %parallel_loop3A_862, %parallel_loop3A_863] {strides = array<i32>} : memref<2x8x1024xi32, #tpu.memory_space<vmem>>, vector<16xi32>,
        %parallel_loop3A_865 = tpu.vector_load_idx %arg5[%parallel_loop3A_864] : memref<100000xf32, #tpu.memory_space<vmem>>[vector<16xi32>], vector<16xf32>,
        %parallel_loop3A_866 = arith.constant 0 : i32
        %parallel_loop3A_867 = arith.constant 3 : i32
        %parallel_loop3A_868 = arith.index_cast %parallel_loop3A_866 : i32 to index
        %parallel_loop3A_869 = arith.index_cast %parallel_loop3A_867 : i32 to index
        %parallel_loop3A_870 = arith.index_cast %parallel_loop3A_858 : i32 to index
        %parallel_loop3A_871 = tpu.vector_load %arg7[%parallel_loop3A_868, %parallel_loop3A_869, %parallel_loop3A_870] {strides = array<i32>} : memref<2x4x1024xf32, #tpu.memory_space<vmem>>, vector<16xf32>,
        tpu.vector_store %arg7[%parallel_loop3A_868, %parallel_loop3A_869, %parallel_loop3A_870], %parallel_loop3A_865 {strides = array<i32>} : memref<2x4x1024xf32, #tpu.memory_space<vmem>>, vector<16xf32>,
      } {sc.loop_unroll_factor = 8 : i64, sc.parallel_access}
      %dma_start3A_573 = arith.constant 0 : i32
      %dma_start3A_574 = arith.constant 0 : i32
      %dma_start3A_575 = arith.constant 0 : i32
      %dma_start3A_576 = tpu.memref_slice %arg7[%dma_start3A_573, %dma_start3A_574, %dma_start3A_575] : memref<2x4x1024xf32, #tpu.memory_space<vmem>> -> memref<1x4x1024xf32, #tpu.memory_space<vmem>>
      %dma_start3A_577 = tpu.memref_squeeze %dma_start3A_576 : memref<1x4x1024xf32, #tpu.memory_space<vmem>> -> memref<4x1024xf32, #tpu.memory_space<vmem>>
      %dma_start3A_578 = arith.constant 32 : i32
      %dma_start3A_579 = arith.constant 0 : i32
      %dma_start3A_580 = tpu.memref_slice %arg4[%dma_start3A_578, %add3A_35, %dma_start3A_579] : memref<50x832x1024xf32, #tpu.memory_space<hbm>> -> memref<4x1x1024xf32, #tpu.memory_space<hbm>>
      %dma_start3A_581 = tpu.memref_squeeze %dma_start3A_580 : memref<4x1x1024xf32, #tpu.memory_space<hbm>> -> memref<4x1024xf32, #tpu.memory_space<hbm>>
      %dma_start3A_582 = arith.constant 32 : i32
      %dma_start3A_583 = arith.constant 0 : i32
      %dma_start3A_584 = tpu.memref_slice %arg4[%dma_start3A_582, %add3A_35, %dma_start3A_583] : memref<50x832x1024xf32, #tpu.memory_space<hbm>> -> memref<4x1x1024xf32, #tpu.memory_space<hbm>>
      %dma_start3A_585 = tpu.memref_squeeze %dma_start3A_584 : memref<4x1x1024xf32, #tpu.memory_space<hbm>> -> memref<4x1024xf32, #tpu.memory_space<hbm>>
      %dma_start3A_586 = arith.constant 0 : i32
      %dma_start3A_587 = arith.constant 0 : i32
      %dma_start3A_588 = tpu.memref_slice %arg7[%dma_start3A_573, %dma_start3A_586, %dma_start3A_587] : memref<2x4x1024xf32, #tpu.memory_space<vmem>> -> memref<1x4x1024xf32, #tpu.memory_space<vmem>>
      %dma_start3A_589 = tpu.memref_squeeze %dma_start3A_588 : memref<1x4x1024xf32, #tpu.memory_space<vmem>> -> memref<4x1024xf32, #tpu.memory_space<vmem>>
      tpu.enqueue_dma source(%dma_start3A_589 : memref<4x1024xf32, #tpu.memory_space<vmem>>) target(%dma_start3A_585 : memref<4x1024xf32, #tpu.memory_space<hbm>>) target_semaphore(%arg10 : memref<!tpu.dma_semaphore, #tpu.memory_space<semaphore_mem>>)
      %dma_wait3A_590 = arith.constant 1 : i32
      %dma_wait3A_591 = arith.constant 0 : i32
      %dma_wait3A_592 = arith.constant 0 : i32
      %dma_wait3A_593 = tpu.memref_slice %arg7[%dma_wait3A_590, %dma_wait3A_591, %dma_wait3A_592] : memref<2x4x1024xf32, #tpu.memory_space<vmem>> -> memref<1x4x1024xf32, #tpu.memory_space<vmem>>
      %dma_wait3A_594 = tpu.memref_squeeze %dma_wait3A_593 : memref<1x4x1024xf32, #tpu.memory_space<vmem>> -> memref<4x1024xf32, #tpu.memory_space<vmem>>
      %dma_wait3A_595 = arith.constant 28 : i32
      %dma_wait3A_596 = arith.constant 0 : i32
      %dma_wait3A_597 = tpu.memref_slice %arg4[%dma_wait3A_595, %add3A_35, %dma_wait3A_596] : memref<50x832x1024xf32, #tpu.memory_space<hbm>> -> memref<4x1x1024xf32, #tpu.memory_space<hbm>>
      %dma_wait3A_598 = tpu.memref_squeeze %dma_wait3A_597 : memref<4x1x1024xf32, #tpu.memory_space<hbm>> -> memref<4x1024xf32, #tpu.memory_space<hbm>>
      %dma_wait3A_599 = arith.constant 28 : i32
      %dma_wait3A_600 = arith.constant 0 : i32
      %dma_wait3A_601 = tpu.memref_slice %arg4[%dma_wait3A_599, %add3A_35, %dma_wait3A_600] : memref<50x832x1024xf32, #tpu.memory_space<hbm>> -> memref<4x1x1024xf32, #tpu.memory_space<hbm>>
      %dma_wait3A_602 = tpu.memref_squeeze %dma_wait3A_601 : memref<4x1x1024xf32, #tpu.memory_space<hbm>> -> memref<4x1024xf32, #tpu.memory_space<hbm>>
      %dma_wait3A_603 = arith.constant 0 : i32
      %dma_wait3A_604 = arith.constant 0 : i32
      %dma_wait3A_605 = tpu.memref_slice %arg7[%dma_wait3A_590, %dma_wait3A_603, %dma_wait3A_604] : memref<2x4x1024xf32, #tpu.memory_space<vmem>> -> memref<1x4x1024xf32, #tpu.memory_space<vmem>>
      %dma_wait3A_606 = tpu.memref_squeeze %dma_wait3A_605 : memref<1x4x1024xf32, #tpu.memory_space<vmem>> -> memref<4x1024xf32, #tpu.memory_space<vmem>>
      tpu.wait_dma2 semaphore(%arg10 : memref<!tpu.dma_semaphore, #tpu.memory_space<semaphore_mem>>) src(%dma_wait3A_606 : memref<4x1024xf32, #tpu.memory_space<vmem>>) dst(%dma_wait3A_602 : memref<4x1024xf32, #tpu.memory_space<hbm>>)
      %parallel_loop3A_607 = arith.constant 0 : i32
      %parallel_loop3A_608 = arith.constant 1024 : i32
      %parallel_loop3A_609 = arith.constant 16 : i32
      scf.for %parallel_loop3A_858 = %parallel_loop3A_607 to %parallel_loop3A_608 step %parallel_loop3A_609  : i32 {
        %parallel_loop3A_859 = arith.constant 0 : i32
        %parallel_loop3A_860 = arith.constant 4 : i32
        %parallel_loop3A_861 = arith.index_cast %parallel_loop3A_859 : i32 to index
        %parallel_loop3A_862 = arith.index_cast %parallel_loop3A_860 : i32 to index
        %parallel_loop3A_863 = arith.index_cast %parallel_loop3A_858 : i32 to index
        %parallel_loop3A_864 = tpu.vector_load %arg6[%parallel_loop3A_861, %parallel_loop3A_862, %parallel_loop3A_863] {strides = array<i32>} : memref<2x8x1024xi32, #tpu.memory_space<vmem>>, vector<16xi32>,
        %parallel_loop3A_865 = tpu.vector_load_idx %arg5[%parallel_loop3A_864] : memref<100000xf32, #tpu.memory_space<vmem>>[vector<16xi32>], vector<16xf32>,
        %parallel_loop3A_866 = arith.constant 1 : i32
        %parallel_loop3A_867 = arith.constant 0 : i32
        %parallel_loop3A_868 = arith.index_cast %parallel_loop3A_866 : i32 to index
        %parallel_loop3A_869 = arith.index_cast %parallel_loop3A_867 : i32 to index
        %parallel_loop3A_870 = arith.index_cast %parallel_loop3A_858 : i32 to index
        %parallel_loop3A_871 = tpu.vector_load %arg7[%parallel_loop3A_868, %parallel_loop3A_869, %parallel_loop3A_870] {strides = array<i32>} : memref<2x4x1024xf32, #tpu.memory_space<vmem>>, vector<16xf32>,
        tpu.vector_store %arg7[%parallel_loop3A_868, %parallel_loop3A_869, %parallel_loop3A_870], %parallel_loop3A_865 {strides = array<i32>} : memref<2x4x1024xf32, #tpu.memory_space<vmem>>, vector<16xf32>,
      } {sc.loop_unroll_factor = 8 : i64, sc.parallel_access}
      %parallel_loop3A_610 = arith.constant 0 : i32
      %parallel_loop3A_611 = arith.constant 1024 : i32
      %parallel_loop3A_612 = arith.constant 16 : i32
      scf.for %parallel_loop3A_858 = %parallel_loop3A_610 to %parallel_loop3A_611 step %parallel_loop3A_612  : i32 {
        %parallel_loop3A_859 = arith.constant 0 : i32
        %parallel_loop3A_860 = arith.constant 5 : i32
        %parallel_loop3A_861 = arith.index_cast %parallel_loop3A_859 : i32 to index
        %parallel_loop3A_862 = arith.index_cast %parallel_loop3A_860 : i32 to index
        %parallel_loop3A_863 = arith.index_cast %parallel_loop3A_858 : i32 to index
        %parallel_loop3A_864 = tpu.vector_load %arg6[%parallel_loop3A_861, %parallel_loop3A_862, %parallel_loop3A_863] {strides = array<i32>} : memref<2x8x1024xi32, #tpu.memory_space<vmem>>, vector<16xi32>,
        %parallel_loop3A_865 = tpu.vector_load_idx %arg5[%parallel_loop3A_864] : memref<100000xf32, #tpu.memory_space<vmem>>[vector<16xi32>], vector<16xf32>,
        %parallel_loop3A_866 = arith.constant 1 : i32
        %parallel_loop3A_867 = arith.constant 1 : i32
        %parallel_loop3A_868 = arith.index_cast %parallel_loop3A_866 : i32 to index
        %parallel_loop3A_869 = arith.index_cast %parallel_loop3A_867 : i32 to index
        %parallel_loop3A_870 = arith.index_cast %parallel_loop3A_858 : i32 to index
        %parallel_loop3A_871 = tpu.vector_load %arg7[%parallel_loop3A_868, %parallel_loop3A_869, %parallel_loop3A_870] {strides = array<i32>} : memref<2x4x1024xf32, #tpu.memory_space<vmem>>, vector<16xf32>,
        tpu.vector_store %arg7[%parallel_loop3A_868, %parallel_loop3A_869, %parallel_loop3A_870], %parallel_loop3A_865 {strides = array<i32>} : memref<2x4x1024xf32, #tpu.memory_space<vmem>>, vector<16xf32>,
      } {sc.loop_unroll_factor = 8 : i64, sc.parallel_access}
      %parallel_loop3A_613 = arith.constant 0 : i32
      %parallel_loop3A_614 = arith.constant 1024 : i32
      %parallel_loop3A_615 = arith.constant 16 : i32
      scf.for %parallel_loop3A_858 = %parallel_loop3A_613 to %parallel_loop3A_614 step %parallel_loop3A_615  : i32 {
        %parallel_loop3A_859 = arith.constant 0 : i32
        %parallel_loop3A_860 = arith.constant 6 : i32
        %parallel_loop3A_861 = arith.index_cast %parallel_loop3A_859 : i32 to index
        %parallel_loop3A_862 = arith.index_cast %parallel_loop3A_860 : i32 to index
        %parallel_loop3A_863 = arith.index_cast %parallel_loop3A_858 : i32 to index
        %parallel_loop3A_864 = tpu.vector_load %arg6[%parallel_loop3A_861, %parallel_loop3A_862, %parallel_loop3A_863] {strides = array<i32>} : memref<2x8x1024xi32, #tpu.memory_space<vmem>>, vector<16xi32>,
        %parallel_loop3A_865 = tpu.vector_load_idx %arg5[%parallel_loop3A_864] : memref<100000xf32, #tpu.memory_space<vmem>>[vector<16xi32>], vector<16xf32>,
        %parallel_loop3A_866 = arith.constant 1 : i32
        %parallel_loop3A_867 = arith.constant 2 : i32
        %parallel_loop3A_868 = arith.index_cast %parallel_loop3A_866 : i32 to index
        %parallel_loop3A_869 = arith.index_cast %parallel_loop3A_867 : i32 to index
        %parallel_loop3A_870 = arith.index_cast %parallel_loop3A_858 : i32 to index
        %parallel_loop3A_871 = tpu.vector_load %arg7[%parallel_loop3A_868, %parallel_loop3A_869, %parallel_loop3A_870] {strides = array<i32>} : memref<2x4x1024xf32, #tpu.memory_space<vmem>>, vector<16xf32>,
        tpu.vector_store %arg7[%parallel_loop3A_868, %parallel_loop3A_869, %parallel_loop3A_870], %parallel_loop3A_865 {strides = array<i32>} : memref<2x4x1024xf32, #tpu.memory_space<vmem>>, vector<16xf32>,
      } {sc.loop_unroll_factor = 8 : i64, sc.parallel_access}
      %parallel_loop3A_616 = arith.constant 0 : i32
      %parallel_loop3A_617 = arith.constant 1024 : i32
      %parallel_loop3A_618 = arith.constant 16 : i32
      scf.for %parallel_loop3A_858 = %parallel_loop3A_616 to %parallel_loop3A_617 step %parallel_loop3A_618  : i32 {
        %parallel_loop3A_859 = arith.constant 0 : i32
        %parallel_loop3A_860 = arith.constant 7 : i32
        %parallel_loop3A_861 = arith.index_cast %parallel_loop3A_859 : i32 to index
        %parallel_loop3A_862 = arith.index_cast %parallel_loop3A_860 : i32 to index
        %parallel_loop3A_863 = arith.index_cast %parallel_loop3A_858 : i32 to index
        %parallel_loop3A_864 = tpu.vector_load %arg6[%parallel_loop3A_861, %parallel_loop3A_862, %parallel_loop3A_863] {strides = array<i32>} : memref<2x8x1024xi32, #tpu.memory_space<vmem>>, vector<16xi32>,
        %parallel_loop3A_865 = tpu.vector_load_idx %arg5[%parallel_loop3A_864] : memref<100000xf32, #tpu.memory_space<vmem>>[vector<16xi32>], vector<16xf32>,
        %parallel_loop3A_866 = arith.constant 1 : i32
        %parallel_loop3A_867 = arith.constant 3 : i32
        %parallel_loop3A_868 = arith.index_cast %parallel_loop3A_866 : i32 to index
        %parallel_loop3A_869 = arith.index_cast %parallel_loop3A_867 : i32 to index
        %parallel_loop3A_870 = arith.index_cast %parallel_loop3A_858 : i32 to index
        %parallel_loop3A_871 = tpu.vector_load %arg7[%parallel_loop3A_868, %parallel_loop3A_869, %parallel_loop3A_870] {strides = array<i32>} : memref<2x4x1024xf32, #tpu.memory_space<vmem>>, vector<16xf32>,
        tpu.vector_store %arg7[%parallel_loop3A_868, %parallel_loop3A_869, %parallel_loop3A_870], %parallel_loop3A_865 {strides = array<i32>} : memref<2x4x1024xf32, #tpu.memory_space<vmem>>, vector<16xf32>,
      } {sc.loop_unroll_factor = 8 : i64, sc.parallel_access}
      %dma_start3A_619 = arith.constant 1 : i32
      %dma_start3A_620 = arith.constant 0 : i32
      %dma_start3A_621 = arith.constant 0 : i32
      %dma_start3A_622 = tpu.memref_slice %arg7[%dma_start3A_619, %dma_start3A_620, %dma_start3A_621] : memref<2x4x1024xf32, #tpu.memory_space<vmem>> -> memref<1x4x1024xf32, #tpu.memory_space<vmem>>
      %dma_start3A_623 = tpu.memref_squeeze %dma_start3A_622 : memref<1x4x1024xf32, #tpu.memory_space<vmem>> -> memref<4x1024xf32, #tpu.memory_space<vmem>>
      %dma_start3A_624 = arith.constant 36 : i32
      %dma_start3A_625 = arith.constant 0 : i32
      %dma_start3A_626 = tpu.memref_slice %arg4[%dma_start3A_624, %add3A_35, %dma_start3A_625] : memref<50x832x1024xf32, #tpu.memory_space<hbm>> -> memref<4x1x1024xf32, #tpu.memory_space<hbm>>
      %dma_start3A_627 = tpu.memref_squeeze %dma_start3A_626 : memref<4x1x1024xf32, #tpu.memory_space<hbm>> -> memref<4x1024xf32, #tpu.memory_space<hbm>>
      %dma_start3A_628 = arith.constant 36 : i32
      %dma_start3A_629 = arith.constant 0 : i32
      %dma_start3A_630 = tpu.memref_slice %arg4[%dma_start3A_628, %add3A_35, %dma_start3A_629] : memref<50x832x1024xf32, #tpu.memory_space<hbm>> -> memref<4x1x1024xf32, #tpu.memory_space<hbm>>
      %dma_start3A_631 = tpu.memref_squeeze %dma_start3A_630 : memref<4x1x1024xf32, #tpu.memory_space<hbm>> -> memref<4x1024xf32, #tpu.memory_space<hbm>>
      %dma_start3A_632 = arith.constant 0 : i32
      %dma_start3A_633 = arith.constant 0 : i32
      %dma_start3A_634 = tpu.memref_slice %arg7[%dma_start3A_619, %dma_start3A_632, %dma_start3A_633] : memref<2x4x1024xf32, #tpu.memory_space<vmem>> -> memref<1x4x1024xf32, #tpu.memory_space<vmem>>
      %dma_start3A_635 = tpu.memref_squeeze %dma_start3A_634 : memref<1x4x1024xf32, #tpu.memory_space<vmem>> -> memref<4x1024xf32, #tpu.memory_space<vmem>>
      tpu.enqueue_dma source(%dma_start3A_635 : memref<4x1024xf32, #tpu.memory_space<vmem>>) target(%dma_start3A_631 : memref<4x1024xf32, #tpu.memory_space<hbm>>) target_semaphore(%arg10 : memref<!tpu.dma_semaphore, #tpu.memory_space<semaphore_mem>>)
      %dma_wait3A_636 = arith.constant 1 : i32
      %dma_wait3A_637 = arith.constant 0 : i32
      %dma_wait3A_638 = arith.constant 0 : i32
      %dma_wait3A_639 = tpu.memref_slice %arg6[%dma_wait3A_636, %dma_wait3A_637, %dma_wait3A_638] : memref<2x8x1024xi32, #tpu.memory_space<vmem>> -> memref<1x8x1024xi32, #tpu.memory_space<vmem>>
      %dma_wait3A_640 = tpu.memref_squeeze %dma_wait3A_639 : memref<1x8x1024xi32, #tpu.memory_space<vmem>> -> memref<8x1024xi32, #tpu.memory_space<vmem>>
      %dma_wait3A_641 = arith.constant 40 : i32
      %dma_wait3A_642 = arith.constant 0 : i32
      %dma_wait3A_643 = tpu.memref_slice %arg2[%scan3A_31, %dma_wait3A_641, %dma_wait3A_642] : memref<26x50x1024xi32, #tpu.memory_space<hbm>> -> memref<1x8x1024xi32, #tpu.memory_space<hbm>>
      %dma_wait3A_644 = tpu.memref_squeeze %dma_wait3A_643 : memref<1x8x1024xi32, #tpu.memory_space<hbm>> -> memref<8x1024xi32, #tpu.memory_space<hbm>>
      %dma_wait3A_645 = arith.constant 0 : i32
      %dma_wait3A_646 = arith.constant 0 : i32
      %dma_wait3A_647 = tpu.memref_slice %arg6[%dma_wait3A_636, %dma_wait3A_645, %dma_wait3A_646] : memref<2x8x1024xi32, #tpu.memory_space<vmem>> -> memref<1x8x1024xi32, #tpu.memory_space<vmem>>
      %dma_wait3A_648 = tpu.memref_squeeze %dma_wait3A_647 : memref<1x8x1024xi32, #tpu.memory_space<vmem>> -> memref<8x1024xi32, #tpu.memory_space<vmem>>
      %dma_wait3A_649 = arith.constant 40 : i32
      %dma_wait3A_650 = arith.constant 0 : i32
      %dma_wait3A_651 = tpu.memref_slice %arg2[%scan3A_31, %dma_wait3A_649, %dma_wait3A_650] : memref<26x50x1024xi32, #tpu.memory_space<hbm>> -> memref<1x8x1024xi32, #tpu.memory_space<hbm>>
      %dma_wait3A_652 = tpu.memref_squeeze %dma_wait3A_651 : memref<1x8x1024xi32, #tpu.memory_space<hbm>> -> memref<8x1024xi32, #tpu.memory_space<hbm>>
      tpu.wait_dma2 semaphore(%arg9 : memref<!tpu.dma_semaphore, #tpu.memory_space<semaphore_mem>>) src(%dma_wait3A_652 : memref<8x1024xi32, #tpu.memory_space<hbm>>) dst(%dma_wait3A_648 : memref<8x1024xi32, #tpu.memory_space<vmem>>)
      %dma_start3A_653 = arith.constant 0 : i32
      %dma_start3A_654 = arith.constant 0 : i32
      %dma_start3A_655 = arith.constant 0 : i32
      %dma_start3A_656 = tpu.memref_slice %arg6[%dma_start3A_653, %dma_start3A_654, %dma_start3A_655] : memref<2x8x1024xi32, #tpu.memory_space<vmem>> -> memref<1x2x1024xi32, #tpu.memory_space<vmem>>
      %dma_start3A_657 = tpu.memref_squeeze %dma_start3A_656 : memref<1x2x1024xi32, #tpu.memory_space<vmem>> -> memref<2x1024xi32, #tpu.memory_space<vmem>>
      %dma_start3A_658 = arith.constant 48 : i32
      %dma_start3A_659 = arith.constant 0 : i32
      %dma_start3A_660 = tpu.memref_slice %arg2[%scan3A_31, %dma_start3A_658, %dma_start3A_659] : memref<26x50x1024xi32, #tpu.memory_space<hbm>> -> memref<1x2x1024xi32, #tpu.memory_space<hbm>>
      %dma_start3A_661 = tpu.memref_squeeze %dma_start3A_660 : memref<1x2x1024xi32, #tpu.memory_space<hbm>> -> memref<2x1024xi32, #tpu.memory_space<hbm>>
      %dma_start3A_662 = arith.constant 0 : i32
      %dma_start3A_663 = arith.constant 0 : i32
      %dma_start3A_664 = tpu.memref_slice %arg6[%dma_start3A_653, %dma_start3A_662, %dma_start3A_663] : memref<2x8x1024xi32, #tpu.memory_space<vmem>> -> memref<1x2x1024xi32, #tpu.memory_space<vmem>>
      %dma_start3A_665 = tpu.memref_squeeze %dma_start3A_664 : memref<1x2x1024xi32, #tpu.memory_space<vmem>> -> memref<2x1024xi32, #tpu.memory_space<vmem>>
      %dma_start3A_666 = arith.constant 48 : i32
      %dma_start3A_667 = arith.constant 0 : i32
      %dma_start3A_668 = tpu.memref_slice %arg2[%scan3A_31, %dma_start3A_666, %dma_start3A_667] : memref<26x50x1024xi32, #tpu.memory_space<hbm>> -> memref<1x2x1024xi32, #tpu.memory_space<hbm>>
      %dma_start3A_669 = tpu.memref_squeeze %dma_start3A_668 : memref<1x2x1024xi32, #tpu.memory_space<hbm>> -> memref<2x1024xi32, #tpu.memory_space<hbm>>
      tpu.enqueue_dma source(%dma_start3A_669 : memref<2x1024xi32, #tpu.memory_space<hbm>>) target(%dma_start3A_665 : memref<2x1024xi32, #tpu.memory_space<vmem>>) target_semaphore(%arg9 : memref<!tpu.dma_semaphore, #tpu.memory_space<semaphore_mem>>)
      %dma_wait3A_670 = arith.constant 0 : i32
      %dma_wait3A_671 = arith.constant 0 : i32
      %dma_wait3A_672 = arith.constant 0 : i32
      %dma_wait3A_673 = tpu.memref_slice %arg7[%dma_wait3A_670, %dma_wait3A_671, %dma_wait3A_672] : memref<2x4x1024xf32, #tpu.memory_space<vmem>> -> memref<1x4x1024xf32, #tpu.memory_space<vmem>>
      %dma_wait3A_674 = tpu.memref_squeeze %dma_wait3A_673 : memref<1x4x1024xf32, #tpu.memory_space<vmem>> -> memref<4x1024xf32, #tpu.memory_space<vmem>>
      %dma_wait3A_675 = arith.constant 32 : i32
      %dma_wait3A_676 = arith.constant 0 : i32
      %dma_wait3A_677 = tpu.memref_slice %arg4[%dma_wait3A_675, %add3A_35, %dma_wait3A_676] : memref<50x832x1024xf32, #tpu.memory_space<hbm>> -> memref<4x1x1024xf32, #tpu.memory_space<hbm>>
      %dma_wait3A_678 = tpu.memref_squeeze %dma_wait3A_677 : memref<4x1x1024xf32, #tpu.memory_space<hbm>> -> memref<4x1024xf32, #tpu.memory_space<hbm>>
      %dma_wait3A_679 = arith.constant 32 : i32
      %dma_wait3A_680 = arith.constant 0 : i32
      %dma_wait3A_681 = tpu.memref_slice %arg4[%dma_wait3A_679, %add3A_35, %dma_wait3A_680] : memref<50x832x1024xf32, #tpu.memory_space<hbm>> -> memref<4x1x1024xf32, #tpu.memory_space<hbm>>
      %dma_wait3A_682 = tpu.memref_squeeze %dma_wait3A_681 : memref<4x1x1024xf32, #tpu.memory_space<hbm>> -> memref<4x1024xf32, #tpu.memory_space<hbm>>
      %dma_wait3A_683 = arith.constant 0 : i32
      %dma_wait3A_684 = arith.constant 0 : i32
      %dma_wait3A_685 = tpu.memref_slice %arg7[%dma_wait3A_670, %dma_wait3A_683, %dma_wait3A_684] : memref<2x4x1024xf32, #tpu.memory_space<vmem>> -> memref<1x4x1024xf32, #tpu.memory_space<vmem>>
      %dma_wait3A_686 = tpu.memref_squeeze %dma_wait3A_685 : memref<1x4x1024xf32, #tpu.memory_space<vmem>> -> memref<4x1024xf32, #tpu.memory_space<vmem>>
      tpu.wait_dma2 semaphore(%arg10 : memref<!tpu.dma_semaphore, #tpu.memory_space<semaphore_mem>>) src(%dma_wait3A_686 : memref<4x1024xf32, #tpu.memory_space<vmem>>) dst(%dma_wait3A_682 : memref<4x1024xf32, #tpu.memory_space<hbm>>)
      %parallel_loop3A_687 = arith.constant 0 : i32
      %parallel_loop3A_688 = arith.constant 1024 : i32
      %parallel_loop3A_689 = arith.constant 16 : i32
      scf.for %parallel_loop3A_858 = %parallel_loop3A_687 to %parallel_loop3A_688 step %parallel_loop3A_689  : i32 {
        %parallel_loop3A_859 = arith.constant 1 : i32
        %parallel_loop3A_860 = arith.constant 0 : i32
        %parallel_loop3A_861 = arith.index_cast %parallel_loop3A_859 : i32 to index
        %parallel_loop3A_862 = arith.index_cast %parallel_loop3A_860 : i32 to index
        %parallel_loop3A_863 = arith.index_cast %parallel_loop3A_858 : i32 to index
        %parallel_loop3A_864 = tpu.vector_load %arg6[%parallel_loop3A_861, %parallel_loop3A_862, %parallel_loop3A_863] {strides = array<i32>} : memref<2x8x1024xi32, #tpu.memory_space<vmem>>, vector<16xi32>,
        %parallel_loop3A_865 = tpu.vector_load_idx %arg5[%parallel_loop3A_864] : memref<100000xf32, #tpu.memory_space<vmem>>[vector<16xi32>], vector<16xf32>,
        %parallel_loop3A_866 = arith.constant 0 : i32
        %parallel_loop3A_867 = arith.constant 0 : i32
        %parallel_loop3A_868 = arith.index_cast %parallel_loop3A_866 : i32 to index
        %parallel_loop3A_869 = arith.index_cast %parallel_loop3A_867 : i32 to index
        %parallel_loop3A_870 = arith.index_cast %parallel_loop3A_858 : i32 to index
        %parallel_loop3A_871 = tpu.vector_load %arg7[%parallel_loop3A_868, %parallel_loop3A_869, %parallel_loop3A_870] {strides = array<i32>} : memref<2x4x1024xf32, #tpu.memory_space<vmem>>, vector<16xf32>,
        tpu.vector_store %arg7[%parallel_loop3A_868, %parallel_loop3A_869, %parallel_loop3A_870], %parallel_loop3A_865 {strides = array<i32>} : memref<2x4x1024xf32, #tpu.memory_space<vmem>>, vector<16xf32>,
      } {sc.loop_unroll_factor = 8 : i64, sc.parallel_access}
      %parallel_loop3A_690 = arith.constant 0 : i32
      %parallel_loop3A_691 = arith.constant 1024 : i32
      %parallel_loop3A_692 = arith.constant 16 : i32
      scf.for %parallel_loop3A_858 = %parallel_loop3A_690 to %parallel_loop3A_691 step %parallel_loop3A_692  : i32 {
        %parallel_loop3A_859 = arith.constant 1 : i32
        %parallel_loop3A_860 = arith.constant 1 : i32
        %parallel_loop3A_861 = arith.index_cast %parallel_loop3A_859 : i32 to index
        %parallel_loop3A_862 = arith.index_cast %parallel_loop3A_860 : i32 to index
        %parallel_loop3A_863 = arith.index_cast %parallel_loop3A_858 : i32 to index
        %parallel_loop3A_864 = tpu.vector_load %arg6[%parallel_loop3A_861, %parallel_loop3A_862, %parallel_loop3A_863] {strides = array<i32>} : memref<2x8x1024xi32, #tpu.memory_space<vmem>>, vector<16xi32>,
        %parallel_loop3A_865 = tpu.vector_load_idx %arg5[%parallel_loop3A_864] : memref<100000xf32, #tpu.memory_space<vmem>>[vector<16xi32>], vector<16xf32>,
        %parallel_loop3A_866 = arith.constant 0 : i32
        %parallel_loop3A_867 = arith.constant 1 : i32
        %parallel_loop3A_868 = arith.index_cast %parallel_loop3A_866 : i32 to index
        %parallel_loop3A_869 = arith.index_cast %parallel_loop3A_867 : i32 to index
        %parallel_loop3A_870 = arith.index_cast %parallel_loop3A_858 : i32 to index
        %parallel_loop3A_871 = tpu.vector_load %arg7[%parallel_loop3A_868, %parallel_loop3A_869, %parallel_loop3A_870] {strides = array<i32>} : memref<2x4x1024xf32, #tpu.memory_space<vmem>>, vector<16xf32>,
        tpu.vector_store %arg7[%parallel_loop3A_868, %parallel_loop3A_869, %parallel_loop3A_870], %parallel_loop3A_865 {strides = array<i32>} : memref<2x4x1024xf32, #tpu.memory_space<vmem>>, vector<16xf32>,
      } {sc.loop_unroll_factor = 8 : i64, sc.parallel_access}
      %parallel_loop3A_693 = arith.constant 0 : i32
      %parallel_loop3A_694 = arith.constant 1024 : i32
      %parallel_loop3A_695 = arith.constant 16 : i32
      scf.for %parallel_loop3A_858 = %parallel_loop3A_693 to %parallel_loop3A_694 step %parallel_loop3A_695  : i32 {
        %parallel_loop3A_859 = arith.constant 1 : i32
        %parallel_loop3A_860 = arith.constant 2 : i32
        %parallel_loop3A_861 = arith.index_cast %parallel_loop3A_859 : i32 to index
        %parallel_loop3A_862 = arith.index_cast %parallel_loop3A_860 : i32 to index
        %parallel_loop3A_863 = arith.index_cast %parallel_loop3A_858 : i32 to index
        %parallel_loop3A_864 = tpu.vector_load %arg6[%parallel_loop3A_861, %parallel_loop3A_862, %parallel_loop3A_863] {strides = array<i32>} : memref<2x8x1024xi32, #tpu.memory_space<vmem>>, vector<16xi32>,
        %parallel_loop3A_865 = tpu.vector_load_idx %arg5[%parallel_loop3A_864] : memref<100000xf32, #tpu.memory_space<vmem>>[vector<16xi32>], vector<16xf32>,
        %parallel_loop3A_866 = arith.constant 0 : i32
        %parallel_loop3A_867 = arith.constant 2 : i32
        %parallel_loop3A_868 = arith.index_cast %parallel_loop3A_866 : i32 to index
        %parallel_loop3A_869 = arith.index_cast %parallel_loop3A_867 : i32 to index
        %parallel_loop3A_870 = arith.index_cast %parallel_loop3A_858 : i32 to index
        %parallel_loop3A_871 = tpu.vector_load %arg7[%parallel_loop3A_868, %parallel_loop3A_869, %parallel_loop3A_870] {strides = array<i32>} : memref<2x4x1024xf32, #tpu.memory_space<vmem>>, vector<16xf32>,
        tpu.vector_store %arg7[%parallel_loop3A_868, %parallel_loop3A_869, %parallel_loop3A_870], %parallel_loop3A_865 {strides = array<i32>} : memref<2x4x1024xf32, #tpu.memory_space<vmem>>, vector<16xf32>,
      } {sc.loop_unroll_factor = 8 : i64, sc.parallel_access}
      %parallel_loop3A_696 = arith.constant 0 : i32
      %parallel_loop3A_697 = arith.constant 1024 : i32
      %parallel_loop3A_698 = arith.constant 16 : i32
      scf.for %parallel_loop3A_858 = %parallel_loop3A_696 to %parallel_loop3A_697 step %parallel_loop3A_698  : i32 {
        %parallel_loop3A_859 = arith.constant 1 : i32
        %parallel_loop3A_860 = arith.constant 3 : i32
        %parallel_loop3A_861 = arith.index_cast %parallel_loop3A_859 : i32 to index
        %parallel_loop3A_862 = arith.index_cast %parallel_loop3A_860 : i32 to index
        %parallel_loop3A_863 = arith.index_cast %parallel_loop3A_858 : i32 to index
        %parallel_loop3A_864 = tpu.vector_load %arg6[%parallel_loop3A_861, %parallel_loop3A_862, %parallel_loop3A_863] {strides = array<i32>} : memref<2x8x1024xi32, #tpu.memory_space<vmem>>, vector<16xi32>,
        %parallel_loop3A_865 = tpu.vector_load_idx %arg5[%parallel_loop3A_864] : memref<100000xf32, #tpu.memory_space<vmem>>[vector<16xi32>], vector<16xf32>,
        %parallel_loop3A_866 = arith.constant 0 : i32
        %parallel_loop3A_867 = arith.constant 3 : i32
        %parallel_loop3A_868 = arith.index_cast %parallel_loop3A_866 : i32 to index
        %parallel_loop3A_869 = arith.index_cast %parallel_loop3A_867 : i32 to index
        %parallel_loop3A_870 = arith.index_cast %parallel_loop3A_858 : i32 to index
        %parallel_loop3A_871 = tpu.vector_load %arg7[%parallel_loop3A_868, %parallel_loop3A_869, %parallel_loop3A_870] {strides = array<i32>} : memref<2x4x1024xf32, #tpu.memory_space<vmem>>, vector<16xf32>,
        tpu.vector_store %arg7[%parallel_loop3A_868, %parallel_loop3A_869, %parallel_loop3A_870], %parallel_loop3A_865 {strides = array<i32>} : memref<2x4x1024xf32, #tpu.memory_space<vmem>>, vector<16xf32>,
      } {sc.loop_unroll_factor = 8 : i64, sc.parallel_access}
      %dma_start3A_699 = arith.constant 0 : i32
      %dma_start3A_700 = arith.constant 0 : i32
      %dma_start3A_701 = arith.constant 0 : i32
      %dma_start3A_702 = tpu.memref_slice %arg7[%dma_start3A_699, %dma_start3A_700, %dma_start3A_701] : memref<2x4x1024xf32, #tpu.memory_space<vmem>> -> memref<1x4x1024xf32, #tpu.memory_space<vmem>>
      %dma_start3A_703 = tpu.memref_squeeze %dma_start3A_702 : memref<1x4x1024xf32, #tpu.memory_space<vmem>> -> memref<4x1024xf32, #tpu.memory_space<vmem>>
      %dma_start3A_704 = arith.constant 40 : i32
      %dma_start3A_705 = arith.constant 0 : i32
      %dma_start3A_706 = tpu.memref_slice %arg4[%dma_start3A_704, %add3A_35, %dma_start3A_705] : memref<50x832x1024xf32, #tpu.memory_space<hbm>> -> memref<4x1x1024xf32, #tpu.memory_space<hbm>>
      %dma_start3A_707 = tpu.memref_squeeze %dma_start3A_706 : memref<4x1x1024xf32, #tpu.memory_space<hbm>> -> memref<4x1024xf32, #tpu.memory_space<hbm>>
      %dma_start3A_708 = arith.constant 40 : i32
      %dma_start3A_709 = arith.constant 0 : i32
      %dma_start3A_710 = tpu.memref_slice %arg4[%dma_start3A_708, %add3A_35, %dma_start3A_709] : memref<50x832x1024xf32, #tpu.memory_space<hbm>> -> memref<4x1x1024xf32, #tpu.memory_space<hbm>>
      %dma_start3A_711 = tpu.memref_squeeze %dma_start3A_710 : memref<4x1x1024xf32, #tpu.memory_space<hbm>> -> memref<4x1024xf32, #tpu.memory_space<hbm>>
      %dma_start3A_712 = arith.constant 0 : i32
      %dma_start3A_713 = arith.constant 0 : i32
      %dma_start3A_714 = tpu.memref_slice %arg7[%dma_start3A_699, %dma_start3A_712, %dma_start3A_713] : memref<2x4x1024xf32, #tpu.memory_space<vmem>> -> memref<1x4x1024xf32, #tpu.memory_space<vmem>>
      %dma_start3A_715 = tpu.memref_squeeze %dma_start3A_714 : memref<1x4x1024xf32, #tpu.memory_space<vmem>> -> memref<4x1024xf32, #tpu.memory_space<vmem>>
      tpu.enqueue_dma source(%dma_start3A_715 : memref<4x1024xf32, #tpu.memory_space<vmem>>) target(%dma_start3A_711 : memref<4x1024xf32, #tpu.memory_space<hbm>>) target_semaphore(%arg10 : memref<!tpu.dma_semaphore, #tpu.memory_space<semaphore_mem>>)
      %dma_wait3A_716 = arith.constant 1 : i32
      %dma_wait3A_717 = arith.constant 0 : i32
      %dma_wait3A_718 = arith.constant 0 : i32
      %dma_wait3A_719 = tpu.memref_slice %arg7[%dma_wait3A_716, %dma_wait3A_717, %dma_wait3A_718] : memref<2x4x1024xf32, #tpu.memory_space<vmem>> -> memref<1x4x1024xf32, #tpu.memory_space<vmem>>
      %dma_wait3A_720 = tpu.memref_squeeze %dma_wait3A_719 : memref<1x4x1024xf32, #tpu.memory_space<vmem>> -> memref<4x1024xf32, #tpu.memory_space<vmem>>
      %dma_wait3A_721 = arith.constant 36 : i32
      %dma_wait3A_722 = arith.constant 0 : i32
      %dma_wait3A_723 = tpu.memref_slice %arg4[%dma_wait3A_721, %add3A_35, %dma_wait3A_722] : memref<50x832x1024xf32, #tpu.memory_space<hbm>> -> memref<4x1x1024xf32, #tpu.memory_space<hbm>>
      %dma_wait3A_724 = tpu.memref_squeeze %dma_wait3A_723 : memref<4x1x1024xf32, #tpu.memory_space<hbm>> -> memref<4x1024xf32, #tpu.memory_space<hbm>>
      %dma_wait3A_725 = arith.constant 36 : i32
      %dma_wait3A_726 = arith.constant 0 : i32
      %dma_wait3A_727 = tpu.memref_slice %arg4[%dma_wait3A_725, %add3A_35, %dma_wait3A_726] : memref<50x832x1024xf32, #tpu.memory_space<hbm>> -> memref<4x1x1024xf32, #tpu.memory_space<hbm>>
      %dma_wait3A_728 = tpu.memref_squeeze %dma_wait3A_727 : memref<4x1x1024xf32, #tpu.memory_space<hbm>> -> memref<4x1024xf32, #tpu.memory_space<hbm>>
      %dma_wait3A_729 = arith.constant 0 : i32
      %dma_wait3A_730 = arith.constant 0 : i32
      %dma_wait3A_731 = tpu.memref_slice %arg7[%dma_wait3A_716, %dma_wait3A_729, %dma_wait3A_730] : memref<2x4x1024xf32, #tpu.memory_space<vmem>> -> memref<1x4x1024xf32, #tpu.memory_space<vmem>>
      %dma_wait3A_732 = tpu.memref_squeeze %dma_wait3A_731 : memref<1x4x1024xf32, #tpu.memory_space<vmem>> -> memref<4x1024xf32, #tpu.memory_space<vmem>>
      tpu.wait_dma2 semaphore(%arg10 : memref<!tpu.dma_semaphore, #tpu.memory_space<semaphore_mem>>) src(%dma_wait3A_732 : memref<4x1024xf32, #tpu.memory_space<vmem>>) dst(%dma_wait3A_728 : memref<4x1024xf32, #tpu.memory_space<hbm>>)
      %parallel_loop3A_733 = arith.constant 0 : i32
      %parallel_loop3A_734 = arith.constant 1024 : i32
      %parallel_loop3A_735 = arith.constant 16 : i32
      scf.for %parallel_loop3A_858 = %parallel_loop3A_733 to %parallel_loop3A_734 step %parallel_loop3A_735  : i32 {
        %parallel_loop3A_859 = arith.constant 1 : i32
        %parallel_loop3A_860 = arith.constant 4 : i32
        %parallel_loop3A_861 = arith.index_cast %parallel_loop3A_859 : i32 to index
        %parallel_loop3A_862 = arith.index_cast %parallel_loop3A_860 : i32 to index
        %parallel_loop3A_863 = arith.index_cast %parallel_loop3A_858 : i32 to index
        %parallel_loop3A_864 = tpu.vector_load %arg6[%parallel_loop3A_861, %parallel_loop3A_862, %parallel_loop3A_863] {strides = array<i32>} : memref<2x8x1024xi32, #tpu.memory_space<vmem>>, vector<16xi32>,
        %parallel_loop3A_865 = tpu.vector_load_idx %arg5[%parallel_loop3A_864] : memref<100000xf32, #tpu.memory_space<vmem>>[vector<16xi32>], vector<16xf32>,
        %parallel_loop3A_866 = arith.constant 1 : i32
        %parallel_loop3A_867 = arith.constant 0 : i32
        %parallel_loop3A_868 = arith.index_cast %parallel_loop3A_866 : i32 to index
        %parallel_loop3A_869 = arith.index_cast %parallel_loop3A_867 : i32 to index
        %parallel_loop3A_870 = arith.index_cast %parallel_loop3A_858 : i32 to index
        %parallel_loop3A_871 = tpu.vector_load %arg7[%parallel_loop3A_868, %parallel_loop3A_869, %parallel_loop3A_870] {strides = array<i32>} : memref<2x4x1024xf32, #tpu.memory_space<vmem>>, vector<16xf32>,
        tpu.vector_store %arg7[%parallel_loop3A_868, %parallel_loop3A_869, %parallel_loop3A_870], %parallel_loop3A_865 {strides = array<i32>} : memref<2x4x1024xf32, #tpu.memory_space<vmem>>, vector<16xf32>,
      } {sc.loop_unroll_factor = 8 : i64, sc.parallel_access}
      %parallel_loop3A_736 = arith.constant 0 : i32
      %parallel_loop3A_737 = arith.constant 1024 : i32
      %parallel_loop3A_738 = arith.constant 16 : i32
      scf.for %parallel_loop3A_858 = %parallel_loop3A_736 to %parallel_loop3A_737 step %parallel_loop3A_738  : i32 {
        %parallel_loop3A_859 = arith.constant 1 : i32
        %parallel_loop3A_860 = arith.constant 5 : i32
        %parallel_loop3A_861 = arith.index_cast %parallel_loop3A_859 : i32 to index
        %parallel_loop3A_862 = arith.index_cast %parallel_loop3A_860 : i32 to index
        %parallel_loop3A_863 = arith.index_cast %parallel_loop3A_858 : i32 to index
        %parallel_loop3A_864 = tpu.vector_load %arg6[%parallel_loop3A_861, %parallel_loop3A_862, %parallel_loop3A_863] {strides = array<i32>} : memref<2x8x1024xi32, #tpu.memory_space<vmem>>, vector<16xi32>,
        %parallel_loop3A_865 = tpu.vector_load_idx %arg5[%parallel_loop3A_864] : memref<100000xf32, #tpu.memory_space<vmem>>[vector<16xi32>], vector<16xf32>,
        %parallel_loop3A_866 = arith.constant 1 : i32
        %parallel_loop3A_867 = arith.constant 1 : i32
        %parallel_loop3A_868 = arith.index_cast %parallel_loop3A_866 : i32 to index
        %parallel_loop3A_869 = arith.index_cast %parallel_loop3A_867 : i32 to index
        %parallel_loop3A_870 = arith.index_cast %parallel_loop3A_858 : i32 to index
        %parallel_loop3A_871 = tpu.vector_load %arg7[%parallel_loop3A_868, %parallel_loop3A_869, %parallel_loop3A_870] {strides = array<i32>} : memref<2x4x1024xf32, #tpu.memory_space<vmem>>, vector<16xf32>,
        tpu.vector_store %arg7[%parallel_loop3A_868, %parallel_loop3A_869, %parallel_loop3A_870], %parallel_loop3A_865 {strides = array<i32>} : memref<2x4x1024xf32, #tpu.memory_space<vmem>>, vector<16xf32>,
      } {sc.loop_unroll_factor = 8 : i64, sc.parallel_access}
      %parallel_loop3A_739 = arith.constant 0 : i32
      %parallel_loop3A_740 = arith.constant 1024 : i32
      %parallel_loop3A_741 = arith.constant 16 : i32
      scf.for %parallel_loop3A_858 = %parallel_loop3A_739 to %parallel_loop3A_740 step %parallel_loop3A_741  : i32 {
        %parallel_loop3A_859 = arith.constant 1 : i32
        %parallel_loop3A_860 = arith.constant 6 : i32
        %parallel_loop3A_861 = arith.index_cast %parallel_loop3A_859 : i32 to index
        %parallel_loop3A_862 = arith.index_cast %parallel_loop3A_860 : i32 to index
        %parallel_loop3A_863 = arith.index_cast %parallel_loop3A_858 : i32 to index
        %parallel_loop3A_864 = tpu.vector_load %arg6[%parallel_loop3A_861, %parallel_loop3A_862, %parallel_loop3A_863] {strides = array<i32>} : memref<2x8x1024xi32, #tpu.memory_space<vmem>>, vector<16xi32>,
        %parallel_loop3A_865 = tpu.vector_load_idx %arg5[%parallel_loop3A_864] : memref<100000xf32, #tpu.memory_space<vmem>>[vector<16xi32>], vector<16xf32>,
        %parallel_loop3A_866 = arith.constant 1 : i32
        %parallel_loop3A_867 = arith.constant 2 : i32
        %parallel_loop3A_868 = arith.index_cast %parallel_loop3A_866 : i32 to index
        %parallel_loop3A_869 = arith.index_cast %parallel_loop3A_867 : i32 to index
        %parallel_loop3A_870 = arith.index_cast %parallel_loop3A_858 : i32 to index
        %parallel_loop3A_871 = tpu.vector_load %arg7[%parallel_loop3A_868, %parallel_loop3A_869, %parallel_loop3A_870] {strides = array<i32>} : memref<2x4x1024xf32, #tpu.memory_space<vmem>>, vector<16xf32>,
        tpu.vector_store %arg7[%parallel_loop3A_868, %parallel_loop3A_869, %parallel_loop3A_870], %parallel_loop3A_865 {strides = array<i32>} : memref<2x4x1024xf32, #tpu.memory_space<vmem>>, vector<16xf32>,
      } {sc.loop_unroll_factor = 8 : i64, sc.parallel_access}
      %parallel_loop3A_742 = arith.constant 0 : i32
      %parallel_loop3A_743 = arith.constant 1024 : i32
      %parallel_loop3A_744 = arith.constant 16 : i32
      scf.for %parallel_loop3A_858 = %parallel_loop3A_742 to %parallel_loop3A_743 step %parallel_loop3A_744  : i32 {
        %parallel_loop3A_859 = arith.constant 1 : i32
        %parallel_loop3A_860 = arith.constant 7 : i32
        %parallel_loop3A_861 = arith.index_cast %parallel_loop3A_859 : i32 to index
        %parallel_loop3A_862 = arith.index_cast %parallel_loop3A_860 : i32 to index
        %parallel_loop3A_863 = arith.index_cast %parallel_loop3A_858 : i32 to index
        %parallel_loop3A_864 = tpu.vector_load %arg6[%parallel_loop3A_861, %parallel_loop3A_862, %parallel_loop3A_863] {strides = array<i32>} : memref<2x8x1024xi32, #tpu.memory_space<vmem>>, vector<16xi32>,
        %parallel_loop3A_865 = tpu.vector_load_idx %arg5[%parallel_loop3A_864] : memref<100000xf32, #tpu.memory_space<vmem>>[vector<16xi32>], vector<16xf32>,
        %parallel_loop3A_866 = arith.constant 1 : i32
        %parallel_loop3A_867 = arith.constant 3 : i32
        %parallel_loop3A_868 = arith.index_cast %parallel_loop3A_866 : i32 to index
        %parallel_loop3A_869 = arith.index_cast %parallel_loop3A_867 : i32 to index
        %parallel_loop3A_870 = arith.index_cast %parallel_loop3A_858 : i32 to index
        %parallel_loop3A_871 = tpu.vector_load %arg7[%parallel_loop3A_868, %parallel_loop3A_869, %parallel_loop3A_870] {strides = array<i32>} : memref<2x4x1024xf32, #tpu.memory_space<vmem>>, vector<16xf32>,
        tpu.vector_store %arg7[%parallel_loop3A_868, %parallel_loop3A_869, %parallel_loop3A_870], %parallel_loop3A_865 {strides = array<i32>} : memref<2x4x1024xf32, #tpu.memory_space<vmem>>, vector<16xf32>,
      } {sc.loop_unroll_factor = 8 : i64, sc.parallel_access}
      %dma_start3A_745 = arith.constant 1 : i32
      %dma_start3A_746 = arith.constant 0 : i32
      %dma_start3A_747 = arith.constant 0 : i32
      %dma_start3A_748 = tpu.memref_slice %arg7[%dma_start3A_745, %dma_start3A_746, %dma_start3A_747] : memref<2x4x1024xf32, #tpu.memory_space<vmem>> -> memref<1x4x1024xf32, #tpu.memory_space<vmem>>
      %dma_start3A_749 = tpu.memref_squeeze %dma_start3A_748 : memref<1x4x1024xf32, #tpu.memory_space<vmem>> -> memref<4x1024xf32, #tpu.memory_space<vmem>>
      %dma_start3A_750 = arith.constant 44 : i32
      %dma_start3A_751 = arith.constant 0 : i32
      %dma_start3A_752 = tpu.memref_slice %arg4[%dma_start3A_750, %add3A_35, %dma_start3A_751] : memref<50x832x1024xf32, #tpu.memory_space<hbm>> -> memref<4x1x1024xf32, #tpu.memory_space<hbm>>
      %dma_start3A_753 = tpu.memref_squeeze %dma_start3A_752 : memref<4x1x1024xf32, #tpu.memory_space<hbm>> -> memref<4x1024xf32, #tpu.memory_space<hbm>>
      %dma_start3A_754 = arith.constant 44 : i32
      %dma_start3A_755 = arith.constant 0 : i32
      %dma_start3A_756 = tpu.memref_slice %arg4[%dma_start3A_754, %add3A_35, %dma_start3A_755] : memref<50x832x1024xf32, #tpu.memory_space<hbm>> -> memref<4x1x1024xf32, #tpu.memory_space<hbm>>
      %dma_start3A_757 = tpu.memref_squeeze %dma_start3A_756 : memref<4x1x1024xf32, #tpu.memory_space<hbm>> -> memref<4x1024xf32, #tpu.memory_space<hbm>>
      %dma_start3A_758 = arith.constant 0 : i32
      %dma_start3A_759 = arith.constant 0 : i32
      %dma_start3A_760 = tpu.memref_slice %arg7[%dma_start3A_745, %dma_start3A_758, %dma_start3A_759] : memref<2x4x1024xf32, #tpu.memory_space<vmem>> -> memref<1x4x1024xf32, #tpu.memory_space<vmem>>
      %dma_start3A_761 = tpu.memref_squeeze %dma_start3A_760 : memref<1x4x1024xf32, #tpu.memory_space<vmem>> -> memref<4x1024xf32, #tpu.memory_space<vmem>>
      tpu.enqueue_dma source(%dma_start3A_761 : memref<4x1024xf32, #tpu.memory_space<vmem>>) target(%dma_start3A_757 : memref<4x1024xf32, #tpu.memory_space<hbm>>) target_semaphore(%arg10 : memref<!tpu.dma_semaphore, #tpu.memory_space<semaphore_mem>>)
      %dma_wait3A_762 = arith.constant 0 : i32
      %dma_wait3A_763 = arith.constant 0 : i32
      %dma_wait3A_764 = arith.constant 0 : i32
      %dma_wait3A_765 = tpu.memref_slice %arg6[%dma_wait3A_762, %dma_wait3A_763, %dma_wait3A_764] : memref<2x8x1024xi32, #tpu.memory_space<vmem>> -> memref<1x2x1024xi32, #tpu.memory_space<vmem>>
      %dma_wait3A_766 = tpu.memref_squeeze %dma_wait3A_765 : memref<1x2x1024xi32, #tpu.memory_space<vmem>> -> memref<2x1024xi32, #tpu.memory_space<vmem>>
      %dma_wait3A_767 = arith.constant 48 : i32
      %dma_wait3A_768 = arith.constant 0 : i32
      %dma_wait3A_769 = tpu.memref_slice %arg2[%scan3A_31, %dma_wait3A_767, %dma_wait3A_768] : memref<26x50x1024xi32, #tpu.memory_space<hbm>> -> memref<1x2x1024xi32, #tpu.memory_space<hbm>>
      %dma_wait3A_770 = tpu.memref_squeeze %dma_wait3A_769 : memref<1x2x1024xi32, #tpu.memory_space<hbm>> -> memref<2x1024xi32, #tpu.memory_space<hbm>>
      %dma_wait3A_771 = arith.constant 0 : i32
      %dma_wait3A_772 = arith.constant 0 : i32
      %dma_wait3A_773 = tpu.memref_slice %arg6[%dma_wait3A_762, %dma_wait3A_771, %dma_wait3A_772] : memref<2x8x1024xi32, #tpu.memory_space<vmem>> -> memref<1x2x1024xi32, #tpu.memory_space<vmem>>
      %dma_wait3A_774 = tpu.memref_squeeze %dma_wait3A_773 : memref<1x2x1024xi32, #tpu.memory_space<vmem>> -> memref<2x1024xi32, #tpu.memory_space<vmem>>
      %dma_wait3A_775 = arith.constant 48 : i32
      %dma_wait3A_776 = arith.constant 0 : i32
      %dma_wait3A_777 = tpu.memref_slice %arg2[%scan3A_31, %dma_wait3A_775, %dma_wait3A_776] : memref<26x50x1024xi32, #tpu.memory_space<hbm>> -> memref<1x2x1024xi32, #tpu.memory_space<hbm>>
      %dma_wait3A_778 = tpu.memref_squeeze %dma_wait3A_777 : memref<1x2x1024xi32, #tpu.memory_space<hbm>> -> memref<2x1024xi32, #tpu.memory_space<hbm>>
      tpu.wait_dma2 semaphore(%arg9 : memref<!tpu.dma_semaphore, #tpu.memory_space<semaphore_mem>>) src(%dma_wait3A_778 : memref<2x1024xi32, #tpu.memory_space<hbm>>) dst(%dma_wait3A_774 : memref<2x1024xi32, #tpu.memory_space<vmem>>)
      %dma_wait3A_779 = arith.constant 0 : i32
      %dma_wait3A_780 = arith.constant 0 : i32
      %dma_wait3A_781 = arith.constant 0 : i32
      %dma_wait3A_782 = tpu.memref_slice %arg7[%dma_wait3A_779, %dma_wait3A_780, %dma_wait3A_781] : memref<2x4x1024xf32, #tpu.memory_space<vmem>> -> memref<1x4x1024xf32, #tpu.memory_space<vmem>>
      %dma_wait3A_783 = tpu.memref_squeeze %dma_wait3A_782 : memref<1x4x1024xf32, #tpu.memory_space<vmem>> -> memref<4x1024xf32, #tpu.memory_space<vmem>>
      %dma_wait3A_784 = arith.constant 40 : i32
      %dma_wait3A_785 = arith.constant 0 : i32
      %dma_wait3A_786 = tpu.memref_slice %arg4[%dma_wait3A_784, %add3A_35, %dma_wait3A_785] : memref<50x832x1024xf32, #tpu.memory_space<hbm>> -> memref<4x1x1024xf32, #tpu.memory_space<hbm>>
      %dma_wait3A_787 = tpu.memref_squeeze %dma_wait3A_786 : memref<4x1x1024xf32, #tpu.memory_space<hbm>> -> memref<4x1024xf32, #tpu.memory_space<hbm>>
      %dma_wait3A_788 = arith.constant 40 : i32
      %dma_wait3A_789 = arith.constant 0 : i32
      %dma_wait3A_790 = tpu.memref_slice %arg4[%dma_wait3A_788, %add3A_35, %dma_wait3A_789] : memref<50x832x1024xf32, #tpu.memory_space<hbm>> -> memref<4x1x1024xf32, #tpu.memory_space<hbm>>
      %dma_wait3A_791 = tpu.memref_squeeze %dma_wait3A_790 : memref<4x1x1024xf32, #tpu.memory_space<hbm>> -> memref<4x1024xf32, #tpu.memory_space<hbm>>
      %dma_wait3A_792 = arith.constant 0 : i32
      %dma_wait3A_793 = arith.constant 0 : i32
      %dma_wait3A_794 = tpu.memref_slice %arg7[%dma_wait3A_779, %dma_wait3A_792, %dma_wait3A_793] : memref<2x4x1024xf32, #tpu.memory_space<vmem>> -> memref<1x4x1024xf32, #tpu.memory_space<vmem>>
      %dma_wait3A_795 = tpu.memref_squeeze %dma_wait3A_794 : memref<1x4x1024xf32, #tpu.memory_space<vmem>> -> memref<4x1024xf32, #tpu.memory_space<vmem>>
      tpu.wait_dma2 semaphore(%arg10 : memref<!tpu.dma_semaphore, #tpu.memory_space<semaphore_mem>>) src(%dma_wait3A_795 : memref<4x1024xf32, #tpu.memory_space<vmem>>) dst(%dma_wait3A_791 : memref<4x1024xf32, #tpu.memory_space<hbm>>)
      %parallel_loop3A_796 = arith.constant 0 : i32
      %parallel_loop3A_797 = arith.constant 1024 : i32
      %parallel_loop3A_798 = arith.constant 16 : i32
      scf.for %parallel_loop3A_858 = %parallel_loop3A_796 to %parallel_loop3A_797 step %parallel_loop3A_798  : i32 {
        %parallel_loop3A_859 = arith.constant 0 : i32
        %parallel_loop3A_860 = arith.constant 0 : i32
        %parallel_loop3A_861 = arith.index_cast %parallel_loop3A_859 : i32 to index
        %parallel_loop3A_862 = arith.index_cast %parallel_loop3A_860 : i32 to index
        %parallel_loop3A_863 = arith.index_cast %parallel_loop3A_858 : i32 to index
        %parallel_loop3A_864 = tpu.vector_load %arg6[%parallel_loop3A_861, %parallel_loop3A_862, %parallel_loop3A_863] {strides = array<i32>} : memref<2x8x1024xi32, #tpu.memory_space<vmem>>, vector<16xi32>,
        %parallel_loop3A_865 = tpu.vector_load_idx %arg5[%parallel_loop3A_864] : memref<100000xf32, #tpu.memory_space<vmem>>[vector<16xi32>], vector<16xf32>,
        %parallel_loop3A_866 = arith.constant 0 : i32
        %parallel_loop3A_867 = arith.constant 0 : i32
        %parallel_loop3A_868 = arith.index_cast %parallel_loop3A_866 : i32 to index
        %parallel_loop3A_869 = arith.index_cast %parallel_loop3A_867 : i32 to index
        %parallel_loop3A_870 = arith.index_cast %parallel_loop3A_858 : i32 to index
        %parallel_loop3A_871 = tpu.vector_load %arg7[%parallel_loop3A_868, %parallel_loop3A_869, %parallel_loop3A_870] {strides = array<i32>} : memref<2x4x1024xf32, #tpu.memory_space<vmem>>, vector<16xf32>,
        tpu.vector_store %arg7[%parallel_loop3A_868, %parallel_loop3A_869, %parallel_loop3A_870], %parallel_loop3A_865 {strides = array<i32>} : memref<2x4x1024xf32, #tpu.memory_space<vmem>>, vector<16xf32>,
      } {sc.loop_unroll_factor = 8 : i64, sc.parallel_access}
      %parallel_loop3A_799 = arith.constant 0 : i32
      %parallel_loop3A_800 = arith.constant 1024 : i32
      %parallel_loop3A_801 = arith.constant 16 : i32
      scf.for %parallel_loop3A_858 = %parallel_loop3A_799 to %parallel_loop3A_800 step %parallel_loop3A_801  : i32 {
        %parallel_loop3A_859 = arith.constant 0 : i32
        %parallel_loop3A_860 = arith.constant 1 : i32
        %parallel_loop3A_861 = arith.index_cast %parallel_loop3A_859 : i32 to index
        %parallel_loop3A_862 = arith.index_cast %parallel_loop3A_860 : i32 to index
        %parallel_loop3A_863 = arith.index_cast %parallel_loop3A_858 : i32 to index
        %parallel_loop3A_864 = tpu.vector_load %arg6[%parallel_loop3A_861, %parallel_loop3A_862, %parallel_loop3A_863] {strides = array<i32>} : memref<2x8x1024xi32, #tpu.memory_space<vmem>>, vector<16xi32>,
        %parallel_loop3A_865 = tpu.vector_load_idx %arg5[%parallel_loop3A_864] : memref<100000xf32, #tpu.memory_space<vmem>>[vector<16xi32>], vector<16xf32>,
        %parallel_loop3A_866 = arith.constant 0 : i32
        %parallel_loop3A_867 = arith.constant 1 : i32
        %parallel_loop3A_868 = arith.index_cast %parallel_loop3A_866 : i32 to index
        %parallel_loop3A_869 = arith.index_cast %parallel_loop3A_867 : i32 to index
        %parallel_loop3A_870 = arith.index_cast %parallel_loop3A_858 : i32 to index
        %parallel_loop3A_871 = tpu.vector_load %arg7[%parallel_loop3A_868, %parallel_loop3A_869, %parallel_loop3A_870] {strides = array<i32>} : memref<2x4x1024xf32, #tpu.memory_space<vmem>>, vector<16xf32>,
        tpu.vector_store %arg7[%parallel_loop3A_868, %parallel_loop3A_869, %parallel_loop3A_870], %parallel_loop3A_865 {strides = array<i32>} : memref<2x4x1024xf32, #tpu.memory_space<vmem>>, vector<16xf32>,
      } {sc.loop_unroll_factor = 8 : i64, sc.parallel_access}
      %dma_start3A_802 = arith.constant 0 : i32
      %dma_start3A_803 = arith.constant 0 : i32
      %dma_start3A_804 = arith.constant 0 : i32
      %dma_start3A_805 = tpu.memref_slice %arg7[%dma_start3A_802, %dma_start3A_803, %dma_start3A_804] : memref<2x4x1024xf32, #tpu.memory_space<vmem>> -> memref<1x2x1024xf32, #tpu.memory_space<vmem>>
      %dma_start3A_806 = tpu.memref_squeeze %dma_start3A_805 : memref<1x2x1024xf32, #tpu.memory_space<vmem>> -> memref<2x1024xf32, #tpu.memory_space<vmem>>
      %dma_start3A_807 = arith.constant 48 : i32
      %dma_start3A_808 = arith.constant 0 : i32
      %dma_start3A_809 = tpu.memref_slice %arg4[%dma_start3A_807, %add3A_35, %dma_start3A_808] : memref<50x832x1024xf32, #tpu.memory_space<hbm>> -> memref<2x1x1024xf32, #tpu.memory_space<hbm>>
      %dma_start3A_810 = tpu.memref_squeeze %dma_start3A_809 : memref<2x1x1024xf32, #tpu.memory_space<hbm>> -> memref<2x1024xf32, #tpu.memory_space<hbm>>
      %dma_start3A_811 = arith.constant 48 : i32
      %dma_start3A_812 = arith.constant 0 : i32
      %dma_start3A_813 = tpu.memref_slice %arg4[%dma_start3A_811, %add3A_35, %dma_start3A_812] : memref<50x832x1024xf32, #tpu.memory_space<hbm>> -> memref<2x1x1024xf32, #tpu.memory_space<hbm>>
      %dma_start3A_814 = tpu.memref_squeeze %dma_start3A_813 : memref<2x1x1024xf32, #tpu.memory_space<hbm>> -> memref<2x1024xf32, #tpu.memory_space<hbm>>
      %dma_start3A_815 = arith.constant 0 : i32
      %dma_start3A_816 = arith.constant 0 : i32
      %dma_start3A_817 = tpu.memref_slice %arg7[%dma_start3A_802, %dma_start3A_815, %dma_start3A_816] : memref<2x4x1024xf32, #tpu.memory_space<vmem>> -> memref<1x2x1024xf32, #tpu.memory_space<vmem>>
      %dma_start3A_818 = tpu.memref_squeeze %dma_start3A_817 : memref<1x2x1024xf32, #tpu.memory_space<vmem>> -> memref<2x1024xf32, #tpu.memory_space<vmem>>
      tpu.enqueue_dma source(%dma_start3A_818 : memref<2x1024xf32, #tpu.memory_space<vmem>>) target(%dma_start3A_814 : memref<2x1024xf32, #tpu.memory_space<hbm>>) target_semaphore(%arg10 : memref<!tpu.dma_semaphore, #tpu.memory_space<semaphore_mem>>)
      %add3A_819 = arith.constant 1 : i32
      %add3A_820 = arith.addi %scan3A_31, %add3A_819 : i32
      %lt3A = arith.constant 26 : i32
      %lt3A_821 = arith.cmpi slt, %add3A_820, %lt3A : i32
      %convert_element_type3A = arith.extui %lt3A_821 : i1 to i32
      %cond3A = arith.constant 0 : i32
      %cond3A_822 = arith.cmpi ne, %convert_element_type3A, %cond3A : i32
      scf.if %cond3A_822 {
        %add3A_858 = arith.constant 1 : i32
        %add3A_859 = arith.addi %scan3A_31, %add3A_858 : i32
        %dma_start3A_860 = arith.constant 0 : i32
        %dma_start3A_861 = tpu.memref_slice %arg3[%add3A_859, %add3A, %dma_start3A_860] : memref<26x32x100000xf32, #tpu.memory_space<hbm>> -> memref<1x1x100000xf32, #tpu.memory_space<hbm>>
        %dma_start3A_862 = tpu.memref_squeeze %dma_start3A_861 : memref<1x1x100000xf32, #tpu.memory_space<hbm>> -> memref<100000xf32, #tpu.memory_space<hbm>>
        %dma_start3A_863 = arith.constant 0 : i32
        %dma_start3A_864 = tpu.memref_slice %arg3[%add3A_859, %add3A, %dma_start3A_863] : memref<26x32x100000xf32, #tpu.memory_space<hbm>> -> memref<1x1x100000xf32, #tpu.memory_space<hbm>>
        %dma_start3A_865 = tpu.memref_squeeze %dma_start3A_864 : memref<1x1x100000xf32, #tpu.memory_space<hbm>> -> memref<100000xf32, #tpu.memory_space<hbm>>
        tpu.enqueue_dma source(%dma_start3A_865 : memref<100000xf32, #tpu.memory_space<hbm>>) target(%arg5 : memref<100000xf32, #tpu.memory_space<vmem>>) target_semaphore(%arg8 : memref<!tpu.dma_semaphore, #tpu.memory_space<semaphore_mem>>)
        %add3A_866 = arith.constant 1 : i32
        %add3A_867 = arith.addi %scan3A_31, %add3A_866 : i32
        %dma_start3A_868 = arith.constant 0 : i32
        %dma_start3A_869 = arith.constant 0 : i32
        %dma_start3A_870 = arith.constant 0 : i32
        %dma_start3A_871 = tpu.memref_slice %arg6[%dma_start3A_868, %dma_start3A_869, %dma_start3A_870] : memref<2x8x1024xi32, #tpu.memory_space<vmem>> -> memref<1x8x1024xi32, #tpu.memory_space<vmem>>
        %dma_start3A_872 = tpu.memref_squeeze %dma_start3A_871 : memref<1x8x1024xi32, #tpu.memory_space<vmem>> -> memref<8x1024xi32, #tpu.memory_space<vmem>>
        %dma_start3A_873 = arith.constant 0 : i32
        %dma_start3A_874 = arith.constant 0 : i32
        %dma_start3A_875 = tpu.memref_slice %arg2[%add3A_867, %dma_start3A_873, %dma_start3A_874] : memref<26x50x1024xi32, #tpu.memory_space<hbm>> -> memref<1x8x1024xi32, #tpu.memory_space<hbm>>
        %dma_start3A_876 = tpu.memref_squeeze %dma_start3A_875 : memref<1x8x1024xi32, #tpu.memory_space<hbm>> -> memref<8x1024xi32, #tpu.memory_space<hbm>>
        %dma_start3A_877 = arith.constant 0 : i32
        %dma_start3A_878 = arith.constant 0 : i32
        %dma_start3A_879 = tpu.memref_slice %arg6[%dma_start3A_868, %dma_start3A_877, %dma_start3A_878] : memref<2x8x1024xi32, #tpu.memory_space<vmem>> -> memref<1x8x1024xi32, #tpu.memory_space<vmem>>
        %dma_start3A_880 = tpu.memref_squeeze %dma_start3A_879 : memref<1x8x1024xi32, #tpu.memory_space<vmem>> -> memref<8x1024xi32, #tpu.memory_space<vmem>>
        %dma_start3A_881 = arith.constant 0 : i32
        %dma_start3A_882 = arith.constant 0 : i32
        %dma_start3A_883 = tpu.memref_slice %arg2[%add3A_867, %dma_start3A_881, %dma_start3A_882] : memref<26x50x1024xi32, #tpu.memory_space<hbm>> -> memref<1x8x1024xi32, #tpu.memory_space<hbm>>
        %dma_start3A_884 = tpu.memref_squeeze %dma_start3A_883 : memref<1x8x1024xi32, #tpu.memory_space<hbm>> -> memref<8x1024xi32, #tpu.memory_space<hbm>>
        tpu.enqueue_dma source(%dma_start3A_884 : memref<8x1024xi32, #tpu.memory_space<hbm>>) target(%dma_start3A_880 : memref<8x1024xi32, #tpu.memory_space<vmem>>) target_semaphore(%arg9 : memref<!tpu.dma_semaphore, #tpu.memory_space<semaphore_mem>>)
      } else {
      }
      %dma_wait3A_823 = arith.constant 1 : i32
      %dma_wait3A_824 = arith.constant 0 : i32
      %dma_wait3A_825 = arith.constant 0 : i32
      %dma_wait3A_826 = tpu.memref_slice %arg7[%dma_wait3A_823, %dma_wait3A_824, %dma_wait3A_825] : memref<2x4x1024xf32, #tpu.memory_space<vmem>> -> memref<1x4x1024xf32, #tpu.memory_space<vmem>>
      %dma_wait3A_827 = tpu.memref_squeeze %dma_wait3A_826 : memref<1x4x1024xf32, #tpu.memory_space<vmem>> -> memref<4x1024xf32, #tpu.memory_space<vmem>>
      %dma_wait3A_828 = arith.constant 44 : i32
      %dma_wait3A_829 = arith.constant 0 : i32
      %dma_wait3A_830 = tpu.memref_slice %arg4[%dma_wait3A_828, %add3A_35, %dma_wait3A_829] : memref<50x832x1024xf32, #tpu.memory_space<hbm>> -> memref<4x1x1024xf32, #tpu.memory_space<hbm>>
      %dma_wait3A_831 = tpu.memref_squeeze %dma_wait3A_830 : memref<4x1x1024xf32, #tpu.memory_space<hbm>> -> memref<4x1024xf32, #tpu.memory_space<hbm>>
      %dma_wait3A_832 = arith.constant 44 : i32
      %dma_wait3A_833 = arith.constant 0 : i32
      %dma_wait3A_834 = tpu.memref_slice %arg4[%dma_wait3A_832, %add3A_35, %dma_wait3A_833] : memref<50x832x1024xf32, #tpu.memory_space<hbm>> -> memref<4x1x1024xf32, #tpu.memory_space<hbm>>
      %dma_wait3A_835 = tpu.memref_squeeze %dma_wait3A_834 : memref<4x1x1024xf32, #tpu.memory_space<hbm>> -> memref<4x1024xf32, #tpu.memory_space<hbm>>
      %dma_wait3A_836 = arith.constant 0 : i32
      %dma_wait3A_837 = arith.constant 0 : i32
      %dma_wait3A_838 = tpu.memref_slice %arg7[%dma_wait3A_823, %dma_wait3A_836, %dma_wait3A_837] : memref<2x4x1024xf32, #tpu.memory_space<vmem>> -> memref<1x4x1024xf32, #tpu.memory_space<vmem>>
      %dma_wait3A_839 = tpu.memref_squeeze %dma_wait3A_838 : memref<1x4x1024xf32, #tpu.memory_space<vmem>> -> memref<4x1024xf32, #tpu.memory_space<vmem>>
      tpu.wait_dma2 semaphore(%arg10 : memref<!tpu.dma_semaphore, #tpu.memory_space<semaphore_mem>>) src(%dma_wait3A_839 : memref<4x1024xf32, #tpu.memory_space<vmem>>) dst(%dma_wait3A_835 : memref<4x1024xf32, #tpu.memory_space<hbm>>)
      %dma_wait3A_840 = arith.constant 0 : i32
      %dma_wait3A_841 = arith.constant 0 : i32
      %dma_wait3A_842 = arith.constant 0 : i32
      %dma_wait3A_843 = tpu.memref_slice %arg7[%dma_wait3A_840, %dma_wait3A_841, %dma_wait3A_842] : memref<2x4x1024xf32, #tpu.memory_space<vmem>> -> memref<1x2x1024xf32, #tpu.memory_space<vmem>>
      %dma_wait3A_844 = tpu.memref_squeeze %dma_wait3A_843 : memref<1x2x1024xf32, #tpu.memory_space<vmem>> -> memref<2x1024xf32, #tpu.memory_space<vmem>>
      %dma_wait3A_845 = arith.constant 48 : i32
      %dma_wait3A_846 = arith.constant 0 : i32
      %dma_wait3A_847 = tpu.memref_slice %arg4[%dma_wait3A_845, %add3A_35, %dma_wait3A_846] : memref<50x832x1024xf32, #tpu.memory_space<hbm>> -> memref<2x1x1024xf32, #tpu.memory_space<hbm>>
      %dma_wait3A_848 = tpu.memref_squeeze %dma_wait3A_847 : memref<2x1x1024xf32, #tpu.memory_space<hbm>> -> memref<2x1024xf32, #tpu.memory_space<hbm>>
      %dma_wait3A_849 = arith.constant 48 : i32
      %dma_wait3A_850 = arith.constant 0 : i32
      %dma_wait3A_851 = tpu.memref_slice %arg4[%dma_wait3A_849, %add3A_35, %dma_wait3A_850] : memref<50x832x1024xf32, #tpu.memory_space<hbm>> -> memref<2x1x1024xf32, #tpu.memory_space<hbm>>
      %dma_wait3A_852 = tpu.memref_squeeze %dma_wait3A_851 : memref<2x1x1024xf32, #tpu.memory_space<hbm>> -> memref<2x1024xf32, #tpu.memory_space<hbm>>
      %dma_wait3A_853 = arith.constant 0 : i32
      %dma_wait3A_854 = arith.constant 0 : i32
      %dma_wait3A_855 = tpu.memref_slice %arg7[%dma_wait3A_840, %dma_wait3A_853, %dma_wait3A_854] : memref<2x4x1024xf32, #tpu.memory_space<vmem>> -> memref<1x2x1024xf32, #tpu.memory_space<vmem>>
      %dma_wait3A_856 = tpu.memref_squeeze %dma_wait3A_855 : memref<1x2x1024xf32, #tpu.memory_space<vmem>> -> memref<2x1024xf32, #tpu.memory_space<vmem>>
      tpu.wait_dma2 semaphore(%arg10 : memref<!tpu.dma_semaphore, #tpu.memory_space<semaphore_mem>>) src(%dma_wait3A_856 : memref<2x1024xf32, #tpu.memory_space<vmem>>) dst(%dma_wait3A_852 : memref<2x1024xf32, #tpu.memory_space<hbm>>)
      %scan3A_857 = arith.constant 0 : i32
      scf.yield %scan3A_857 : i32
    }
    %scan3A_30 = arith.constant 26 : i32
    return
  }
}

</mosaic_0001>

<sc_bundles>
// kernel: kernel.3.cloned.1.call-start
scs
__scs_entry_jumppad:
0x0: {  	(pc) =	sbr.rel $0x88, $3  }
0x1: {  	(tag) =	ssettag $0x0;
	lr =	simm.s32 $0x1  }
0x2: {  	[smem:$0x3F9F] =	sst lr;
	_ =	strace $0xD0000000  }
0x3: {  	_ = 	snop  }
0x4: {  	_ = 	snop  }
0x5: {  	_ = 	snop  }
0x6: {  	_ = 	snop  }
0x7: {  	_ = 	snop  }
__scs_overlays_trampoline_lowered:
0x8: {  	[smem:$0x3FAE] =	sst s0  }
0x9: {  	[smem:$0x3FAF] =	sst s1  }
0xa: {  	[smem:$0x3FB0] =	sst s2  }
0xb: {  	[smem:$0x3FB1] =	sst s3  }
0xc: {  	[smem:$0x3FB2] =	sst s4  }
0xd: {  	[smem:$0x3FB3] =	sst s5  }
0xe: {  	[smem:$0x3FB4] =	sst s6  }
0xf: {  	[smem:$0x3FB5] =	sst s7  }
0x10: {  	[smem:$0x3FB6] =	sst s8  }
0x11: {  	[smem:$0x3FB7] =	sst s9;
	s0 =	simm.s32 @!p0 $0x0  }
0x12: {  	s1 =	sld [smem:$0x3F9D];
	s0 =	simm.s32 @p0 $0x1  }
0x13: {  	[smem:$0x3FB8] =	sst s0;
	s0 =	simm.s32 @!p1 $0x0  }
0x14: {  	s2 =	sld [smem:$0x3F9C];
	s0 =	simm.s32 @p1 $0x1  }
0x15: {  	[smem:$0x3FB9] =	sst s0;
	s0 =	simm.s32 @!p2 $0x0  }
0x16: {  	s3 =	sld [smem:$0x3FDB];
	s0 =	simm.s32 @p2 $0x1  }
0x17: {  	s4 =	simm.s32 $0x1BF5;
	[smem:$0x3FBB] =	sst s0  }
0x18: {  	s0 =	sld [smem:$0x3F9E];
	_ =	swait.ge [sflag:s4], $0x0  }
0x19: {  	s7 =	sld [smem:$0x3F9F]  }
0x1a: {  	s8 =	sadd.s32 $0xFFFFE003, lr  }
0x1b: {  	s9 =	sadd.s32 $0xFFFFFEF7, lr;
	s5 =	simm.s32 $0xFFFFFFFF;
	p2 =	slt.u32 s8, $0xFFFFF086  }
0x1c: {  	p1 =	slt.u32 s9, $0xF7A;
	s5 =	simm.s32 @!p2 $0x0  }
0x1d: {  	s5 =	simm.s32 @p1 $0x1;
	p0 =	seq.s32 s7, s2  }
0x1e: {  	s7 =	smul.u32 @!p0 $0xF7A, s2;
	p2 =	seq.s32 @!p0 s5, $0x0  }
0x1f: {  	s9 =	smul.u32 $0xF7A, s1;
	s8 =	simm.s32 @!p0 $0x1BF5;
	p2 =	por !p2, p0  }
0x20: {  	[sflag:s8] =	ssyncset.s32 @!p0 $0xFFFFF086;
	s6 =	sadd.s32 @!p0 s3, s7;
	s7 =	simm.s32 @!p0 $0x108  }
0x21: {  	s3 =	sadd.s32 s3, s9;
	s6 =	sadd.s32 @!p0 $0x88, s6;
	s7 =	simm.s32 @p2 $0x1082  }
0x22: {  	[simem:s7], [sflag:s8] =	dma.local @!p0 [hbm:s6], $0xF7A  }
0x23: {  	s9 =	sor.u32 $0xD0000000, s2;
	s6 =	simm.s32 $0x108;
	_ =	swait.ge @!p0 [sflag:s8], $0x0  }
0x24: {  	s3 =	sadd.s32 $0x88, s3;
	s6 =	simm.s32 @!p1 $0x1082;
	[sflag:s4] =	ssyncset.s32 $0xFFFFF086  }
0x25: {  	[simem:s6], [sflag:s4] =	dma.local [hbm:s3], $0xF7A  }
0x26: {  	[smem:$0x3F9F] =	sst s1;
	(tag) =	ssettag s2;
	_ =	strace s9  }
0x27: {  	s1 =	sld [smem:$0x3FAF]  }
0x28: {  	s2 =	sld [smem:$0x3FB0]  }
0x29: {  	s4 =	sld [smem:$0x3FB2]  }
0x2a: {  	p0 =	seq.s32 s5, $0x0;
	s5 =	sld [smem:$0x3FB3]  }
0x2b: {  	s6 =	sld [smem:$0x3FB4]  }
0x2c: {  	s7 =	sld [smem:$0x3FB5]  }
0x2d: {  	s3 =	simm.s32 $0x108;
	s8 =	sld [smem:$0x3FB6]  }
0x2e: {  	s3 =	simm.s32 @!p0 $0x1082;
	s9 =	sld [smem:$0x3FB7]  }
0x2f: {  	lr =	sadd.s32 s0, s3;
	s0 =	sld [smem:$0x3FAE]  }
0x30: {  	s3 =	sld [smem:$0x3FB1]  }
0x31: {  	[smem:$0x3FBA] =	sst s10  }
0x32: {  	s10 =	sld [smem:$0x3FB8];
	_ =	sdelay $0x3  }
0x33: {  	p0 =	seq.s32 s10, $0x1;
	s10 =	sld [smem:$0x3FBA];
	_ =	sdelay $0x3  }
0x34: {  	[smem:$0x3FBA] =	sst s10  }
0x35: {  	s10 =	sld [smem:$0x3FB9];
	_ =	sdelay $0x3  }
0x36: {  	p1 =	seq.s32 s10, $0x1;
	s10 =	sld [smem:$0x3FBA];
	_ =	sdelay $0x3  }
0x37: {  	[smem:$0x3FBA] =	sst s10  }
0x38: {  	s10 =	sld [smem:$0x3FBB]  }
0x39: {  	_ = 	snop;
	(pc) =	sbr.ind lr, $3  }
0x3a: {  	_ = 	snop  }
0x3b: {  	_ = 	snop  }
0x3c: {  	p2 =	seq.s32 s10, $0x1;
	s10 =	sld [smem:$0x3FBA]  }
0x3d: {  	_ =	shalt  }
0x3e: {  	_ =	shalt  }
0x3f: {  	_ =	shalt  }
0x40: {  	_ =	shalt  }
0x41: {  	_ =	shalt  }
0x42: {  	_ =	shalt  }
0x43: {  	_ =	shalt  }
0x44: {  	_ =	shalt  }
0x45: {  	_ =	shalt  }
0x46: {  	_ =	shalt  }
0x47: {  	_ =	shalt  }
0x48: {  	_ =	shalt  }
0x49: {  	_ =	shalt  }
0x4a: {  	_ =	shalt  }
0x4b: {  	_ =	shalt  }
0x4c: {  	_ =	shalt  }
0x4d: {  	_ =	shalt  }
0x4e: {  	_ =	shalt  }
0x4f: {  	_ =	shalt  }
0x50: {  	_ =	shalt  }
0x51: {  	_ =	shalt  }
0x52: {  	_ =	shalt  }
0x53: {  	_ =	shalt  }
0x54: {  	_ =	shalt  }
0x55: {  	_ =	shalt  }
0x56: {  	_ =	shalt  }
0x57: {  	_ =	shalt  }
0x58: {  	_ =	shalt  }
0x59: {  	_ =	shalt  }
0x5a: {  	_ =	shalt  }
0x5b: {  	_ =	shalt  }
0x5c: {  	_ =	shalt  }
0x5d: {  	_ =	shalt  }
0x5e: {  	_ =	shalt  }
0x5f: {  	_ =	shalt  }
0x60: {  	_ =	shalt  }
0x61: {  	_ =	shalt  }
0x62: {  	_ =	shalt  }
0x63: {  	_ =	shalt  }
0x64: {  	_ =	shalt  }
0x65: {  	_ =	shalt  }
0x66: {  	_ =	shalt  }
0x67: {  	_ =	shalt  }
0x68: {  	_ =	shalt  }
0x69: {  	_ =	shalt  }
0x6a: {  	_ =	shalt  }
0x6b: {  	_ =	shalt  }
0x6c: {  	_ =	shalt  }
0x6d: {  	_ =	shalt  }
0x6e: {  	_ =	shalt  }
0x6f: {  	_ =	shalt  }
0x70: {  	_ =	shalt  }
0x71: {  	_ =	shalt  }
0x72: {  	_ =	shalt  }
0x73: {  	_ =	shalt  }
0x74: {  	_ =	shalt  }
0x75: {  	_ =	shalt  }
0x76: {  	_ =	shalt  }
0x77: {  	_ =	shalt  }
0x78: {  	_ =	shalt  }
0x79: {  	_ =	shalt  }
0x7a: {  	_ =	shalt  }
0x7b: {  	_ =	shalt  }
0x7c: {  	_ =	shalt  }
0x7d: {  	_ =	shalt  }
0x7e: {  	_ =	shalt  }
0x7f: {  	_ =	shalt  }
0x80: {  	_ =	shalt  }
0x81: {  	_ =	shalt  }
0x82: {  	_ =	shalt  }
0x83: {  	_ =	shalt  }
0x84: {  	_ =	shalt  }
0x85: {  	_ =	shalt  }
0x86: {  	_ =	shalt  }
0x87: {  	_ =	shalt  }
.Lfunc_end0:
.L_simem_size_0:
called_computation_lowered:
.L_overlay_start_0:
0x88: {  	s2 =	sld [smem:$0x3FD9]  }
0x89: {  	s3 =	sld [smem:$0x3FFE];
	_ =	sdelay $0x1  }
0x8a: {  	s1 =	srdreg.scid  }
0x8b: {  	s0 =	sand.u32 $0x1, s1  }
0x8c: {  	s18 =	sshll.u32 s0, $0xA;
	s2 =	sadd.s32 s3, s2  }
0x8d: {  	s2 =	sadd.s32 s2, s18  }
0x8e: {  	[smem:$0x3FC6] =	sst s2  }
0x8f: {  	_ = 	snop  }
0x90: {  	s2 =	sld [smem:$0x3FC9]  }
0x91: {  	s19 =	sld [smem:$0x3FC8]  }
0x92: {  	s4 =	sld [smem:$0x3FD0];
	(tm) =	ssettm $0x1  }
0x93: {  	s5 =	sld [smem:$0x3FFB];
	_ =	sdelay $0x3  }
0x94: {  	_ =	strace s5  }
0x95: {  	s5 =	sld [smem:$0x3FFC];
	_ =	sdelay $0x3  }
0x96: {  	_ =	strace s5  }
0x97: {  	s5 =	sld [smem:$0x3FFD];
	_ =	sdelay $0x3  }
0x98: {  	_ =	strace s5  }
0x99: {  	_ =	strace $0x8FFFFFFF  }
0x9a: {  	s20 =	sld [smem:$0x3FDB];
	_ =	sdelay $0x1  }
0x9b: {  	s6 =	simm.s32 $_scs_section_size  }
0x9c: {  	s7 =	simm.s32 $_size__tile_overlayer_lowered;
	s8 =	simm.s32 $_tile_overlayer_lowered  }
0x9d: {  	s23 =	simm.s32 $0x1BFF;
	s22 =	sshll.u32 s8, $0x1;
	s5 =	sadd.s32 s6, s20  }
0x9e: {  	s9 =	simm.s32 $0x0;
	s21 =	sshll.u32 s7, $0x1;
	s7 =	sadd.s32 s22, s5  }
0x9f: {  	[timem:s9], [sflag:s23] =	dma.local [hbm:s7], s21  }
0xa0: {  	_ =	swait.ge [sflag:s23], s21  }
0xa1: {  	s6 =	ssub.s32 $0x0, s21;
	[sflag:s23] =	ssyncset.done $0x0  }
0xa2: {  	[sflag:s23] =	ssyncadd.s32 s6;
	_ =	sdelay $0x1  }
0xa3: {  	s24 =	simm.s32 $0x1B8B  }
0xa4: {  	_ =	swait.ge [sflag:s24], $0x1  }
0xa5: {  	[sflag:s24] =	ssyncset.done $0x0  }
0xa6: {  	s25 =	simm.s32 $0x1B8E;
	[sflag:s24] =	ssyncadd.s32 $0xFFFFFFFF  }
0xa7: {  	s26 =	simm.s32 $execute0_lowered;
	[smem:$0x3FD2] =	sst s25  }
0xa8: {  	s6 =	sshll.u32 s26, $0x1;
	_ =	strace $0x80000046;
	[dreg:$0x1] =	wrdreg $0xFFFFFFFF  }
0xa9: {  	s28 =	simm.s32 $_size_execute0_lowered;
	s5 =	sadd.s32 s5, s6;
	[dreg:$0x0] =	wrdreg $0x0  }
0xaa: {  	s6 =	sshll.u32 s28, $0x1;
	[dreg:$0x2] =	wrdreg s5  }
0xab: {  	[dreg:$0x3] =	wrdreg s6  }
0xac: {  	[dreg:$0x4] =	wrdreg $0xC0  }
0xad: {  	_ =	task [dreg:s9], $0x5FFFF  }
0xae: {  	[dreg:$0x1] =	wrdreg $0xFFFFFFFF  }
0xaf: {  	[dreg:$0x0] =	wrdreg $0x60  }
0xb0: {  	[dreg:$0x2] =	wrdreg s2  }
0xb1: {  	[dreg:$0x3] =	wrdreg s19  }
0xb2: {  	[dreg:$0x4] =	wrdreg s4  }
0xb3: {  	[dreg:$0x5] =	wrdreg $0x9  }
0xb4: {  	_ =	task.clear_ibuf [dreg:s9], $0x6FFFF;
	_ =	strace $0x90000046  }
0xb5: {  	s29 =	simm.s32 $0x9;
	_ =	strace $0x80000048  }
0xb6: {  	_ =	swait.ge [sflag:s29], $0x1  }
0xb7: {  	[sflag:s29] =	ssyncadd.s32 $0xFFFFFFFF  }
0xb8: {  	_ =	strace $0x90000048  }
0xb9: {  	_ =	sfence  }
0xba: {  	s30 =	sld [smem:$0x0];
	_ =	sdelay $0x2  }
0xbb: {  	s31 =	sshll.u32 s1, $0xD;
	s1 =	sshrl.u32 s1, $0x2  }
0xbc: {  	s3 =	sand.u32 $0x4000, s31;
	s1 =	sadd.s32 s1, s30  }
0xbd: {  	s0 =	sor.u32 s3, s0;
	s1 =	sshll.u32 s1, $0x11  }
0xbe: {  	s0 =	sor.u32 s1, s0  }
0xbf: {  	s0 =	sadd.s32 $0x8F2B, s0  }
0xc0: {  	[sflag:s0] =	ssyncadd.remote.s32 $0x1  }
0xc1: {  	_ =	sfence.sel $0xFFFF  }
0xc2: {  	[dreg:$0x0] =	wrdreg $0xFFFFFFFF;
	(pc) =	sbr.abs _section_cstart, $3  }
0xc3: {  	[dreg:$0x1] =	wrdreg $0xFFFFFFFF  }
0xc4: {  	_ =	task.clear_ibuf [dreg:s9], $0x2FFFF;
	_ =	strace $0x9FFFFFFF  }
0xc5: {  	(tm) =	ssettm $0x7FFFFFFF  }
tec
execute0_lowered:
.L_overlay_start_1:
0x0: {  	(tag) =	ssettag $0x1  }
0x1: {  	s19 =	rddreg [dreg:$0x0]  }
0x2: {  	s7 =	rddreg [dreg:$0x1]  }
0x3: {  	s4 =	rddreg [dreg:$0x2]  }
0x4: {  	s0 =	srdreg.scid;
	s6 =	stileid.u32  }
0x5: {  	s5 =	simm.s32 $0x0;
	s28 =	simm.s32 $0x2;
	s30 =	simm.s32 $0xD0000  }
0x6: {  	s31 =	simm.s32 $0x1C700;
	s8 =	simm.s32 $0x1CF00;
	s0 =	sand.u32 $0x1, s0  }
0x7: {  	s1 =	sshrl.u32 s6, $0x2;
	s2 =	sshll.u32 s6, $0x8;
	[smem:$0x7FF] =	sst s5  }
0x8: {  	s25 =	sadd.s32 $0x1A0000, s4;
	s26 =	sadd.s32 $0x340000, s4;
	s29 =	sadd.s32 $0x4E0000, s4  }
0x9: {  	s1 =	smul.u32 $0xC3800, s1;
	_ =	strace $0x80000047;
	[dreg:$0x11] =	wrdreg s25  }
0xa: {  	s3 =	sshll.u32 s0, $0x7;
	s2 =	sand.u32 $0x300, s2;
	[dreg:$0x12] =	wrdreg s26  }
0xb: {  	s9 =	simm.s32 $0x1D700;
	[dreg:$0x13] =	wrdreg s29;
	s3 =	sor.u32 s3, s2  }
0xc: {  	s10 =	simm.s32 $0x1D900;
	s1 =	sor.u32 s1, s3;
	[dreg:$0x4] =	wrdreg s3  }
0xd: {  	s11 =	simm.s32 $0x1DB00;
	s14 =	sor.u32 $0x340000, s3;
	[dreg:$0x5] =	wrdreg s1  }
0xe: {  	s12 =	simm.s32 $0x1DD00;
	s15 =	sor.u32 $0x680000, s3;
	[dreg:$0x7] =	wrdreg s14  }
0xf: {  	s22 =	sshll.u32 s6, $0xB;
	s16 =	sor.u32 $0x9C0000, s3;
	[dreg:$0x8] =	wrdreg s15  }
0x10: {  	s6 =	simm.s32 $0x0;
	s17 =	sor.u32 $0x1040000, s3;
	[dreg:$0x9] =	wrdreg s16  }
0x11: {  	s0 =	ssub.s32 $0x2, s0;
	s18 =	sor.u32 $0x1380000, s3;
	[dreg:$0xa] =	wrdreg s17  }
0x12: {  	s13 =	sshrl.u32 s0, $0x1;
	s20 =	sor.u32 $0x16C0000, s3;
	[dreg:$0xb] =	wrdreg s18  }
0x13: {  	s2 =	simm.s32 $0x1CB00;
	s21 =	sor.u32 $0x1D40000, s3;
	[dreg:$0xc] =	wrdreg s20  }
0x14: {  	s0 =	ssub.s32 s0, s13;
	s23 =	sor.u32 $0x2080000, s3;
	[dreg:$0xd] =	wrdreg s21  }
0x15: {  	s24 =	sor.u32 $0x23C0000, s3;
	s3 =	simm.s32 $0x1D300;
	[dreg:$0xe] =	wrdreg s23  }
0x16: {  	s13 =	simm.s32 $0x1DF00;
	s1 =	sshrl.u32 s1, $0x3;
	[dreg:$0xf] =	wrdreg s24  }
0x17: {  	s0 =	smax.u32 s0, $0x1;
	s23 =	simm.s32 $0x80;
	s24 =	simm.s32 $0x1CD00  }
0x18: {  	s14 =	simm.s32 $0x1E100;
	s15 =	simm.s32 $0x1E300;
	s16 =	simm.s32 $0x1E500  }
0x19: {  	s17 =	simm.s32 $0x3;
	s1 =	sadd.s32 s7, s1;
	[dreg:$0x14] =	wrdreg s0  }
0x1a: {  	s0 =	simm.s32 $0x1C900;
	[dreg:$0x6] =	wrdreg s1;
	s1 =	sand.u32 $0x6000, s22  }
0x1b: {  	s7 =	simm.s32 $0x1D500;
	s22 =	simm.s32 $0x1D100;
	[dreg:$0x10] =	wrdreg s1  }
.LBB2_1:
0x1c: {  	s1 =	rddreg [dreg:$0x6];
	s26 =	simm.s32 $0x400  }
0x1d: {  	[tilespmem:s5], [sflag:$0x1] =	stream.strided.gather [hbm4b:s1+s23], $0x18700, s26, s23, $0x38;
	[tilespmem:$0x1E700] =	vst v63  }
0x1e: {  	[dreg:$0x15] =	wrdreg s6;
	s29 =	simm.s32 $0x18700;
	s18 =	simm.s32 $0x0  }
0x1f: {  	[tilespmem:s29], [sflag:$0x2] =	stream.linear.gather [hbm4b:s19+s5], $0x2000, $0x38;
	[tilespmem:$0x1E700] =	vst v63  }
.LBB2_2:
0x20: {  	s6 =	simm.s32 $0x1  }
0x21: {  	_ =	swait.ge [sflag:s6], $0x18700  }
0x22: {  	s1 =	smul.u32 $0xE000, s18;
	[sflag:s6] =	ssyncset.done $0x0  }
0x23: {  	[sflag:s6] =	ssyncadd.s32 $0xFFFE7900  }
0x24: {  	s1 =	sshrl.u32 s1, $0x3;
	_ =	swait.ge [sflag:s28], $0x2000  }
0x25: {  	s26 =	simm.s32 $0x1A700;
	s21 =	sadd.s32 s19, s1;
	[sflag:s28] =	ssyncset.done $0x0  }
0x26: {  	s29 =	simm.s32 $0x18740;
	s1 =	sadd.s32 $0x400, s21;
	[sflag:s28] =	ssyncadd.s32 $0xFFFFE000  }
0x27: {  	[tilespmem:s26], [sflag:$0x2] =	stream.linear.gather [hbm4b:s1+s5], $0x2000, $0x38;
	[tilespmem:$0x1E700] =	vst v63  }
0x28: {  	v0 =	vld [tilespmem:s29+$0x30]  }
0x29: {  	v1 =	vld [tilespmem:s29+$0xFFFFFFD0]  }
0x2a: {  	v2 =	vld [tilespmem:s29+$0xFFFFFFE0]  }
0x2b: {  	v3 =	vld [tilespmem:s29+$0xFFFFFFF0]  }
0x2c: {  	v5 =	vld [tilespmem:s29+$0x0]  }
0x2d: {  	v6 =	vld [tilespmem:s29+$0x10]  }
0x2e: {  	v7 =	vld [tilespmem:s29+$0x20]  }
0x2f: {  	v8 =	vld [tilespmem:s29+$0xFFFFFFC0]  }
0x30: {  	v9 =	vld.idx.msk [tilespmem:v0+s5+$0x0], $0xffff  }
0x31: {  	v10 =	vld.idx.msk [tilespmem:v1+s5+$0x0], $0xffff  }
0x32: {  	v4 =	vld.idx.msk [tilespmem:v2+s5+$0x0], $0xffff  }
0x33: {  	v2 =	vld.idx.msk [tilespmem:v3+s5+$0x0], $0xffff  }
0x34: {  	v0 =	vld.idx.msk [tilespmem:v5+s5+$0x0], $0xffff  }
0x35: {  	s19 =	simm.s32 $0x1C740;
	v1 =	vld.idx.msk [tilespmem:v6+s5+$0x0], $0xffff  }
0x36: {  	s20 =	simm.s32 $0x0;
	v3 =	vld.idx.msk [tilespmem:v7+s5+$0x0], $0xffff;
	[tilespmem:s19+$0x30] =	vst v9  }
0x37: {  	s25 =	simm.s32 $0x18B40;
	s6 =	simm.s32 $0x1C7F0;
	s1 =	simm.s32 $0x187F0;
	v5 =	vld.idx.msk [tilespmem:v8+s5+$0x0], $0xffff;
	[tilespmem:s19+$0xFFFFFFD0] =	vst v10  }
.LBB2_3:
0x38: {  	v6 =	vld [tilespmem:s25+$0x30];
	s20 =	sadd.s32 $0x80, s20;
	[tilespmem:s19+$0xFFFFFFE0] =	vst v4  }
0x39: {  	v4 =	vld [tilespmem:s25+$0xFFFFFFD0];
	p0 =	slt.u32 s20, $0x380;
	[tilespmem:s19+$0xFFFFFFF0] =	vst v2  }
0x3a: {  	v2 =	vld [tilespmem:s25+$0xFFFFFFE0];
	[tilespmem:s19+$0x0] =	vst v0  }
0x3b: {  	v0 =	vld [tilespmem:s25+$0xFFFFFFF0];
	[tilespmem:s19+$0x10] =	vst v1  }
0x3c: {  	v1 =	vld [tilespmem:s25+$0x0];
	[tilespmem:s19+$0x20] =	vst v3  }
0x3d: {  	v3 =	vld [tilespmem:s25+$0x10];
	[tilespmem:s19+$0xFFFFFFC0] =	vst v5  }
0x3e: {  	v5 =	vld [tilespmem:s25+$0x20]  }
0x3f: {  	v7 =	vld [tilespmem:s25+$0xFFFFFFC0]  }
0x40: {  	v6 =	vld.idx.msk [tilespmem:v6+s5+$0x0], $0xffff  }
0x41: {  	v8 =	vld.idx.msk [tilespmem:v4+s5+$0x0], $0xffff  }
0x42: {  	v4 =	vld.idx.msk [tilespmem:v2+s5+$0x0], $0xffff  }
.Ltmp0:
0x43: {  	v2 =	vld.idx.msk [tilespmem:v0+s5+$0x0], $0xffff;
	(pc) =	sbr.rel @p0 .LBB2_3-.Ltmp0, $4  }
0x44: {  	v0 =	vld.idx.msk [tilespmem:v1+s5+$0x0], $0xffff  }
0x45: {  	s19 =	sadd.s32 $0x200, s19;
	v1 =	vld.idx.msk [tilespmem:v3+s5+$0x0], $0xffff  }
0x46: {  	v3 =	vld.idx.msk [tilespmem:v5+s5+$0x0], $0xffff;
	[tilespmem:s19+$0x30] =	vst v6  }
0x47: {  	s25 =	sadd.s32 $0x400, s25;
	v5 =	vld.idx.msk [tilespmem:v7+s5+$0x0], $0xffff;
	[tilespmem:s19+$0xFFFFFFD0] =	vst v8  }
0x48: {  	[tilespmem:s19+$0xFFFFFFE0] =	vst v4  }
0x49: {  	[tilespmem:s19+$0xFFFFFFF0] =	vst v2  }
0x4a: {  	[tilespmem:s19+$0x0] =	vst v0  }
0x4b: {  	[tilespmem:s19+$0x10] =	vst v1  }
0x4c: {  	[tilespmem:s19+$0x20] =	vst v3  }
0x4d: {  	[tilespmem:s19+$0xFFFFFFC0] =	vst v5  }
0x4e: {  	v0 =	vld [tilespmem:s1+$0x0]  }
0x4f: {  	v1 =	vld [tilespmem:s1+$0xFFFFFFA0]  }
0x50: {  	v2 =	vld [tilespmem:s1+$0xFFFFFFB0]  }
0x51: {  	v3 =	vld [tilespmem:s1+$0xFFFFFFC0]  }
0x52: {  	v5 =	vld [tilespmem:s1+$0xFFFFFFD0]  }
0x53: {  	v6 =	vld [tilespmem:s1+$0xFFFFFFE0]  }
0x54: {  	v7 =	vld [tilespmem:s1+$0xFFFFFFF0]  }
0x55: {  	v8 =	vld [tilespmem:s1+$0xFFFFFF90]  }
0x56: {  	v9 =	vld.idx.msk [tilespmem:v0+s5+$0x0], $0xffff  }
0x57: {  	v10 =	vld.idx.msk [tilespmem:v1+s5+$0x0], $0xffff  }
0x58: {  	v4 =	vld.idx.msk [tilespmem:v2+s5+$0x0], $0xffff  }
0x59: {  	v3 =	vld.idx.msk [tilespmem:v3+s5+$0x0], $0xffff  }
0x5a: {  	v1 =	vld.idx.msk [tilespmem:v5+s5+$0x0], $0xffff  }
0x5b: {  	v0 =	vld.idx.msk [tilespmem:v6+s5+$0x0], $0xffff  }
0x5c: {  	s20 =	simm.s32 $0x0;
	v2 =	vld.idx.msk [tilespmem:v7+s5+$0x0], $0xffff;
	[tilespmem:s6+$0x0] =	vst v9  }
0x5d: {  	s25 =	simm.s32 $0x18BF0;
	s19 =	simm.s32 $0x1C870;
	s1 =	simm.s32 $0x18870;
	v5 =	vld.idx.msk [tilespmem:v8+s5+$0x0], $0xffff;
	[tilespmem:s6+$0xFFFFFFA0] =	vst v10  }
.LBB2_5:
0x5e: {  	v6 =	vld [tilespmem:s25+$0x0];
	s20 =	sadd.s32 $0x80, s20;
	[tilespmem:s6+$0xFFFFFFB0] =	vst v4  }
0x5f: {  	v4 =	vld [tilespmem:s25+$0xFFFFFFA0];
	p0 =	slt.u32 s20, $0x380;
	[tilespmem:s6+$0xFFFFFFC0] =	vst v3  }
0x60: {  	v3 =	vld [tilespmem:s25+$0xFFFFFFB0];
	[tilespmem:s6+$0xFFFFFFD0] =	vst v1  }
0x61: {  	v1 =	vld [tilespmem:s25+$0xFFFFFFC0];
	[tilespmem:s6+$0xFFFFFFE0] =	vst v0  }
0x62: {  	v0 =	vld [tilespmem:s25+$0xFFFFFFD0];
	[tilespmem:s6+$0xFFFFFFF0] =	vst v2  }
0x63: {  	v2 =	vld [tilespmem:s25+$0xFFFFFFE0];
	[tilespmem:s6+$0xFFFFFF90] =	vst v5  }
0x64: {  	v5 =	vld [tilespmem:s25+$0xFFFFFFF0]  }
0x65: {  	v7 =	vld [tilespmem:s25+$0xFFFFFF90]  }
0x66: {  	v6 =	vld.idx.msk [tilespmem:v6+s5+$0x0], $0xffff  }
0x67: {  	v8 =	vld.idx.msk [tilespmem:v4+s5+$0x0], $0xffff  }
0x68: {  	v4 =	vld.idx.msk [tilespmem:v3+s5+$0x0], $0xffff  }
.Ltmp1:
0x69: {  	v3 =	vld.idx.msk [tilespmem:v1+s5+$0x0], $0xffff;
	(pc) =	sbr.rel @p0 .LBB2_5-.Ltmp1, $4  }
0x6a: {  	v1 =	vld.idx.msk [tilespmem:v0+s5+$0x0], $0xffff  }
0x6b: {  	s6 =	sadd.s32 $0x200, s6;
	v0 =	vld.idx.msk [tilespmem:v2+s5+$0x0], $0xffff  }
0x6c: {  	v2 =	vld.idx.msk [tilespmem:v5+s5+$0x0], $0xffff;
	[tilespmem:s6+$0x0] =	vst v6  }
0x6d: {  	s25 =	sadd.s32 $0x400, s25;
	v5 =	vld.idx.msk [tilespmem:v7+s5+$0x0], $0xffff;
	[tilespmem:s6+$0xFFFFFFA0] =	vst v8  }
0x6e: {  	[tilespmem:s6+$0xFFFFFFB0] =	vst v4  }
0x6f: {  	[tilespmem:s6+$0xFFFFFFC0] =	vst v3  }
0x70: {  	[tilespmem:s6+$0xFFFFFFD0] =	vst v1  }
0x71: {  	[tilespmem:s6+$0xFFFFFFE0] =	vst v0  }
0x72: {  	[tilespmem:s6+$0xFFFFFFF0] =	vst v2  }
0x73: {  	[tilespmem:s6+$0xFFFFFF90] =	vst v5  }
0x74: {  	v0 =	vld [tilespmem:s1+$0x0]  }
0x75: {  	v1 =	vld [tilespmem:s1+$0xFFFFFFA0]  }
0x76: {  	v2 =	vld [tilespmem:s1+$0xFFFFFFB0]  }
0x77: {  	v3 =	vld [tilespmem:s1+$0xFFFFFFC0]  }
0x78: {  	v5 =	vld [tilespmem:s1+$0xFFFFFFD0]  }
0x79: {  	v6 =	vld [tilespmem:s1+$0xFFFFFFE0]  }
0x7a: {  	v7 =	vld [tilespmem:s1+$0xFFFFFFF0]  }
0x7b: {  	v8 =	vld [tilespmem:s1+$0xFFFFFF90]  }
0x7c: {  	v9 =	vld.idx.msk [tilespmem:v0+s5+$0x0], $0xffff  }
0x7d: {  	v10 =	vld.idx.msk [tilespmem:v1+s5+$0x0], $0xffff  }
0x7e: {  	v4 =	vld.idx.msk [tilespmem:v2+s5+$0x0], $0xffff  }
0x7f: {  	v3 =	vld.idx.msk [tilespmem:v3+s5+$0x0], $0xffff  }
0x80: {  	v1 =	vld.idx.msk [tilespmem:v5+s5+$0x0], $0xffff  }
0x81: {  	v0 =	vld.idx.msk [tilespmem:v6+s5+$0x0], $0xffff  }
0x82: {  	s20 =	simm.s32 $0x0;
	v2 =	vld.idx.msk [tilespmem:v7+s5+$0x0], $0xffff;
	[tilespmem:s19+$0x0] =	vst v9  }
0x83: {  	s25 =	simm.s32 $0x18C70;
	s6 =	simm.s32 $0x1C8F0;
	s1 =	simm.s32 $0x188F0;
	v5 =	vld.idx.msk [tilespmem:v8+s5+$0x0], $0xffff;
	[tilespmem:s19+$0xFFFFFFA0] =	vst v10  }
.LBB2_7:
0x84: {  	v6 =	vld [tilespmem:s25+$0x0];
	s20 =	sadd.s32 $0x80, s20;
	[tilespmem:s19+$0xFFFFFFB0] =	vst v4  }
0x85: {  	v4 =	vld [tilespmem:s25+$0xFFFFFFA0];
	p0 =	slt.u32 s20, $0x380;
	[tilespmem:s19+$0xFFFFFFC0] =	vst v3  }
0x86: {  	v3 =	vld [tilespmem:s25+$0xFFFFFFB0];
	[tilespmem:s19+$0xFFFFFFD0] =	vst v1  }
0x87: {  	v1 =	vld [tilespmem:s25+$0xFFFFFFC0];
	[tilespmem:s19+$0xFFFFFFE0] =	vst v0  }
0x88: {  	v0 =	vld [tilespmem:s25+$0xFFFFFFD0];
	[tilespmem:s19+$0xFFFFFFF0] =	vst v2  }
0x89: {  	v2 =	vld [tilespmem:s25+$0xFFFFFFE0];
	[tilespmem:s19+$0xFFFFFF90] =	vst v5  }
0x8a: {  	v5 =	vld [tilespmem:s25+$0xFFFFFFF0]  }
0x8b: {  	v7 =	vld [tilespmem:s25+$0xFFFFFF90]  }
0x8c: {  	v6 =	vld.idx.msk [tilespmem:v6+s5+$0x0], $0xffff  }
0x8d: {  	v8 =	vld.idx.msk [tilespmem:v4+s5+$0x0], $0xffff  }
0x8e: {  	v4 =	vld.idx.msk [tilespmem:v3+s5+$0x0], $0xffff  }
.Ltmp2:
0x8f: {  	v3 =	vld.idx.msk [tilespmem:v1+s5+$0x0], $0xffff;
	(pc) =	sbr.rel @p0 .LBB2_7-.Ltmp2, $4  }
0x90: {  	v1 =	vld.idx.msk [tilespmem:v0+s5+$0x0], $0xffff  }
0x91: {  	s19 =	sadd.s32 $0x200, s19;
	v0 =	vld.idx.msk [tilespmem:v2+s5+$0x0], $0xffff  }
0x92: {  	v2 =	vld.idx.msk [tilespmem:v5+s5+$0x0], $0xffff;
	[tilespmem:s19+$0x0] =	vst v6  }
0x93: {  	s25 =	sadd.s32 $0x400, s25;
	v5 =	vld.idx.msk [tilespmem:v7+s5+$0x0], $0xffff;
	[tilespmem:s19+$0xFFFFFFA0] =	vst v8  }
0x94: {  	[tilespmem:s19+$0xFFFFFFB0] =	vst v4  }
0x95: {  	[tilespmem:s19+$0xFFFFFFC0] =	vst v3  }
0x96: {  	[tilespmem:s19+$0xFFFFFFD0] =	vst v1  }
0x97: {  	[tilespmem:s19+$0xFFFFFFE0] =	vst v0  }
0x98: {  	[tilespmem:s19+$0xFFFFFFF0] =	vst v2  }
0x99: {  	[tilespmem:s19+$0xFFFFFF90] =	vst v5  }
0x9a: {  	v0 =	vld [tilespmem:s1+$0x0]  }
0x9b: {  	v1 =	vld [tilespmem:s1+$0xFFFFFFA0]  }
0x9c: {  	v2 =	vld [tilespmem:s1+$0xFFFFFFB0]  }
0x9d: {  	v3 =	vld [tilespmem:s1+$0xFFFFFFC0]  }
0x9e: {  	v6 =	vld [tilespmem:s1+$0xFFFFFFD0]  }
0x9f: {  	v7 =	vld [tilespmem:s1+$0xFFFFFFE0]  }
0xa0: {  	v8 =	vld [tilespmem:s1+$0xFFFFFFF0]  }
0xa1: {  	v9 =	vld [tilespmem:s1+$0xFFFFFF90]  }
0xa2: {  	v10 =	vld.idx.msk [tilespmem:v0+s5+$0x0], $0xffff  }
0xa3: {  	v11 =	vld.idx.msk [tilespmem:v1+s5+$0x0], $0xffff  }
0xa4: {  	v5 =	vld.idx.msk [tilespmem:v2+s5+$0x0], $0xffff  }
0xa5: {  	v4 =	vld.idx.msk [tilespmem:v3+s5+$0x0], $0xffff  }
0xa6: {  	v3 =	vld.idx.msk [tilespmem:v6+s5+$0x0], $0xffff  }
0xa7: {  	v1 =	vld.idx.msk [tilespmem:v7+s5+$0x0], $0xffff  }
0xa8: {  	v0 =	vld.idx.msk [tilespmem:v8+s5+$0x0], $0xffff;
	[tilespmem:s6+$0x0] =	vst v10  }
0xa9: {  	s19 =	simm.s32 $0x18CF0;
	s1 =	simm.s32 $0x0;
	v2 =	vld.idx.msk [tilespmem:v9+s5+$0x0], $0xffff;
	[tilespmem:s6+$0xFFFFFFA0] =	vst v11  }
.LBB2_9:
0xaa: {  	v6 =	vld [tilespmem:s19+$0x0];
	s1 =	sadd.s32 $0x80, s1;
	[tilespmem:s6+$0xFFFFFFB0] =	vst v5  }
0xab: {  	v5 =	vld [tilespmem:s19+$0xFFFFFFA0];
	p0 =	slt.u32 s1, $0x380;
	[tilespmem:s6+$0xFFFFFFC0] =	vst v4  }
0xac: {  	v4 =	vld [tilespmem:s19+$0xFFFFFFB0];
	[tilespmem:s6+$0xFFFFFFD0] =	vst v3  }
0xad: {  	v3 =	vld [tilespmem:s19+$0xFFFFFFC0];
	[tilespmem:s6+$0xFFFFFFE0] =	vst v1  }
0xae: {  	v1 =	vld [tilespmem:s19+$0xFFFFFFD0];
	[tilespmem:s6+$0xFFFFFFF0] =	vst v0  }
0xaf: {  	v0 =	vld [tilespmem:s19+$0xFFFFFFE0];
	[tilespmem:s6+$0xFFFFFF90] =	vst v2  }
0xb0: {  	v2 =	vld [tilespmem:s19+$0xFFFFFFF0]  }
0xb1: {  	v7 =	vld [tilespmem:s19+$0xFFFFFF90]  }
0xb2: {  	v6 =	vld.idx.msk [tilespmem:v6+s5+$0x0], $0xffff  }
0xb3: {  	v8 =	vld.idx.msk [tilespmem:v5+s5+$0x0], $0xffff  }
0xb4: {  	v5 =	vld.idx.msk [tilespmem:v4+s5+$0x0], $0xffff  }
.Ltmp3:
0xb5: {  	v4 =	vld.idx.msk [tilespmem:v3+s5+$0x0], $0xffff;
	(pc) =	sbr.rel @p0 .LBB2_9-.Ltmp3, $4  }
0xb6: {  	v3 =	vld.idx.msk [tilespmem:v1+s5+$0x0], $0xffff  }
0xb7: {  	s6 =	sadd.s32 $0x200, s6;
	v1 =	vld.idx.msk [tilespmem:v0+s5+$0x0], $0xffff  }
0xb8: {  	v0 =	vld.idx.msk [tilespmem:v2+s5+$0x0], $0xffff;
	[tilespmem:s6+$0x0] =	vst v6  }
0xb9: {  	s19 =	sadd.s32 $0x400, s19;
	v2 =	vld.idx.msk [tilespmem:v7+s5+$0x0], $0xffff;
	[tilespmem:s6+$0xFFFFFFA0] =	vst v8  }
0xba: {  	[tilespmem:s6+$0xFFFFFFB0] =	vst v5  }
0xbb: {  	[tilespmem:s6+$0xFFFFFFC0] =	vst v4  }
0xbc: {  	[tilespmem:s6+$0xFFFFFFD0] =	vst v3  }
0xbd: {  	s1 =	sshll.u32 s18, $0xF;
	s19 =	rddreg [dreg:$0x10];
	[tilespmem:s6+$0xFFFFFFE0] =	vst v1  }
0xbe: {  	s20 =	sor.u32 s19, s1;
	s25 =	rddreg [dreg:$0x4]  }
0xbf: {  	s1 =	sor.u32 s25, s20  }
0xc0: {  	[tilespmem:s6+$0xFFFFFFF0] =	vst v0;
	s19 =	sshrl.u32 s1, $0x3  }
0xc1: {  	[tilespmem:s6+$0xFFFFFF90] =	vst v2;
	s1 =	sadd.s32 s4, s19  }
0xc2: {  	[hbm4b:s1+s23] =	stream.strided.scatter [tilespmem:s31], [sflag:$0x3], $0x200, s30, s23, $0x38;
	[tilespmem:$0x1E700] =	vst v63  }
0xc3: {  	s26 =	sadd.s32 $0x80, s1  }
0xc4: {  	[hbm4b:s26+s23] =	stream.strided.scatter [tilespmem:s0], [sflag:$0x3], $0x200, s30, s23, $0x38;
	[tilespmem:$0x1E700] =	vst v63  }
0xc5: {  	s25 =	sadd.s32 $0x100, s1  }
0xc6: {  	[hbm4b:s25+s23] =	stream.strided.scatter [tilespmem:s2], [sflag:$0x3], $0x200, s30, s23, $0x38;
	[tilespmem:$0x1E700] =	vst v63  }
0xc7: {  	s26 =	sadd.s32 $0x180, s1  }
0xc8: {  	[hbm4b:s26+s23] =	stream.strided.scatter [tilespmem:s24], [sflag:$0x3], $0x200, s30, s23, $0x38;
	[tilespmem:$0x1E700] =	vst v63  }
0xc9: {  	s25 =	sadd.s32 $0x200, s1  }
0xca: {  	[hbm4b:s25+s23] =	stream.strided.scatter [tilespmem:s8], [sflag:$0x3], $0x200, s30, s23, $0x38;
	[tilespmem:$0x1E700] =	vst v63  }
0xcb: {  	s26 =	sadd.s32 $0x280, s1  }
0xcc: {  	[hbm4b:s26+s23] =	stream.strided.scatter [tilespmem:s22], [sflag:$0x3], $0x200, s30, s23, $0x38;
	[tilespmem:$0x1E700] =	vst v63  }
0xcd: {  	s25 =	sadd.s32 $0x300, s1  }
0xce: {  	[hbm4b:s25+s23] =	stream.strided.scatter [tilespmem:s3], [sflag:$0x3], $0x200, s30, s23, $0x38;
	[tilespmem:$0x1E700] =	vst v63  }
0xcf: {  	s1 =	sadd.s32 $0x380, s1;
	s26 =	simm.s32 $0x18970  }
0xd0: {  	[hbm4b:s1+s23] =	stream.strided.scatter [tilespmem:s7], [sflag:$0x3], $0x200, s30, s23, $0x38;
	[tilespmem:$0x1E700] =	vst v63  }
0xd1: {  	v0 =	vld [tilespmem:s26+$0x0]  }
0xd2: {  	v1 =	vld [tilespmem:s26+$0xFFFFFFA0]  }
0xd3: {  	v2 =	vld [tilespmem:s26+$0xFFFFFFB0]  }
0xd4: {  	v3 =	vld [tilespmem:s26+$0xFFFFFFC0]  }
0xd5: {  	v5 =	vld [tilespmem:s26+$0xFFFFFFD0]  }
0xd6: {  	v6 =	vld [tilespmem:s26+$0xFFFFFFE0]  }
0xd7: {  	v7 =	vld [tilespmem:s26+$0xFFFFFFF0]  }
0xd8: {  	v8 =	vld [tilespmem:s26+$0xFFFFFF90]  }
0xd9: {  	v9 =	vld.idx.msk [tilespmem:v0+s5+$0x0], $0xffff  }
0xda: {  	v10 =	vld.idx.msk [tilespmem:v1+s5+$0x0], $0xffff  }
0xdb: {  	v4 =	vld.idx.msk [tilespmem:v2+s5+$0x0], $0xffff  }
0xdc: {  	v2 =	vld.idx.msk [tilespmem:v3+s5+$0x0], $0xffff  }
0xdd: {  	v0 =	vld.idx.msk [tilespmem:v5+s5+$0x0], $0xffff  }
0xde: {  	s26 =	simm.s32 $0x1D770;
	v1 =	vld.idx.msk [tilespmem:v6+s5+$0x0], $0xffff  }
0xdf: {  	s29 =	simm.s32 $0x0;
	v3 =	vld.idx.msk [tilespmem:v7+s5+$0x0], $0xffff;
	[tilespmem:s26+$0x0] =	vst v9  }
0xe0: {  	s6 =	simm.s32 $0x1D7F0;
	s25 =	simm.s32 $0x18D70;
	s1 =	simm.s32 $0x189F0;
	v5 =	vld.idx.msk [tilespmem:v8+s5+$0x0], $0xffff;
	[tilespmem:s26+$0xFFFFFFA0] =	vst v10  }
.LBB2_11:
0xe1: {  	v6 =	vld [tilespmem:s25+$0x0];
	s29 =	sadd.s32 $0x80, s29;
	[tilespmem:s26+$0xFFFFFFB0] =	vst v4  }
0xe2: {  	v4 =	vld [tilespmem:s25+$0xFFFFFFA0];
	p0 =	slt.u32 s29, $0x380;
	[tilespmem:s26+$0xFFFFFFC0] =	vst v2  }
0xe3: {  	v2 =	vld [tilespmem:s25+$0xFFFFFFB0];
	[tilespmem:s26+$0xFFFFFFD0] =	vst v0  }
0xe4: {  	v0 =	vld [tilespmem:s25+$0xFFFFFFC0];
	[tilespmem:s26+$0xFFFFFFE0] =	vst v1  }
0xe5: {  	v1 =	vld [tilespmem:s25+$0xFFFFFFD0];
	[tilespmem:s26+$0xFFFFFFF0] =	vst v3  }
0xe6: {  	v3 =	vld [tilespmem:s25+$0xFFFFFFE0];
	[tilespmem:s26+$0xFFFFFF90] =	vst v5  }
0xe7: {  	v5 =	vld [tilespmem:s25+$0xFFFFFFF0]  }
0xe8: {  	v7 =	vld [tilespmem:s25+$0xFFFFFF90]  }
0xe9: {  	v6 =	vld.idx.msk [tilespmem:v6+s5+$0x0], $0xffff  }
0xea: {  	v8 =	vld.idx.msk [tilespmem:v4+s5+$0x0], $0xffff  }
0xeb: {  	v4 =	vld.idx.msk [tilespmem:v2+s5+$0x0], $0xffff  }
.Ltmp4:
0xec: {  	v2 =	vld.idx.msk [tilespmem:v0+s5+$0x0], $0xffff;
	(pc) =	sbr.rel @p0 .LBB2_11-.Ltmp4, $4  }
0xed: {  	v0 =	vld.idx.msk [tilespmem:v1+s5+$0x0], $0xffff  }
0xee: {  	s26 =	sadd.s32 $0x200, s26;
	v1 =	vld.idx.msk [tilespmem:v3+s5+$0x0], $0xffff  }
0xef: {  	v3 =	vld.idx.msk [tilespmem:v5+s5+$0x0], $0xffff;
	[tilespmem:s26+$0x0] =	vst v6  }
0xf0: {  	s25 =	sadd.s32 $0x400, s25;
	v5 =	vld.idx.msk [tilespmem:v7+s5+$0x0], $0xffff;
	[tilespmem:s26+$0xFFFFFFA0] =	vst v8  }
0xf1: {  	[tilespmem:s26+$0xFFFFFFB0] =	vst v4  }
0xf2: {  	[tilespmem:s26+$0xFFFFFFC0] =	vst v2  }
0xf3: {  	[tilespmem:s26+$0xFFFFFFD0] =	vst v0  }
0xf4: {  	[tilespmem:s26+$0xFFFFFFE0] =	vst v1  }
0xf5: {  	[tilespmem:s26+$0xFFFFFFF0] =	vst v3  }
0xf6: {  	[tilespmem:s26+$0xFFFFFF90] =	vst v5  }
0xf7: {  	v0 =	vld [tilespmem:s1+$0x0]  }
0xf8: {  	v1 =	vld [tilespmem:s1+$0xFFFFFFA0]  }
0xf9: {  	v2 =	vld [tilespmem:s1+$0xFFFFFFB0]  }
0xfa: {  	v3 =	vld [tilespmem:s1+$0xFFFFFFC0]  }
0xfb: {  	v5 =	vld [tilespmem:s1+$0xFFFFFFD0]  }
0xfc: {  	v6 =	vld [tilespmem:s1+$0xFFFFFFE0]  }
0xfd: {  	v7 =	vld [tilespmem:s1+$0xFFFFFFF0]  }
0xfe: {  	v8 =	vld [tilespmem:s1+$0xFFFFFF90]  }
0xff: {  	v9 =	vld.idx.msk [tilespmem:v0+s5+$0x0], $0xffff  }
0x100: {  	v10 =	vld.idx.msk [tilespmem:v1+s5+$0x0], $0xffff  }
0x101: {  	v4 =	vld.idx.msk [tilespmem:v2+s5+$0x0], $0xffff  }
0x102: {  	v3 =	vld.idx.msk [tilespmem:v3+s5+$0x0], $0xffff  }
0x103: {  	v1 =	vld.idx.msk [tilespmem:v5+s5+$0x0], $0xffff  }
0x104: {  	v0 =	vld.idx.msk [tilespmem:v6+s5+$0x0], $0xffff  }
0x105: {  	s29 =	simm.s32 $0x0;
	v2 =	vld.idx.msk [tilespmem:v7+s5+$0x0], $0xffff;
	[tilespmem:s6+$0x0] =	vst v9  }
0x106: {  	s25 =	simm.s32 $0x18DF0;
	s26 =	simm.s32 $0x18A70;
	s1 =	simm.s32 $0x1D870;
	v5 =	vld.idx.msk [tilespmem:v8+s5+$0x0], $0xffff;
	[tilespmem:s6+$0xFFFFFFA0] =	vst v10  }
.LBB2_13:
0x107: {  	v6 =	vld [tilespmem:s25+$0x0];
	s29 =	sadd.s32 $0x80, s29;
	[tilespmem:s6+$0xFFFFFFB0] =	vst v4  }
0x108: {  	v4 =	vld [tilespmem:s25+$0xFFFFFFA0];
	p0 =	slt.u32 s29, $0x380;
	[tilespmem:s6+$0xFFFFFFC0] =	vst v3  }
0x109: {  	v3 =	vld [tilespmem:s25+$0xFFFFFFB0];
	[tilespmem:s6+$0xFFFFFFD0] =	vst v1  }
0x10a: {  	v1 =	vld [tilespmem:s25+$0xFFFFFFC0];
	[tilespmem:s6+$0xFFFFFFE0] =	vst v0  }
0x10b: {  	v0 =	vld [tilespmem:s25+$0xFFFFFFD0];
	[tilespmem:s6+$0xFFFFFFF0] =	vst v2  }
0x10c: {  	v2 =	vld [tilespmem:s25+$0xFFFFFFE0];
	[tilespmem:s6+$0xFFFFFF90] =	vst v5  }
0x10d: {  	v5 =	vld [tilespmem:s25+$0xFFFFFFF0]  }
0x10e: {  	v7 =	vld [tilespmem:s25+$0xFFFFFF90]  }
0x10f: {  	v6 =	vld.idx.msk [tilespmem:v6+s5+$0x0], $0xffff  }
0x110: {  	v8 =	vld.idx.msk [tilespmem:v4+s5+$0x0], $0xffff  }
0x111: {  	v4 =	vld.idx.msk [tilespmem:v3+s5+$0x0], $0xffff  }
.Ltmp5:
0x112: {  	v3 =	vld.idx.msk [tilespmem:v1+s5+$0x0], $0xffff;
	(pc) =	sbr.rel @p0 .LBB2_13-.Ltmp5, $4  }
0x113: {  	v1 =	vld.idx.msk [tilespmem:v0+s5+$0x0], $0xffff  }
0x114: {  	s6 =	sadd.s32 $0x200, s6;
	v0 =	vld.idx.msk [tilespmem:v2+s5+$0x0], $0xffff  }
0x115: {  	v2 =	vld.idx.msk [tilespmem:v5+s5+$0x0], $0xffff;
	[tilespmem:s6+$0x0] =	vst v6  }
0x116: {  	s25 =	sadd.s32 $0x400, s25;
	v5 =	vld.idx.msk [tilespmem:v7+s5+$0x0], $0xffff;
	[tilespmem:s6+$0xFFFFFFA0] =	vst v8  }
0x117: {  	[tilespmem:s6+$0xFFFFFFB0] =	vst v4  }
0x118: {  	[tilespmem:s6+$0xFFFFFFC0] =	vst v3  }
0x119: {  	[tilespmem:s6+$0xFFFFFFD0] =	vst v1  }
0x11a: {  	[tilespmem:s6+$0xFFFFFFE0] =	vst v0  }
0x11b: {  	[tilespmem:s6+$0xFFFFFFF0] =	vst v2  }
0x11c: {  	[tilespmem:s6+$0xFFFFFF90] =	vst v5  }
0x11d: {  	v0 =	vld [tilespmem:s26+$0x0]  }
0x11e: {  	v1 =	vld [tilespmem:s26+$0xFFFFFFA0]  }
0x11f: {  	v2 =	vld [tilespmem:s26+$0xFFFFFFB0]  }
0x120: {  	v3 =	vld [tilespmem:s26+$0xFFFFFFC0]  }
0x121: {  	v5 =	vld [tilespmem:s26+$0xFFFFFFD0]  }
0x122: {  	v6 =	vld [tilespmem:s26+$0xFFFFFFE0]  }
0x123: {  	v7 =	vld [tilespmem:s26+$0xFFFFFFF0]  }
0x124: {  	v8 =	vld [tilespmem:s26+$0xFFFFFF90]  }
0x125: {  	v9 =	vld.idx.msk [tilespmem:v0+s5+$0x0], $0xffff  }
0x126: {  	v10 =	vld.idx.msk [tilespmem:v1+s5+$0x0], $0xffff  }
0x127: {  	v4 =	vld.idx.msk [tilespmem:v2+s5+$0x0], $0xffff  }
0x128: {  	v3 =	vld.idx.msk [tilespmem:v3+s5+$0x0], $0xffff  }
0x129: {  	v1 =	vld.idx.msk [tilespmem:v5+s5+$0x0], $0xffff  }
0x12a: {  	v0 =	vld.idx.msk [tilespmem:v6+s5+$0x0], $0xffff  }
0x12b: {  	s29 =	simm.s32 $0x0;
	v2 =	vld.idx.msk [tilespmem:v7+s5+$0x0], $0xffff;
	[tilespmem:s1+$0x0] =	vst v9  }
0x12c: {  	s25 =	simm.s32 $0x18E70;
	s6 =	simm.s32 $0x1D8F0;
	s26 =	simm.s32 $0x18AF0;
	v5 =	vld.idx.msk [tilespmem:v8+s5+$0x0], $0xffff;
	[tilespmem:s1+$0xFFFFFFA0] =	vst v10  }
.LBB2_15:
0x12d: {  	v6 =	vld [tilespmem:s25+$0x0];
	s29 =	sadd.s32 $0x80, s29;
	[tilespmem:s1+$0xFFFFFFB0] =	vst v4  }
0x12e: {  	v4 =	vld [tilespmem:s25+$0xFFFFFFA0];
	p0 =	slt.u32 s29, $0x380;
	[tilespmem:s1+$0xFFFFFFC0] =	vst v3  }
0x12f: {  	v3 =	vld [tilespmem:s25+$0xFFFFFFB0];
	[tilespmem:s1+$0xFFFFFFD0] =	vst v1  }
0x130: {  	v1 =	vld [tilespmem:s25+$0xFFFFFFC0];
	[tilespmem:s1+$0xFFFFFFE0] =	vst v0  }
0x131: {  	v0 =	vld [tilespmem:s25+$0xFFFFFFD0];
	[tilespmem:s1+$0xFFFFFFF0] =	vst v2  }
0x132: {  	v2 =	vld [tilespmem:s25+$0xFFFFFFE0];
	[tilespmem:s1+$0xFFFFFF90] =	vst v5  }
0x133: {  	v5 =	vld [tilespmem:s25+$0xFFFFFFF0]  }
0x134: {  	v7 =	vld [tilespmem:s25+$0xFFFFFF90]  }
0x135: {  	v6 =	vld.idx.msk [tilespmem:v6+s5+$0x0], $0xffff  }
0x136: {  	v8 =	vld.idx.msk [tilespmem:v4+s5+$0x0], $0xffff  }
0x137: {  	v4 =	vld.idx.msk [tilespmem:v3+s5+$0x0], $0xffff  }
.Ltmp6:
0x138: {  	v3 =	vld.idx.msk [tilespmem:v1+s5+$0x0], $0xffff;
	(pc) =	sbr.rel @p0 .LBB2_15-.Ltmp6, $4  }
0x139: {  	v1 =	vld.idx.msk [tilespmem:v0+s5+$0x0], $0xffff  }
0x13a: {  	s1 =	sadd.s32 $0x200, s1;
	v0 =	vld.idx.msk [tilespmem:v2+s5+$0x0], $0xffff  }
0x13b: {  	v2 =	vld.idx.msk [tilespmem:v5+s5+$0x0], $0xffff;
	[tilespmem:s1+$0x0] =	vst v6  }
0x13c: {  	s25 =	sadd.s32 $0x400, s25;
	v5 =	vld.idx.msk [tilespmem:v7+s5+$0x0], $0xffff;
	[tilespmem:s1+$0xFFFFFFA0] =	vst v8  }
0x13d: {  	[tilespmem:s1+$0xFFFFFFB0] =	vst v4  }
0x13e: {  	[tilespmem:s1+$0xFFFFFFC0] =	vst v3  }
0x13f: {  	[tilespmem:s1+$0xFFFFFFD0] =	vst v1  }
0x140: {  	[tilespmem:s1+$0xFFFFFFE0] =	vst v0  }
0x141: {  	[tilespmem:s1+$0xFFFFFFF0] =	vst v2  }
0x142: {  	[tilespmem:s1+$0xFFFFFF90] =	vst v5  }
0x143: {  	v0 =	vld [tilespmem:s26+$0x0]  }
0x144: {  	v1 =	vld [tilespmem:s26+$0xFFFFFFA0]  }
0x145: {  	v2 =	vld [tilespmem:s26+$0xFFFFFFB0]  }
0x146: {  	v3 =	vld [tilespmem:s26+$0xFFFFFFC0]  }
0x147: {  	v6 =	vld [tilespmem:s26+$0xFFFFFFD0]  }
0x148: {  	v7 =	vld [tilespmem:s26+$0xFFFFFFE0]  }
0x149: {  	v8 =	vld [tilespmem:s26+$0xFFFFFFF0]  }
0x14a: {  	v9 =	vld [tilespmem:s26+$0xFFFFFF90]  }
0x14b: {  	v10 =	vld.idx.msk [tilespmem:v0+s5+$0x0], $0xffff  }
0x14c: {  	v11 =	vld.idx.msk [tilespmem:v1+s5+$0x0], $0xffff  }
0x14d: {  	v5 =	vld.idx.msk [tilespmem:v2+s5+$0x0], $0xffff  }
0x14e: {  	v4 =	vld.idx.msk [tilespmem:v3+s5+$0x0], $0xffff  }
0x14f: {  	v3 =	vld.idx.msk [tilespmem:v6+s5+$0x0], $0xffff  }
0x150: {  	v1 =	vld.idx.msk [tilespmem:v7+s5+$0x0], $0xffff  }
0x151: {  	v0 =	vld.idx.msk [tilespmem:v8+s5+$0x0], $0xffff;
	[tilespmem:s6+$0x0] =	vst v10  }
0x152: {  	s25 =	simm.s32 $0x18EF0;
	s1 =	simm.s32 $0x0;
	v2 =	vld.idx.msk [tilespmem:v9+s5+$0x0], $0xffff;
	[tilespmem:s6+$0xFFFFFFA0] =	vst v11  }
.LBB2_17:
0x153: {  	v6 =	vld [tilespmem:s25+$0x0];
	s1 =	sadd.s32 $0x80, s1;
	[tilespmem:s6+$0xFFFFFFB0] =	vst v5  }
0x154: {  	v5 =	vld [tilespmem:s25+$0xFFFFFFA0];
	p0 =	slt.u32 s1, $0x380;
	[tilespmem:s6+$0xFFFFFFC0] =	vst v4  }
0x155: {  	v4 =	vld [tilespmem:s25+$0xFFFFFFB0];
	[tilespmem:s6+$0xFFFFFFD0] =	vst v3  }
0x156: {  	v3 =	vld [tilespmem:s25+$0xFFFFFFC0];
	[tilespmem:s6+$0xFFFFFFE0] =	vst v1  }
0x157: {  	v1 =	vld [tilespmem:s25+$0xFFFFFFD0];
	[tilespmem:s6+$0xFFFFFFF0] =	vst v0  }
0x158: {  	v0 =	vld [tilespmem:s25+$0xFFFFFFE0];
	[tilespmem:s6+$0xFFFFFF90] =	vst v2  }
0x159: {  	v2 =	vld [tilespmem:s25+$0xFFFFFFF0]  }
0x15a: {  	v7 =	vld [tilespmem:s25+$0xFFFFFF90]  }
0x15b: {  	v6 =	vld.idx.msk [tilespmem:v6+s5+$0x0], $0xffff  }
0x15c: {  	v8 =	vld.idx.msk [tilespmem:v5+s5+$0x0], $0xffff  }
0x15d: {  	v5 =	vld.idx.msk [tilespmem:v4+s5+$0x0], $0xffff  }
.Ltmp7:
0x15e: {  	v4 =	vld.idx.msk [tilespmem:v3+s5+$0x0], $0xffff;
	(pc) =	sbr.rel @p0 .LBB2_17-.Ltmp7, $4  }
0x15f: {  	v3 =	vld.idx.msk [tilespmem:v1+s5+$0x0], $0xffff  }
0x160: {  	s6 =	sadd.s32 $0x200, s6;
	v1 =	vld.idx.msk [tilespmem:v0+s5+$0x0], $0xffff  }
0x161: {  	v0 =	vld.idx.msk [tilespmem:v2+s5+$0x0], $0xffff;
	[tilespmem:s6+$0x0] =	vst v6  }
0x162: {  	s25 =	sadd.s32 $0x400, s25;
	v2 =	vld.idx.msk [tilespmem:v7+s5+$0x0], $0xffff;
	[tilespmem:s6+$0xFFFFFFA0] =	vst v8  }
0x163: {  	[tilespmem:s6+$0xFFFFFFB0] =	vst v5  }
0x164: {  	[tilespmem:s6+$0xFFFFFFC0] =	vst v4  }
0x165: {  	[tilespmem:s6+$0xFFFFFFD0] =	vst v3  }
0x166: {  	[tilespmem:s6+$0xFFFFFFE0] =	vst v1  }
0x167: {  	s1 =	rddreg [dreg:$0x7]  }
0x168: {  	s1 =	sadd.s32 s1, s20  }
0x169: {  	[tilespmem:s6+$0xFFFFFFF0] =	vst v0;
	s1 =	sshrl.u32 s1, $0x3  }
0x16a: {  	[tilespmem:s6+$0xFFFFFF90] =	vst v2;
	s1 =	sadd.s32 s4, s1  }
0x16b: {  	[hbm4b:s1+s23] =	stream.strided.scatter [tilespmem:s9], [sflag:$0x3], $0x200, s30, s23, $0x38;
	[tilespmem:$0x1E700] =	vst v63  }
0x16c: {  	s25 =	sadd.s32 $0x80, s1  }
0x16d: {  	[hbm4b:s25+s23] =	stream.strided.scatter [tilespmem:s10], [sflag:$0x3], $0x200, s30, s23, $0x38;
	[tilespmem:$0x1E700] =	vst v63  }
0x16e: {  	s26 =	sadd.s32 $0x100, s1  }
0x16f: {  	[hbm4b:s26+s23] =	stream.strided.scatter [tilespmem:s11], [sflag:$0x3], $0x200, s30, s23, $0x38;
	[tilespmem:$0x1E700] =	vst v63  }
0x170: {  	s25 =	sadd.s32 $0x180, s1  }
0x171: {  	[hbm4b:s25+s23] =	stream.strided.scatter [tilespmem:s12], [sflag:$0x3], $0x200, s30, s23, $0x38;
	[tilespmem:$0x1E700] =	vst v63  }
0x172: {  	s26 =	sadd.s32 $0x200, s1  }
0x173: {  	[hbm4b:s26+s23] =	stream.strided.scatter [tilespmem:s13], [sflag:$0x3], $0x200, s30, s23, $0x38;
	[tilespmem:$0x1E700] =	vst v63  }
0x174: {  	s25 =	sadd.s32 $0x280, s1  }
0x175: {  	[hbm4b:s25+s23] =	stream.strided.scatter [tilespmem:s14], [sflag:$0x3], $0x200, s30, s23, $0x38;
	[tilespmem:$0x1E700] =	vst v63  }
0x176: {  	s26 =	sadd.s32 $0x300, s1  }
0x177: {  	[hbm4b:s26+s23] =	stream.strided.scatter [tilespmem:s15], [sflag:$0x3], $0x200, s30, s23, $0x38;
	[tilespmem:$0x1E700] =	vst v63  }
0x178: {  	s1 =	sadd.s32 $0x380, s1  }
0x179: {  	[hbm4b:s1+s23] =	stream.strided.scatter [tilespmem:s16], [sflag:$0x3], $0x200, s30, s23, $0x38;
	[tilespmem:$0x1E700] =	vst v63  }
0x17a: {  	_ =	swait.ge [sflag:s28], $0x2000  }
0x17b: {  	[sflag:s28] =	ssyncset.done $0x0  }
0x17c: {  	s6 =	sadd.s32 $0x800, s21;
	s25 =	simm.s32 $0x18700;
	[sflag:s28] =	ssyncadd.s32 $0xFFFFE000  }
0x17d: {  	[tilespmem:s25], [sflag:$0x2] =	stream.linear.gather [hbm4b:s6+s5], $0x2000, $0x38;
	[tilespmem:$0x1E700] =	vst v63  }
0x17e: {  	_ =	swait.ge [sflag:s17], $0x1000  }
0x17f: {  	[sflag:s17] =	ssyncset.done $0x0  }
0x180: {  	s26 =	simm.s32 $0x1A770;
	[sflag:s17] =	ssyncadd.s32 $0xFFFFF000  }
0x181: {  	v0 =	vld [tilespmem:s26+$0x0]  }
0x182: {  	v1 =	vld [tilespmem:s26+$0xFFFFFFA0]  }
0x183: {  	v2 =	vld [tilespmem:s26+$0xFFFFFFB0]  }
0x184: {  	v3 =	vld [tilespmem:s26+$0xFFFFFFC0]  }
0x185: {  	v5 =	vld [tilespmem:s26+$0xFFFFFFD0]  }
0x186: {  	v6 =	vld [tilespmem:s26+$0xFFFFFFE0]  }
0x187: {  	v7 =	vld [tilespmem:s26+$0xFFFFFFF0]  }
0x188: {  	v8 =	vld [tilespmem:s26+$0xFFFFFF90]  }
0x189: {  	v9 =	vld.idx.msk [tilespmem:v0+s5+$0x0], $0xffff  }
0x18a: {  	v10 =	vld.idx.msk [tilespmem:v1+s5+$0x0], $0xffff  }
0x18b: {  	v4 =	vld.idx.msk [tilespmem:v2+s5+$0x0], $0xffff  }
0x18c: {  	v3 =	vld.idx.msk [tilespmem:v3+s5+$0x0], $0xffff  }
0x18d: {  	v0 =	vld.idx.msk [tilespmem:v5+s5+$0x0], $0xffff  }
0x18e: {  	s26 =	simm.s32 $0x1C740;
	v1 =	vld.idx.msk [tilespmem:v6+s5+$0x0], $0xffff  }
0x18f: {  	v2 =	vld.idx.msk [tilespmem:v7+s5+$0x0], $0xffff;
	[tilespmem:s26+$0x30] =	vst v9  }
0x190: {  	s29 =	simm.s32 $0x0;
	s6 =	simm.s32 $0x1A7F0;
	s25 =	simm.s32 $0x1AB70;
	v5 =	vld.idx.msk [tilespmem:v8+s5+$0x0], $0xffff;
	[tilespmem:s26+$0xFFFFFFD0] =	vst v10  }
.LBB2_19:
0x191: {  	v6 =	vld [tilespmem:s25+$0x0];
	s29 =	sadd.s32 $0x80, s29;
	[tilespmem:s26+$0xFFFFFFE0] =	vst v4  }
0x192: {  	v4 =	vld [tilespmem:s25+$0xFFFFFFA0];
	p0 =	slt.u32 s29, $0x380;
	[tilespmem:s26+$0xFFFFFFF0] =	vst v3  }
0x193: {  	v3 =	vld [tilespmem:s25+$0xFFFFFFB0];
	[tilespmem:s26+$0x0] =	vst v0  }
0x194: {  	v0 =	vld [tilespmem:s25+$0xFFFFFFC0];
	[tilespmem:s26+$0x10] =	vst v1  }
0x195: {  	v1 =	vld [tilespmem:s25+$0xFFFFFFD0];
	[tilespmem:s26+$0x20] =	vst v2  }
0x196: {  	v2 =	vld [tilespmem:s25+$0xFFFFFFE0];
	[tilespmem:s26+$0xFFFFFFC0] =	vst v5  }
0x197: {  	v5 =	vld [tilespmem:s25+$0xFFFFFFF0]  }
0x198: {  	v7 =	vld [tilespmem:s25+$0xFFFFFF90]  }
0x199: {  	v6 =	vld.idx.msk [tilespmem:v6+s5+$0x0], $0xffff  }
0x19a: {  	v8 =	vld.idx.msk [tilespmem:v4+s5+$0x0], $0xffff  }
0x19b: {  	v4 =	vld.idx.msk [tilespmem:v3+s5+$0x0], $0xffff  }
.Ltmp8:
0x19c: {  	v3 =	vld.idx.msk [tilespmem:v0+s5+$0x0], $0xffff;
	(pc) =	sbr.rel @p0 .LBB2_19-.Ltmp8, $4  }
0x19d: {  	v0 =	vld.idx.msk [tilespmem:v1+s5+$0x0], $0xffff  }
0x19e: {  	s26 =	sadd.s32 $0x200, s26;
	v1 =	vld.idx.msk [tilespmem:v2+s5+$0x0], $0xffff  }
0x19f: {  	s1 =	simm.s32 $0x1C7F0;
	v2 =	vld.idx.msk [tilespmem:v5+s5+$0x0], $0xffff;
	[tilespmem:s26+$0x30] =	vst v6  }
0x1a0: {  	s25 =	sadd.s32 $0x400, s25;
	v5 =	vld.idx.msk [tilespmem:v7+s5+$0x0], $0xffff;
	[tilespmem:s26+$0xFFFFFFD0] =	vst v8  }
0x1a1: {  	[tilespmem:s26+$0xFFFFFFE0] =	vst v4  }
0x1a2: {  	[tilespmem:s26+$0xFFFFFFF0] =	vst v3  }
0x1a3: {  	[tilespmem:s26+$0x0] =	vst v0  }
0x1a4: {  	[tilespmem:s26+$0x10] =	vst v1  }
0x1a5: {  	[tilespmem:s26+$0x20] =	vst v2  }
0x1a6: {  	[tilespmem:s26+$0xFFFFFFC0] =	vst v5  }
0x1a7: {  	v0 =	vld [tilespmem:s6+$0x0]  }
0x1a8: {  	v1 =	vld [tilespmem:s6+$0xFFFFFFA0]  }
0x1a9: {  	v2 =	vld [tilespmem:s6+$0xFFFFFFB0]  }
0x1aa: {  	v3 =	vld [tilespmem:s6+$0xFFFFFFC0]  }
0x1ab: {  	v5 =	vld [tilespmem:s6+$0xFFFFFFD0]  }
0x1ac: {  	v6 =	vld [tilespmem:s6+$0xFFFFFFE0]  }
0x1ad: {  	v7 =	vld [tilespmem:s6+$0xFFFFFFF0]  }
0x1ae: {  	v8 =	vld [tilespmem:s6+$0xFFFFFF90]  }
0x1af: {  	v9 =	vld.idx.msk [tilespmem:v0+s5+$0x0], $0xffff  }
0x1b0: {  	v10 =	vld.idx.msk [tilespmem:v1+s5+$0x0], $0xffff  }
0x1b1: {  	v4 =	vld.idx.msk [tilespmem:v2+s5+$0x0], $0xffff  }
0x1b2: {  	v3 =	vld.idx.msk [tilespmem:v3+s5+$0x0], $0xffff  }
0x1b3: {  	v2 =	vld.idx.msk [tilespmem:v5+s5+$0x0], $0xffff  }
0x1b4: {  	v0 =	vld.idx.msk [tilespmem:v6+s5+$0x0], $0xffff  }
0x1b5: {  	v1 =	vld.idx.msk [tilespmem:v7+s5+$0x0], $0xffff;
	[tilespmem:s1+$0x0] =	vst v9  }
0x1b6: {  	s29 =	simm.s32 $0x0;
	s25 =	simm.s32 $0x1ABF0;
	s26 =	simm.s32 $0x1A870;
	v5 =	vld.idx.msk [tilespmem:v8+s5+$0x0], $0xffff;
	[tilespmem:s1+$0xFFFFFFA0] =	vst v10  }
.LBB2_21:
0x1b7: {  	v6 =	vld [tilespmem:s25+$0x0];
	s29 =	sadd.s32 $0x80, s29;
	[tilespmem:s1+$0xFFFFFFB0] =	vst v4  }
0x1b8: {  	v4 =	vld [tilespmem:s25+$0xFFFFFFA0];
	p0 =	slt.u32 s29, $0x380;
	[tilespmem:s1+$0xFFFFFFC0] =	vst v3  }
0x1b9: {  	v3 =	vld [tilespmem:s25+$0xFFFFFFB0];
	[tilespmem:s1+$0xFFFFFFD0] =	vst v2  }
0x1ba: {  	v2 =	vld [tilespmem:s25+$0xFFFFFFC0];
	[tilespmem:s1+$0xFFFFFFE0] =	vst v0  }
0x1bb: {  	v0 =	vld [tilespmem:s25+$0xFFFFFFD0];
	[tilespmem:s1+$0xFFFFFFF0] =	vst v1  }
0x1bc: {  	v1 =	vld [tilespmem:s25+$0xFFFFFFE0];
	[tilespmem:s1+$0xFFFFFF90] =	vst v5  }
0x1bd: {  	v5 =	vld [tilespmem:s25+$0xFFFFFFF0]  }
0x1be: {  	v7 =	vld [tilespmem:s25+$0xFFFFFF90]  }
0x1bf: {  	v6 =	vld.idx.msk [tilespmem:v6+s5+$0x0], $0xffff  }
0x1c0: {  	v8 =	vld.idx.msk [tilespmem:v4+s5+$0x0], $0xffff  }
0x1c1: {  	v4 =	vld.idx.msk [tilespmem:v3+s5+$0x0], $0xffff  }
.Ltmp9:
0x1c2: {  	v3 =	vld.idx.msk [tilespmem:v2+s5+$0x0], $0xffff;
	(pc) =	sbr.rel @p0 .LBB2_21-.Ltmp9, $4  }
0x1c3: {  	v2 =	vld.idx.msk [tilespmem:v0+s5+$0x0], $0xffff  }
0x1c4: {  	s1 =	sadd.s32 $0x200, s1;
	v0 =	vld.idx.msk [tilespmem:v1+s5+$0x0], $0xffff  }
0x1c5: {  	s6 =	simm.s32 $0x1C870;
	v1 =	vld.idx.msk [tilespmem:v5+s5+$0x0], $0xffff;
	[tilespmem:s1+$0x0] =	vst v6  }
0x1c6: {  	s25 =	sadd.s32 $0x400, s25;
	v5 =	vld.idx.msk [tilespmem:v7+s5+$0x0], $0xffff;
	[tilespmem:s1+$0xFFFFFFA0] =	vst v8  }
0x1c7: {  	[tilespmem:s1+$0xFFFFFFB0] =	vst v4  }
0x1c8: {  	[tilespmem:s1+$0xFFFFFFC0] =	vst v3  }
0x1c9: {  	[tilespmem:s1+$0xFFFFFFD0] =	vst v2  }
0x1ca: {  	[tilespmem:s1+$0xFFFFFFE0] =	vst v0  }
0x1cb: {  	[tilespmem:s1+$0xFFFFFFF0] =	vst v1  }
0x1cc: {  	[tilespmem:s1+$0xFFFFFF90] =	vst v5  }
0x1cd: {  	v0 =	vld [tilespmem:s26+$0x0]  }
0x1ce: {  	v1 =	vld [tilespmem:s26+$0xFFFFFFA0]  }
0x1cf: {  	v2 =	vld [tilespmem:s26+$0xFFFFFFB0]  }
0x1d0: {  	v3 =	vld [tilespmem:s26+$0xFFFFFFC0]  }
0x1d1: {  	v5 =	vld [tilespmem:s26+$0xFFFFFFD0]  }
0x1d2: {  	v6 =	vld [tilespmem:s26+$0xFFFFFFE0]  }
0x1d3: {  	v7 =	vld [tilespmem:s26+$0xFFFFFFF0]  }
0x1d4: {  	v8 =	vld [tilespmem:s26+$0xFFFFFF90]  }
0x1d5: {  	v9 =	vld.idx.msk [tilespmem:v0+s5+$0x0], $0xffff  }
0x1d6: {  	v10 =	vld.idx.msk [tilespmem:v1+s5+$0x0], $0xffff  }
0x1d7: {  	v4 =	vld.idx.msk [tilespmem:v2+s5+$0x0], $0xffff  }
0x1d8: {  	v3 =	vld.idx.msk [tilespmem:v3+s5+$0x0], $0xffff  }
0x1d9: {  	v2 =	vld.idx.msk [tilespmem:v5+s5+$0x0], $0xffff  }
0x1da: {  	v0 =	vld.idx.msk [tilespmem:v6+s5+$0x0], $0xffff  }
0x1db: {  	v1 =	vld.idx.msk [tilespmem:v7+s5+$0x0], $0xffff;
	[tilespmem:s6+$0x0] =	vst v9  }
0x1dc: {  	s29 =	simm.s32 $0x0;
	s25 =	simm.s32 $0x1AC70;
	s26 =	simm.s32 $0x1A8F0;
	v5 =	vld.idx.msk [tilespmem:v8+s5+$0x0], $0xffff;
	[tilespmem:s6+$0xFFFFFFA0] =	vst v10  }
.LBB2_23:
0x1dd: {  	v6 =	vld [tilespmem:s25+$0x0];
	s29 =	sadd.s32 $0x80, s29;
	[tilespmem:s6+$0xFFFFFFB0] =	vst v4  }
0x1de: {  	v4 =	vld [tilespmem:s25+$0xFFFFFFA0];
	p0 =	slt.u32 s29, $0x380;
	[tilespmem:s6+$0xFFFFFFC0] =	vst v3  }
0x1df: {  	v3 =	vld [tilespmem:s25+$0xFFFFFFB0];
	[tilespmem:s6+$0xFFFFFFD0] =	vst v2  }
0x1e0: {  	v2 =	vld [tilespmem:s25+$0xFFFFFFC0];
	[tilespmem:s6+$0xFFFFFFE0] =	vst v0  }
0x1e1: {  	v0 =	vld [tilespmem:s25+$0xFFFFFFD0];
	[tilespmem:s6+$0xFFFFFFF0] =	vst v1  }
0x1e2: {  	v1 =	vld [tilespmem:s25+$0xFFFFFFE0];
	[tilespmem:s6+$0xFFFFFF90] =	vst v5  }
0x1e3: {  	v5 =	vld [tilespmem:s25+$0xFFFFFFF0]  }
0x1e4: {  	v7 =	vld [tilespmem:s25+$0xFFFFFF90]  }
0x1e5: {  	v6 =	vld.idx.msk [tilespmem:v6+s5+$0x0], $0xffff  }
0x1e6: {  	v8 =	vld.idx.msk [tilespmem:v4+s5+$0x0], $0xffff  }
0x1e7: {  	v4 =	vld.idx.msk [tilespmem:v3+s5+$0x0], $0xffff  }
.Ltmp10:
0x1e8: {  	v3 =	vld.idx.msk [tilespmem:v2+s5+$0x0], $0xffff;
	(pc) =	sbr.rel @p0 .LBB2_23-.Ltmp10, $4  }
0x1e9: {  	v2 =	vld.idx.msk [tilespmem:v0+s5+$0x0], $0xffff  }
0x1ea: {  	s6 =	sadd.s32 $0x200, s6;
	v0 =	vld.idx.msk [tilespmem:v1+s5+$0x0], $0xffff  }
0x1eb: {  	s1 =	simm.s32 $0x1C8F0;
	v1 =	vld.idx.msk [tilespmem:v5+s5+$0x0], $0xffff;
	[tilespmem:s6+$0x0] =	vst v6  }
0x1ec: {  	s25 =	sadd.s32 $0x400, s25;
	v5 =	vld.idx.msk [tilespmem:v7+s5+$0x0], $0xffff;
	[tilespmem:s6+$0xFFFFFFA0] =	vst v8  }
0x1ed: {  	[tilespmem:s6+$0xFFFFFFB0] =	vst v4  }
0x1ee: {  	[tilespmem:s6+$0xFFFFFFC0] =	vst v3  }
0x1ef: {  	[tilespmem:s6+$0xFFFFFFD0] =	vst v2  }
0x1f0: {  	[tilespmem:s6+$0xFFFFFFE0] =	vst v0  }
0x1f1: {  	[tilespmem:s6+$0xFFFFFFF0] =	vst v1  }
0x1f2: {  	[tilespmem:s6+$0xFFFFFF90] =	vst v5  }
0x1f3: {  	v0 =	vld [tilespmem:s26+$0x0]  }
0x1f4: {  	v1 =	vld [tilespmem:s26+$0xFFFFFFA0]  }
0x1f5: {  	v2 =	vld [tilespmem:s26+$0xFFFFFFB0]  }
0x1f6: {  	v3 =	vld [tilespmem:s26+$0xFFFFFFC0]  }
0x1f7: {  	v6 =	vld [tilespmem:s26+$0xFFFFFFD0]  }
0x1f8: {  	v7 =	vld [tilespmem:s26+$0xFFFFFFE0]  }
0x1f9: {  	v8 =	vld [tilespmem:s26+$0xFFFFFFF0]  }
0x1fa: {  	v9 =	vld [tilespmem:s26+$0xFFFFFF90]  }
0x1fb: {  	v10 =	vld.idx.msk [tilespmem:v0+s5+$0x0], $0xffff  }
0x1fc: {  	v11 =	vld.idx.msk [tilespmem:v1+s5+$0x0], $0xffff  }
0x1fd: {  	v5 =	vld.idx.msk [tilespmem:v2+s5+$0x0], $0xffff  }
0x1fe: {  	v4 =	vld.idx.msk [tilespmem:v3+s5+$0x0], $0xffff  }
0x1ff: {  	v3 =	vld.idx.msk [tilespmem:v6+s5+$0x0], $0xffff  }
0x200: {  	v1 =	vld.idx.msk [tilespmem:v7+s5+$0x0], $0xffff  }
0x201: {  	v0 =	vld.idx.msk [tilespmem:v8+s5+$0x0], $0xffff;
	[tilespmem:s1+$0x0] =	vst v10  }
0x202: {  	s25 =	simm.s32 $0x1ACF0;
	s6 =	simm.s32 $0x0;
	v2 =	vld.idx.msk [tilespmem:v9+s5+$0x0], $0xffff;
	[tilespmem:s1+$0xFFFFFFA0] =	vst v11  }
.LBB2_25:
0x203: {  	v6 =	vld [tilespmem:s25+$0x0];
	s6 =	sadd.s32 $0x80, s6;
	[tilespmem:s1+$0xFFFFFFB0] =	vst v5  }
0x204: {  	v5 =	vld [tilespmem:s25+$0xFFFFFFA0];
	p0 =	slt.u32 s6, $0x380;
	[tilespmem:s1+$0xFFFFFFC0] =	vst v4  }
0x205: {  	v4 =	vld [tilespmem:s25+$0xFFFFFFB0];
	[tilespmem:s1+$0xFFFFFFD0] =	vst v3  }
0x206: {  	v3 =	vld [tilespmem:s25+$0xFFFFFFC0];
	[tilespmem:s1+$0xFFFFFFE0] =	vst v1  }
0x207: {  	v1 =	vld [tilespmem:s25+$0xFFFFFFD0];
	[tilespmem:s1+$0xFFFFFFF0] =	vst v0  }
0x208: {  	v0 =	vld [tilespmem:s25+$0xFFFFFFE0];
	[tilespmem:s1+$0xFFFFFF90] =	vst v2  }
0x209: {  	v2 =	vld [tilespmem:s25+$0xFFFFFFF0]  }
0x20a: {  	v7 =	vld [tilespmem:s25+$0xFFFFFF90]  }
0x20b: {  	v6 =	vld.idx.msk [tilespmem:v6+s5+$0x0], $0xffff  }
0x20c: {  	v8 =	vld.idx.msk [tilespmem:v5+s5+$0x0], $0xffff  }
0x20d: {  	v5 =	vld.idx.msk [tilespmem:v4+s5+$0x0], $0xffff  }
.Ltmp11:
0x20e: {  	v4 =	vld.idx.msk [tilespmem:v3+s5+$0x0], $0xffff;
	(pc) =	sbr.rel @p0 .LBB2_25-.Ltmp11, $4  }
0x20f: {  	v3 =	vld.idx.msk [tilespmem:v1+s5+$0x0], $0xffff  }
0x210: {  	s1 =	sadd.s32 $0x200, s1;
	v1 =	vld.idx.msk [tilespmem:v0+s5+$0x0], $0xffff  }
0x211: {  	v0 =	vld.idx.msk [tilespmem:v2+s5+$0x0], $0xffff;
	[tilespmem:s1+$0x0] =	vst v6  }
0x212: {  	s25 =	sadd.s32 $0x400, s25;
	v2 =	vld.idx.msk [tilespmem:v7+s5+$0x0], $0xffff;
	[tilespmem:s1+$0xFFFFFFA0] =	vst v8  }
0x213: {  	[tilespmem:s1+$0xFFFFFFB0] =	vst v5  }
0x214: {  	[tilespmem:s1+$0xFFFFFFC0] =	vst v4  }
0x215: {  	[tilespmem:s1+$0xFFFFFFD0] =	vst v3  }
0x216: {  	[tilespmem:s1+$0xFFFFFFE0] =	vst v1  }
0x217: {  	s6 =	rddreg [dreg:$0x8]  }
0x218: {  	s6 =	sadd.s32 s6, s20  }
0x219: {  	[tilespmem:s1+$0xFFFFFFF0] =	vst v0;
	s6 =	sshrl.u32 s6, $0x3  }
0x21a: {  	[tilespmem:s1+$0xFFFFFF90] =	vst v2;
	s1 =	sadd.s32 s4, s6  }
0x21b: {  	[hbm4b:s1+s23] =	stream.strided.scatter [tilespmem:s31], [sflag:$0x3], $0x200, s30, s23, $0x38;
	[tilespmem:$0x1E700] =	vst v63  }
0x21c: {  	s6 =	sadd.s32 $0x80, s1  }
0x21d: {  	[hbm4b:s6+s23] =	stream.strided.scatter [tilespmem:s0], [sflag:$0x3], $0x200, s30, s23, $0x38;
	[tilespmem:$0x1E700] =	vst v63  }
0x21e: {  	s25 =	sadd.s32 $0x100, s1  }
0x21f: {  	[hbm4b:s25+s23] =	stream.strided.scatter [tilespmem:s2], [sflag:$0x3], $0x200, s30, s23, $0x38;
	[tilespmem:$0x1E700] =	vst v63  }
0x220: {  	s26 =	sadd.s32 $0x180, s1  }
0x221: {  	[hbm4b:s26+s23] =	stream.strided.scatter [tilespmem:s24], [sflag:$0x3], $0x200, s30, s23, $0x38;
	[tilespmem:$0x1E700] =	vst v63  }
0x222: {  	s25 =	sadd.s32 $0x200, s1  }
0x223: {  	[hbm4b:s25+s23] =	stream.strided.scatter [tilespmem:s8], [sflag:$0x3], $0x200, s30, s23, $0x38;
	[tilespmem:$0x1E700] =	vst v63  }
0x224: {  	s26 =	sadd.s32 $0x280, s1  }
0x225: {  	[hbm4b:s26+s23] =	stream.strided.scatter [tilespmem:s22], [sflag:$0x3], $0x200, s30, s23, $0x38;
	[tilespmem:$0x1E700] =	vst v63  }
0x226: {  	s25 =	sadd.s32 $0x300, s1  }
0x227: {  	[hbm4b:s25+s23] =	stream.strided.scatter [tilespmem:s3], [sflag:$0x3], $0x200, s30, s23, $0x38;
	[tilespmem:$0x1E700] =	vst v63  }
0x228: {  	s1 =	sadd.s32 $0x380, s1  }
0x229: {  	[hbm4b:s1+s23] =	stream.strided.scatter [tilespmem:s7], [sflag:$0x3], $0x200, s30, s23, $0x38;
	[tilespmem:$0x1E700] =	vst v63  }
0x22a: {  	_ =	swait.ge [sflag:s17], $0x1000  }
0x22b: {  	[sflag:s17] =	ssyncset.done $0x0  }
0x22c: {  	s26 =	simm.s32 $0x1A970;
	[sflag:s17] =	ssyncadd.s32 $0xFFFFF000  }
0x22d: {  	v0 =	vld [tilespmem:s26+$0x0]  }
0x22e: {  	v1 =	vld [tilespmem:s26+$0xFFFFFFA0]  }
0x22f: {  	v2 =	vld [tilespmem:s26+$0xFFFFFFB0]  }
0x230: {  	v3 =	vld [tilespmem:s26+$0xFFFFFFC0]  }
0x231: {  	v5 =	vld [tilespmem:s26+$0xFFFFFFD0]  }
0x232: {  	v6 =	vld [tilespmem:s26+$0xFFFFFFE0]  }
0x233: {  	v7 =	vld [tilespmem:s26+$0xFFFFFFF0]  }
0x234: {  	v8 =	vld [tilespmem:s26+$0xFFFFFF90]  }
0x235: {  	v9 =	vld.idx.msk [tilespmem:v0+s5+$0x0], $0xffff  }
0x236: {  	v10 =	vld.idx.msk [tilespmem:v1+s5+$0x0], $0xffff  }
0x237: {  	v4 =	vld.idx.msk [tilespmem:v2+s5+$0x0], $0xffff  }
0x238: {  	v3 =	vld.idx.msk [tilespmem:v3+s5+$0x0], $0xffff  }
0x239: {  	v0 =	vld.idx.msk [tilespmem:v5+s5+$0x0], $0xffff  }
0x23a: {  	s26 =	simm.s32 $0x1D770;
	v1 =	vld.idx.msk [tilespmem:v6+s5+$0x0], $0xffff  }
0x23b: {  	v2 =	vld.idx.msk [tilespmem:v7+s5+$0x0], $0xffff;
	[tilespmem:s26+$0x0] =	vst v9  }
0x23c: {  	s29 =	simm.s32 $0x0;
	s6 =	simm.s32 $0x1A9F0;
	s25 =	simm.s32 $0x1AD70;
	v5 =	vld.idx.msk [tilespmem:v8+s5+$0x0], $0xffff;
	[tilespmem:s26+$0xFFFFFFA0] =	vst v10  }
.LBB2_27:
0x23d: {  	v6 =	vld [tilespmem:s25+$0x0];
	s29 =	sadd.s32 $0x80, s29;
	[tilespmem:s26+$0xFFFFFFB0] =	vst v4  }
0x23e: {  	v4 =	vld [tilespmem:s25+$0xFFFFFFA0];
	p0 =	slt.u32 s29, $0x380;
	[tilespmem:s26+$0xFFFFFFC0] =	vst v3  }
0x23f: {  	v3 =	vld [tilespmem:s25+$0xFFFFFFB0];
	[tilespmem:s26+$0xFFFFFFD0] =	vst v0  }
0x240: {  	v0 =	vld [tilespmem:s25+$0xFFFFFFC0];
	[tilespmem:s26+$0xFFFFFFE0] =	vst v1  }
0x241: {  	v1 =	vld [tilespmem:s25+$0xFFFFFFD0];
	[tilespmem:s26+$0xFFFFFFF0] =	vst v2  }
0x242: {  	v2 =	vld [tilespmem:s25+$0xFFFFFFE0];
	[tilespmem:s26+$0xFFFFFF90] =	vst v5  }
0x243: {  	v5 =	vld [tilespmem:s25+$0xFFFFFFF0]  }
0x244: {  	v7 =	vld [tilespmem:s25+$0xFFFFFF90]  }
0x245: {  	v6 =	vld.idx.msk [tilespmem:v6+s5+$0x0], $0xffff  }
0x246: {  	v8 =	vld.idx.msk [tilespmem:v4+s5+$0x0], $0xffff  }
0x247: {  	v4 =	vld.idx.msk [tilespmem:v3+s5+$0x0], $0xffff  }
.Ltmp12:
0x248: {  	v3 =	vld.idx.msk [tilespmem:v0+s5+$0x0], $0xffff;
	(pc) =	sbr.rel @p0 .LBB2_27-.Ltmp12, $4  }
0x249: {  	v0 =	vld.idx.msk [tilespmem:v1+s5+$0x0], $0xffff  }
0x24a: {  	s26 =	sadd.s32 $0x200, s26;
	v1 =	vld.idx.msk [tilespmem:v2+s5+$0x0], $0xffff  }
0x24b: {  	s1 =	simm.s32 $0x1D7F0;
	v2 =	vld.idx.msk [tilespmem:v5+s5+$0x0], $0xffff;
	[tilespmem:s26+$0x0] =	vst v6  }
0x24c: {  	s25 =	sadd.s32 $0x400, s25;
	v5 =	vld.idx.msk [tilespmem:v7+s5+$0x0], $0xffff;
	[tilespmem:s26+$0xFFFFFFA0] =	vst v8  }
0x24d: {  	[tilespmem:s26+$0xFFFFFFB0] =	vst v4  }
0x24e: {  	[tilespmem:s26+$0xFFFFFFC0] =	vst v3  }
0x24f: {  	[tilespmem:s26+$0xFFFFFFD0] =	vst v0  }
0x250: {  	[tilespmem:s26+$0xFFFFFFE0] =	vst v1  }
0x251: {  	[tilespmem:s26+$0xFFFFFFF0] =	vst v2  }
0x252: {  	[tilespmem:s26+$0xFFFFFF90] =	vst v5  }
0x253: {  	v0 =	vld [tilespmem:s6+$0x0]  }
0x254: {  	v1 =	vld [tilespmem:s6+$0xFFFFFFA0]  }
0x255: {  	v2 =	vld [tilespmem:s6+$0xFFFFFFB0]  }
0x256: {  	v3 =	vld [tilespmem:s6+$0xFFFFFFC0]  }
0x257: {  	v5 =	vld [tilespmem:s6+$0xFFFFFFD0]  }
0x258: {  	v6 =	vld [tilespmem:s6+$0xFFFFFFE0]  }
0x259: {  	v7 =	vld [tilespmem:s6+$0xFFFFFFF0]  }
0x25a: {  	v8 =	vld [tilespmem:s6+$0xFFFFFF90]  }
0x25b: {  	v9 =	vld.idx.msk [tilespmem:v0+s5+$0x0], $0xffff  }
0x25c: {  	v10 =	vld.idx.msk [tilespmem:v1+s5+$0x0], $0xffff  }
0x25d: {  	v4 =	vld.idx.msk [tilespmem:v2+s5+$0x0], $0xffff  }
0x25e: {  	v3 =	vld.idx.msk [tilespmem:v3+s5+$0x0], $0xffff  }
0x25f: {  	v2 =	vld.idx.msk [tilespmem:v5+s5+$0x0], $0xffff  }
0x260: {  	v0 =	vld.idx.msk [tilespmem:v6+s5+$0x0], $0xffff  }
0x261: {  	v1 =	vld.idx.msk [tilespmem:v7+s5+$0x0], $0xffff;
	[tilespmem:s1+$0x0] =	vst v9  }
0x262: {  	s29 =	simm.s32 $0x0;
	s25 =	simm.s32 $0x1ADF0;
	s26 =	simm.s32 $0x1AA70;
	v5 =	vld.idx.msk [tilespmem:v8+s5+$0x0], $0xffff;
	[tilespmem:s1+$0xFFFFFFA0] =	vst v10  }
.LBB2_29:
0x263: {  	v6 =	vld [tilespmem:s25+$0x0];
	s29 =	sadd.s32 $0x80, s29;
	[tilespmem:s1+$0xFFFFFFB0] =	vst v4  }
0x264: {  	v4 =	vld [tilespmem:s25+$0xFFFFFFA0];
	p0 =	slt.u32 s29, $0x380;
	[tilespmem:s1+$0xFFFFFFC0] =	vst v3  }
0x265: {  	v3 =	vld [tilespmem:s25+$0xFFFFFFB0];
	[tilespmem:s1+$0xFFFFFFD0] =	vst v2  }
0x266: {  	v2 =	vld [tilespmem:s25+$0xFFFFFFC0];
	[tilespmem:s1+$0xFFFFFFE0] =	vst v0  }
0x267: {  	v0 =	vld [tilespmem:s25+$0xFFFFFFD0];
	[tilespmem:s1+$0xFFFFFFF0] =	vst v1  }
0x268: {  	v1 =	vld [tilespmem:s25+$0xFFFFFFE0];
	[tilespmem:s1+$0xFFFFFF90] =	vst v5  }
0x269: {  	v5 =	vld [tilespmem:s25+$0xFFFFFFF0]  }
0x26a: {  	v7 =	vld [tilespmem:s25+$0xFFFFFF90]  }
0x26b: {  	v6 =	vld.idx.msk [tilespmem:v6+s5+$0x0], $0xffff  }
0x26c: {  	v8 =	vld.idx.msk [tilespmem:v4+s5+$0x0], $0xffff  }
0x26d: {  	v4 =	vld.idx.msk [tilespmem:v3+s5+$0x0], $0xffff  }
.Ltmp13:
0x26e: {  	v3 =	vld.idx.msk [tilespmem:v2+s5+$0x0], $0xffff;
	(pc) =	sbr.rel @p0 .LBB2_29-.Ltmp13, $4  }
0x26f: {  	v2 =	vld.idx.msk [tilespmem:v0+s5+$0x0], $0xffff  }
0x270: {  	s1 =	sadd.s32 $0x200, s1;
	v0 =	vld.idx.msk [tilespmem:v1+s5+$0x0], $0xffff  }
0x271: {  	s6 =	simm.s32 $0x1D870;
	v1 =	vld.idx.msk [tilespmem:v5+s5+$0x0], $0xffff;
	[tilespmem:s1+$0x0] =	vst v6  }
0x272: {  	s25 =	sadd.s32 $0x400, s25;
	v5 =	vld.idx.msk [tilespmem:v7+s5+$0x0], $0xffff;
	[tilespmem:s1+$0xFFFFFFA0] =	vst v8  }
0x273: {  	[tilespmem:s1+$0xFFFFFFB0] =	vst v4  }
0x274: {  	[tilespmem:s1+$0xFFFFFFC0] =	vst v3  }
0x275: {  	[tilespmem:s1+$0xFFFFFFD0] =	vst v2  }
0x276: {  	[tilespmem:s1+$0xFFFFFFE0] =	vst v0  }
0x277: {  	[tilespmem:s1+$0xFFFFFFF0] =	vst v1  }
0x278: {  	[tilespmem:s1+$0xFFFFFF90] =	vst v5  }
0x279: {  	v0 =	vld [tilespmem:s26+$0x0]  }
0x27a: {  	v1 =	vld [tilespmem:s26+$0xFFFFFFA0]  }
0x27b: {  	v2 =	vld [tilespmem:s26+$0xFFFFFFB0]  }
0x27c: {  	v3 =	vld [tilespmem:s26+$0xFFFFFFC0]  }
0x27d: {  	v5 =	vld [tilespmem:s26+$0xFFFFFFD0]  }
0x27e: {  	v6 =	vld [tilespmem:s26+$0xFFFFFFE0]  }
0x27f: {  	v7 =	vld [tilespmem:s26+$0xFFFFFFF0]  }
0x280: {  	v8 =	vld [tilespmem:s26+$0xFFFFFF90]  }
0x281: {  	v9 =	vld.idx.msk [tilespmem:v0+s5+$0x0], $0xffff  }
0x282: {  	v10 =	vld.idx.msk [tilespmem:v1+s5+$0x0], $0xffff  }
0x283: {  	v4 =	vld.idx.msk [tilespmem:v2+s5+$0x0], $0xffff  }
0x284: {  	v3 =	vld.idx.msk [tilespmem:v3+s5+$0x0], $0xffff  }
0x285: {  	v2 =	vld.idx.msk [tilespmem:v5+s5+$0x0], $0xffff  }
0x286: {  	v0 =	vld.idx.msk [tilespmem:v6+s5+$0x0], $0xffff  }
0x287: {  	v1 =	vld.idx.msk [tilespmem:v7+s5+$0x0], $0xffff;
	[tilespmem:s6+$0x0] =	vst v9  }
0x288: {  	s29 =	simm.s32 $0x0;
	s25 =	simm.s32 $0x1AE70;
	s26 =	simm.s32 $0x1AAF0;
	v5 =	vld.idx.msk [tilespmem:v8+s5+$0x0], $0xffff;
	[tilespmem:s6+$0xFFFFFFA0] =	vst v10  }
.LBB2_31:
0x289: {  	v6 =	vld [tilespmem:s25+$0x0];
	s29 =	sadd.s32 $0x80, s29;
	[tilespmem:s6+$0xFFFFFFB0] =	vst v4  }
0x28a: {  	v4 =	vld [tilespmem:s25+$0xFFFFFFA0];
	p0 =	slt.u32 s29, $0x380;
	[tilespmem:s6+$0xFFFFFFC0] =	vst v3  }
0x28b: {  	v3 =	vld [tilespmem:s25+$0xFFFFFFB0];
	[tilespmem:s6+$0xFFFFFFD0] =	vst v2  }
0x28c: {  	v2 =	vld [tilespmem:s25+$0xFFFFFFC0];
	[tilespmem:s6+$0xFFFFFFE0] =	vst v0  }
0x28d: {  	v0 =	vld [tilespmem:s25+$0xFFFFFFD0];
	[tilespmem:s6+$0xFFFFFFF0] =	vst v1  }
0x28e: {  	v1 =	vld [tilespmem:s25+$0xFFFFFFE0];
	[tilespmem:s6+$0xFFFFFF90] =	vst v5  }
0x28f: {  	v5 =	vld [tilespmem:s25+$0xFFFFFFF0]  }
0x290: {  	v7 =	vld [tilespmem:s25+$0xFFFFFF90]  }
0x291: {  	v6 =	vld.idx.msk [tilespmem:v6+s5+$0x0], $0xffff  }
0x292: {  	v8 =	vld.idx.msk [tilespmem:v4+s5+$0x0], $0xffff  }
0x293: {  	v4 =	vld.idx.msk [tilespmem:v3+s5+$0x0], $0xffff  }
.Ltmp14:
0x294: {  	v3 =	vld.idx.msk [tilespmem:v2+s5+$0x0], $0xffff;
	(pc) =	sbr.rel @p0 .LBB2_31-.Ltmp14, $4  }
0x295: {  	v2 =	vld.idx.msk [tilespmem:v0+s5+$0x0], $0xffff  }
0x296: {  	s6 =	sadd.s32 $0x200, s6;
	v0 =	vld.idx.msk [tilespmem:v1+s5+$0x0], $0xffff  }
0x297: {  	s1 =	simm.s32 $0x1D8F0;
	v1 =	vld.idx.msk [tilespmem:v5+s5+$0x0], $0xffff;
	[tilespmem:s6+$0x0] =	vst v6  }
0x298: {  	s25 =	sadd.s32 $0x400, s25;
	v5 =	vld.idx.msk [tilespmem:v7+s5+$0x0], $0xffff;
	[tilespmem:s6+$0xFFFFFFA0] =	vst v8  }
0x299: {  	[tilespmem:s6+$0xFFFFFFB0] =	vst v4  }
0x29a: {  	[tilespmem:s6+$0xFFFFFFC0] =	vst v3  }
0x29b: {  	[tilespmem:s6+$0xFFFFFFD0] =	vst v2  }
0x29c: {  	[tilespmem:s6+$0xFFFFFFE0] =	vst v0  }
0x29d: {  	[tilespmem:s6+$0xFFFFFFF0] =	vst v1  }
0x29e: {  	[tilespmem:s6+$0xFFFFFF90] =	vst v5  }
0x29f: {  	v0 =	vld [tilespmem:s26+$0x0]  }
0x2a0: {  	v1 =	vld [tilespmem:s26+$0xFFFFFFA0]  }
0x2a1: {  	v2 =	vld [tilespmem:s26+$0xFFFFFFB0]  }
0x2a2: {  	v3 =	vld [tilespmem:s26+$0xFFFFFFC0]  }
0x2a3: {  	v6 =	vld [tilespmem:s26+$0xFFFFFFD0]  }
0x2a4: {  	v7 =	vld [tilespmem:s26+$0xFFFFFFE0]  }
0x2a5: {  	v8 =	vld [tilespmem:s26+$0xFFFFFFF0]  }
0x2a6: {  	v9 =	vld [tilespmem:s26+$0xFFFFFF90]  }
0x2a7: {  	v10 =	vld.idx.msk [tilespmem:v0+s5+$0x0], $0xffff  }
0x2a8: {  	v11 =	vld.idx.msk [tilespmem:v1+s5+$0x0], $0xffff  }
0x2a9: {  	v5 =	vld.idx.msk [tilespmem:v2+s5+$0x0], $0xffff  }
0x2aa: {  	v4 =	vld.idx.msk [tilespmem:v3+s5+$0x0], $0xffff  }
0x2ab: {  	v3 =	vld.idx.msk [tilespmem:v6+s5+$0x0], $0xffff  }
0x2ac: {  	v1 =	vld.idx.msk [tilespmem:v7+s5+$0x0], $0xffff  }
0x2ad: {  	v0 =	vld.idx.msk [tilespmem:v8+s5+$0x0], $0xffff;
	[tilespmem:s1+$0x0] =	vst v10  }
0x2ae: {  	s25 =	simm.s32 $0x1AEF0;
	s6 =	simm.s32 $0x0;
	v2 =	vld.idx.msk [tilespmem:v9+s5+$0x0], $0xffff;
	[tilespmem:s1+$0xFFFFFFA0] =	vst v11  }
.LBB2_33:
0x2af: {  	v6 =	vld [tilespmem:s25+$0x0];
	s6 =	sadd.s32 $0x80, s6;
	[tilespmem:s1+$0xFFFFFFB0] =	vst v5  }
0x2b0: {  	v5 =	vld [tilespmem:s25+$0xFFFFFFA0];
	p0 =	slt.u32 s6, $0x380;
	[tilespmem:s1+$0xFFFFFFC0] =	vst v4  }
0x2b1: {  	v4 =	vld [tilespmem:s25+$0xFFFFFFB0];
	[tilespmem:s1+$0xFFFFFFD0] =	vst v3  }
0x2b2: {  	v3 =	vld [tilespmem:s25+$0xFFFFFFC0];
	[tilespmem:s1+$0xFFFFFFE0] =	vst v1  }
0x2b3: {  	v1 =	vld [tilespmem:s25+$0xFFFFFFD0];
	[tilespmem:s1+$0xFFFFFFF0] =	vst v0  }
0x2b4: {  	v0 =	vld [tilespmem:s25+$0xFFFFFFE0];
	[tilespmem:s1+$0xFFFFFF90] =	vst v2  }
0x2b5: {  	v2 =	vld [tilespmem:s25+$0xFFFFFFF0]  }
0x2b6: {  	v7 =	vld [tilespmem:s25+$0xFFFFFF90]  }
0x2b7: {  	v6 =	vld.idx.msk [tilespmem:v6+s5+$0x0], $0xffff  }
0x2b8: {  	v8 =	vld.idx.msk [tilespmem:v5+s5+$0x0], $0xffff  }
0x2b9: {  	v5 =	vld.idx.msk [tilespmem:v4+s5+$0x0], $0xffff  }
.Ltmp15:
0x2ba: {  	v4 =	vld.idx.msk [tilespmem:v3+s5+$0x0], $0xffff;
	(pc) =	sbr.rel @p0 .LBB2_33-.Ltmp15, $4  }
0x2bb: {  	v3 =	vld.idx.msk [tilespmem:v1+s5+$0x0], $0xffff  }
0x2bc: {  	s1 =	sadd.s32 $0x200, s1;
	v1 =	vld.idx.msk [tilespmem:v0+s5+$0x0], $0xffff  }
0x2bd: {  	v0 =	vld.idx.msk [tilespmem:v2+s5+$0x0], $0xffff;
	[tilespmem:s1+$0x0] =	vst v6  }
0x2be: {  	s25 =	sadd.s32 $0x400, s25;
	v2 =	vld.idx.msk [tilespmem:v7+s5+$0x0], $0xffff;
	[tilespmem:s1+$0xFFFFFFA0] =	vst v8  }
0x2bf: {  	[tilespmem:s1+$0xFFFFFFB0] =	vst v5  }
0x2c0: {  	[tilespmem:s1+$0xFFFFFFC0] =	vst v4  }
0x2c1: {  	[tilespmem:s1+$0xFFFFFFD0] =	vst v3  }
0x2c2: {  	[tilespmem:s1+$0xFFFFFFE0] =	vst v1  }
0x2c3: {  	s6 =	rddreg [dreg:$0x9]  }
0x2c4: {  	s6 =	sadd.s32 s6, s20  }
0x2c5: {  	[tilespmem:s1+$0xFFFFFFF0] =	vst v0;
	s6 =	sshrl.u32 s6, $0x3  }
0x2c6: {  	[tilespmem:s1+$0xFFFFFF90] =	vst v2;
	s1 =	sadd.s32 s4, s6  }
0x2c7: {  	[hbm4b:s1+s23] =	stream.strided.scatter [tilespmem:s9], [sflag:$0x3], $0x200, s30, s23, $0x38;
	[tilespmem:$0x1E700] =	vst v63  }
0x2c8: {  	s6 =	sadd.s32 $0x80, s1  }
0x2c9: {  	[hbm4b:s6+s23] =	stream.strided.scatter [tilespmem:s10], [sflag:$0x3], $0x200, s30, s23, $0x38;
	[tilespmem:$0x1E700] =	vst v63  }
0x2ca: {  	s26 =	sadd.s32 $0x100, s1  }
0x2cb: {  	[hbm4b:s26+s23] =	stream.strided.scatter [tilespmem:s11], [sflag:$0x3], $0x200, s30, s23, $0x38;
	[tilespmem:$0x1E700] =	vst v63  }
0x2cc: {  	s25 =	sadd.s32 $0x180, s1  }
0x2cd: {  	[hbm4b:s25+s23] =	stream.strided.scatter [tilespmem:s12], [sflag:$0x3], $0x200, s30, s23, $0x38;
	[tilespmem:$0x1E700] =	vst v63  }
0x2ce: {  	s26 =	sadd.s32 $0x200, s1  }
0x2cf: {  	[hbm4b:s26+s23] =	stream.strided.scatter [tilespmem:s13], [sflag:$0x3], $0x200, s30, s23, $0x38;
	[tilespmem:$0x1E700] =	vst v63  }
0x2d0: {  	s25 =	sadd.s32 $0x280, s1  }
0x2d1: {  	[hbm4b:s25+s23] =	stream.strided.scatter [tilespmem:s14], [sflag:$0x3], $0x200, s30, s23, $0x38;
	[tilespmem:$0x1E700] =	vst v63  }
0x2d2: {  	s26 =	sadd.s32 $0x300, s1  }
0x2d3: {  	[hbm4b:s26+s23] =	stream.strided.scatter [tilespmem:s15], [sflag:$0x3], $0x200, s30, s23, $0x38;
	[tilespmem:$0x1E700] =	vst v63  }
0x2d4: {  	s1 =	sadd.s32 $0x380, s1  }
0x2d5: {  	[hbm4b:s1+s23] =	stream.strided.scatter [tilespmem:s16], [sflag:$0x3], $0x200, s30, s23, $0x38;
	[tilespmem:$0x1E700] =	vst v63  }
0x2d6: {  	_ =	swait.ge [sflag:s28], $0x2000  }
0x2d7: {  	[sflag:s28] =	ssyncset.done $0x0  }
0x2d8: {  	s6 =	sadd.s32 $0xC00, s21;
	s25 =	simm.s32 $0x1A700;
	[sflag:s28] =	ssyncadd.s32 $0xFFFFE000  }
0x2d9: {  	[tilespmem:s25], [sflag:$0x2] =	stream.linear.gather [hbm4b:s6+s5], $0x2000, $0x38;
	[tilespmem:$0x1E700] =	vst v63  }
0x2da: {  	_ =	swait.ge [sflag:s17], $0x1000  }
0x2db: {  	[sflag:s17] =	ssyncset.done $0x0  }
0x2dc: {  	s26 =	simm.s32 $0x18740;
	[sflag:s17] =	ssyncadd.s32 $0xFFFFF000  }
0x2dd: {  	v0 =	vld [tilespmem:s26+$0x30]  }
0x2de: {  	v1 =	vld [tilespmem:s26+$0xFFFFFFD0]  }
0x2df: {  	v2 =	vld [tilespmem:s26+$0xFFFFFFE0]  }
0x2e0: {  	v3 =	vld [tilespmem:s26+$0xFFFFFFF0]  }
0x2e1: {  	v5 =	vld [tilespmem:s26+$0x0]  }
0x2e2: {  	v6 =	vld [tilespmem:s26+$0x10]  }
0x2e3: {  	v7 =	vld [tilespmem:s26+$0x20]  }
0x2e4: {  	v8 =	vld [tilespmem:s26+$0xFFFFFFC0]  }
0x2e5: {  	v9 =	vld.idx.msk [tilespmem:v0+s5+$0x0], $0xffff  }
0x2e6: {  	v10 =	vld.idx.msk [tilespmem:v1+s5+$0x0], $0xffff  }
0x2e7: {  	v4 =	vld.idx.msk [tilespmem:v2+s5+$0x0], $0xffff  }
0x2e8: {  	v3 =	vld.idx.msk [tilespmem:v3+s5+$0x0], $0xffff  }
0x2e9: {  	v0 =	vld.idx.msk [tilespmem:v5+s5+$0x0], $0xffff  }
0x2ea: {  	s6 =	simm.s32 $0x1C740;
	v1 =	vld.idx.msk [tilespmem:v6+s5+$0x0], $0xffff  }
0x2eb: {  	v2 =	vld.idx.msk [tilespmem:v7+s5+$0x0], $0xffff;
	[tilespmem:s6+$0x30] =	vst v9  }
0x2ec: {  	s29 =	simm.s32 $0x18B40;
	s26 =	simm.s32 $0x0;
	v5 =	vld.idx.msk [tilespmem:v8+s5+$0x0], $0xffff;
	[tilespmem:s6+$0xFFFFFFD0] =	vst v10  }
.LBB2_35:
0x2ed: {  	v6 =	vld [tilespmem:s29+$0x30];
	s26 =	sadd.s32 $0x80, s26;
	[tilespmem:s6+$0xFFFFFFE0] =	vst v4  }
0x2ee: {  	v4 =	vld [tilespmem:s29+$0xFFFFFFD0];
	p0 =	slt.u32 s26, $0x380;
	[tilespmem:s6+$0xFFFFFFF0] =	vst v3  }
0x2ef: {  	v3 =	vld [tilespmem:s29+$0xFFFFFFE0];
	[tilespmem:s6+$0x0] =	vst v0  }
0x2f0: {  	v0 =	vld [tilespmem:s29+$0xFFFFFFF0];
	[tilespmem:s6+$0x10] =	vst v1  }
0x2f1: {  	v1 =	vld [tilespmem:s29+$0x0];
	[tilespmem:s6+$0x20] =	vst v2  }
0x2f2: {  	v2 =	vld [tilespmem:s29+$0x10];
	[tilespmem:s6+$0xFFFFFFC0] =	vst v5  }
0x2f3: {  	v5 =	vld [tilespmem:s29+$0x20]  }
0x2f4: {  	v7 =	vld [tilespmem:s29+$0xFFFFFFC0]  }
0x2f5: {  	v6 =	vld.idx.msk [tilespmem:v6+s5+$0x0], $0xffff  }
0x2f6: {  	v8 =	vld.idx.msk [tilespmem:v4+s5+$0x0], $0xffff  }
0x2f7: {  	v4 =	vld.idx.msk [tilespmem:v3+s5+$0x0], $0xffff  }
.Ltmp16:
0x2f8: {  	v3 =	vld.idx.msk [tilespmem:v0+s5+$0x0], $0xffff;
	(pc) =	sbr.rel @p0 .LBB2_35-.Ltmp16, $4  }
0x2f9: {  	v0 =	vld.idx.msk [tilespmem:v1+s5+$0x0], $0xffff  }
0x2fa: {  	s6 =	sadd.s32 $0x200, s6;
	v1 =	vld.idx.msk [tilespmem:v2+s5+$0x0], $0xffff  }
0x2fb: {  	s25 =	simm.s32 $0x187F0;
	s1 =	simm.s32 $0x1C7F0;
	v2 =	vld.idx.msk [tilespmem:v5+s5+$0x0], $0xffff;
	[tilespmem:s6+$0x30] =	vst v6  }
0x2fc: {  	s29 =	sadd.s32 $0x400, s29;
	v5 =	vld.idx.msk [tilespmem:v7+s5+$0x0], $0xffff;
	[tilespmem:s6+$0xFFFFFFD0] =	vst v8  }
0x2fd: {  	[tilespmem:s6+$0xFFFFFFE0] =	vst v4  }
0x2fe: {  	[tilespmem:s6+$0xFFFFFFF0] =	vst v3  }
0x2ff: {  	[tilespmem:s6+$0x0] =	vst v0  }
0x300: {  	[tilespmem:s6+$0x10] =	vst v1  }
0x301: {  	[tilespmem:s6+$0x20] =	vst v2  }
0x302: {  	[tilespmem:s6+$0xFFFFFFC0] =	vst v5  }
0x303: {  	v0 =	vld [tilespmem:s25+$0x0]  }
0x304: {  	v1 =	vld [tilespmem:s25+$0xFFFFFFA0]  }
0x305: {  	v2 =	vld [tilespmem:s25+$0xFFFFFFB0]  }
0x306: {  	v3 =	vld [tilespmem:s25+$0xFFFFFFC0]  }
0x307: {  	v5 =	vld [tilespmem:s25+$0xFFFFFFD0]  }
0x308: {  	v6 =	vld [tilespmem:s25+$0xFFFFFFE0]  }
0x309: {  	v7 =	vld [tilespmem:s25+$0xFFFFFFF0]  }
0x30a: {  	v8 =	vld [tilespmem:s25+$0xFFFFFF90]  }
0x30b: {  	v9 =	vld.idx.msk [tilespmem:v0+s5+$0x0], $0xffff  }
0x30c: {  	v10 =	vld.idx.msk [tilespmem:v1+s5+$0x0], $0xffff  }
0x30d: {  	v4 =	vld.idx.msk [tilespmem:v2+s5+$0x0], $0xffff  }
0x30e: {  	v3 =	vld.idx.msk [tilespmem:v3+s5+$0x0], $0xffff  }
0x30f: {  	v2 =	vld.idx.msk [tilespmem:v5+s5+$0x0], $0xffff  }
0x310: {  	v0 =	vld.idx.msk [tilespmem:v6+s5+$0x0], $0xffff  }
0x311: {  	v1 =	vld.idx.msk [tilespmem:v7+s5+$0x0], $0xffff;
	[tilespmem:s1+$0x0] =	vst v9  }
0x312: {  	s26 =	simm.s32 $0x0;
	s29 =	simm.s32 $0x18BF0;
	v5 =	vld.idx.msk [tilespmem:v8+s5+$0x0], $0xffff;
	[tilespmem:s1+$0xFFFFFFA0] =	vst v10  }
.LBB2_37:
0x313: {  	v6 =	vld [tilespmem:s29+$0x0];
	s26 =	sadd.s32 $0x80, s26;
	[tilespmem:s1+$0xFFFFFFB0] =	vst v4  }
0x314: {  	v4 =	vld [tilespmem:s29+$0xFFFFFFA0];
	p0 =	slt.u32 s26, $0x380;
	[tilespmem:s1+$0xFFFFFFC0] =	vst v3  }
0x315: {  	v3 =	vld [tilespmem:s29+$0xFFFFFFB0];
	[tilespmem:s1+$0xFFFFFFD0] =	vst v2  }
0x316: {  	v2 =	vld [tilespmem:s29+$0xFFFFFFC0];
	[tilespmem:s1+$0xFFFFFFE0] =	vst v0  }
0x317: {  	v0 =	vld [tilespmem:s29+$0xFFFFFFD0];
	[tilespmem:s1+$0xFFFFFFF0] =	vst v1  }
0x318: {  	v1 =	vld [tilespmem:s29+$0xFFFFFFE0];
	[tilespmem:s1+$0xFFFFFF90] =	vst v5  }
0x319: {  	v5 =	vld [tilespmem:s29+$0xFFFFFFF0]  }
0x31a: {  	v7 =	vld [tilespmem:s29+$0xFFFFFF90]  }
0x31b: {  	v6 =	vld.idx.msk [tilespmem:v6+s5+$0x0], $0xffff  }
0x31c: {  	v8 =	vld.idx.msk [tilespmem:v4+s5+$0x0], $0xffff  }
0x31d: {  	v4 =	vld.idx.msk [tilespmem:v3+s5+$0x0], $0xffff  }
.Ltmp17:
0x31e: {  	v3 =	vld.idx.msk [tilespmem:v2+s5+$0x0], $0xffff;
	(pc) =	sbr.rel @p0 .LBB2_37-.Ltmp17, $4  }
0x31f: {  	v2 =	vld.idx.msk [tilespmem:v0+s5+$0x0], $0xffff  }
0x320: {  	s1 =	sadd.s32 $0x200, s1;
	v0 =	vld.idx.msk [tilespmem:v1+s5+$0x0], $0xffff  }
0x321: {  	s25 =	simm.s32 $0x18870;
	s6 =	simm.s32 $0x1C870;
	v1 =	vld.idx.msk [tilespmem:v5+s5+$0x0], $0xffff;
	[tilespmem:s1+$0x0] =	vst v6  }
0x322: {  	s29 =	sadd.s32 $0x400, s29;
	v5 =	vld.idx.msk [tilespmem:v7+s5+$0x0], $0xffff;
	[tilespmem:s1+$0xFFFFFFA0] =	vst v8  }
0x323: {  	[tilespmem:s1+$0xFFFFFFB0] =	vst v4  }
0x324: {  	[tilespmem:s1+$0xFFFFFFC0] =	vst v3  }
0x325: {  	[tilespmem:s1+$0xFFFFFFD0] =	vst v2  }
0x326: {  	[tilespmem:s1+$0xFFFFFFE0] =	vst v0  }
0x327: {  	[tilespmem:s1+$0xFFFFFFF0] =	vst v1  }
0x328: {  	[tilespmem:s1+$0xFFFFFF90] =	vst v5  }
0x329: {  	v0 =	vld [tilespmem:s25+$0x0]  }
0x32a: {  	v1 =	vld [tilespmem:s25+$0xFFFFFFA0]  }
0x32b: {  	v2 =	vld [tilespmem:s25+$0xFFFFFFB0]  }
0x32c: {  	v3 =	vld [tilespmem:s25+$0xFFFFFFC0]  }
0x32d: {  	v5 =	vld [tilespmem:s25+$0xFFFFFFD0]  }
0x32e: {  	v6 =	vld [tilespmem:s25+$0xFFFFFFE0]  }
0x32f: {  	v7 =	vld [tilespmem:s25+$0xFFFFFFF0]  }
0x330: {  	v8 =	vld [tilespmem:s25+$0xFFFFFF90]  }
0x331: {  	v9 =	vld.idx.msk [tilespmem:v0+s5+$0x0], $0xffff  }
0x332: {  	v10 =	vld.idx.msk [tilespmem:v1+s5+$0x0], $0xffff  }
0x333: {  	v4 =	vld.idx.msk [tilespmem:v2+s5+$0x0], $0xffff  }
0x334: {  	v3 =	vld.idx.msk [tilespmem:v3+s5+$0x0], $0xffff  }
0x335: {  	v2 =	vld.idx.msk [tilespmem:v5+s5+$0x0], $0xffff  }
0x336: {  	v0 =	vld.idx.msk [tilespmem:v6+s5+$0x0], $0xffff  }
0x337: {  	v1 =	vld.idx.msk [tilespmem:v7+s5+$0x0], $0xffff;
	[tilespmem:s6+$0x0] =	vst v9  }
0x338: {  	s26 =	simm.s32 $0x0;
	s29 =	simm.s32 $0x18C70;
	v5 =	vld.idx.msk [tilespmem:v8+s5+$0x0], $0xffff;
	[tilespmem:s6+$0xFFFFFFA0] =	vst v10  }
.LBB2_39:
0x339: {  	v6 =	vld [tilespmem:s29+$0x0];
	s26 =	sadd.s32 $0x80, s26;
	[tilespmem:s6+$0xFFFFFFB0] =	vst v4  }
0x33a: {  	v4 =	vld [tilespmem:s29+$0xFFFFFFA0];
	p0 =	slt.u32 s26, $0x380;
	[tilespmem:s6+$0xFFFFFFC0] =	vst v3  }
0x33b: {  	v3 =	vld [tilespmem:s29+$0xFFFFFFB0];
	[tilespmem:s6+$0xFFFFFFD0] =	vst v2  }
0x33c: {  	v2 =	vld [tilespmem:s29+$0xFFFFFFC0];
	[tilespmem:s6+$0xFFFFFFE0] =	vst v0  }
0x33d: {  	v0 =	vld [tilespmem:s29+$0xFFFFFFD0];
	[tilespmem:s6+$0xFFFFFFF0] =	vst v1  }
0x33e: {  	v1 =	vld [tilespmem:s29+$0xFFFFFFE0];
	[tilespmem:s6+$0xFFFFFF90] =	vst v5  }
0x33f: {  	v5 =	vld [tilespmem:s29+$0xFFFFFFF0]  }
0x340: {  	v7 =	vld [tilespmem:s29+$0xFFFFFF90]  }
0x341: {  	v6 =	vld.idx.msk [tilespmem:v6+s5+$0x0], $0xffff  }
0x342: {  	v8 =	vld.idx.msk [tilespmem:v4+s5+$0x0], $0xffff  }
0x343: {  	v4 =	vld.idx.msk [tilespmem:v3+s5+$0x0], $0xffff  }
.Ltmp18:
0x344: {  	v3 =	vld.idx.msk [tilespmem:v2+s5+$0x0], $0xffff;
	(pc) =	sbr.rel @p0 .LBB2_39-.Ltmp18, $4  }
0x345: {  	v2 =	vld.idx.msk [tilespmem:v0+s5+$0x0], $0xffff  }
0x346: {  	s6 =	sadd.s32 $0x200, s6;
	v0 =	vld.idx.msk [tilespmem:v1+s5+$0x0], $0xffff  }
0x347: {  	s25 =	simm.s32 $0x188F0;
	s1 =	simm.s32 $0x1C8F0;
	v1 =	vld.idx.msk [tilespmem:v5+s5+$0x0], $0xffff;
	[tilespmem:s6+$0x0] =	vst v6  }
0x348: {  	s29 =	sadd.s32 $0x400, s29;
	v5 =	vld.idx.msk [tilespmem:v7+s5+$0x0], $0xffff;
	[tilespmem:s6+$0xFFFFFFA0] =	vst v8  }
0x349: {  	[tilespmem:s6+$0xFFFFFFB0] =	vst v4  }
0x34a: {  	[tilespmem:s6+$0xFFFFFFC0] =	vst v3  }
0x34b: {  	[tilespmem:s6+$0xFFFFFFD0] =	vst v2  }
0x34c: {  	[tilespmem:s6+$0xFFFFFFE0] =	vst v0  }
0x34d: {  	[tilespmem:s6+$0xFFFFFFF0] =	vst v1  }
0x34e: {  	[tilespmem:s6+$0xFFFFFF90] =	vst v5  }
0x34f: {  	v0 =	vld [tilespmem:s25+$0x0]  }
0x350: {  	v1 =	vld [tilespmem:s25+$0xFFFFFFA0]  }
0x351: {  	v2 =	vld [tilespmem:s25+$0xFFFFFFB0]  }
0x352: {  	v3 =	vld [tilespmem:s25+$0xFFFFFFC0]  }
0x353: {  	v4 =	vld [tilespmem:s25+$0xFFFFFFD0]  }
0x354: {  	v6 =	vld [tilespmem:s25+$0xFFFFFFE0]  }
0x355: {  	v7 =	vld [tilespmem:s25+$0xFFFFFFF0]  }
0x356: {  	v8 =	vld [tilespmem:s25+$0xFFFFFF90]  }
0x357: {  	v9 =	vld.idx.msk [tilespmem:v0+s5+$0x0], $0xffff  }
0x358: {  	v10 =	vld.idx.msk [tilespmem:v1+s5+$0x0], $0xffff  }
0x359: {  	v5 =	vld.idx.msk [tilespmem:v2+s5+$0x0], $0xffff  }
0x35a: {  	v3 =	vld.idx.msk [tilespmem:v3+s5+$0x0], $0xffff  }
0x35b: {  	v2 =	vld.idx.msk [tilespmem:v4+s5+$0x0], $0xffff  }
0x35c: {  	v0 =	vld.idx.msk [tilespmem:v6+s5+$0x0], $0xffff  }
0x35d: {  	v1 =	vld.idx.msk [tilespmem:v7+s5+$0x0], $0xffff;
	[tilespmem:s1+$0x0] =	vst v9  }
0x35e: {  	s6 =	simm.s32 $0x0;
	s25 =	simm.s32 $0x18CF0;
	v4 =	vld.idx.msk [tilespmem:v8+s5+$0x0], $0xffff;
	[tilespmem:s1+$0xFFFFFFA0] =	vst v10  }
.LBB2_41:
0x35f: {  	v6 =	vld [tilespmem:s25+$0x0];
	s6 =	sadd.s32 $0x80, s6;
	[tilespmem:s1+$0xFFFFFFB0] =	vst v5  }
0x360: {  	v5 =	vld [tilespmem:s25+$0xFFFFFFA0];
	p0 =	slt.u32 s6, $0x380;
	[tilespmem:s1+$0xFFFFFFC0] =	vst v3  }
0x361: {  	v3 =	vld [tilespmem:s25+$0xFFFFFFB0];
	[tilespmem:s1+$0xFFFFFFD0] =	vst v2  }
0x362: {  	v2 =	vld [tilespmem:s25+$0xFFFFFFC0];
	[tilespmem:s1+$0xFFFFFFE0] =	vst v0  }
0x363: {  	v0 =	vld [tilespmem:s25+$0xFFFFFFD0];
	[tilespmem:s1+$0xFFFFFFF0] =	vst v1  }
0x364: {  	v1 =	vld [tilespmem:s25+$0xFFFFFFE0];
	[tilespmem:s1+$0xFFFFFF90] =	vst v4  }
0x365: {  	v4 =	vld [tilespmem:s25+$0xFFFFFFF0]  }
0x366: {  	v7 =	vld [tilespmem:s25+$0xFFFFFF90]  }
0x367: {  	v6 =	vld.idx.msk [tilespmem:v6+s5+$0x0], $0xffff  }
0x368: {  	v8 =	vld.idx.msk [tilespmem:v5+s5+$0x0], $0xffff  }
0x369: {  	v5 =	vld.idx.msk [tilespmem:v3+s5+$0x0], $0xffff  }
.Ltmp19:
0x36a: {  	v3 =	vld.idx.msk [tilespmem:v2+s5+$0x0], $0xffff;
	(pc) =	sbr.rel @p0 .LBB2_41-.Ltmp19, $4  }
0x36b: {  	v2 =	vld.idx.msk [tilespmem:v0+s5+$0x0], $0xffff  }
0x36c: {  	s1 =	sadd.s32 $0x200, s1;
	v0 =	vld.idx.msk [tilespmem:v1+s5+$0x0], $0xffff  }
0x36d: {  	v1 =	vld.idx.msk [tilespmem:v4+s5+$0x0], $0xffff;
	[tilespmem:s1+$0x0] =	vst v6  }
0x36e: {  	s25 =	sadd.s32 $0x400, s25;
	v4 =	vld.idx.msk [tilespmem:v7+s5+$0x0], $0xffff;
	[tilespmem:s1+$0xFFFFFFA0] =	vst v8  }
0x36f: {  	[tilespmem:s1+$0xFFFFFFB0] =	vst v5  }
0x370: {  	[tilespmem:s1+$0xFFFFFFC0] =	vst v3  }
0x371: {  	[tilespmem:s1+$0xFFFFFFD0] =	vst v2  }
0x372: {  	[tilespmem:s1+$0xFFFFFFE0] =	vst v0  }
0x373: {  	[tilespmem:s1+$0xFFFFFFF0] =	vst v1  }
0x374: {  	[tilespmem:s1+$0xFFFFFF90] =	vst v4  }
0x375: {  	s1 =	rddreg [dreg:$0x11]  }
0x376: {  	s1 =	sadd.s32 s19, s1  }
0x377: {  	[hbm4b:s1+s23] =	stream.strided.scatter [tilespmem:s31], [sflag:$0x3], $0x200, s30, s23, $0x38;
	[tilespmem:$0x1E700] =	vst v63  }
0x378: {  	s6 =	sadd.s32 $0x80, s1  }
0x379: {  	[hbm4b:s6+s23] =	stream.strided.scatter [tilespmem:s0], [sflag:$0x3], $0x200, s30, s23, $0x38;
	[tilespmem:$0x1E700] =	vst v63  }
0x37a: {  	s25 =	sadd.s32 $0x100, s1  }
0x37b: {  	[hbm4b:s25+s23] =	stream.strided.scatter [tilespmem:s2], [sflag:$0x3], $0x200, s30, s23, $0x38;
	[tilespmem:$0x1E700] =	vst v63  }
0x37c: {  	s26 =	sadd.s32 $0x180, s1  }
0x37d: {  	[hbm4b:s26+s23] =	stream.strided.scatter [tilespmem:s24], [sflag:$0x3], $0x200, s30, s23, $0x38;
	[tilespmem:$0x1E700] =	vst v63  }
0x37e: {  	s25 =	sadd.s32 $0x200, s1  }
0x37f: {  	[hbm4b:s25+s23] =	stream.strided.scatter [tilespmem:s8], [sflag:$0x3], $0x200, s30, s23, $0x38;
	[tilespmem:$0x1E700] =	vst v63  }
0x380: {  	s26 =	sadd.s32 $0x280, s1  }
0x381: {  	[hbm4b:s26+s23] =	stream.strided.scatter [tilespmem:s22], [sflag:$0x3], $0x200, s30, s23, $0x38;
	[tilespmem:$0x1E700] =	vst v63  }
0x382: {  	s25 =	sadd.s32 $0x300, s1  }
0x383: {  	[hbm4b:s25+s23] =	stream.strided.scatter [tilespmem:s3], [sflag:$0x3], $0x200, s30, s23, $0x38;
	[tilespmem:$0x1E700] =	vst v63  }
0x384: {  	s1 =	sadd.s32 $0x380, s1  }
0x385: {  	[hbm4b:s1+s23] =	stream.strided.scatter [tilespmem:s7], [sflag:$0x3], $0x200, s30, s23, $0x38;
	[tilespmem:$0x1E700] =	vst v63  }
0x386: {  	_ =	swait.ge [sflag:s17], $0x1000  }
0x387: {  	[sflag:s17] =	ssyncset.done $0x0  }
0x388: {  	s26 =	simm.s32 $0x18970;
	[sflag:s17] =	ssyncadd.s32 $0xFFFFF000  }
0x389: {  	v0 =	vld [tilespmem:s26+$0x0]  }
0x38a: {  	v1 =	vld [tilespmem:s26+$0xFFFFFFA0]  }
0x38b: {  	v2 =	vld [tilespmem:s26+$0xFFFFFFB0]  }
0x38c: {  	v3 =	vld [tilespmem:s26+$0xFFFFFFC0]  }
0x38d: {  	v5 =	vld [tilespmem:s26+$0xFFFFFFD0]  }
0x38e: {  	v6 =	vld [tilespmem:s26+$0xFFFFFFE0]  }
0x38f: {  	v7 =	vld [tilespmem:s26+$0xFFFFFFF0]  }
0x390: {  	v8 =	vld [tilespmem:s26+$0xFFFFFF90]  }
0x391: {  	v9 =	vld.idx.msk [tilespmem:v0+s5+$0x0], $0xffff  }
0x392: {  	v10 =	vld.idx.msk [tilespmem:v1+s5+$0x0], $0xffff  }
0x393: {  	v4 =	vld.idx.msk [tilespmem:v2+s5+$0x0], $0xffff  }
0x394: {  	v3 =	vld.idx.msk [tilespmem:v3+s5+$0x0], $0xffff  }
0x395: {  	v0 =	vld.idx.msk [tilespmem:v5+s5+$0x0], $0xffff  }
0x396: {  	s6 =	simm.s32 $0x1D770;
	v1 =	vld.idx.msk [tilespmem:v6+s5+$0x0], $0xffff  }
0x397: {  	v2 =	vld.idx.msk [tilespmem:v7+s5+$0x0], $0xffff;
	[tilespmem:s6+$0x0] =	vst v9  }
0x398: {  	s29 =	simm.s32 $0x18D70;
	s26 =	simm.s32 $0x0;
	v5 =	vld.idx.msk [tilespmem:v8+s5+$0x0], $0xffff;
	[tilespmem:s6+$0xFFFFFFA0] =	vst v10  }
.LBB2_43:
0x399: {  	v6 =	vld [tilespmem:s29+$0x0];
	s26 =	sadd.s32 $0x80, s26;
	[tilespmem:s6+$0xFFFFFFB0] =	vst v4  }
0x39a: {  	v4 =	vld [tilespmem:s29+$0xFFFFFFA0];
	p0 =	slt.u32 s26, $0x380;
	[tilespmem:s6+$0xFFFFFFC0] =	vst v3  }
0x39b: {  	v3 =	vld [tilespmem:s29+$0xFFFFFFB0];
	[tilespmem:s6+$0xFFFFFFD0] =	vst v0  }
0x39c: {  	v0 =	vld [tilespmem:s29+$0xFFFFFFC0];
	[tilespmem:s6+$0xFFFFFFE0] =	vst v1  }
0x39d: {  	v1 =	vld [tilespmem:s29+$0xFFFFFFD0];
	[tilespmem:s6+$0xFFFFFFF0] =	vst v2  }
0x39e: {  	v2 =	vld [tilespmem:s29+$0xFFFFFFE0];
	[tilespmem:s6+$0xFFFFFF90] =	vst v5  }
0x39f: {  	v5 =	vld [tilespmem:s29+$0xFFFFFFF0]  }
0x3a0: {  	v7 =	vld [tilespmem:s29+$0xFFFFFF90]  }
0x3a1: {  	v6 =	vld.idx.msk [tilespmem:v6+s5+$0x0], $0xffff  }
0x3a2: {  	v8 =	vld.idx.msk [tilespmem:v4+s5+$0x0], $0xffff  }
0x3a3: {  	v4 =	vld.idx.msk [tilespmem:v3+s5+$0x0], $0xffff  }
.Ltmp20:
0x3a4: {  	v3 =	vld.idx.msk [tilespmem:v0+s5+$0x0], $0xffff;
	(pc) =	sbr.rel @p0 .LBB2_43-.Ltmp20, $4  }
0x3a5: {  	v0 =	vld.idx.msk [tilespmem:v1+s5+$0x0], $0xffff  }
0x3a6: {  	s6 =	sadd.s32 $0x200, s6;
	v1 =	vld.idx.msk [tilespmem:v2+s5+$0x0], $0xffff  }
0x3a7: {  	s25 =	simm.s32 $0x189F0;
	s1 =	simm.s32 $0x1D7F0;
	v2 =	vld.idx.msk [tilespmem:v5+s5+$0x0], $0xffff;
	[tilespmem:s6+$0x0] =	vst v6  }
0x3a8: {  	s29 =	sadd.s32 $0x400, s29;
	v5 =	vld.idx.msk [tilespmem:v7+s5+$0x0], $0xffff;
	[tilespmem:s6+$0xFFFFFFA0] =	vst v8  }
0x3a9: {  	[tilespmem:s6+$0xFFFFFFB0] =	vst v4  }
0x3aa: {  	[tilespmem:s6+$0xFFFFFFC0] =	vst v3  }
0x3ab: {  	[tilespmem:s6+$0xFFFFFFD0] =	vst v0  }
0x3ac: {  	[tilespmem:s6+$0xFFFFFFE0] =	vst v1  }
0x3ad: {  	[tilespmem:s6+$0xFFFFFFF0] =	vst v2  }
0x3ae: {  	[tilespmem:s6+$0xFFFFFF90] =	vst v5  }
0x3af: {  	v0 =	vld [tilespmem:s25+$0x0]  }
0x3b0: {  	v1 =	vld [tilespmem:s25+$0xFFFFFFA0]  }
0x3b1: {  	v2 =	vld [tilespmem:s25+$0xFFFFFFB0]  }
0x3b2: {  	v3 =	vld [tilespmem:s25+$0xFFFFFFC0]  }
0x3b3: {  	v5 =	vld [tilespmem:s25+$0xFFFFFFD0]  }
0x3b4: {  	v6 =	vld [tilespmem:s25+$0xFFFFFFE0]  }
0x3b5: {  	v7 =	vld [tilespmem:s25+$0xFFFFFFF0]  }
0x3b6: {  	v8 =	vld [tilespmem:s25+$0xFFFFFF90]  }
0x3b7: {  	v9 =	vld.idx.msk [tilespmem:v0+s5+$0x0], $0xffff  }
0x3b8: {  	v10 =	vld.idx.msk [tilespmem:v1+s5+$0x0], $0xffff  }
0x3b9: {  	v4 =	vld.idx.msk [tilespmem:v2+s5+$0x0], $0xffff  }
0x3ba: {  	v3 =	vld.idx.msk [tilespmem:v3+s5+$0x0], $0xffff  }
0x3bb: {  	v2 =	vld.idx.msk [tilespmem:v5+s5+$0x0], $0xffff  }
0x3bc: {  	v0 =	vld.idx.msk [tilespmem:v6+s5+$0x0], $0xffff  }
0x3bd: {  	v1 =	vld.idx.msk [tilespmem:v7+s5+$0x0], $0xffff;
	[tilespmem:s1+$0x0] =	vst v9  }
0x3be: {  	s26 =	simm.s32 $0x0;
	s29 =	simm.s32 $0x18DF0;
	v5 =	vld.idx.msk [tilespmem:v8+s5+$0x0], $0xffff;
	[tilespmem:s1+$0xFFFFFFA0] =	vst v10  }
.LBB2_45:
0x3bf: {  	v6 =	vld [tilespmem:s29+$0x0];
	s26 =	sadd.s32 $0x80, s26;
	[tilespmem:s1+$0xFFFFFFB0] =	vst v4  }
0x3c0: {  	v4 =	vld [tilespmem:s29+$0xFFFFFFA0];
	p0 =	slt.u32 s26, $0x380;
	[tilespmem:s1+$0xFFFFFFC0] =	vst v3  }
0x3c1: {  	v3 =	vld [tilespmem:s29+$0xFFFFFFB0];
	[tilespmem:s1+$0xFFFFFFD0] =	vst v2  }
0x3c2: {  	v2 =	vld [tilespmem:s29+$0xFFFFFFC0];
	[tilespmem:s1+$0xFFFFFFE0] =	vst v0  }
0x3c3: {  	v0 =	vld [tilespmem:s29+$0xFFFFFFD0];
	[tilespmem:s1+$0xFFFFFFF0] =	vst v1  }
0x3c4: {  	v1 =	vld [tilespmem:s29+$0xFFFFFFE0];
	[tilespmem:s1+$0xFFFFFF90] =	vst v5  }
0x3c5: {  	v5 =	vld [tilespmem:s29+$0xFFFFFFF0]  }
0x3c6: {  	v7 =	vld [tilespmem:s29+$0xFFFFFF90]  }
0x3c7: {  	v6 =	vld.idx.msk [tilespmem:v6+s5+$0x0], $0xffff  }
0x3c8: {  	v8 =	vld.idx.msk [tilespmem:v4+s5+$0x0], $0xffff  }
0x3c9: {  	v4 =	vld.idx.msk [tilespmem:v3+s5+$0x0], $0xffff  }
.Ltmp21:
0x3ca: {  	v3 =	vld.idx.msk [tilespmem:v2+s5+$0x0], $0xffff;
	(pc) =	sbr.rel @p0 .LBB2_45-.Ltmp21, $4  }
0x3cb: {  	v2 =	vld.idx.msk [tilespmem:v0+s5+$0x0], $0xffff  }
0x3cc: {  	s1 =	sadd.s32 $0x200, s1;
	v0 =	vld.idx.msk [tilespmem:v1+s5+$0x0], $0xffff  }
0x3cd: {  	s25 =	simm.s32 $0x18A70;
	s6 =	simm.s32 $0x1D870;
	v1 =	vld.idx.msk [tilespmem:v5+s5+$0x0], $0xffff;
	[tilespmem:s1+$0x0] =	vst v6  }
0x3ce: {  	s29 =	sadd.s32 $0x400, s29;
	v5 =	vld.idx.msk [tilespmem:v7+s5+$0x0], $0xffff;
	[tilespmem:s1+$0xFFFFFFA0] =	vst v8  }
0x3cf: {  	[tilespmem:s1+$0xFFFFFFB0] =	vst v4  }
0x3d0: {  	[tilespmem:s1+$0xFFFFFFC0] =	vst v3  }
0x3d1: {  	[tilespmem:s1+$0xFFFFFFD0] =	vst v2  }
0x3d2: {  	[tilespmem:s1+$0xFFFFFFE0] =	vst v0  }
0x3d3: {  	[tilespmem:s1+$0xFFFFFFF0] =	vst v1  }
0x3d4: {  	[tilespmem:s1+$0xFFFFFF90] =	vst v5  }
0x3d5: {  	v0 =	vld [tilespmem:s25+$0x0]  }
0x3d6: {  	v1 =	vld [tilespmem:s25+$0xFFFFFFA0]  }
0x3d7: {  	v2 =	vld [tilespmem:s25+$0xFFFFFFB0]  }
0x3d8: {  	v3 =	vld [tilespmem:s25+$0xFFFFFFC0]  }
0x3d9: {  	v5 =	vld [tilespmem:s25+$0xFFFFFFD0]  }
0x3da: {  	v6 =	vld [tilespmem:s25+$0xFFFFFFE0]  }
0x3db: {  	v7 =	vld [tilespmem:s25+$0xFFFFFFF0]  }
0x3dc: {  	v8 =	vld [tilespmem:s25+$0xFFFFFF90]  }
0x3dd: {  	v9 =	vld.idx.msk [tilespmem:v0+s5+$0x0], $0xffff  }
0x3de: {  	v10 =	vld.idx.msk [tilespmem:v1+s5+$0x0], $0xffff  }
0x3df: {  	v4 =	vld.idx.msk [tilespmem:v2+s5+$0x0], $0xffff  }
0x3e0: {  	v3 =	vld.idx.msk [tilespmem:v3+s5+$0x0], $0xffff  }
0x3e1: {  	v2 =	vld.idx.msk [tilespmem:v5+s5+$0x0], $0xffff  }
0x3e2: {  	v0 =	vld.idx.msk [tilespmem:v6+s5+$0x0], $0xffff  }
0x3e3: {  	v1 =	vld.idx.msk [tilespmem:v7+s5+$0x0], $0xffff;
	[tilespmem:s6+$0x0] =	vst v9  }
0x3e4: {  	s26 =	simm.s32 $0x0;
	s29 =	simm.s32 $0x18E70;
	v5 =	vld.idx.msk [tilespmem:v8+s5+$0x0], $0xffff;
	[tilespmem:s6+$0xFFFFFFA0] =	vst v10  }
.LBB2_47:
0x3e5: {  	v6 =	vld [tilespmem:s29+$0x0];
	s26 =	sadd.s32 $0x80, s26;
	[tilespmem:s6+$0xFFFFFFB0] =	vst v4  }
0x3e6: {  	v4 =	vld [tilespmem:s29+$0xFFFFFFA0];
	p0 =	slt.u32 s26, $0x380;
	[tilespmem:s6+$0xFFFFFFC0] =	vst v3  }
0x3e7: {  	v3 =	vld [tilespmem:s29+$0xFFFFFFB0];
	[tilespmem:s6+$0xFFFFFFD0] =	vst v2  }
0x3e8: {  	v2 =	vld [tilespmem:s29+$0xFFFFFFC0];
	[tilespmem:s6+$0xFFFFFFE0] =	vst v0  }
0x3e9: {  	v0 =	vld [tilespmem:s29+$0xFFFFFFD0];
	[tilespmem:s6+$0xFFFFFFF0] =	vst v1  }
0x3ea: {  	v1 =	vld [tilespmem:s29+$0xFFFFFFE0];
	[tilespmem:s6+$0xFFFFFF90] =	vst v5  }
0x3eb: {  	v5 =	vld [tilespmem:s29+$0xFFFFFFF0]  }
0x3ec: {  	v7 =	vld [tilespmem:s29+$0xFFFFFF90]  }
0x3ed: {  	v6 =	vld.idx.msk [tilespmem:v6+s5+$0x0], $0xffff  }
0x3ee: {  	v8 =	vld.idx.msk [tilespmem:v4+s5+$0x0], $0xffff  }
0x3ef: {  	v4 =	vld.idx.msk [tilespmem:v3+s5+$0x0], $0xffff  }
.Ltmp22:
0x3f0: {  	v3 =	vld.idx.msk [tilespmem:v2+s5+$0x0], $0xffff;
	(pc) =	sbr.rel @p0 .LBB2_47-.Ltmp22, $4  }
0x3f1: {  	v2 =	vld.idx.msk [tilespmem:v0+s5+$0x0], $0xffff  }
0x3f2: {  	s6 =	sadd.s32 $0x200, s6;
	v0 =	vld.idx.msk [tilespmem:v1+s5+$0x0], $0xffff  }
0x3f3: {  	s25 =	simm.s32 $0x18AF0;
	s1 =	simm.s32 $0x1D8F0;
	v1 =	vld.idx.msk [tilespmem:v5+s5+$0x0], $0xffff;
	[tilespmem:s6+$0x0] =	vst v6  }
0x3f4: {  	s29 =	sadd.s32 $0x400, s29;
	v5 =	vld.idx.msk [tilespmem:v7+s5+$0x0], $0xffff;
	[tilespmem:s6+$0xFFFFFFA0] =	vst v8  }
0x3f5: {  	[tilespmem:s6+$0xFFFFFFB0] =	vst v4  }
0x3f6: {  	[tilespmem:s6+$0xFFFFFFC0] =	vst v3  }
0x3f7: {  	[tilespmem:s6+$0xFFFFFFD0] =	vst v2  }
0x3f8: {  	[tilespmem:s6+$0xFFFFFFE0] =	vst v0  }
0x3f9: {  	[tilespmem:s6+$0xFFFFFFF0] =	vst v1  }
0x3fa: {  	[tilespmem:s6+$0xFFFFFF90] =	vst v5  }
0x3fb: {  	v0 =	vld [tilespmem:s25+$0x0]  }
0x3fc: {  	v1 =	vld [tilespmem:s25+$0xFFFFFFA0]  }
0x3fd: {  	v2 =	vld [tilespmem:s25+$0xFFFFFFB0]  }
0x3fe: {  	v3 =	vld [tilespmem:s25+$0xFFFFFFC0]  }
0x3ff: {  	v6 =	vld [tilespmem:s25+$0xFFFFFFD0]  }
0x400: {  	v7 =	vld [tilespmem:s25+$0xFFFFFFE0]  }
0x401: {  	v8 =	vld [tilespmem:s25+$0xFFFFFFF0]  }
0x402: {  	v9 =	vld [tilespmem:s25+$0xFFFFFF90]  }
0x403: {  	v10 =	vld.idx.msk [tilespmem:v0+s5+$0x0], $0xffff  }
0x404: {  	v11 =	vld.idx.msk [tilespmem:v1+s5+$0x0], $0xffff  }
0x405: {  	v5 =	vld.idx.msk [tilespmem:v2+s5+$0x0], $0xffff  }
0x406: {  	v4 =	vld.idx.msk [tilespmem:v3+s5+$0x0], $0xffff  }
0x407: {  	v3 =	vld.idx.msk [tilespmem:v6+s5+$0x0], $0xffff  }
0x408: {  	v1 =	vld.idx.msk [tilespmem:v7+s5+$0x0], $0xffff  }
0x409: {  	v0 =	vld.idx.msk [tilespmem:v8+s5+$0x0], $0xffff;
	[tilespmem:s1+$0x0] =	vst v10  }
0x40a: {  	s6 =	simm.s32 $0x0;
	s25 =	simm.s32 $0x18EF0;
	v2 =	vld.idx.msk [tilespmem:v9+s5+$0x0], $0xffff;
	[tilespmem:s1+$0xFFFFFFA0] =	vst v11  }
.LBB2_49:
0x40b: {  	v6 =	vld [tilespmem:s25+$0x0];
	s6 =	sadd.s32 $0x80, s6;
	[tilespmem:s1+$0xFFFFFFB0] =	vst v5  }
0x40c: {  	v5 =	vld [tilespmem:s25+$0xFFFFFFA0];
	p0 =	slt.u32 s6, $0x380;
	[tilespmem:s1+$0xFFFFFFC0] =	vst v4  }
0x40d: {  	v4 =	vld [tilespmem:s25+$0xFFFFFFB0];
	[tilespmem:s1+$0xFFFFFFD0] =	vst v3  }
0x40e: {  	v3 =	vld [tilespmem:s25+$0xFFFFFFC0];
	[tilespmem:s1+$0xFFFFFFE0] =	vst v1  }
0x40f: {  	v1 =	vld [tilespmem:s25+$0xFFFFFFD0];
	[tilespmem:s1+$0xFFFFFFF0] =	vst v0  }
0x410: {  	v0 =	vld [tilespmem:s25+$0xFFFFFFE0];
	[tilespmem:s1+$0xFFFFFF90] =	vst v2  }
0x411: {  	v2 =	vld [tilespmem:s25+$0xFFFFFFF0]  }
0x412: {  	v7 =	vld [tilespmem:s25+$0xFFFFFF90]  }
0x413: {  	v6 =	vld.idx.msk [tilespmem:v6+s5+$0x0], $0xffff  }
0x414: {  	v8 =	vld.idx.msk [tilespmem:v5+s5+$0x0], $0xffff  }
0x415: {  	v5 =	vld.idx.msk [tilespmem:v4+s5+$0x0], $0xffff  }
.Ltmp23:
0x416: {  	v4 =	vld.idx.msk [tilespmem:v3+s5+$0x0], $0xffff;
	(pc) =	sbr.rel @p0 .LBB2_49-.Ltmp23, $4  }
0x417: {  	v3 =	vld.idx.msk [tilespmem:v1+s5+$0x0], $0xffff  }
0x418: {  	s1 =	sadd.s32 $0x200, s1;
	v1 =	vld.idx.msk [tilespmem:v0+s5+$0x0], $0xffff  }
0x419: {  	v0 =	vld.idx.msk [tilespmem:v2+s5+$0x0], $0xffff;
	[tilespmem:s1+$0x0] =	vst v6  }
0x41a: {  	s25 =	sadd.s32 $0x400, s25;
	v2 =	vld.idx.msk [tilespmem:v7+s5+$0x0], $0xffff;
	[tilespmem:s1+$0xFFFFFFA0] =	vst v8  }
0x41b: {  	[tilespmem:s1+$0xFFFFFFB0] =	vst v5  }
0x41c: {  	[tilespmem:s1+$0xFFFFFFC0] =	vst v4  }
0x41d: {  	[tilespmem:s1+$0xFFFFFFD0] =	vst v3  }
0x41e: {  	[tilespmem:s1+$0xFFFFFFE0] =	vst v1  }
0x41f: {  	s6 =	rddreg [dreg:$0xa]  }
0x420: {  	s6 =	sadd.s32 s6, s20  }
0x421: {  	[tilespmem:s1+$0xFFFFFFF0] =	vst v0;
	s6 =	sshrl.u32 s6, $0x3  }
0x422: {  	[tilespmem:s1+$0xFFFFFF90] =	vst v2;
	s1 =	sadd.s32 s4, s6  }
0x423: {  	[hbm4b:s1+s23] =	stream.strided.scatter [tilespmem:s9], [sflag:$0x3], $0x200, s30, s23, $0x38;
	[tilespmem:$0x1E700] =	vst v63  }
0x424: {  	s6 =	sadd.s32 $0x80, s1  }
0x425: {  	[hbm4b:s6+s23] =	stream.strided.scatter [tilespmem:s10], [sflag:$0x3], $0x200, s30, s23, $0x38;
	[tilespmem:$0x1E700] =	vst v63  }
0x426: {  	s26 =	sadd.s32 $0x100, s1  }
0x427: {  	[hbm4b:s26+s23] =	stream.strided.scatter [tilespmem:s11], [sflag:$0x3], $0x200, s30, s23, $0x38;
	[tilespmem:$0x1E700] =	vst v63  }
0x428: {  	s25 =	sadd.s32 $0x180, s1  }
0x429: {  	[hbm4b:s25+s23] =	stream.strided.scatter [tilespmem:s12], [sflag:$0x3], $0x200, s30, s23, $0x38;
	[tilespmem:$0x1E700] =	vst v63  }
0x42a: {  	s26 =	sadd.s32 $0x200, s1  }
0x42b: {  	[hbm4b:s26+s23] =	stream.strided.scatter [tilespmem:s13], [sflag:$0x3], $0x200, s30, s23, $0x38;
	[tilespmem:$0x1E700] =	vst v63  }
0x42c: {  	s25 =	sadd.s32 $0x280, s1  }
0x42d: {  	[hbm4b:s25+s23] =	stream.strided.scatter [tilespmem:s14], [sflag:$0x3], $0x200, s30, s23, $0x38;
	[tilespmem:$0x1E700] =	vst v63  }
0x42e: {  	s26 =	sadd.s32 $0x300, s1  }
0x42f: {  	[hbm4b:s26+s23] =	stream.strided.scatter [tilespmem:s15], [sflag:$0x3], $0x200, s30, s23, $0x38;
	[tilespmem:$0x1E700] =	vst v63  }
0x430: {  	s1 =	sadd.s32 $0x380, s1  }
0x431: {  	[hbm4b:s1+s23] =	stream.strided.scatter [tilespmem:s16], [sflag:$0x3], $0x200, s30, s23, $0x38;
	[tilespmem:$0x1E700] =	vst v63  }
0x432: {  	_ =	swait.ge [sflag:s28], $0x2000  }
0x433: {  	[sflag:s28] =	ssyncset.done $0x0  }
0x434: {  	s6 =	sadd.s32 $0x1000, s21;
	s25 =	simm.s32 $0x18700;
	[sflag:s28] =	ssyncadd.s32 $0xFFFFE000  }
0x435: {  	[tilespmem:s25], [sflag:$0x2] =	stream.linear.gather [hbm4b:s6+s5], $0x2000, $0x38;
	[tilespmem:$0x1E700] =	vst v63  }
0x436: {  	_ =	swait.ge [sflag:s17], $0x1000  }
0x437: {  	[sflag:s17] =	ssyncset.done $0x0  }
0x438: {  	s26 =	simm.s32 $0x1A770;
	[sflag:s17] =	ssyncadd.s32 $0xFFFFF000  }
0x439: {  	v0 =	vld [tilespmem:s26+$0x0]  }
0x43a: {  	v1 =	vld [tilespmem:s26+$0xFFFFFFA0]  }
0x43b: {  	v2 =	vld [tilespmem:s26+$0xFFFFFFB0]  }
0x43c: {  	v3 =	vld [tilespmem:s26+$0xFFFFFFC0]  }
0x43d: {  	v5 =	vld [tilespmem:s26+$0xFFFFFFD0]  }
0x43e: {  	v6 =	vld [tilespmem:s26+$0xFFFFFFE0]  }
0x43f: {  	v7 =	vld [tilespmem:s26+$0xFFFFFFF0]  }
0x440: {  	v8 =	vld [tilespmem:s26+$0xFFFFFF90]  }
0x441: {  	v9 =	vld.idx.msk [tilespmem:v0+s5+$0x0], $0xffff  }
0x442: {  	v10 =	vld.idx.msk [tilespmem:v1+s5+$0x0], $0xffff  }
0x443: {  	v4 =	vld.idx.msk [tilespmem:v2+s5+$0x0], $0xffff  }
0x444: {  	v3 =	vld.idx.msk [tilespmem:v3+s5+$0x0], $0xffff  }
0x445: {  	v0 =	vld.idx.msk [tilespmem:v5+s5+$0x0], $0xffff  }
0x446: {  	s6 =	simm.s32 $0x1C740;
	v1 =	vld.idx.msk [tilespmem:v6+s5+$0x0], $0xffff  }
0x447: {  	v2 =	vld.idx.msk [tilespmem:v7+s5+$0x0], $0xffff;
	[tilespmem:s6+$0x30] =	vst v9  }
0x448: {  	s29 =	simm.s32 $0x1AB70;
	s26 =	simm.s32 $0x0;
	v5 =	vld.idx.msk [tilespmem:v8+s5+$0x0], $0xffff;
	[tilespmem:s6+$0xFFFFFFD0] =	vst v10  }
.LBB2_51:
0x449: {  	v6 =	vld [tilespmem:s29+$0x0];
	s26 =	sadd.s32 $0x80, s26;
	[tilespmem:s6+$0xFFFFFFE0] =	vst v4  }
0x44a: {  	v4 =	vld [tilespmem:s29+$0xFFFFFFA0];
	p0 =	slt.u32 s26, $0x380;
	[tilespmem:s6+$0xFFFFFFF0] =	vst v3  }
0x44b: {  	v3 =	vld [tilespmem:s29+$0xFFFFFFB0];
	[tilespmem:s6+$0x0] =	vst v0  }
0x44c: {  	v0 =	vld [tilespmem:s29+$0xFFFFFFC0];
	[tilespmem:s6+$0x10] =	vst v1  }
0x44d: {  	v1 =	vld [tilespmem:s29+$0xFFFFFFD0];
	[tilespmem:s6+$0x20] =	vst v2  }
0x44e: {  	v2 =	vld [tilespmem:s29+$0xFFFFFFE0];
	[tilespmem:s6+$0xFFFFFFC0] =	vst v5  }
0x44f: {  	v5 =	vld [tilespmem:s29+$0xFFFFFFF0]  }
0x450: {  	v7 =	vld [tilespmem:s29+$0xFFFFFF90]  }
0x451: {  	v6 =	vld.idx.msk [tilespmem:v6+s5+$0x0], $0xffff  }
0x452: {  	v8 =	vld.idx.msk [tilespmem:v4+s5+$0x0], $0xffff  }
0x453: {  	v4 =	vld.idx.msk [tilespmem:v3+s5+$0x0], $0xffff  }
.Ltmp24:
0x454: {  	v3 =	vld.idx.msk [tilespmem:v0+s5+$0x0], $0xffff;
	(pc) =	sbr.rel @p0 .LBB2_51-.Ltmp24, $4  }
0x455: {  	v0 =	vld.idx.msk [tilespmem:v1+s5+$0x0], $0xffff  }
0x456: {  	s6 =	sadd.s32 $0x200, s6;
	v1 =	vld.idx.msk [tilespmem:v2+s5+$0x0], $0xffff  }
0x457: {  	s25 =	simm.s32 $0x1A7F0;
	s1 =	simm.s32 $0x1C7F0;
	v2 =	vld.idx.msk [tilespmem:v5+s5+$0x0], $0xffff;
	[tilespmem:s6+$0x30] =	vst v6  }
0x458: {  	s29 =	sadd.s32 $0x400, s29;
	v5 =	vld.idx.msk [tilespmem:v7+s5+$0x0], $0xffff;
	[tilespmem:s6+$0xFFFFFFD0] =	vst v8  }
0x459: {  	[tilespmem:s6+$0xFFFFFFE0] =	vst v4  }
0x45a: {  	[tilespmem:s6+$0xFFFFFFF0] =	vst v3  }
0x45b: {  	[tilespmem:s6+$0x0] =	vst v0  }
0x45c: {  	[tilespmem:s6+$0x10] =	vst v1  }
0x45d: {  	[tilespmem:s6+$0x20] =	vst v2  }
0x45e: {  	[tilespmem:s6+$0xFFFFFFC0] =	vst v5  }
0x45f: {  	v0 =	vld [tilespmem:s25+$0x0]  }
0x460: {  	v1 =	vld [tilespmem:s25+$0xFFFFFFA0]  }
0x461: {  	v2 =	vld [tilespmem:s25+$0xFFFFFFB0]  }
0x462: {  	v3 =	vld [tilespmem:s25+$0xFFFFFFC0]  }
0x463: {  	v5 =	vld [tilespmem:s25+$0xFFFFFFD0]  }
0x464: {  	v6 =	vld [tilespmem:s25+$0xFFFFFFE0]  }
0x465: {  	v7 =	vld [tilespmem:s25+$0xFFFFFFF0]  }
0x466: {  	v8 =	vld [tilespmem:s25+$0xFFFFFF90]  }
0x467: {  	v9 =	vld.idx.msk [tilespmem:v0+s5+$0x0], $0xffff  }
0x468: {  	v10 =	vld.idx.msk [tilespmem:v1+s5+$0x0], $0xffff  }
0x469: {  	v4 =	vld.idx.msk [tilespmem:v2+s5+$0x0], $0xffff  }
0x46a: {  	v3 =	vld.idx.msk [tilespmem:v3+s5+$0x0], $0xffff  }
0x46b: {  	v2 =	vld.idx.msk [tilespmem:v5+s5+$0x0], $0xffff  }
0x46c: {  	v0 =	vld.idx.msk [tilespmem:v6+s5+$0x0], $0xffff  }
0x46d: {  	v1 =	vld.idx.msk [tilespmem:v7+s5+$0x0], $0xffff;
	[tilespmem:s1+$0x0] =	vst v9  }
0x46e: {  	s26 =	simm.s32 $0x0;
	s29 =	simm.s32 $0x1ABF0;
	v5 =	vld.idx.msk [tilespmem:v8+s5+$0x0], $0xffff;
	[tilespmem:s1+$0xFFFFFFA0] =	vst v10  }
.LBB2_53:
0x46f: {  	v6 =	vld [tilespmem:s29+$0x0];
	s26 =	sadd.s32 $0x80, s26;
	[tilespmem:s1+$0xFFFFFFB0] =	vst v4  }
0x470: {  	v4 =	vld [tilespmem:s29+$0xFFFFFFA0];
	p0 =	slt.u32 s26, $0x380;
	[tilespmem:s1+$0xFFFFFFC0] =	vst v3  }
0x471: {  	v3 =	vld [tilespmem:s29+$0xFFFFFFB0];
	[tilespmem:s1+$0xFFFFFFD0] =	vst v2  }
0x472: {  	v2 =	vld [tilespmem:s29+$0xFFFFFFC0];
	[tilespmem:s1+$0xFFFFFFE0] =	vst v0  }
0x473: {  	v0 =	vld [tilespmem:s29+$0xFFFFFFD0];
	[tilespmem:s1+$0xFFFFFFF0] =	vst v1  }
0x474: {  	v1 =	vld [tilespmem:s29+$0xFFFFFFE0];
	[tilespmem:s1+$0xFFFFFF90] =	vst v5  }
0x475: {  	v5 =	vld [tilespmem:s29+$0xFFFFFFF0]  }
0x476: {  	v7 =	vld [tilespmem:s29+$0xFFFFFF90]  }
0x477: {  	v6 =	vld.idx.msk [tilespmem:v6+s5+$0x0], $0xffff  }
0x478: {  	v8 =	vld.idx.msk [tilespmem:v4+s5+$0x0], $0xffff  }
0x479: {  	v4 =	vld.idx.msk [tilespmem:v3+s5+$0x0], $0xffff  }
.Ltmp25:
0x47a: {  	v3 =	vld.idx.msk [tilespmem:v2+s5+$0x0], $0xffff;
	(pc) =	sbr.rel @p0 .LBB2_53-.Ltmp25, $4  }
0x47b: {  	v2 =	vld.idx.msk [tilespmem:v0+s5+$0x0], $0xffff  }
0x47c: {  	s1 =	sadd.s32 $0x200, s1;
	v0 =	vld.idx.msk [tilespmem:v1+s5+$0x0], $0xffff  }
0x47d: {  	s25 =	simm.s32 $0x1A870;
	s6 =	simm.s32 $0x1C870;
	v1 =	vld.idx.msk [tilespmem:v5+s5+$0x0], $0xffff;
	[tilespmem:s1+$0x0] =	vst v6  }
0x47e: {  	s29 =	sadd.s32 $0x400, s29;
	v5 =	vld.idx.msk [tilespmem:v7+s5+$0x0], $0xffff;
	[tilespmem:s1+$0xFFFFFFA0] =	vst v8  }
0x47f: {  	[tilespmem:s1+$0xFFFFFFB0] =	vst v4  }
0x480: {  	[tilespmem:s1+$0xFFFFFFC0] =	vst v3  }
0x481: {  	[tilespmem:s1+$0xFFFFFFD0] =	vst v2  }
0x482: {  	[tilespmem:s1+$0xFFFFFFE0] =	vst v0  }
0x483: {  	[tilespmem:s1+$0xFFFFFFF0] =	vst v1  }
0x484: {  	[tilespmem:s1+$0xFFFFFF90] =	vst v5  }
0x485: {  	v0 =	vld [tilespmem:s25+$0x0]  }
0x486: {  	v1 =	vld [tilespmem:s25+$0xFFFFFFA0]  }
0x487: {  	v2 =	vld [tilespmem:s25+$0xFFFFFFB0]  }
0x488: {  	v3 =	vld [tilespmem:s25+$0xFFFFFFC0]  }
0x489: {  	v5 =	vld [tilespmem:s25+$0xFFFFFFD0]  }
0x48a: {  	v6 =	vld [tilespmem:s25+$0xFFFFFFE0]  }
0x48b: {  	v7 =	vld [tilespmem:s25+$0xFFFFFFF0]  }
0x48c: {  	v8 =	vld [tilespmem:s25+$0xFFFFFF90]  }
0x48d: {  	v9 =	vld.idx.msk [tilespmem:v0+s5+$0x0], $0xffff  }
0x48e: {  	v10 =	vld.idx.msk [tilespmem:v1+s5+$0x0], $0xffff  }
0x48f: {  	v4 =	vld.idx.msk [tilespmem:v2+s5+$0x0], $0xffff  }
0x490: {  	v3 =	vld.idx.msk [tilespmem:v3+s5+$0x0], $0xffff  }
0x491: {  	v2 =	vld.idx.msk [tilespmem:v5+s5+$0x0], $0xffff  }
0x492: {  	v0 =	vld.idx.msk [tilespmem:v6+s5+$0x0], $0xffff  }
0x493: {  	v1 =	vld.idx.msk [tilespmem:v7+s5+$0x0], $0xffff;
	[tilespmem:s6+$0x0] =	vst v9  }
0x494: {  	s26 =	simm.s32 $0x0;
	s29 =	simm.s32 $0x1AC70;
	v5 =	vld.idx.msk [tilespmem:v8+s5+$0x0], $0xffff;
	[tilespmem:s6+$0xFFFFFFA0] =	vst v10  }
.LBB2_55:
0x495: {  	v6 =	vld [tilespmem:s29+$0x0];
	s26 =	sadd.s32 $0x80, s26;
	[tilespmem:s6+$0xFFFFFFB0] =	vst v4  }
0x496: {  	v4 =	vld [tilespmem:s29+$0xFFFFFFA0];
	p0 =	slt.u32 s26, $0x380;
	[tilespmem:s6+$0xFFFFFFC0] =	vst v3  }
0x497: {  	v3 =	vld [tilespmem:s29+$0xFFFFFFB0];
	[tilespmem:s6+$0xFFFFFFD0] =	vst v2  }
0x498: {  	v2 =	vld [tilespmem:s29+$0xFFFFFFC0];
	[tilespmem:s6+$0xFFFFFFE0] =	vst v0  }
0x499: {  	v0 =	vld [tilespmem:s29+$0xFFFFFFD0];
	[tilespmem:s6+$0xFFFFFFF0] =	vst v1  }
0x49a: {  	v1 =	vld [tilespmem:s29+$0xFFFFFFE0];
	[tilespmem:s6+$0xFFFFFF90] =	vst v5  }
0x49b: {  	v5 =	vld [tilespmem:s29+$0xFFFFFFF0]  }
0x49c: {  	v7 =	vld [tilespmem:s29+$0xFFFFFF90]  }
0x49d: {  	v6 =	vld.idx.msk [tilespmem:v6+s5+$0x0], $0xffff  }
0x49e: {  	v8 =	vld.idx.msk [tilespmem:v4+s5+$0x0], $0xffff  }
0x49f: {  	v4 =	vld.idx.msk [tilespmem:v3+s5+$0x0], $0xffff  }
.Ltmp26:
0x4a0: {  	v3 =	vld.idx.msk [tilespmem:v2+s5+$0x0], $0xffff;
	(pc) =	sbr.rel @p0 .LBB2_55-.Ltmp26, $4  }
0x4a1: {  	v2 =	vld.idx.msk [tilespmem:v0+s5+$0x0], $0xffff  }
0x4a2: {  	s6 =	sadd.s32 $0x200, s6;
	v0 =	vld.idx.msk [tilespmem:v1+s5+$0x0], $0xffff  }
0x4a3: {  	s25 =	simm.s32 $0x1A8F0;
	s1 =	simm.s32 $0x1C8F0;
	v1 =	vld.idx.msk [tilespmem:v5+s5+$0x0], $0xffff;
	[tilespmem:s6+$0x0] =	vst v6  }
0x4a4: {  	s29 =	sadd.s32 $0x400, s29;
	v5 =	vld.idx.msk [tilespmem:v7+s5+$0x0], $0xffff;
	[tilespmem:s6+$0xFFFFFFA0] =	vst v8  }
0x4a5: {  	[tilespmem:s6+$0xFFFFFFB0] =	vst v4  }
0x4a6: {  	[tilespmem:s6+$0xFFFFFFC0] =	vst v3  }
0x4a7: {  	[tilespmem:s6+$0xFFFFFFD0] =	vst v2  }
0x4a8: {  	[tilespmem:s6+$0xFFFFFFE0] =	vst v0  }
0x4a9: {  	[tilespmem:s6+$0xFFFFFFF0] =	vst v1  }
0x4aa: {  	[tilespmem:s6+$0xFFFFFF90] =	vst v5  }
0x4ab: {  	v0 =	vld [tilespmem:s25+$0x0]  }
0x4ac: {  	v1 =	vld [tilespmem:s25+$0xFFFFFFA0]  }
0x4ad: {  	v2 =	vld [tilespmem:s25+$0xFFFFFFB0]  }
0x4ae: {  	v3 =	vld [tilespmem:s25+$0xFFFFFFC0]  }
0x4af: {  	v6 =	vld [tilespmem:s25+$0xFFFFFFD0]  }
0x4b0: {  	v7 =	vld [tilespmem:s25+$0xFFFFFFE0]  }
0x4b1: {  	v8 =	vld [tilespmem:s25+$0xFFFFFFF0]  }
0x4b2: {  	v9 =	vld [tilespmem:s25+$0xFFFFFF90]  }
0x4b3: {  	v10 =	vld.idx.msk [tilespmem:v0+s5+$0x0], $0xffff  }
0x4b4: {  	v11 =	vld.idx.msk [tilespmem:v1+s5+$0x0], $0xffff  }
0x4b5: {  	v5 =	vld.idx.msk [tilespmem:v2+s5+$0x0], $0xffff  }
0x4b6: {  	v4 =	vld.idx.msk [tilespmem:v3+s5+$0x0], $0xffff  }
0x4b7: {  	v3 =	vld.idx.msk [tilespmem:v6+s5+$0x0], $0xffff  }
0x4b8: {  	v1 =	vld.idx.msk [tilespmem:v7+s5+$0x0], $0xffff  }
0x4b9: {  	v0 =	vld.idx.msk [tilespmem:v8+s5+$0x0], $0xffff;
	[tilespmem:s1+$0x0] =	vst v10  }
0x4ba: {  	s6 =	simm.s32 $0x0;
	s25 =	simm.s32 $0x1ACF0;
	v2 =	vld.idx.msk [tilespmem:v9+s5+$0x0], $0xffff;
	[tilespmem:s1+$0xFFFFFFA0] =	vst v11  }
.LBB2_57:
0x4bb: {  	v6 =	vld [tilespmem:s25+$0x0];
	s6 =	sadd.s32 $0x80, s6;
	[tilespmem:s1+$0xFFFFFFB0] =	vst v5  }
0x4bc: {  	v5 =	vld [tilespmem:s25+$0xFFFFFFA0];
	p0 =	slt.u32 s6, $0x380;
	[tilespmem:s1+$0xFFFFFFC0] =	vst v4  }
0x4bd: {  	v4 =	vld [tilespmem:s25+$0xFFFFFFB0];
	[tilespmem:s1+$0xFFFFFFD0] =	vst v3  }
0x4be: {  	v3 =	vld [tilespmem:s25+$0xFFFFFFC0];
	[tilespmem:s1+$0xFFFFFFE0] =	vst v1  }
0x4bf: {  	v1 =	vld [tilespmem:s25+$0xFFFFFFD0];
	[tilespmem:s1+$0xFFFFFFF0] =	vst v0  }
0x4c0: {  	v0 =	vld [tilespmem:s25+$0xFFFFFFE0];
	[tilespmem:s1+$0xFFFFFF90] =	vst v2  }
0x4c1: {  	v2 =	vld [tilespmem:s25+$0xFFFFFFF0]  }
0x4c2: {  	v7 =	vld [tilespmem:s25+$0xFFFFFF90]  }
0x4c3: {  	v6 =	vld.idx.msk [tilespmem:v6+s5+$0x0], $0xffff  }
0x4c4: {  	v8 =	vld.idx.msk [tilespmem:v5+s5+$0x0], $0xffff  }
0x4c5: {  	v5 =	vld.idx.msk [tilespmem:v4+s5+$0x0], $0xffff  }
.Ltmp27:
0x4c6: {  	v4 =	vld.idx.msk [tilespmem:v3+s5+$0x0], $0xffff;
	(pc) =	sbr.rel @p0 .LBB2_57-.Ltmp27, $4  }
0x4c7: {  	v3 =	vld.idx.msk [tilespmem:v1+s5+$0x0], $0xffff  }
0x4c8: {  	s1 =	sadd.s32 $0x200, s1;
	v1 =	vld.idx.msk [tilespmem:v0+s5+$0x0], $0xffff  }
0x4c9: {  	v0 =	vld.idx.msk [tilespmem:v2+s5+$0x0], $0xffff;
	[tilespmem:s1+$0x0] =	vst v6  }
0x4ca: {  	s25 =	sadd.s32 $0x400, s25;
	v2 =	vld.idx.msk [tilespmem:v7+s5+$0x0], $0xffff;
	[tilespmem:s1+$0xFFFFFFA0] =	vst v8  }
0x4cb: {  	[tilespmem:s1+$0xFFFFFFB0] =	vst v5  }
0x4cc: {  	[tilespmem:s1+$0xFFFFFFC0] =	vst v4  }
0x4cd: {  	[tilespmem:s1+$0xFFFFFFD0] =	vst v3  }
0x4ce: {  	[tilespmem:s1+$0xFFFFFFE0] =	vst v1  }
0x4cf: {  	s6 =	rddreg [dreg:$0xb]  }
0x4d0: {  	s6 =	sadd.s32 s6, s20  }
0x4d1: {  	[tilespmem:s1+$0xFFFFFFF0] =	vst v0;
	s6 =	sshrl.u32 s6, $0x3  }
0x4d2: {  	[tilespmem:s1+$0xFFFFFF90] =	vst v2;
	s1 =	sadd.s32 s4, s6  }
0x4d3: {  	[hbm4b:s1+s23] =	stream.strided.scatter [tilespmem:s31], [sflag:$0x3], $0x200, s30, s23, $0x38;
	[tilespmem:$0x1E700] =	vst v63  }
0x4d4: {  	s6 =	sadd.s32 $0x80, s1  }
0x4d5: {  	[hbm4b:s6+s23] =	stream.strided.scatter [tilespmem:s0], [sflag:$0x3], $0x200, s30, s23, $0x38;
	[tilespmem:$0x1E700] =	vst v63  }
0x4d6: {  	s25 =	sadd.s32 $0x100, s1  }
0x4d7: {  	[hbm4b:s25+s23] =	stream.strided.scatter [tilespmem:s2], [sflag:$0x3], $0x200, s30, s23, $0x38;
	[tilespmem:$0x1E700] =	vst v63  }
0x4d8: {  	s26 =	sadd.s32 $0x180, s1  }
0x4d9: {  	[hbm4b:s26+s23] =	stream.strided.scatter [tilespmem:s24], [sflag:$0x3], $0x200, s30, s23, $0x38;
	[tilespmem:$0x1E700] =	vst v63  }
0x4da: {  	s25 =	sadd.s32 $0x200, s1  }
0x4db: {  	[hbm4b:s25+s23] =	stream.strided.scatter [tilespmem:s8], [sflag:$0x3], $0x200, s30, s23, $0x38;
	[tilespmem:$0x1E700] =	vst v63  }
0x4dc: {  	s26 =	sadd.s32 $0x280, s1  }
0x4dd: {  	[hbm4b:s26+s23] =	stream.strided.scatter [tilespmem:s22], [sflag:$0x3], $0x200, s30, s23, $0x38;
	[tilespmem:$0x1E700] =	vst v63  }
0x4de: {  	s25 =	sadd.s32 $0x300, s1  }
0x4df: {  	[hbm4b:s25+s23] =	stream.strided.scatter [tilespmem:s3], [sflag:$0x3], $0x200, s30, s23, $0x38;
	[tilespmem:$0x1E700] =	vst v63  }
0x4e0: {  	s1 =	sadd.s32 $0x380, s1  }
0x4e1: {  	[hbm4b:s1+s23] =	stream.strided.scatter [tilespmem:s7], [sflag:$0x3], $0x200, s30, s23, $0x38;
	[tilespmem:$0x1E700] =	vst v63  }
0x4e2: {  	_ =	swait.ge [sflag:s17], $0x1000  }
0x4e3: {  	[sflag:s17] =	ssyncset.done $0x0  }
0x4e4: {  	s26 =	simm.s32 $0x1A970;
	[sflag:s17] =	ssyncadd.s32 $0xFFFFF000  }
0x4e5: {  	v0 =	vld [tilespmem:s26+$0x0]  }
0x4e6: {  	v1 =	vld [tilespmem:s26+$0xFFFFFFA0]  }
0x4e7: {  	v2 =	vld [tilespmem:s26+$0xFFFFFFB0]  }
0x4e8: {  	v3 =	vld [tilespmem:s26+$0xFFFFFFC0]  }
0x4e9: {  	v5 =	vld [tilespmem:s26+$0xFFFFFFD0]  }
0x4ea: {  	v6 =	vld [tilespmem:s26+$0xFFFFFFE0]  }
0x4eb: {  	v7 =	vld [tilespmem:s26+$0xFFFFFFF0]  }
0x4ec: {  	v8 =	vld [tilespmem:s26+$0xFFFFFF90]  }
0x4ed: {  	v9 =	vld.idx.msk [tilespmem:v0+s5+$0x0], $0xffff  }
0x4ee: {  	v10 =	vld.idx.msk [tilespmem:v1+s5+$0x0], $0xffff  }
0x4ef: {  	v4 =	vld.idx.msk [tilespmem:v2+s5+$0x0], $0xffff  }
0x4f0: {  	v3 =	vld.idx.msk [tilespmem:v3+s5+$0x0], $0xffff  }
0x4f1: {  	v0 =	vld.idx.msk [tilespmem:v5+s5+$0x0], $0xffff  }
0x4f2: {  	s6 =	simm.s32 $0x1D770;
	v1 =	vld.idx.msk [tilespmem:v6+s5+$0x0], $0xffff  }
0x4f3: {  	v2 =	vld.idx.msk [tilespmem:v7+s5+$0x0], $0xffff;
	[tilespmem:s6+$0x0] =	vst v9  }
0x4f4: {  	s29 =	simm.s32 $0x1AD70;
	s26 =	simm.s32 $0x0;
	v5 =	vld.idx.msk [tilespmem:v8+s5+$0x0], $0xffff;
	[tilespmem:s6+$0xFFFFFFA0] =	vst v10  }
.LBB2_59:
0x4f5: {  	v6 =	vld [tilespmem:s29+$0x0];
	s26 =	sadd.s32 $0x80, s26;
	[tilespmem:s6+$0xFFFFFFB0] =	vst v4  }
0x4f6: {  	v4 =	vld [tilespmem:s29+$0xFFFFFFA0];
	p0 =	slt.u32 s26, $0x380;
	[tilespmem:s6+$0xFFFFFFC0] =	vst v3  }
0x4f7: {  	v3 =	vld [tilespmem:s29+$0xFFFFFFB0];
	[tilespmem:s6+$0xFFFFFFD0] =	vst v0  }
0x4f8: {  	v0 =	vld [tilespmem:s29+$0xFFFFFFC0];
	[tilespmem:s6+$0xFFFFFFE0] =	vst v1  }
0x4f9: {  	v1 =	vld [tilespmem:s29+$0xFFFFFFD0];
	[tilespmem:s6+$0xFFFFFFF0] =	vst v2  }
0x4fa: {  	v2 =	vld [tilespmem:s29+$0xFFFFFFE0];
	[tilespmem:s6+$0xFFFFFF90] =	vst v5  }
0x4fb: {  	v5 =	vld [tilespmem:s29+$0xFFFFFFF0]  }
0x4fc: {  	v7 =	vld [tilespmem:s29+$0xFFFFFF90]  }
0x4fd: {  	v6 =	vld.idx.msk [tilespmem:v6+s5+$0x0], $0xffff  }
0x4fe: {  	v8 =	vld.idx.msk [tilespmem:v4+s5+$0x0], $0xffff  }
0x4ff: {  	v4 =	vld.idx.msk [tilespmem:v3+s5+$0x0], $0xffff  }
.Ltmp28:
0x500: {  	v3 =	vld.idx.msk [tilespmem:v0+s5+$0x0], $0xffff;
	(pc) =	sbr.rel @p0 .LBB2_59-.Ltmp28, $4  }
0x501: {  	v0 =	vld.idx.msk [tilespmem:v1+s5+$0x0], $0xffff  }
0x502: {  	s6 =	sadd.s32 $0x200, s6;
	v1 =	vld.idx.msk [tilespmem:v2+s5+$0x0], $0xffff  }
0x503: {  	s25 =	simm.s32 $0x1A9F0;
	s1 =	simm.s32 $0x1D7F0;
	v2 =	vld.idx.msk [tilespmem:v5+s5+$0x0], $0xffff;
	[tilespmem:s6+$0x0] =	vst v6  }
0x504: {  	s29 =	sadd.s32 $0x400, s29;
	v5 =	vld.idx.msk [tilespmem:v7+s5+$0x0], $0xffff;
	[tilespmem:s6+$0xFFFFFFA0] =	vst v8  }
0x505: {  	[tilespmem:s6+$0xFFFFFFB0] =	vst v4  }
0x506: {  	[tilespmem:s6+$0xFFFFFFC0] =	vst v3  }
0x507: {  	[tilespmem:s6+$0xFFFFFFD0] =	vst v0  }
0x508: {  	[tilespmem:s6+$0xFFFFFFE0] =	vst v1  }
0x509: {  	[tilespmem:s6+$0xFFFFFFF0] =	vst v2  }
0x50a: {  	[tilespmem:s6+$0xFFFFFF90] =	vst v5  }
0x50b: {  	v0 =	vld [tilespmem:s25+$0x0]  }
0x50c: {  	v1 =	vld [tilespmem:s25+$0xFFFFFFA0]  }
0x50d: {  	v2 =	vld [tilespmem:s25+$0xFFFFFFB0]  }
0x50e: {  	v3 =	vld [tilespmem:s25+$0xFFFFFFC0]  }
0x50f: {  	v5 =	vld [tilespmem:s25+$0xFFFFFFD0]  }
0x510: {  	v6 =	vld [tilespmem:s25+$0xFFFFFFE0]  }
0x511: {  	v7 =	vld [tilespmem:s25+$0xFFFFFFF0]  }
0x512: {  	v8 =	vld [tilespmem:s25+$0xFFFFFF90]  }
0x513: {  	v9 =	vld.idx.msk [tilespmem:v0+s5+$0x0], $0xffff  }
0x514: {  	v10 =	vld.idx.msk [tilespmem:v1+s5+$0x0], $0xffff  }
0x515: {  	v4 =	vld.idx.msk [tilespmem:v2+s5+$0x0], $0xffff  }
0x516: {  	v3 =	vld.idx.msk [tilespmem:v3+s5+$0x0], $0xffff  }
0x517: {  	v2 =	vld.idx.msk [tilespmem:v5+s5+$0x0], $0xffff  }
0x518: {  	v0 =	vld.idx.msk [tilespmem:v6+s5+$0x0], $0xffff  }
0x519: {  	v1 =	vld.idx.msk [tilespmem:v7+s5+$0x0], $0xffff;
	[tilespmem:s1+$0x0] =	vst v9  }
0x51a: {  	s26 =	simm.s32 $0x0;
	s29 =	simm.s32 $0x1ADF0;
	v5 =	vld.idx.msk [tilespmem:v8+s5+$0x0], $0xffff;
	[tilespmem:s1+$0xFFFFFFA0] =	vst v10  }
.LBB2_61:
0x51b: {  	v6 =	vld [tilespmem:s29+$0x0];
	s26 =	sadd.s32 $0x80, s26;
	[tilespmem:s1+$0xFFFFFFB0] =	vst v4  }
0x51c: {  	v4 =	vld [tilespmem:s29+$0xFFFFFFA0];
	p0 =	slt.u32 s26, $0x380;
	[tilespmem:s1+$0xFFFFFFC0] =	vst v3  }
0x51d: {  	v3 =	vld [tilespmem:s29+$0xFFFFFFB0];
	[tilespmem:s1+$0xFFFFFFD0] =	vst v2  }
0x51e: {  	v2 =	vld [tilespmem:s29+$0xFFFFFFC0];
	[tilespmem:s1+$0xFFFFFFE0] =	vst v0  }
0x51f: {  	v0 =	vld [tilespmem:s29+$0xFFFFFFD0];
	[tilespmem:s1+$0xFFFFFFF0] =	vst v1  }
0x520: {  	v1 =	vld [tilespmem:s29+$0xFFFFFFE0];
	[tilespmem:s1+$0xFFFFFF90] =	vst v5  }
0x521: {  	v5 =	vld [tilespmem:s29+$0xFFFFFFF0]  }
0x522: {  	v7 =	vld [tilespmem:s29+$0xFFFFFF90]  }
0x523: {  	v6 =	vld.idx.msk [tilespmem:v6+s5+$0x0], $0xffff  }
0x524: {  	v8 =	vld.idx.msk [tilespmem:v4+s5+$0x0], $0xffff  }
0x525: {  	v4 =	vld.idx.msk [tilespmem:v3+s5+$0x0], $0xffff  }
.Ltmp29:
0x526: {  	v3 =	vld.idx.msk [tilespmem:v2+s5+$0x0], $0xffff;
	(pc) =	sbr.rel @p0 .LBB2_61-.Ltmp29, $4  }
0x527: {  	v2 =	vld.idx.msk [tilespmem:v0+s5+$0x0], $0xffff  }
0x528: {  	s1 =	sadd.s32 $0x200, s1;
	v0 =	vld.idx.msk [tilespmem:v1+s5+$0x0], $0xffff  }
0x529: {  	s25 =	simm.s32 $0x1AA70;
	s6 =	simm.s32 $0x1D870;
	v1 =	vld.idx.msk [tilespmem:v5+s5+$0x0], $0xffff;
	[tilespmem:s1+$0x0] =	vst v6  }
0x52a: {  	s29 =	sadd.s32 $0x400, s29;
	v5 =	vld.idx.msk [tilespmem:v7+s5+$0x0], $0xffff;
	[tilespmem:s1+$0xFFFFFFA0] =	vst v8  }
0x52b: {  	[tilespmem:s1+$0xFFFFFFB0] =	vst v4  }
0x52c: {  	[tilespmem:s1+$0xFFFFFFC0] =	vst v3  }
0x52d: {  	[tilespmem:s1+$0xFFFFFFD0] =	vst v2  }
0x52e: {  	[tilespmem:s1+$0xFFFFFFE0] =	vst v0  }
0x52f: {  	[tilespmem:s1+$0xFFFFFFF0] =	vst v1  }
0x530: {  	[tilespmem:s1+$0xFFFFFF90] =	vst v5  }
0x531: {  	v0 =	vld [tilespmem:s25+$0x0]  }
0x532: {  	v1 =	vld [tilespmem:s25+$0xFFFFFFA0]  }
0x533: {  	v2 =	vld [tilespmem:s25+$0xFFFFFFB0]  }
0x534: {  	v3 =	vld [tilespmem:s25+$0xFFFFFFC0]  }
0x535: {  	v5 =	vld [tilespmem:s25+$0xFFFFFFD0]  }
0x536: {  	v6 =	vld [tilespmem:s25+$0xFFFFFFE0]  }
0x537: {  	v7 =	vld [tilespmem:s25+$0xFFFFFFF0]  }
0x538: {  	v8 =	vld [tilespmem:s25+$0xFFFFFF90]  }
0x539: {  	v9 =	vld.idx.msk [tilespmem:v0+s5+$0x0], $0xffff  }
0x53a: {  	v10 =	vld.idx.msk [tilespmem:v1+s5+$0x0], $0xffff  }
0x53b: {  	v4 =	vld.idx.msk [tilespmem:v2+s5+$0x0], $0xffff  }
0x53c: {  	v3 =	vld.idx.msk [tilespmem:v3+s5+$0x0], $0xffff  }
0x53d: {  	v2 =	vld.idx.msk [tilespmem:v5+s5+$0x0], $0xffff  }
0x53e: {  	v0 =	vld.idx.msk [tilespmem:v6+s5+$0x0], $0xffff  }
0x53f: {  	v1 =	vld.idx.msk [tilespmem:v7+s5+$0x0], $0xffff;
	[tilespmem:s6+$0x0] =	vst v9  }
0x540: {  	s26 =	simm.s32 $0x0;
	s29 =	simm.s32 $0x1AE70;
	v5 =	vld.idx.msk [tilespmem:v8+s5+$0x0], $0xffff;
	[tilespmem:s6+$0xFFFFFFA0] =	vst v10  }
.LBB2_63:
0x541: {  	v6 =	vld [tilespmem:s29+$0x0];
	s26 =	sadd.s32 $0x80, s26;
	[tilespmem:s6+$0xFFFFFFB0] =	vst v4  }
0x542: {  	v4 =	vld [tilespmem:s29+$0xFFFFFFA0];
	p0 =	slt.u32 s26, $0x380;
	[tilespmem:s6+$0xFFFFFFC0] =	vst v3  }
0x543: {  	v3 =	vld [tilespmem:s29+$0xFFFFFFB0];
	[tilespmem:s6+$0xFFFFFFD0] =	vst v2  }
0x544: {  	v2 =	vld [tilespmem:s29+$0xFFFFFFC0];
	[tilespmem:s6+$0xFFFFFFE0] =	vst v0  }
0x545: {  	v0 =	vld [tilespmem:s29+$0xFFFFFFD0];
	[tilespmem:s6+$0xFFFFFFF0] =	vst v1  }
0x546: {  	v1 =	vld [tilespmem:s29+$0xFFFFFFE0];
	[tilespmem:s6+$0xFFFFFF90] =	vst v5  }
0x547: {  	v5 =	vld [tilespmem:s29+$0xFFFFFFF0]  }
0x548: {  	v7 =	vld [tilespmem:s29+$0xFFFFFF90]  }
0x549: {  	v6 =	vld.idx.msk [tilespmem:v6+s5+$0x0], $0xffff  }
0x54a: {  	v8 =	vld.idx.msk [tilespmem:v4+s5+$0x0], $0xffff  }
0x54b: {  	v4 =	vld.idx.msk [tilespmem:v3+s5+$0x0], $0xffff  }
.Ltmp30:
0x54c: {  	v3 =	vld.idx.msk [tilespmem:v2+s5+$0x0], $0xffff;
	(pc) =	sbr.rel @p0 .LBB2_63-.Ltmp30, $4  }
0x54d: {  	v2 =	vld.idx.msk [tilespmem:v0+s5+$0x0], $0xffff  }
0x54e: {  	s6 =	sadd.s32 $0x200, s6;
	v0 =	vld.idx.msk [tilespmem:v1+s5+$0x0], $0xffff  }
0x54f: {  	s25 =	simm.s32 $0x1AAF0;
	s1 =	simm.s32 $0x1D8F0;
	v1 =	vld.idx.msk [tilespmem:v5+s5+$0x0], $0xffff;
	[tilespmem:s6+$0x0] =	vst v6  }
0x550: {  	s29 =	sadd.s32 $0x400, s29;
	v5 =	vld.idx.msk [tilespmem:v7+s5+$0x0], $0xffff;
	[tilespmem:s6+$0xFFFFFFA0] =	vst v8  }
0x551: {  	[tilespmem:s6+$0xFFFFFFB0] =	vst v4  }
0x552: {  	[tilespmem:s6+$0xFFFFFFC0] =	vst v3  }
0x553: {  	[tilespmem:s6+$0xFFFFFFD0] =	vst v2  }
0x554: {  	[tilespmem:s6+$0xFFFFFFE0] =	vst v0  }
0x555: {  	[tilespmem:s6+$0xFFFFFFF0] =	vst v1  }
0x556: {  	[tilespmem:s6+$0xFFFFFF90] =	vst v5  }
0x557: {  	v0 =	vld [tilespmem:s25+$0x0]  }
0x558: {  	v1 =	vld [tilespmem:s25+$0xFFFFFFA0]  }
0x559: {  	v2 =	vld [tilespmem:s25+$0xFFFFFFB0]  }
0x55a: {  	v3 =	vld [tilespmem:s25+$0xFFFFFFC0]  }
0x55b: {  	v6 =	vld [tilespmem:s25+$0xFFFFFFD0]  }
0x55c: {  	v7 =	vld [tilespmem:s25+$0xFFFFFFE0]  }
0x55d: {  	v8 =	vld [tilespmem:s25+$0xFFFFFFF0]  }
0x55e: {  	v9 =	vld [tilespmem:s25+$0xFFFFFF90]  }
0x55f: {  	v10 =	vld.idx.msk [tilespmem:v0+s5+$0x0], $0xffff  }
0x560: {  	v11 =	vld.idx.msk [tilespmem:v1+s5+$0x0], $0xffff  }
0x561: {  	v5 =	vld.idx.msk [tilespmem:v2+s5+$0x0], $0xffff  }
0x562: {  	v4 =	vld.idx.msk [tilespmem:v3+s5+$0x0], $0xffff  }
0x563: {  	v3 =	vld.idx.msk [tilespmem:v6+s5+$0x0], $0xffff  }
0x564: {  	v1 =	vld.idx.msk [tilespmem:v7+s5+$0x0], $0xffff  }
0x565: {  	v0 =	vld.idx.msk [tilespmem:v8+s5+$0x0], $0xffff;
	[tilespmem:s1+$0x0] =	vst v10  }
0x566: {  	s6 =	simm.s32 $0x0;
	s25 =	simm.s32 $0x1AEF0;
	v2 =	vld.idx.msk [tilespmem:v9+s5+$0x0], $0xffff;
	[tilespmem:s1+$0xFFFFFFA0] =	vst v11  }
.LBB2_65:
0x567: {  	v6 =	vld [tilespmem:s25+$0x0];
	s6 =	sadd.s32 $0x80, s6;
	[tilespmem:s1+$0xFFFFFFB0] =	vst v5  }
0x568: {  	v5 =	vld [tilespmem:s25+$0xFFFFFFA0];
	p0 =	slt.u32 s6, $0x380;
	[tilespmem:s1+$0xFFFFFFC0] =	vst v4  }
0x569: {  	v4 =	vld [tilespmem:s25+$0xFFFFFFB0];
	[tilespmem:s1+$0xFFFFFFD0] =	vst v3  }
0x56a: {  	v3 =	vld [tilespmem:s25+$0xFFFFFFC0];
	[tilespmem:s1+$0xFFFFFFE0] =	vst v1  }
0x56b: {  	v1 =	vld [tilespmem:s25+$0xFFFFFFD0];
	[tilespmem:s1+$0xFFFFFFF0] =	vst v0  }
0x56c: {  	v0 =	vld [tilespmem:s25+$0xFFFFFFE0];
	[tilespmem:s1+$0xFFFFFF90] =	vst v2  }
0x56d: {  	v2 =	vld [tilespmem:s25+$0xFFFFFFF0]  }
0x56e: {  	v7 =	vld [tilespmem:s25+$0xFFFFFF90]  }
0x56f: {  	v6 =	vld.idx.msk [tilespmem:v6+s5+$0x0], $0xffff  }
0x570: {  	v8 =	vld.idx.msk [tilespmem:v5+s5+$0x0], $0xffff  }
0x571: {  	v5 =	vld.idx.msk [tilespmem:v4+s5+$0x0], $0xffff  }
.Ltmp31:
0x572: {  	v4 =	vld.idx.msk [tilespmem:v3+s5+$0x0], $0xffff;
	(pc) =	sbr.rel @p0 .LBB2_65-.Ltmp31, $4  }
0x573: {  	v3 =	vld.idx.msk [tilespmem:v1+s5+$0x0], $0xffff  }
0x574: {  	s1 =	sadd.s32 $0x200, s1;
	v1 =	vld.idx.msk [tilespmem:v0+s5+$0x0], $0xffff  }
0x575: {  	v0 =	vld.idx.msk [tilespmem:v2+s5+$0x0], $0xffff;
	[tilespmem:s1+$0x0] =	vst v6  }
0x576: {  	s25 =	sadd.s32 $0x400, s25;
	v2 =	vld.idx.msk [tilespmem:v7+s5+$0x0], $0xffff;
	[tilespmem:s1+$0xFFFFFFA0] =	vst v8  }
0x577: {  	[tilespmem:s1+$0xFFFFFFB0] =	vst v5  }
0x578: {  	[tilespmem:s1+$0xFFFFFFC0] =	vst v4  }
0x579: {  	[tilespmem:s1+$0xFFFFFFD0] =	vst v3  }
0x57a: {  	[tilespmem:s1+$0xFFFFFFE0] =	vst v1  }
0x57b: {  	s6 =	rddreg [dreg:$0xc]  }
0x57c: {  	s6 =	sadd.s32 s6, s20  }
0x57d: {  	[tilespmem:s1+$0xFFFFFFF0] =	vst v0;
	s6 =	sshrl.u32 s6, $0x3  }
0x57e: {  	[tilespmem:s1+$0xFFFFFF90] =	vst v2;
	s1 =	sadd.s32 s4, s6  }
0x57f: {  	[hbm4b:s1+s23] =	stream.strided.scatter [tilespmem:s9], [sflag:$0x3], $0x200, s30, s23, $0x38;
	[tilespmem:$0x1E700] =	vst v63  }
0x580: {  	s6 =	sadd.s32 $0x80, s1  }
0x581: {  	[hbm4b:s6+s23] =	stream.strided.scatter [tilespmem:s10], [sflag:$0x3], $0x200, s30, s23, $0x38;
	[tilespmem:$0x1E700] =	vst v63  }
0x582: {  	s26 =	sadd.s32 $0x100, s1  }
0x583: {  	[hbm4b:s26+s23] =	stream.strided.scatter [tilespmem:s11], [sflag:$0x3], $0x200, s30, s23, $0x38;
	[tilespmem:$0x1E700] =	vst v63  }
0x584: {  	s25 =	sadd.s32 $0x180, s1  }
0x585: {  	[hbm4b:s25+s23] =	stream.strided.scatter [tilespmem:s12], [sflag:$0x3], $0x200, s30, s23, $0x38;
	[tilespmem:$0x1E700] =	vst v63  }
0x586: {  	s26 =	sadd.s32 $0x200, s1  }
0x587: {  	[hbm4b:s26+s23] =	stream.strided.scatter [tilespmem:s13], [sflag:$0x3], $0x200, s30, s23, $0x38;
	[tilespmem:$0x1E700] =	vst v63  }
0x588: {  	s25 =	sadd.s32 $0x280, s1  }
0x589: {  	[hbm4b:s25+s23] =	stream.strided.scatter [tilespmem:s14], [sflag:$0x3], $0x200, s30, s23, $0x38;
	[tilespmem:$0x1E700] =	vst v63  }
0x58a: {  	s26 =	sadd.s32 $0x300, s1  }
0x58b: {  	[hbm4b:s26+s23] =	stream.strided.scatter [tilespmem:s15], [sflag:$0x3], $0x200, s30, s23, $0x38;
	[tilespmem:$0x1E700] =	vst v63  }
0x58c: {  	s1 =	sadd.s32 $0x380, s1  }
0x58d: {  	[hbm4b:s1+s23] =	stream.strided.scatter [tilespmem:s16], [sflag:$0x3], $0x200, s30, s23, $0x38;
	[tilespmem:$0x1E700] =	vst v63  }
0x58e: {  	_ =	swait.ge [sflag:s28], $0x2000  }
0x58f: {  	[sflag:s28] =	ssyncset.done $0x0  }
0x590: {  	s6 =	sadd.s32 $0x1400, s21;
	s25 =	simm.s32 $0x1A700;
	[sflag:s28] =	ssyncadd.s32 $0xFFFFE000  }
0x591: {  	[tilespmem:s25], [sflag:$0x2] =	stream.linear.gather [hbm4b:s6+s5], $0x2000, $0x38;
	[tilespmem:$0x1E700] =	vst v63  }
0x592: {  	_ =	swait.ge [sflag:s17], $0x1000  }
0x593: {  	[sflag:s17] =	ssyncset.done $0x0  }
0x594: {  	s26 =	simm.s32 $0x18740;
	[sflag:s17] =	ssyncadd.s32 $0xFFFFF000  }
0x595: {  	v0 =	vld [tilespmem:s26+$0x30]  }
0x596: {  	v1 =	vld [tilespmem:s26+$0xFFFFFFD0]  }
0x597: {  	v2 =	vld [tilespmem:s26+$0xFFFFFFE0]  }
0x598: {  	v3 =	vld [tilespmem:s26+$0xFFFFFFF0]  }
0x599: {  	v5 =	vld [tilespmem:s26+$0x0]  }
0x59a: {  	v6 =	vld [tilespmem:s26+$0x10]  }
0x59b: {  	v7 =	vld [tilespmem:s26+$0x20]  }
0x59c: {  	v8 =	vld [tilespmem:s26+$0xFFFFFFC0]  }
0x59d: {  	v9 =	vld.idx.msk [tilespmem:v0+s5+$0x0], $0xffff  }
0x59e: {  	v10 =	vld.idx.msk [tilespmem:v1+s5+$0x0], $0xffff  }
0x59f: {  	v4 =	vld.idx.msk [tilespmem:v2+s5+$0x0], $0xffff  }
0x5a0: {  	v3 =	vld.idx.msk [tilespmem:v3+s5+$0x0], $0xffff  }
0x5a1: {  	v0 =	vld.idx.msk [tilespmem:v5+s5+$0x0], $0xffff  }
0x5a2: {  	s6 =	simm.s32 $0x1C740;
	v1 =	vld.idx.msk [tilespmem:v6+s5+$0x0], $0xffff  }
0x5a3: {  	v2 =	vld.idx.msk [tilespmem:v7+s5+$0x0], $0xffff;
	[tilespmem:s6+$0x30] =	vst v9  }
0x5a4: {  	s29 =	simm.s32 $0x18B40;
	s26 =	simm.s32 $0x0;
	v5 =	vld.idx.msk [tilespmem:v8+s5+$0x0], $0xffff;
	[tilespmem:s6+$0xFFFFFFD0] =	vst v10  }
.LBB2_67:
0x5a5: {  	v6 =	vld [tilespmem:s29+$0x30];
	s26 =	sadd.s32 $0x80, s26;
	[tilespmem:s6+$0xFFFFFFE0] =	vst v4  }
0x5a6: {  	v4 =	vld [tilespmem:s29+$0xFFFFFFD0];
	p0 =	slt.u32 s26, $0x380;
	[tilespmem:s6+$0xFFFFFFF0] =	vst v3  }
0x5a7: {  	v3 =	vld [tilespmem:s29+$0xFFFFFFE0];
	[tilespmem:s6+$0x0] =	vst v0  }
0x5a8: {  	v0 =	vld [tilespmem:s29+$0xFFFFFFF0];
	[tilespmem:s6+$0x10] =	vst v1  }
0x5a9: {  	v1 =	vld [tilespmem:s29+$0x0];
	[tilespmem:s6+$0x20] =	vst v2  }
0x5aa: {  	v2 =	vld [tilespmem:s29+$0x10];
	[tilespmem:s6+$0xFFFFFFC0] =	vst v5  }
0x5ab: {  	v5 =	vld [tilespmem:s29+$0x20]  }
0x5ac: {  	v7 =	vld [tilespmem:s29+$0xFFFFFFC0]  }
0x5ad: {  	v6 =	vld.idx.msk [tilespmem:v6+s5+$0x0], $0xffff  }
0x5ae: {  	v8 =	vld.idx.msk [tilespmem:v4+s5+$0x0], $0xffff  }
0x5af: {  	v4 =	vld.idx.msk [tilespmem:v3+s5+$0x0], $0xffff  }
.Ltmp32:
0x5b0: {  	v3 =	vld.idx.msk [tilespmem:v0+s5+$0x0], $0xffff;
	(pc) =	sbr.rel @p0 .LBB2_67-.Ltmp32, $4  }
0x5b1: {  	v0 =	vld.idx.msk [tilespmem:v1+s5+$0x0], $0xffff  }
0x5b2: {  	s6 =	sadd.s32 $0x200, s6;
	v1 =	vld.idx.msk [tilespmem:v2+s5+$0x0], $0xffff  }
0x5b3: {  	s25 =	simm.s32 $0x187F0;
	s1 =	simm.s32 $0x1C7F0;
	v2 =	vld.idx.msk [tilespmem:v5+s5+$0x0], $0xffff;
	[tilespmem:s6+$0x30] =	vst v6  }
0x5b4: {  	s29 =	sadd.s32 $0x400, s29;
	v5 =	vld.idx.msk [tilespmem:v7+s5+$0x0], $0xffff;
	[tilespmem:s6+$0xFFFFFFD0] =	vst v8  }
0x5b5: {  	[tilespmem:s6+$0xFFFFFFE0] =	vst v4  }
0x5b6: {  	[tilespmem:s6+$0xFFFFFFF0] =	vst v3  }
0x5b7: {  	[tilespmem:s6+$0x0] =	vst v0  }
0x5b8: {  	[tilespmem:s6+$0x10] =	vst v1  }
0x5b9: {  	[tilespmem:s6+$0x20] =	vst v2  }
0x5ba: {  	[tilespmem:s6+$0xFFFFFFC0] =	vst v5  }
0x5bb: {  	v0 =	vld [tilespmem:s25+$0x0]  }
0x5bc: {  	v1 =	vld [tilespmem:s25+$0xFFFFFFA0]  }
0x5bd: {  	v2 =	vld [tilespmem:s25+$0xFFFFFFB0]  }
0x5be: {  	v3 =	vld [tilespmem:s25+$0xFFFFFFC0]  }
0x5bf: {  	v5 =	vld [tilespmem:s25+$0xFFFFFFD0]  }
0x5c0: {  	v6 =	vld [tilespmem:s25+$0xFFFFFFE0]  }
0x5c1: {  	v7 =	vld [tilespmem:s25+$0xFFFFFFF0]  }
0x5c2: {  	v8 =	vld [tilespmem:s25+$0xFFFFFF90]  }
0x5c3: {  	v9 =	vld.idx.msk [tilespmem:v0+s5+$0x0], $0xffff  }
0x5c4: {  	v10 =	vld.idx.msk [tilespmem:v1+s5+$0x0], $0xffff  }
0x5c5: {  	v4 =	vld.idx.msk [tilespmem:v2+s5+$0x0], $0xffff  }
0x5c6: {  	v3 =	vld.idx.msk [tilespmem:v3+s5+$0x0], $0xffff  }
0x5c7: {  	v2 =	vld.idx.msk [tilespmem:v5+s5+$0x0], $0xffff  }
0x5c8: {  	v0 =	vld.idx.msk [tilespmem:v6+s5+$0x0], $0xffff  }
0x5c9: {  	v1 =	vld.idx.msk [tilespmem:v7+s5+$0x0], $0xffff;
	[tilespmem:s1+$0x0] =	vst v9  }
0x5ca: {  	s26 =	simm.s32 $0x0;
	s29 =	simm.s32 $0x18BF0;
	v5 =	vld.idx.msk [tilespmem:v8+s5+$0x0], $0xffff;
	[tilespmem:s1+$0xFFFFFFA0] =	vst v10  }
.LBB2_69:
0x5cb: {  	v6 =	vld [tilespmem:s29+$0x0];
	s26 =	sadd.s32 $0x80, s26;
	[tilespmem:s1+$0xFFFFFFB0] =	vst v4  }
0x5cc: {  	v4 =	vld [tilespmem:s29+$0xFFFFFFA0];
	p0 =	slt.u32 s26, $0x380;
	[tilespmem:s1+$0xFFFFFFC0] =	vst v3  }
0x5cd: {  	v3 =	vld [tilespmem:s29+$0xFFFFFFB0];
	[tilespmem:s1+$0xFFFFFFD0] =	vst v2  }
0x5ce: {  	v2 =	vld [tilespmem:s29+$0xFFFFFFC0];
	[tilespmem:s1+$0xFFFFFFE0] =	vst v0  }
0x5cf: {  	v0 =	vld [tilespmem:s29+$0xFFFFFFD0];
	[tilespmem:s1+$0xFFFFFFF0] =	vst v1  }
0x5d0: {  	v1 =	vld [tilespmem:s29+$0xFFFFFFE0];
	[tilespmem:s1+$0xFFFFFF90] =	vst v5  }
0x5d1: {  	v5 =	vld [tilespmem:s29+$0xFFFFFFF0]  }
0x5d2: {  	v7 =	vld [tilespmem:s29+$0xFFFFFF90]  }
0x5d3: {  	v6 =	vld.idx.msk [tilespmem:v6+s5+$0x0], $0xffff  }
0x5d4: {  	v8 =	vld.idx.msk [tilespmem:v4+s5+$0x0], $0xffff  }
0x5d5: {  	v4 =	vld.idx.msk [tilespmem:v3+s5+$0x0], $0xffff  }
.Ltmp33:
0x5d6: {  	v3 =	vld.idx.msk [tilespmem:v2+s5+$0x0], $0xffff;
	(pc) =	sbr.rel @p0 .LBB2_69-.Ltmp33, $4  }
0x5d7: {  	v2 =	vld.idx.msk [tilespmem:v0+s5+$0x0], $0xffff  }
0x5d8: {  	s1 =	sadd.s32 $0x200, s1;
	v0 =	vld.idx.msk [tilespmem:v1+s5+$0x0], $0xffff  }
0x5d9: {  	s25 =	simm.s32 $0x18870;
	s6 =	simm.s32 $0x1C870;
	v1 =	vld.idx.msk [tilespmem:v5+s5+$0x0], $0xffff;
	[tilespmem:s1+$0x0] =	vst v6  }
0x5da: {  	s29 =	sadd.s32 $0x400, s29;
	v5 =	vld.idx.msk [tilespmem:v7+s5+$0x0], $0xffff;
	[tilespmem:s1+$0xFFFFFFA0] =	vst v8  }
0x5db: {  	[tilespmem:s1+$0xFFFFFFB0] =	vst v4  }
0x5dc: {  	[tilespmem:s1+$0xFFFFFFC0] =	vst v3  }
0x5dd: {  	[tilespmem:s1+$0xFFFFFFD0] =	vst v2  }
0x5de: {  	[tilespmem:s1+$0xFFFFFFE0] =	vst v0  }
0x5df: {  	[tilespmem:s1+$0xFFFFFFF0] =	vst v1  }
0x5e0: {  	[tilespmem:s1+$0xFFFFFF90] =	vst v5  }
0x5e1: {  	v0 =	vld [tilespmem:s25+$0x0]  }
0x5e2: {  	v1 =	vld [tilespmem:s25+$0xFFFFFFA0]  }
0x5e3: {  	v2 =	vld [tilespmem:s25+$0xFFFFFFB0]  }
0x5e4: {  	v3 =	vld [tilespmem:s25+$0xFFFFFFC0]  }
0x5e5: {  	v5 =	vld [tilespmem:s25+$0xFFFFFFD0]  }
0x5e6: {  	v6 =	vld [tilespmem:s25+$0xFFFFFFE0]  }
0x5e7: {  	v7 =	vld [tilespmem:s25+$0xFFFFFFF0]  }
0x5e8: {  	v8 =	vld [tilespmem:s25+$0xFFFFFF90]  }
0x5e9: {  	v9 =	vld.idx.msk [tilespmem:v0+s5+$0x0], $0xffff  }
0x5ea: {  	v10 =	vld.idx.msk [tilespmem:v1+s5+$0x0], $0xffff  }
0x5eb: {  	v4 =	vld.idx.msk [tilespmem:v2+s5+$0x0], $0xffff  }
0x5ec: {  	v3 =	vld.idx.msk [tilespmem:v3+s5+$0x0], $0xffff  }
0x5ed: {  	v2 =	vld.idx.msk [tilespmem:v5+s5+$0x0], $0xffff  }
0x5ee: {  	v0 =	vld.idx.msk [tilespmem:v6+s5+$0x0], $0xffff  }
0x5ef: {  	v1 =	vld.idx.msk [tilespmem:v7+s5+$0x0], $0xffff;
	[tilespmem:s6+$0x0] =	vst v9  }
0x5f0: {  	s26 =	simm.s32 $0x0;
	s29 =	simm.s32 $0x18C70;
	v5 =	vld.idx.msk [tilespmem:v8+s5+$0x0], $0xffff;
	[tilespmem:s6+$0xFFFFFFA0] =	vst v10  }
.LBB2_71:
0x5f1: {  	v6 =	vld [tilespmem:s29+$0x0];
	s26 =	sadd.s32 $0x80, s26;
	[tilespmem:s6+$0xFFFFFFB0] =	vst v4  }
0x5f2: {  	v4 =	vld [tilespmem:s29+$0xFFFFFFA0];
	p0 =	slt.u32 s26, $0x380;
	[tilespmem:s6+$0xFFFFFFC0] =	vst v3  }
0x5f3: {  	v3 =	vld [tilespmem:s29+$0xFFFFFFB0];
	[tilespmem:s6+$0xFFFFFFD0] =	vst v2  }
0x5f4: {  	v2 =	vld [tilespmem:s29+$0xFFFFFFC0];
	[tilespmem:s6+$0xFFFFFFE0] =	vst v0  }
0x5f5: {  	v0 =	vld [tilespmem:s29+$0xFFFFFFD0];
	[tilespmem:s6+$0xFFFFFFF0] =	vst v1  }
0x5f6: {  	v1 =	vld [tilespmem:s29+$0xFFFFFFE0];
	[tilespmem:s6+$0xFFFFFF90] =	vst v5  }
0x5f7: {  	v5 =	vld [tilespmem:s29+$0xFFFFFFF0]  }
0x5f8: {  	v7 =	vld [tilespmem:s29+$0xFFFFFF90]  }
0x5f9: {  	v6 =	vld.idx.msk [tilespmem:v6+s5+$0x0], $0xffff  }
0x5fa: {  	v8 =	vld.idx.msk [tilespmem:v4+s5+$0x0], $0xffff  }
0x5fb: {  	v4 =	vld.idx.msk [tilespmem:v3+s5+$0x0], $0xffff  }
.Ltmp34:
0x5fc: {  	v3 =	vld.idx.msk [tilespmem:v2+s5+$0x0], $0xffff;
	(pc) =	sbr.rel @p0 .LBB2_71-.Ltmp34, $4  }
0x5fd: {  	v2 =	vld.idx.msk [tilespmem:v0+s5+$0x0], $0xffff  }
0x5fe: {  	s6 =	sadd.s32 $0x200, s6;
	v0 =	vld.idx.msk [tilespmem:v1+s5+$0x0], $0xffff  }
0x5ff: {  	s25 =	simm.s32 $0x188F0;
	s1 =	simm.s32 $0x1C8F0;
	v1 =	vld.idx.msk [tilespmem:v5+s5+$0x0], $0xffff;
	[tilespmem:s6+$0x0] =	vst v6  }
0x600: {  	s29 =	sadd.s32 $0x400, s29;
	v5 =	vld.idx.msk [tilespmem:v7+s5+$0x0], $0xffff;
	[tilespmem:s6+$0xFFFFFFA0] =	vst v8  }
0x601: {  	[tilespmem:s6+$0xFFFFFFB0] =	vst v4  }
0x602: {  	[tilespmem:s6+$0xFFFFFFC0] =	vst v3  }
0x603: {  	[tilespmem:s6+$0xFFFFFFD0] =	vst v2  }
0x604: {  	[tilespmem:s6+$0xFFFFFFE0] =	vst v0  }
0x605: {  	[tilespmem:s6+$0xFFFFFFF0] =	vst v1  }
0x606: {  	[tilespmem:s6+$0xFFFFFF90] =	vst v5  }
0x607: {  	v0 =	vld [tilespmem:s25+$0x0]  }
0x608: {  	v1 =	vld [tilespmem:s25+$0xFFFFFFA0]  }
0x609: {  	v2 =	vld [tilespmem:s25+$0xFFFFFFB0]  }
0x60a: {  	v3 =	vld [tilespmem:s25+$0xFFFFFFC0]  }
0x60b: {  	v4 =	vld [tilespmem:s25+$0xFFFFFFD0]  }
0x60c: {  	v6 =	vld [tilespmem:s25+$0xFFFFFFE0]  }
0x60d: {  	v7 =	vld [tilespmem:s25+$0xFFFFFFF0]  }
0x60e: {  	v8 =	vld [tilespmem:s25+$0xFFFFFF90]  }
0x60f: {  	v9 =	vld.idx.msk [tilespmem:v0+s5+$0x0], $0xffff  }
0x610: {  	v10 =	vld.idx.msk [tilespmem:v1+s5+$0x0], $0xffff  }
0x611: {  	v5 =	vld.idx.msk [tilespmem:v2+s5+$0x0], $0xffff  }
0x612: {  	v3 =	vld.idx.msk [tilespmem:v3+s5+$0x0], $0xffff  }
0x613: {  	v2 =	vld.idx.msk [tilespmem:v4+s5+$0x0], $0xffff  }
0x614: {  	v0 =	vld.idx.msk [tilespmem:v6+s5+$0x0], $0xffff  }
0x615: {  	v1 =	vld.idx.msk [tilespmem:v7+s5+$0x0], $0xffff;
	[tilespmem:s1+$0x0] =	vst v9  }
0x616: {  	s6 =	simm.s32 $0x0;
	s25 =	simm.s32 $0x18CF0;
	v4 =	vld.idx.msk [tilespmem:v8+s5+$0x0], $0xffff;
	[tilespmem:s1+$0xFFFFFFA0] =	vst v10  }
.LBB2_73:
0x617: {  	v6 =	vld [tilespmem:s25+$0x0];
	s6 =	sadd.s32 $0x80, s6;
	[tilespmem:s1+$0xFFFFFFB0] =	vst v5  }
0x618: {  	v5 =	vld [tilespmem:s25+$0xFFFFFFA0];
	p0 =	slt.u32 s6, $0x380;
	[tilespmem:s1+$0xFFFFFFC0] =	vst v3  }
0x619: {  	v3 =	vld [tilespmem:s25+$0xFFFFFFB0];
	[tilespmem:s1+$0xFFFFFFD0] =	vst v2  }
0x61a: {  	v2 =	vld [tilespmem:s25+$0xFFFFFFC0];
	[tilespmem:s1+$0xFFFFFFE0] =	vst v0  }
0x61b: {  	v0 =	vld [tilespmem:s25+$0xFFFFFFD0];
	[tilespmem:s1+$0xFFFFFFF0] =	vst v1  }
0x61c: {  	v1 =	vld [tilespmem:s25+$0xFFFFFFE0];
	[tilespmem:s1+$0xFFFFFF90] =	vst v4  }
0x61d: {  	v4 =	vld [tilespmem:s25+$0xFFFFFFF0]  }
0x61e: {  	v7 =	vld [tilespmem:s25+$0xFFFFFF90]  }
0x61f: {  	v6 =	vld.idx.msk [tilespmem:v6+s5+$0x0], $0xffff  }
0x620: {  	v8 =	vld.idx.msk [tilespmem:v5+s5+$0x0], $0xffff  }
0x621: {  	v5 =	vld.idx.msk [tilespmem:v3+s5+$0x0], $0xffff  }
.Ltmp35:
0x622: {  	v3 =	vld.idx.msk [tilespmem:v2+s5+$0x0], $0xffff;
	(pc) =	sbr.rel @p0 .LBB2_73-.Ltmp35, $4  }
0x623: {  	v2 =	vld.idx.msk [tilespmem:v0+s5+$0x0], $0xffff  }
0x624: {  	s1 =	sadd.s32 $0x200, s1;
	v0 =	vld.idx.msk [tilespmem:v1+s5+$0x0], $0xffff  }
0x625: {  	v1 =	vld.idx.msk [tilespmem:v4+s5+$0x0], $0xffff;
	[tilespmem:s1+$0x0] =	vst v6  }
0x626: {  	s25 =	sadd.s32 $0x400, s25;
	v4 =	vld.idx.msk [tilespmem:v7+s5+$0x0], $0xffff;
	[tilespmem:s1+$0xFFFFFFA0] =	vst v8  }
0x627: {  	[tilespmem:s1+$0xFFFFFFB0] =	vst v5  }
0x628: {  	[tilespmem:s1+$0xFFFFFFC0] =	vst v3  }
0x629: {  	[tilespmem:s1+$0xFFFFFFD0] =	vst v2  }
0x62a: {  	[tilespmem:s1+$0xFFFFFFE0] =	vst v0  }
0x62b: {  	[tilespmem:s1+$0xFFFFFFF0] =	vst v1  }
0x62c: {  	[tilespmem:s1+$0xFFFFFF90] =	vst v4  }
0x62d: {  	s1 =	rddreg [dreg:$0x12]  }
0x62e: {  	s1 =	sadd.s32 s19, s1  }
0x62f: {  	[hbm4b:s1+s23] =	stream.strided.scatter [tilespmem:s31], [sflag:$0x3], $0x200, s30, s23, $0x38;
	[tilespmem:$0x1E700] =	vst v63  }
0x630: {  	s6 =	sadd.s32 $0x80, s1  }
0x631: {  	[hbm4b:s6+s23] =	stream.strided.scatter [tilespmem:s0], [sflag:$0x3], $0x200, s30, s23, $0x38;
	[tilespmem:$0x1E700] =	vst v63  }
0x632: {  	s25 =	sadd.s32 $0x100, s1  }
0x633: {  	[hbm4b:s25+s23] =	stream.strided.scatter [tilespmem:s2], [sflag:$0x3], $0x200, s30, s23, $0x38;
	[tilespmem:$0x1E700] =	vst v63  }
0x634: {  	s26 =	sadd.s32 $0x180, s1  }
0x635: {  	[hbm4b:s26+s23] =	stream.strided.scatter [tilespmem:s24], [sflag:$0x3], $0x200, s30, s23, $0x38;
	[tilespmem:$0x1E700] =	vst v63  }
0x636: {  	s25 =	sadd.s32 $0x200, s1  }
0x637: {  	[hbm4b:s25+s23] =	stream.strided.scatter [tilespmem:s8], [sflag:$0x3], $0x200, s30, s23, $0x38;
	[tilespmem:$0x1E700] =	vst v63  }
0x638: {  	s26 =	sadd.s32 $0x280, s1  }
0x639: {  	[hbm4b:s26+s23] =	stream.strided.scatter [tilespmem:s22], [sflag:$0x3], $0x200, s30, s23, $0x38;
	[tilespmem:$0x1E700] =	vst v63  }
0x63a: {  	s25 =	sadd.s32 $0x300, s1  }
0x63b: {  	[hbm4b:s25+s23] =	stream.strided.scatter [tilespmem:s3], [sflag:$0x3], $0x200, s30, s23, $0x38;
	[tilespmem:$0x1E700] =	vst v63  }
0x63c: {  	s1 =	sadd.s32 $0x380, s1  }
0x63d: {  	[hbm4b:s1+s23] =	stream.strided.scatter [tilespmem:s7], [sflag:$0x3], $0x200, s30, s23, $0x38;
	[tilespmem:$0x1E700] =	vst v63  }
0x63e: {  	_ =	swait.ge [sflag:s17], $0x1000  }
0x63f: {  	[sflag:s17] =	ssyncset.done $0x0  }
0x640: {  	s26 =	simm.s32 $0x18970;
	[sflag:s17] =	ssyncadd.s32 $0xFFFFF000  }
0x641: {  	v0 =	vld [tilespmem:s26+$0x0]  }
0x642: {  	v1 =	vld [tilespmem:s26+$0xFFFFFFA0]  }
0x643: {  	v2 =	vld [tilespmem:s26+$0xFFFFFFB0]  }
0x644: {  	v3 =	vld [tilespmem:s26+$0xFFFFFFC0]  }
0x645: {  	v5 =	vld [tilespmem:s26+$0xFFFFFFD0]  }
0x646: {  	v6 =	vld [tilespmem:s26+$0xFFFFFFE0]  }
0x647: {  	v7 =	vld [tilespmem:s26+$0xFFFFFFF0]  }
0x648: {  	v8 =	vld [tilespmem:s26+$0xFFFFFF90]  }
0x649: {  	v9 =	vld.idx.msk [tilespmem:v0+s5+$0x0], $0xffff  }
0x64a: {  	v10 =	vld.idx.msk [tilespmem:v1+s5+$0x0], $0xffff  }
0x64b: {  	v4 =	vld.idx.msk [tilespmem:v2+s5+$0x0], $0xffff  }
0x64c: {  	v3 =	vld.idx.msk [tilespmem:v3+s5+$0x0], $0xffff  }
0x64d: {  	v0 =	vld.idx.msk [tilespmem:v5+s5+$0x0], $0xffff  }
0x64e: {  	s6 =	simm.s32 $0x1D770;
	v1 =	vld.idx.msk [tilespmem:v6+s5+$0x0], $0xffff  }
0x64f: {  	v2 =	vld.idx.msk [tilespmem:v7+s5+$0x0], $0xffff;
	[tilespmem:s6+$0x0] =	vst v9  }
0x650: {  	s29 =	simm.s32 $0x18D70;
	s26 =	simm.s32 $0x0;
	v5 =	vld.idx.msk [tilespmem:v8+s5+$0x0], $0xffff;
	[tilespmem:s6+$0xFFFFFFA0] =	vst v10  }
.LBB2_75:
0x651: {  	v6 =	vld [tilespmem:s29+$0x0];
	s26 =	sadd.s32 $0x80, s26;
	[tilespmem:s6+$0xFFFFFFB0] =	vst v4  }
0x652: {  	v4 =	vld [tilespmem:s29+$0xFFFFFFA0];
	p0 =	slt.u32 s26, $0x380;
	[tilespmem:s6+$0xFFFFFFC0] =	vst v3  }
0x653: {  	v3 =	vld [tilespmem:s29+$0xFFFFFFB0];
	[tilespmem:s6+$0xFFFFFFD0] =	vst v0  }
0x654: {  	v0 =	vld [tilespmem:s29+$0xFFFFFFC0];
	[tilespmem:s6+$0xFFFFFFE0] =	vst v1  }
0x655: {  	v1 =	vld [tilespmem:s29+$0xFFFFFFD0];
	[tilespmem:s6+$0xFFFFFFF0] =	vst v2  }
0x656: {  	v2 =	vld [tilespmem:s29+$0xFFFFFFE0];
	[tilespmem:s6+$0xFFFFFF90] =	vst v5  }
0x657: {  	v5 =	vld [tilespmem:s29+$0xFFFFFFF0]  }
0x658: {  	v7 =	vld [tilespmem:s29+$0xFFFFFF90]  }
0x659: {  	v6 =	vld.idx.msk [tilespmem:v6+s5+$0x0], $0xffff  }
0x65a: {  	v8 =	vld.idx.msk [tilespmem:v4+s5+$0x0], $0xffff  }
0x65b: {  	v4 =	vld.idx.msk [tilespmem:v3+s5+$0x0], $0xffff  }
.Ltmp36:
0x65c: {  	v3 =	vld.idx.msk [tilespmem:v0+s5+$0x0], $0xffff;
	(pc) =	sbr.rel @p0 .LBB2_75-.Ltmp36, $4  }
0x65d: {  	v0 =	vld.idx.msk [tilespmem:v1+s5+$0x0], $0xffff  }
0x65e: {  	s6 =	sadd.s32 $0x200, s6;
	v1 =	vld.idx.msk [tilespmem:v2+s5+$0x0], $0xffff  }
0x65f: {  	s25 =	simm.s32 $0x189F0;
	s1 =	simm.s32 $0x1D7F0;
	v2 =	vld.idx.msk [tilespmem:v5+s5+$0x0], $0xffff;
	[tilespmem:s6+$0x0] =	vst v6  }
0x660: {  	s29 =	sadd.s32 $0x400, s29;
	v5 =	vld.idx.msk [tilespmem:v7+s5+$0x0], $0xffff;
	[tilespmem:s6+$0xFFFFFFA0] =	vst v8  }
0x661: {  	[tilespmem:s6+$0xFFFFFFB0] =	vst v4  }
0x662: {  	[tilespmem:s6+$0xFFFFFFC0] =	vst v3  }
0x663: {  	[tilespmem:s6+$0xFFFFFFD0] =	vst v0  }
0x664: {  	[tilespmem:s6+$0xFFFFFFE0] =	vst v1  }
0x665: {  	[tilespmem:s6+$0xFFFFFFF0] =	vst v2  }
0x666: {  	[tilespmem:s6+$0xFFFFFF90] =	vst v5  }
0x667: {  	v0 =	vld [tilespmem:s25+$0x0]  }
0x668: {  	v1 =	vld [tilespmem:s25+$0xFFFFFFA0]  }
0x669: {  	v2 =	vld [tilespmem:s25+$0xFFFFFFB0]  }
0x66a: {  	v3 =	vld [tilespmem:s25+$0xFFFFFFC0]  }
0x66b: {  	v5 =	vld [tilespmem:s25+$0xFFFFFFD0]  }
0x66c: {  	v6 =	vld [tilespmem:s25+$0xFFFFFFE0]  }
0x66d: {  	v7 =	vld [tilespmem:s25+$0xFFFFFFF0]  }
0x66e: {  	v8 =	vld [tilespmem:s25+$0xFFFFFF90]  }
0x66f: {  	v9 =	vld.idx.msk [tilespmem:v0+s5+$0x0], $0xffff  }
0x670: {  	v10 =	vld.idx.msk [tilespmem:v1+s5+$0x0], $0xffff  }
0x671: {  	v4 =	vld.idx.msk [tilespmem:v2+s5+$0x0], $0xffff  }
0x672: {  	v3 =	vld.idx.msk [tilespmem:v3+s5+$0x0], $0xffff  }
0x673: {  	v2 =	vld.idx.msk [tilespmem:v5+s5+$0x0], $0xffff  }
0x674: {  	v0 =	vld.idx.msk [tilespmem:v6+s5+$0x0], $0xffff  }
0x675: {  	v1 =	vld.idx.msk [tilespmem:v7+s5+$0x0], $0xffff;
	[tilespmem:s1+$0x0] =	vst v9  }
0x676: {  	s26 =	simm.s32 $0x0;
	s29 =	simm.s32 $0x18DF0;
	v5 =	vld.idx.msk [tilespmem:v8+s5+$0x0], $0xffff;
	[tilespmem:s1+$0xFFFFFFA0] =	vst v10  }
.LBB2_77:
0x677: {  	v6 =	vld [tilespmem:s29+$0x0];
	s26 =	sadd.s32 $0x80, s26;
	[tilespmem:s1+$0xFFFFFFB0] =	vst v4  }
0x678: {  	v4 =	vld [tilespmem:s29+$0xFFFFFFA0];
	p0 =	slt.u32 s26, $0x380;
	[tilespmem:s1+$0xFFFFFFC0] =	vst v3  }
0x679: {  	v3 =	vld [tilespmem:s29+$0xFFFFFFB0];
	[tilespmem:s1+$0xFFFFFFD0] =	vst v2  }
0x67a: {  	v2 =	vld [tilespmem:s29+$0xFFFFFFC0];
	[tilespmem:s1+$0xFFFFFFE0] =	vst v0  }
0x67b: {  	v0 =	vld [tilespmem:s29+$0xFFFFFFD0];
	[tilespmem:s1+$0xFFFFFFF0] =	vst v1  }
0x67c: {  	v1 =	vld [tilespmem:s29+$0xFFFFFFE0];
	[tilespmem:s1+$0xFFFFFF90] =	vst v5  }
0x67d: {  	v5 =	vld [tilespmem:s29+$0xFFFFFFF0]  }
0x67e: {  	v7 =	vld [tilespmem:s29+$0xFFFFFF90]  }
0x67f: {  	v6 =	vld.idx.msk [tilespmem:v6+s5+$0x0], $0xffff  }
0x680: {  	v8 =	vld.idx.msk [tilespmem:v4+s5+$0x0], $0xffff  }
0x681: {  	v4 =	vld.idx.msk [tilespmem:v3+s5+$0x0], $0xffff  }
.Ltmp37:
0x682: {  	v3 =	vld.idx.msk [tilespmem:v2+s5+$0x0], $0xffff;
	(pc) =	sbr.rel @p0 .LBB2_77-.Ltmp37, $4  }
0x683: {  	v2 =	vld.idx.msk [tilespmem:v0+s5+$0x0], $0xffff  }
0x684: {  	s1 =	sadd.s32 $0x200, s1;
	v0 =	vld.idx.msk [tilespmem:v1+s5+$0x0], $0xffff  }
0x685: {  	s25 =	simm.s32 $0x18A70;
	s6 =	simm.s32 $0x1D870;
	v1 =	vld.idx.msk [tilespmem:v5+s5+$0x0], $0xffff;
	[tilespmem:s1+$0x0] =	vst v6  }
0x686: {  	s29 =	sadd.s32 $0x400, s29;
	v5 =	vld.idx.msk [tilespmem:v7+s5+$0x0], $0xffff;
	[tilespmem:s1+$0xFFFFFFA0] =	vst v8  }
0x687: {  	[tilespmem:s1+$0xFFFFFFB0] =	vst v4  }
0x688: {  	[tilespmem:s1+$0xFFFFFFC0] =	vst v3  }
0x689: {  	[tilespmem:s1+$0xFFFFFFD0] =	vst v2  }
0x68a: {  	[tilespmem:s1+$0xFFFFFFE0] =	vst v0  }
0x68b: {  	[tilespmem:s1+$0xFFFFFFF0] =	vst v1  }
0x68c: {  	[tilespmem:s1+$0xFFFFFF90] =	vst v5  }
0x68d: {  	v0 =	vld [tilespmem:s25+$0x0]  }
0x68e: {  	v1 =	vld [tilespmem:s25+$0xFFFFFFA0]  }
0x68f: {  	v2 =	vld [tilespmem:s25+$0xFFFFFFB0]  }
0x690: {  	v3 =	vld [tilespmem:s25+$0xFFFFFFC0]  }
0x691: {  	v5 =	vld [tilespmem:s25+$0xFFFFFFD0]  }
0x692: {  	v6 =	vld [tilespmem:s25+$0xFFFFFFE0]  }
0x693: {  	v7 =	vld [tilespmem:s25+$0xFFFFFFF0]  }
0x694: {  	v8 =	vld [tilespmem:s25+$0xFFFFFF90]  }
0x695: {  	v9 =	vld.idx.msk [tilespmem:v0+s5+$0x0], $0xffff  }
0x696: {  	v10 =	vld.idx.msk [tilespmem:v1+s5+$0x0], $0xffff  }
0x697: {  	v4 =	vld.idx.msk [tilespmem:v2+s5+$0x0], $0xffff  }
0x698: {  	v3 =	vld.idx.msk [tilespmem:v3+s5+$0x0], $0xffff  }
0x699: {  	v2 =	vld.idx.msk [tilespmem:v5+s5+$0x0], $0xffff  }
0x69a: {  	v0 =	vld.idx.msk [tilespmem:v6+s5+$0x0], $0xffff  }
0x69b: {  	v1 =	vld.idx.msk [tilespmem:v7+s5+$0x0], $0xffff;
	[tilespmem:s6+$0x0] =	vst v9  }
0x69c: {  	s26 =	simm.s32 $0x0;
	s29 =	simm.s32 $0x18E70;
	v5 =	vld.idx.msk [tilespmem:v8+s5+$0x0], $0xffff;
	[tilespmem:s6+$0xFFFFFFA0] =	vst v10  }
.LBB2_79:
0x69d: {  	v6 =	vld [tilespmem:s29+$0x0];
	s26 =	sadd.s32 $0x80, s26;
	[tilespmem:s6+$0xFFFFFFB0] =	vst v4  }
0x69e: {  	v4 =	vld [tilespmem:s29+$0xFFFFFFA0];
	p0 =	slt.u32 s26, $0x380;
	[tilespmem:s6+$0xFFFFFFC0] =	vst v3  }
0x69f: {  	v3 =	vld [tilespmem:s29+$0xFFFFFFB0];
	[tilespmem:s6+$0xFFFFFFD0] =	vst v2  }
0x6a0: {  	v2 =	vld [tilespmem:s29+$0xFFFFFFC0];
	[tilespmem:s6+$0xFFFFFFE0] =	vst v0  }
0x6a1: {  	v0 =	vld [tilespmem:s29+$0xFFFFFFD0];
	[tilespmem:s6+$0xFFFFFFF0] =	vst v1  }
0x6a2: {  	v1 =	vld [tilespmem:s29+$0xFFFFFFE0];
	[tilespmem:s6+$0xFFFFFF90] =	vst v5  }
0x6a3: {  	v5 =	vld [tilespmem:s29+$0xFFFFFFF0]  }
0x6a4: {  	v7 =	vld [tilespmem:s29+$0xFFFFFF90]  }
0x6a5: {  	v6 =	vld.idx.msk [tilespmem:v6+s5+$0x0], $0xffff  }
0x6a6: {  	v8 =	vld.idx.msk [tilespmem:v4+s5+$0x0], $0xffff  }
0x6a7: {  	v4 =	vld.idx.msk [tilespmem:v3+s5+$0x0], $0xffff  }
.Ltmp38:
0x6a8: {  	v3 =	vld.idx.msk [tilespmem:v2+s5+$0x0], $0xffff;
	(pc) =	sbr.rel @p0 .LBB2_79-.Ltmp38, $4  }
0x6a9: {  	v2 =	vld.idx.msk [tilespmem:v0+s5+$0x0], $0xffff  }
0x6aa: {  	s6 =	sadd.s32 $0x200, s6;
	v0 =	vld.idx.msk [tilespmem:v1+s5+$0x0], $0xffff  }
0x6ab: {  	s25 =	simm.s32 $0x18AF0;
	s1 =	simm.s32 $0x1D8F0;
	v1 =	vld.idx.msk [tilespmem:v5+s5+$0x0], $0xffff;
	[tilespmem:s6+$0x0] =	vst v6  }
0x6ac: {  	s29 =	sadd.s32 $0x400, s29;
	v5 =	vld.idx.msk [tilespmem:v7+s5+$0x0], $0xffff;
	[tilespmem:s6+$0xFFFFFFA0] =	vst v8  }
0x6ad: {  	[tilespmem:s6+$0xFFFFFFB0] =	vst v4  }
0x6ae: {  	[tilespmem:s6+$0xFFFFFFC0] =	vst v3  }
0x6af: {  	[tilespmem:s6+$0xFFFFFFD0] =	vst v2  }
0x6b0: {  	[tilespmem:s6+$0xFFFFFFE0] =	vst v0  }
0x6b1: {  	[tilespmem:s6+$0xFFFFFFF0] =	vst v1  }
0x6b2: {  	[tilespmem:s6+$0xFFFFFF90] =	vst v5  }
0x6b3: {  	v0 =	vld [tilespmem:s25+$0x0]  }
0x6b4: {  	v1 =	vld [tilespmem:s25+$0xFFFFFFA0]  }
0x6b5: {  	v2 =	vld [tilespmem:s25+$0xFFFFFFB0]  }
0x6b6: {  	v3 =	vld [tilespmem:s25+$0xFFFFFFC0]  }
0x6b7: {  	v6 =	vld [tilespmem:s25+$0xFFFFFFD0]  }
0x6b8: {  	v7 =	vld [tilespmem:s25+$0xFFFFFFE0]  }
0x6b9: {  	v8 =	vld [tilespmem:s25+$0xFFFFFFF0]  }
0x6ba: {  	v9 =	vld [tilespmem:s25+$0xFFFFFF90]  }
0x6bb: {  	v10 =	vld.idx.msk [tilespmem:v0+s5+$0x0], $0xffff  }
0x6bc: {  	v11 =	vld.idx.msk [tilespmem:v1+s5+$0x0], $0xffff  }
0x6bd: {  	v5 =	vld.idx.msk [tilespmem:v2+s5+$0x0], $0xffff  }
0x6be: {  	v4 =	vld.idx.msk [tilespmem:v3+s5+$0x0], $0xffff  }
0x6bf: {  	v3 =	vld.idx.msk [tilespmem:v6+s5+$0x0], $0xffff  }
0x6c0: {  	v1 =	vld.idx.msk [tilespmem:v7+s5+$0x0], $0xffff  }
0x6c1: {  	v0 =	vld.idx.msk [tilespmem:v8+s5+$0x0], $0xffff;
	[tilespmem:s1+$0x0] =	vst v10  }
0x6c2: {  	s6 =	simm.s32 $0x0;
	s25 =	simm.s32 $0x18EF0;
	v2 =	vld.idx.msk [tilespmem:v9+s5+$0x0], $0xffff;
	[tilespmem:s1+$0xFFFFFFA0] =	vst v11  }
.LBB2_81:
0x6c3: {  	v6 =	vld [tilespmem:s25+$0x0];
	s6 =	sadd.s32 $0x80, s6;
	[tilespmem:s1+$0xFFFFFFB0] =	vst v5  }
0x6c4: {  	v5 =	vld [tilespmem:s25+$0xFFFFFFA0];
	p0 =	slt.u32 s6, $0x380;
	[tilespmem:s1+$0xFFFFFFC0] =	vst v4  }
0x6c5: {  	v4 =	vld [tilespmem:s25+$0xFFFFFFB0];
	[tilespmem:s1+$0xFFFFFFD0] =	vst v3  }
0x6c6: {  	v3 =	vld [tilespmem:s25+$0xFFFFFFC0];
	[tilespmem:s1+$0xFFFFFFE0] =	vst v1  }
0x6c7: {  	v1 =	vld [tilespmem:s25+$0xFFFFFFD0];
	[tilespmem:s1+$0xFFFFFFF0] =	vst v0  }
0x6c8: {  	v0 =	vld [tilespmem:s25+$0xFFFFFFE0];
	[tilespmem:s1+$0xFFFFFF90] =	vst v2  }
0x6c9: {  	v2 =	vld [tilespmem:s25+$0xFFFFFFF0]  }
0x6ca: {  	v7 =	vld [tilespmem:s25+$0xFFFFFF90]  }
0x6cb: {  	v6 =	vld.idx.msk [tilespmem:v6+s5+$0x0], $0xffff  }
0x6cc: {  	v8 =	vld.idx.msk [tilespmem:v5+s5+$0x0], $0xffff  }
0x6cd: {  	v5 =	vld.idx.msk [tilespmem:v4+s5+$0x0], $0xffff  }
.Ltmp39:
0x6ce: {  	v4 =	vld.idx.msk [tilespmem:v3+s5+$0x0], $0xffff;
	(pc) =	sbr.rel @p0 .LBB2_81-.Ltmp39, $4  }
0x6cf: {  	v3 =	vld.idx.msk [tilespmem:v1+s5+$0x0], $0xffff  }
0x6d0: {  	s1 =	sadd.s32 $0x200, s1;
	v1 =	vld.idx.msk [tilespmem:v0+s5+$0x0], $0xffff  }
0x6d1: {  	v0 =	vld.idx.msk [tilespmem:v2+s5+$0x0], $0xffff;
	[tilespmem:s1+$0x0] =	vst v6  }
0x6d2: {  	s25 =	sadd.s32 $0x400, s25;
	v2 =	vld.idx.msk [tilespmem:v7+s5+$0x0], $0xffff;
	[tilespmem:s1+$0xFFFFFFA0] =	vst v8  }
0x6d3: {  	[tilespmem:s1+$0xFFFFFFB0] =	vst v5  }
0x6d4: {  	[tilespmem:s1+$0xFFFFFFC0] =	vst v4  }
0x6d5: {  	[tilespmem:s1+$0xFFFFFFD0] =	vst v3  }
0x6d6: {  	[tilespmem:s1+$0xFFFFFFE0] =	vst v1  }
0x6d7: {  	s6 =	rddreg [dreg:$0xd]  }
0x6d8: {  	s6 =	sadd.s32 s6, s20  }
0x6d9: {  	[tilespmem:s1+$0xFFFFFFF0] =	vst v0;
	s6 =	sshrl.u32 s6, $0x3  }
0x6da: {  	[tilespmem:s1+$0xFFFFFF90] =	vst v2;
	s1 =	sadd.s32 s4, s6  }
0x6db: {  	[hbm4b:s1+s23] =	stream.strided.scatter [tilespmem:s9], [sflag:$0x3], $0x200, s30, s23, $0x38;
	[tilespmem:$0x1E700] =	vst v63  }
0x6dc: {  	s6 =	sadd.s32 $0x80, s1  }
0x6dd: {  	[hbm4b:s6+s23] =	stream.strided.scatter [tilespmem:s10], [sflag:$0x3], $0x200, s30, s23, $0x38;
	[tilespmem:$0x1E700] =	vst v63  }
0x6de: {  	s29 =	sadd.s32 $0x100, s1  }
0x6df: {  	[hbm4b:s29+s23] =	stream.strided.scatter [tilespmem:s11], [sflag:$0x3], $0x200, s30, s23, $0x38;
	[tilespmem:$0x1E700] =	vst v63  }
0x6e0: {  	s25 =	sadd.s32 $0x180, s1  }
0x6e1: {  	[hbm4b:s25+s23] =	stream.strided.scatter [tilespmem:s12], [sflag:$0x3], $0x200, s30, s23, $0x38;
	[tilespmem:$0x1E700] =	vst v63  }
0x6e2: {  	s26 =	sadd.s32 $0x200, s1  }
0x6e3: {  	[hbm4b:s26+s23] =	stream.strided.scatter [tilespmem:s13], [sflag:$0x3], $0x200, s30, s23, $0x38;
	[tilespmem:$0x1E700] =	vst v63  }
0x6e4: {  	s29 =	sadd.s32 $0x280, s1  }
0x6e5: {  	[hbm4b:s29+s23] =	stream.strided.scatter [tilespmem:s14], [sflag:$0x3], $0x200, s30, s23, $0x38;
	[tilespmem:$0x1E700] =	vst v63  }
0x6e6: {  	s25 =	sadd.s32 $0x300, s1  }
0x6e7: {  	[hbm4b:s25+s23] =	stream.strided.scatter [tilespmem:s15], [sflag:$0x3], $0x200, s30, s23, $0x38;
	[tilespmem:$0x1E700] =	vst v63  }
0x6e8: {  	s1 =	sadd.s32 $0x380, s1  }
0x6e9: {  	[hbm4b:s1+s23] =	stream.strided.scatter [tilespmem:s16], [sflag:$0x3], $0x200, s30, s23, $0x38;
	[tilespmem:$0x1E700] =	vst v63  }
0x6ea: {  	_ =	swait.ge [sflag:s28], $0x2000  }
0x6eb: {  	[sflag:s28] =	ssyncset.done $0x0  }
0x6ec: {  	s26 =	sadd.s32 $0x1800, s21;
	s29 =	simm.s32 $0x18700;
	[sflag:s28] =	ssyncadd.s32 $0xFFFFE000  }
0x6ed: {  	[tilespmem:s29], [sflag:$0x2] =	stream.linear.gather [hbm4b:s26+s5], $0x100, $0x38;
	[tilespmem:$0x1E700] =	vst v63  }
0x6ee: {  	s6 =	sadd.s32 $0x1880, s21;
	s25 =	simm.s32 $0x18B00  }
0x6ef: {  	[tilespmem:s25], [sflag:$0x2] =	stream.linear.gather [hbm4b:s6+s5], $0x100, $0x38;
	[tilespmem:$0x1E700] =	vst v63  }
0x6f0: {  	s26 =	sadd.s32 $0x1900, s21;
	s29 =	simm.s32 $0x18F00  }
0x6f1: {  	[tilespmem:s29], [sflag:$0x2] =	stream.linear.gather [hbm4b:s26+s5], $0x100, $0x38;
	[tilespmem:$0x1E700] =	vst v63  }
0x6f2: {  	s6 =	sadd.s32 $0x1980, s21;
	s25 =	simm.s32 $0x19300  }
0x6f3: {  	[tilespmem:s25], [sflag:$0x2] =	stream.linear.gather [hbm4b:s6+s5], $0x100, $0x38;
	[tilespmem:$0x1E700] =	vst v63  }
0x6f4: {  	s26 =	sadd.s32 $0x1A00, s21;
	s29 =	simm.s32 $0x19700  }
0x6f5: {  	[tilespmem:s29], [sflag:$0x2] =	stream.linear.gather [hbm4b:s26+s5], $0x100, $0x38;
	[tilespmem:$0x1E700] =	vst v63  }
0x6f6: {  	s6 =	sadd.s32 $0x1A80, s21;
	s25 =	simm.s32 $0x19B00  }
0x6f7: {  	[tilespmem:s25], [sflag:$0x2] =	stream.linear.gather [hbm4b:s6+s5], $0x100, $0x38;
	[tilespmem:$0x1E700] =	vst v63  }
0x6f8: {  	s26 =	sadd.s32 $0x1B00, s21;
	s29 =	simm.s32 $0x19F00  }
0x6f9: {  	[tilespmem:s29], [sflag:$0x2] =	stream.linear.gather [hbm4b:s26+s5], $0x100, $0x38;
	[tilespmem:$0x1E700] =	vst v63  }
0x6fa: {  	s25 =	sadd.s32 $0x1B80, s21;
	s26 =	simm.s32 $0x1A300  }
0x6fb: {  	[tilespmem:s26], [sflag:$0x2] =	stream.linear.gather [hbm4b:s25+s5], $0x100, $0x38;
	[tilespmem:$0x1E700] =	vst v63  }
0x6fc: {  	_ =	swait.ge [sflag:s17], $0x1000  }
0x6fd: {  	[sflag:s17] =	ssyncset.done $0x0  }
0x6fe: {  	s29 =	simm.s32 $0x1A770;
	[sflag:s17] =	ssyncadd.s32 $0xFFFFF000  }
0x6ff: {  	v0 =	vld [tilespmem:s29+$0x0]  }
0x700: {  	v1 =	vld [tilespmem:s29+$0xFFFFFFA0]  }
0x701: {  	v2 =	vld [tilespmem:s29+$0xFFFFFFB0]  }
0x702: {  	v3 =	vld [tilespmem:s29+$0xFFFFFFC0]  }
0x703: {  	v5 =	vld [tilespmem:s29+$0xFFFFFFD0]  }
0x704: {  	v6 =	vld [tilespmem:s29+$0xFFFFFFE0]  }
0x705: {  	v7 =	vld [tilespmem:s29+$0xFFFFFFF0]  }
0x706: {  	v8 =	vld [tilespmem:s29+$0xFFFFFF90]  }
0x707: {  	v9 =	vld.idx.msk [tilespmem:v0+s5+$0x0], $0xffff  }
0x708: {  	v10 =	vld.idx.msk [tilespmem:v1+s5+$0x0], $0xffff  }
0x709: {  	v4 =	vld.idx.msk [tilespmem:v2+s5+$0x0], $0xffff  }
0x70a: {  	v3 =	vld.idx.msk [tilespmem:v3+s5+$0x0], $0xffff  }
0x70b: {  	v0 =	vld.idx.msk [tilespmem:v5+s5+$0x0], $0xffff  }
0x70c: {  	s6 =	simm.s32 $0x1C740;
	v1 =	vld.idx.msk [tilespmem:v6+s5+$0x0], $0xffff  }
0x70d: {  	v2 =	vld.idx.msk [tilespmem:v7+s5+$0x0], $0xffff;
	[tilespmem:s6+$0x30] =	vst v9  }
0x70e: {  	s21 =	simm.s32 $0x0;
	s26 =	simm.s32 $0x1AB70;
	v5 =	vld.idx.msk [tilespmem:v8+s5+$0x0], $0xffff;
	[tilespmem:s6+$0xFFFFFFD0] =	vst v10  }
.LBB2_83:
0x70f: {  	v6 =	vld [tilespmem:s26+$0x0];
	s21 =	sadd.s32 $0x80, s21;
	[tilespmem:s6+$0xFFFFFFE0] =	vst v4  }
0x710: {  	v4 =	vld [tilespmem:s26+$0xFFFFFFA0];
	p0 =	slt.u32 s21, $0x380;
	[tilespmem:s6+$0xFFFFFFF0] =	vst v3  }
0x711: {  	v3 =	vld [tilespmem:s26+$0xFFFFFFB0];
	[tilespmem:s6+$0x0] =	vst v0  }
0x712: {  	v0 =	vld [tilespmem:s26+$0xFFFFFFC0];
	[tilespmem:s6+$0x10] =	vst v1  }
0x713: {  	v1 =	vld [tilespmem:s26+$0xFFFFFFD0];
	[tilespmem:s6+$0x20] =	vst v2  }
0x714: {  	v2 =	vld [tilespmem:s26+$0xFFFFFFE0];
	[tilespmem:s6+$0xFFFFFFC0] =	vst v5  }
0x715: {  	v5 =	vld [tilespmem:s26+$0xFFFFFFF0]  }
0x716: {  	v7 =	vld [tilespmem:s26+$0xFFFFFF90]  }
0x717: {  	v6 =	vld.idx.msk [tilespmem:v6+s5+$0x0], $0xffff  }
0x718: {  	v8 =	vld.idx.msk [tilespmem:v4+s5+$0x0], $0xffff  }
0x719: {  	v4 =	vld.idx.msk [tilespmem:v3+s5+$0x0], $0xffff  }
.Ltmp40:
0x71a: {  	v3 =	vld.idx.msk [tilespmem:v0+s5+$0x0], $0xffff;
	(pc) =	sbr.rel @p0 .LBB2_83-.Ltmp40, $4  }
0x71b: {  	v0 =	vld.idx.msk [tilespmem:v1+s5+$0x0], $0xffff  }
0x71c: {  	s6 =	sadd.s32 $0x200, s6;
	v1 =	vld.idx.msk [tilespmem:v2+s5+$0x0], $0xffff  }
0x71d: {  	s25 =	simm.s32 $0x1A7F0;
	s1 =	simm.s32 $0x1C7F0;
	v2 =	vld.idx.msk [tilespmem:v5+s5+$0x0], $0xffff;
	[tilespmem:s6+$0x30] =	vst v6  }
0x71e: {  	s26 =	sadd.s32 $0x400, s26;
	v5 =	vld.idx.msk [tilespmem:v7+s5+$0x0], $0xffff;
	[tilespmem:s6+$0xFFFFFFD0] =	vst v8  }
0x71f: {  	[tilespmem:s6+$0xFFFFFFE0] =	vst v4  }
0x720: {  	[tilespmem:s6+$0xFFFFFFF0] =	vst v3  }
0x721: {  	[tilespmem:s6+$0x0] =	vst v0  }
0x722: {  	[tilespmem:s6+$0x10] =	vst v1  }
0x723: {  	[tilespmem:s6+$0x20] =	vst v2  }
0x724: {  	[tilespmem:s6+$0xFFFFFFC0] =	vst v5  }
0x725: {  	v0 =	vld [tilespmem:s25+$0x0]  }
0x726: {  	v1 =	vld [tilespmem:s25+$0xFFFFFFA0]  }
0x727: {  	v2 =	vld [tilespmem:s25+$0xFFFFFFB0]  }
0x728: {  	v3 =	vld [tilespmem:s25+$0xFFFFFFC0]  }
0x729: {  	v5 =	vld [tilespmem:s25+$0xFFFFFFD0]  }
0x72a: {  	v6 =	vld [tilespmem:s25+$0xFFFFFFE0]  }
0x72b: {  	v7 =	vld [tilespmem:s25+$0xFFFFFFF0]  }
0x72c: {  	v8 =	vld [tilespmem:s25+$0xFFFFFF90]  }
0x72d: {  	v9 =	vld.idx.msk [tilespmem:v0+s5+$0x0], $0xffff  }
0x72e: {  	v10 =	vld.idx.msk [tilespmem:v1+s5+$0x0], $0xffff  }
0x72f: {  	v4 =	vld.idx.msk [tilespmem:v2+s5+$0x0], $0xffff  }
0x730: {  	v3 =	vld.idx.msk [tilespmem:v3+s5+$0x0], $0xffff  }
0x731: {  	v2 =	vld.idx.msk [tilespmem:v5+s5+$0x0], $0xffff  }
0x732: {  	v0 =	vld.idx.msk [tilespmem:v6+s5+$0x0], $0xffff  }
0x733: {  	v1 =	vld.idx.msk [tilespmem:v7+s5+$0x0], $0xffff;
	[tilespmem:s1+$0x0] =	vst v9  }
0x734: {  	s21 =	simm.s32 $0x0;
	s26 =	simm.s32 $0x1ABF0;
	v5 =	vld.idx.msk [tilespmem:v8+s5+$0x0], $0xffff;
	[tilespmem:s1+$0xFFFFFFA0] =	vst v10  }
.LBB2_85:
0x735: {  	v6 =	vld [tilespmem:s26+$0x0];
	s21 =	sadd.s32 $0x80, s21;
	[tilespmem:s1+$0xFFFFFFB0] =	vst v4  }
0x736: {  	v4 =	vld [tilespmem:s26+$0xFFFFFFA0];
	p0 =	slt.u32 s21, $0x380;
	[tilespmem:s1+$0xFFFFFFC0] =	vst v3  }
0x737: {  	v3 =	vld [tilespmem:s26+$0xFFFFFFB0];
	[tilespmem:s1+$0xFFFFFFD0] =	vst v2  }
0x738: {  	v2 =	vld [tilespmem:s26+$0xFFFFFFC0];
	[tilespmem:s1+$0xFFFFFFE0] =	vst v0  }
0x739: {  	v0 =	vld [tilespmem:s26+$0xFFFFFFD0];
	[tilespmem:s1+$0xFFFFFFF0] =	vst v1  }
0x73a: {  	v1 =	vld [tilespmem:s26+$0xFFFFFFE0];
	[tilespmem:s1+$0xFFFFFF90] =	vst v5  }
0x73b: {  	v5 =	vld [tilespmem:s26+$0xFFFFFFF0]  }
0x73c: {  	v7 =	vld [tilespmem:s26+$0xFFFFFF90]  }
0x73d: {  	v6 =	vld.idx.msk [tilespmem:v6+s5+$0x0], $0xffff  }
0x73e: {  	v8 =	vld.idx.msk [tilespmem:v4+s5+$0x0], $0xffff  }
0x73f: {  	v4 =	vld.idx.msk [tilespmem:v3+s5+$0x0], $0xffff  }
.Ltmp41:
0x740: {  	v3 =	vld.idx.msk [tilespmem:v2+s5+$0x0], $0xffff;
	(pc) =	sbr.rel @p0 .LBB2_85-.Ltmp41, $4  }
0x741: {  	v2 =	vld.idx.msk [tilespmem:v0+s5+$0x0], $0xffff  }
0x742: {  	s1 =	sadd.s32 $0x200, s1;
	v0 =	vld.idx.msk [tilespmem:v1+s5+$0x0], $0xffff  }
0x743: {  	s25 =	simm.s32 $0x1A870;
	s6 =	simm.s32 $0x1C870;
	v1 =	vld.idx.msk [tilespmem:v5+s5+$0x0], $0xffff;
	[tilespmem:s1+$0x0] =	vst v6  }
0x744: {  	s26 =	sadd.s32 $0x400, s26;
	v5 =	vld.idx.msk [tilespmem:v7+s5+$0x0], $0xffff;
	[tilespmem:s1+$0xFFFFFFA0] =	vst v8  }
0x745: {  	[tilespmem:s1+$0xFFFFFFB0] =	vst v4  }
0x746: {  	[tilespmem:s1+$0xFFFFFFC0] =	vst v3  }
0x747: {  	[tilespmem:s1+$0xFFFFFFD0] =	vst v2  }
0x748: {  	[tilespmem:s1+$0xFFFFFFE0] =	vst v0  }
0x749: {  	[tilespmem:s1+$0xFFFFFFF0] =	vst v1  }
0x74a: {  	[tilespmem:s1+$0xFFFFFF90] =	vst v5  }
0x74b: {  	v0 =	vld [tilespmem:s25+$0x0]  }
0x74c: {  	v1 =	vld [tilespmem:s25+$0xFFFFFFA0]  }
0x74d: {  	v2 =	vld [tilespmem:s25+$0xFFFFFFB0]  }
0x74e: {  	v3 =	vld [tilespmem:s25+$0xFFFFFFC0]  }
0x74f: {  	v5 =	vld [tilespmem:s25+$0xFFFFFFD0]  }
0x750: {  	v6 =	vld [tilespmem:s25+$0xFFFFFFE0]  }
0x751: {  	v7 =	vld [tilespmem:s25+$0xFFFFFFF0]  }
0x752: {  	v8 =	vld [tilespmem:s25+$0xFFFFFF90]  }
0x753: {  	v9 =	vld.idx.msk [tilespmem:v0+s5+$0x0], $0xffff  }
0x754: {  	v10 =	vld.idx.msk [tilespmem:v1+s5+$0x0], $0xffff  }
0x755: {  	v4 =	vld.idx.msk [tilespmem:v2+s5+$0x0], $0xffff  }
0x756: {  	v3 =	vld.idx.msk [tilespmem:v3+s5+$0x0], $0xffff  }
0x757: {  	v2 =	vld.idx.msk [tilespmem:v5+s5+$0x0], $0xffff  }
0x758: {  	v0 =	vld.idx.msk [tilespmem:v6+s5+$0x0], $0xffff  }
0x759: {  	v1 =	vld.idx.msk [tilespmem:v7+s5+$0x0], $0xffff;
	[tilespmem:s6+$0x0] =	vst v9  }
0x75a: {  	s21 =	simm.s32 $0x0;
	s26 =	simm.s32 $0x1AC70;
	v5 =	vld.idx.msk [tilespmem:v8+s5+$0x0], $0xffff;
	[tilespmem:s6+$0xFFFFFFA0] =	vst v10  }
.LBB2_87:
0x75b: {  	v6 =	vld [tilespmem:s26+$0x0];
	s21 =	sadd.s32 $0x80, s21;
	[tilespmem:s6+$0xFFFFFFB0] =	vst v4  }
0x75c: {  	v4 =	vld [tilespmem:s26+$0xFFFFFFA0];
	p0 =	slt.u32 s21, $0x380;
	[tilespmem:s6+$0xFFFFFFC0] =	vst v3  }
0x75d: {  	v3 =	vld [tilespmem:s26+$0xFFFFFFB0];
	[tilespmem:s6+$0xFFFFFFD0] =	vst v2  }
0x75e: {  	v2 =	vld [tilespmem:s26+$0xFFFFFFC0];
	[tilespmem:s6+$0xFFFFFFE0] =	vst v0  }
0x75f: {  	v0 =	vld [tilespmem:s26+$0xFFFFFFD0];
	[tilespmem:s6+$0xFFFFFFF0] =	vst v1  }
0x760: {  	v1 =	vld [tilespmem:s26+$0xFFFFFFE0];
	[tilespmem:s6+$0xFFFFFF90] =	vst v5  }
0x761: {  	v5 =	vld [tilespmem:s26+$0xFFFFFFF0]  }
0x762: {  	v7 =	vld [tilespmem:s26+$0xFFFFFF90]  }
0x763: {  	v6 =	vld.idx.msk [tilespmem:v6+s5+$0x0], $0xffff  }
0x764: {  	v8 =	vld.idx.msk [tilespmem:v4+s5+$0x0], $0xffff  }
0x765: {  	v4 =	vld.idx.msk [tilespmem:v3+s5+$0x0], $0xffff  }
.Ltmp42:
0x766: {  	v3 =	vld.idx.msk [tilespmem:v2+s5+$0x0], $0xffff;
	(pc) =	sbr.rel @p0 .LBB2_87-.Ltmp42, $4  }
0x767: {  	v2 =	vld.idx.msk [tilespmem:v0+s5+$0x0], $0xffff  }
0x768: {  	s6 =	sadd.s32 $0x200, s6;
	v0 =	vld.idx.msk [tilespmem:v1+s5+$0x0], $0xffff  }
0x769: {  	s25 =	simm.s32 $0x1A8F0;
	s1 =	simm.s32 $0x1C8F0;
	v1 =	vld.idx.msk [tilespmem:v5+s5+$0x0], $0xffff;
	[tilespmem:s6+$0x0] =	vst v6  }
0x76a: {  	s26 =	sadd.s32 $0x400, s26;
	v5 =	vld.idx.msk [tilespmem:v7+s5+$0x0], $0xffff;
	[tilespmem:s6+$0xFFFFFFA0] =	vst v8  }
0x76b: {  	[tilespmem:s6+$0xFFFFFFB0] =	vst v4  }
0x76c: {  	[tilespmem:s6+$0xFFFFFFC0] =	vst v3  }
0x76d: {  	[tilespmem:s6+$0xFFFFFFD0] =	vst v2  }
0x76e: {  	[tilespmem:s6+$0xFFFFFFE0] =	vst v0  }
0x76f: {  	[tilespmem:s6+$0xFFFFFFF0] =	vst v1  }
0x770: {  	[tilespmem:s6+$0xFFFFFF90] =	vst v5  }
0x771: {  	v0 =	vld [tilespmem:s25+$0x0]  }
0x772: {  	v1 =	vld [tilespmem:s25+$0xFFFFFFA0]  }
0x773: {  	v2 =	vld [tilespmem:s25+$0xFFFFFFB0]  }
0x774: {  	v3 =	vld [tilespmem:s25+$0xFFFFFFC0]  }
0x775: {  	v6 =	vld [tilespmem:s25+$0xFFFFFFD0]  }
0x776: {  	v7 =	vld [tilespmem:s25+$0xFFFFFFE0]  }
0x777: {  	v8 =	vld [tilespmem:s25+$0xFFFFFFF0]  }
0x778: {  	v9 =	vld [tilespmem:s25+$0xFFFFFF90]  }
0x779: {  	v10 =	vld.idx.msk [tilespmem:v0+s5+$0x0], $0xffff  }
0x77a: {  	v11 =	vld.idx.msk [tilespmem:v1+s5+$0x0], $0xffff  }
0x77b: {  	v5 =	vld.idx.msk [tilespmem:v2+s5+$0x0], $0xffff  }
0x77c: {  	v4 =	vld.idx.msk [tilespmem:v3+s5+$0x0], $0xffff  }
0x77d: {  	v3 =	vld.idx.msk [tilespmem:v6+s5+$0x0], $0xffff  }
0x77e: {  	v1 =	vld.idx.msk [tilespmem:v7+s5+$0x0], $0xffff  }
0x77f: {  	v0 =	vld.idx.msk [tilespmem:v8+s5+$0x0], $0xffff;
	[tilespmem:s1+$0x0] =	vst v10  }
0x780: {  	s21 =	simm.s32 $0x1ACF0;
	s6 =	simm.s32 $0x0;
	v2 =	vld.idx.msk [tilespmem:v9+s5+$0x0], $0xffff;
	[tilespmem:s1+$0xFFFFFFA0] =	vst v11  }
.LBB2_89:
0x781: {  	v6 =	vld [tilespmem:s21+$0x0];
	s6 =	sadd.s32 $0x80, s6;
	[tilespmem:s1+$0xFFFFFFB0] =	vst v5  }
0x782: {  	v5 =	vld [tilespmem:s21+$0xFFFFFFA0];
	p0 =	slt.u32 s6, $0x380;
	[tilespmem:s1+$0xFFFFFFC0] =	vst v4  }
0x783: {  	v4 =	vld [tilespmem:s21+$0xFFFFFFB0];
	[tilespmem:s1+$0xFFFFFFD0] =	vst v3  }
0x784: {  	v3 =	vld [tilespmem:s21+$0xFFFFFFC0];
	[tilespmem:s1+$0xFFFFFFE0] =	vst v1  }
0x785: {  	v1 =	vld [tilespmem:s21+$0xFFFFFFD0];
	[tilespmem:s1+$0xFFFFFFF0] =	vst v0  }
0x786: {  	v0 =	vld [tilespmem:s21+$0xFFFFFFE0];
	[tilespmem:s1+$0xFFFFFF90] =	vst v2  }
0x787: {  	v2 =	vld [tilespmem:s21+$0xFFFFFFF0]  }
0x788: {  	v7 =	vld [tilespmem:s21+$0xFFFFFF90]  }
0x789: {  	v6 =	vld.idx.msk [tilespmem:v6+s5+$0x0], $0xffff  }
0x78a: {  	v8 =	vld.idx.msk [tilespmem:v5+s5+$0x0], $0xffff  }
0x78b: {  	v5 =	vld.idx.msk [tilespmem:v4+s5+$0x0], $0xffff  }
.Ltmp43:
0x78c: {  	v4 =	vld.idx.msk [tilespmem:v3+s5+$0x0], $0xffff;
	(pc) =	sbr.rel @p0 .LBB2_89-.Ltmp43, $4  }
0x78d: {  	v3 =	vld.idx.msk [tilespmem:v1+s5+$0x0], $0xffff  }
0x78e: {  	s1 =	sadd.s32 $0x200, s1;
	v1 =	vld.idx.msk [tilespmem:v0+s5+$0x0], $0xffff  }
0x78f: {  	v0 =	vld.idx.msk [tilespmem:v2+s5+$0x0], $0xffff;
	[tilespmem:s1+$0x0] =	vst v6  }
0x790: {  	s21 =	sadd.s32 $0x400, s21;
	v2 =	vld.idx.msk [tilespmem:v7+s5+$0x0], $0xffff;
	[tilespmem:s1+$0xFFFFFFA0] =	vst v8  }
0x791: {  	[tilespmem:s1+$0xFFFFFFB0] =	vst v5  }
0x792: {  	[tilespmem:s1+$0xFFFFFFC0] =	vst v4  }
0x793: {  	[tilespmem:s1+$0xFFFFFFD0] =	vst v3  }
0x794: {  	[tilespmem:s1+$0xFFFFFFE0] =	vst v1  }
0x795: {  	s6 =	rddreg [dreg:$0xe]  }
0x796: {  	s6 =	sadd.s32 s6, s20  }
0x797: {  	[tilespmem:s1+$0xFFFFFFF0] =	vst v0;
	s6 =	sshrl.u32 s6, $0x3  }
0x798: {  	[tilespmem:s1+$0xFFFFFF90] =	vst v2;
	s1 =	sadd.s32 s4, s6  }
0x799: {  	[hbm4b:s1+s23] =	stream.strided.scatter [tilespmem:s31], [sflag:$0x3], $0x200, s30, s23, $0x38;
	[tilespmem:$0x1E700] =	vst v63  }
0x79a: {  	s6 =	sadd.s32 $0x80, s1  }
0x79b: {  	[hbm4b:s6+s23] =	stream.strided.scatter [tilespmem:s0], [sflag:$0x3], $0x200, s30, s23, $0x38;
	[tilespmem:$0x1E700] =	vst v63  }
0x79c: {  	s26 =	sadd.s32 $0x100, s1  }
0x79d: {  	[hbm4b:s26+s23] =	stream.strided.scatter [tilespmem:s2], [sflag:$0x3], $0x200, s30, s23, $0x38;
	[tilespmem:$0x1E700] =	vst v63  }
0x79e: {  	s29 =	sadd.s32 $0x180, s1  }
0x79f: {  	[hbm4b:s29+s23] =	stream.strided.scatter [tilespmem:s24], [sflag:$0x3], $0x200, s30, s23, $0x38;
	[tilespmem:$0x1E700] =	vst v63  }
0x7a0: {  	s21 =	sadd.s32 $0x200, s1  }
0x7a1: {  	[hbm4b:s21+s23] =	stream.strided.scatter [tilespmem:s8], [sflag:$0x3], $0x200, s30, s23, $0x38;
	[tilespmem:$0x1E700] =	vst v63  }
0x7a2: {  	s25 =	sadd.s32 $0x280, s1  }
0x7a3: {  	[hbm4b:s25+s23] =	stream.strided.scatter [tilespmem:s22], [sflag:$0x3], $0x200, s30, s23, $0x38;
	[tilespmem:$0x1E700] =	vst v63  }
0x7a4: {  	s26 =	sadd.s32 $0x300, s1  }
0x7a5: {  	[hbm4b:s26+s23] =	stream.strided.scatter [tilespmem:s3], [sflag:$0x3], $0x200, s30, s23, $0x38;
	[tilespmem:$0x1E700] =	vst v63  }
0x7a6: {  	s1 =	sadd.s32 $0x380, s1  }
0x7a7: {  	[hbm4b:s1+s23] =	stream.strided.scatter [tilespmem:s7], [sflag:$0x3], $0x200, s30, s23, $0x38;
	[tilespmem:$0x1E700] =	vst v63  }
0x7a8: {  	_ =	swait.ge [sflag:s17], $0x1000  }
0x7a9: {  	[sflag:s17] =	ssyncset.done $0x0  }
0x7aa: {  	s29 =	simm.s32 $0x1A970;
	[sflag:s17] =	ssyncadd.s32 $0xFFFFF000  }
0x7ab: {  	v0 =	vld [tilespmem:s29+$0x0]  }
0x7ac: {  	v1 =	vld [tilespmem:s29+$0xFFFFFFA0]  }
0x7ad: {  	v2 =	vld [tilespmem:s29+$0xFFFFFFB0]  }
0x7ae: {  	v3 =	vld [tilespmem:s29+$0xFFFFFFC0]  }
0x7af: {  	v5 =	vld [tilespmem:s29+$0xFFFFFFD0]  }
0x7b0: {  	v6 =	vld [tilespmem:s29+$0xFFFFFFE0]  }
0x7b1: {  	v7 =	vld [tilespmem:s29+$0xFFFFFFF0]  }
0x7b2: {  	v8 =	vld [tilespmem:s29+$0xFFFFFF90]  }
0x7b3: {  	v9 =	vld.idx.msk [tilespmem:v0+s5+$0x0], $0xffff  }
0x7b4: {  	v10 =	vld.idx.msk [tilespmem:v1+s5+$0x0], $0xffff  }
0x7b5: {  	v4 =	vld.idx.msk [tilespmem:v2+s5+$0x0], $0xffff  }
0x7b6: {  	v3 =	vld.idx.msk [tilespmem:v3+s5+$0x0], $0xffff  }
0x7b7: {  	v0 =	vld.idx.msk [tilespmem:v5+s5+$0x0], $0xffff  }
0x7b8: {  	s6 =	simm.s32 $0x1D770;
	v1 =	vld.idx.msk [tilespmem:v6+s5+$0x0], $0xffff  }
0x7b9: {  	v2 =	vld.idx.msk [tilespmem:v7+s5+$0x0], $0xffff;
	[tilespmem:s6+$0x0] =	vst v9  }
0x7ba: {  	s21 =	simm.s32 $0x0;
	s26 =	simm.s32 $0x1AD70;
	v5 =	vld.idx.msk [tilespmem:v8+s5+$0x0], $0xffff;
	[tilespmem:s6+$0xFFFFFFA0] =	vst v10  }
.LBB2_91:
0x7bb: {  	v6 =	vld [tilespmem:s26+$0x0];
	s21 =	sadd.s32 $0x80, s21;
	[tilespmem:s6+$0xFFFFFFB0] =	vst v4  }
0x7bc: {  	v4 =	vld [tilespmem:s26+$0xFFFFFFA0];
	p0 =	slt.u32 s21, $0x380;
	[tilespmem:s6+$0xFFFFFFC0] =	vst v3  }
0x7bd: {  	v3 =	vld [tilespmem:s26+$0xFFFFFFB0];
	[tilespmem:s6+$0xFFFFFFD0] =	vst v0  }
0x7be: {  	v0 =	vld [tilespmem:s26+$0xFFFFFFC0];
	[tilespmem:s6+$0xFFFFFFE0] =	vst v1  }
0x7bf: {  	v1 =	vld [tilespmem:s26+$0xFFFFFFD0];
	[tilespmem:s6+$0xFFFFFFF0] =	vst v2  }
0x7c0: {  	v2 =	vld [tilespmem:s26+$0xFFFFFFE0];
	[tilespmem:s6+$0xFFFFFF90] =	vst v5  }
0x7c1: {  	v5 =	vld [tilespmem:s26+$0xFFFFFFF0]  }
0x7c2: {  	v7 =	vld [tilespmem:s26+$0xFFFFFF90]  }
0x7c3: {  	v6 =	vld.idx.msk [tilespmem:v6+s5+$0x0], $0xffff  }
0x7c4: {  	v8 =	vld.idx.msk [tilespmem:v4+s5+$0x0], $0xffff  }
0x7c5: {  	v4 =	vld.idx.msk [tilespmem:v3+s5+$0x0], $0xffff  }
.Ltmp44:
0x7c6: {  	v3 =	vld.idx.msk [tilespmem:v0+s5+$0x0], $0xffff;
	(pc) =	sbr.rel @p0 .LBB2_91-.Ltmp44, $4  }
0x7c7: {  	v0 =	vld.idx.msk [tilespmem:v1+s5+$0x0], $0xffff  }
0x7c8: {  	s6 =	sadd.s32 $0x200, s6;
	v1 =	vld.idx.msk [tilespmem:v2+s5+$0x0], $0xffff  }
0x7c9: {  	s25 =	simm.s32 $0x1A9F0;
	s1 =	simm.s32 $0x1D7F0;
	v2 =	vld.idx.msk [tilespmem:v5+s5+$0x0], $0xffff;
	[tilespmem:s6+$0x0] =	vst v6  }
0x7ca: {  	s26 =	sadd.s32 $0x400, s26;
	v5 =	vld.idx.msk [tilespmem:v7+s5+$0x0], $0xffff;
	[tilespmem:s6+$0xFFFFFFA0] =	vst v8  }
0x7cb: {  	[tilespmem:s6+$0xFFFFFFB0] =	vst v4  }
0x7cc: {  	[tilespmem:s6+$0xFFFFFFC0] =	vst v3  }
0x7cd: {  	[tilespmem:s6+$0xFFFFFFD0] =	vst v0  }
0x7ce: {  	[tilespmem:s6+$0xFFFFFFE0] =	vst v1  }
0x7cf: {  	[tilespmem:s6+$0xFFFFFFF0] =	vst v2  }
0x7d0: {  	[tilespmem:s6+$0xFFFFFF90] =	vst v5  }
0x7d1: {  	v0 =	vld [tilespmem:s25+$0x0]  }
0x7d2: {  	v1 =	vld [tilespmem:s25+$0xFFFFFFA0]  }
0x7d3: {  	v2 =	vld [tilespmem:s25+$0xFFFFFFB0]  }
0x7d4: {  	v3 =	vld [tilespmem:s25+$0xFFFFFFC0]  }
0x7d5: {  	v5 =	vld [tilespmem:s25+$0xFFFFFFD0]  }
0x7d6: {  	v6 =	vld [tilespmem:s25+$0xFFFFFFE0]  }
0x7d7: {  	v7 =	vld [tilespmem:s25+$0xFFFFFFF0]  }
0x7d8: {  	v8 =	vld [tilespmem:s25+$0xFFFFFF90]  }
0x7d9: {  	v9 =	vld.idx.msk [tilespmem:v0+s5+$0x0], $0xffff  }
0x7da: {  	v10 =	vld.idx.msk [tilespmem:v1+s5+$0x0], $0xffff  }
0x7db: {  	v4 =	vld.idx.msk [tilespmem:v2+s5+$0x0], $0xffff  }
0x7dc: {  	v3 =	vld.idx.msk [tilespmem:v3+s5+$0x0], $0xffff  }
0x7dd: {  	v2 =	vld.idx.msk [tilespmem:v5+s5+$0x0], $0xffff  }
0x7de: {  	v0 =	vld.idx.msk [tilespmem:v6+s5+$0x0], $0xffff  }
0x7df: {  	v1 =	vld.idx.msk [tilespmem:v7+s5+$0x0], $0xffff;
	[tilespmem:s1+$0x0] =	vst v9  }
0x7e0: {  	s21 =	simm.s32 $0x0;
	s26 =	simm.s32 $0x1ADF0;
	v5 =	vld.idx.msk [tilespmem:v8+s5+$0x0], $0xffff;
	[tilespmem:s1+$0xFFFFFFA0] =	vst v10  }
.LBB2_93:
0x7e1: {  	v6 =	vld [tilespmem:s26+$0x0];
	s21 =	sadd.s32 $0x80, s21;
	[tilespmem:s1+$0xFFFFFFB0] =	vst v4  }
0x7e2: {  	v4 =	vld [tilespmem:s26+$0xFFFFFFA0];
	p0 =	slt.u32 s21, $0x380;
	[tilespmem:s1+$0xFFFFFFC0] =	vst v3  }
0x7e3: {  	v3 =	vld [tilespmem:s26+$0xFFFFFFB0];
	[tilespmem:s1+$0xFFFFFFD0] =	vst v2  }
0x7e4: {  	v2 =	vld [tilespmem:s26+$0xFFFFFFC0];
	[tilespmem:s1+$0xFFFFFFE0] =	vst v0  }
0x7e5: {  	v0 =	vld [tilespmem:s26+$0xFFFFFFD0];
	[tilespmem:s1+$0xFFFFFFF0] =	vst v1  }
0x7e6: {  	v1 =	vld [tilespmem:s26+$0xFFFFFFE0];
	[tilespmem:s1+$0xFFFFFF90] =	vst v5  }
0x7e7: {  	v5 =	vld [tilespmem:s26+$0xFFFFFFF0]  }
0x7e8: {  	v7 =	vld [tilespmem:s26+$0xFFFFFF90]  }
0x7e9: {  	v6 =	vld.idx.msk [tilespmem:v6+s5+$0x0], $0xffff  }
0x7ea: {  	v8 =	vld.idx.msk [tilespmem:v4+s5+$0x0], $0xffff  }
0x7eb: {  	v4 =	vld.idx.msk [tilespmem:v3+s5+$0x0], $0xffff  }
.Ltmp45:
0x7ec: {  	v3 =	vld.idx.msk [tilespmem:v2+s5+$0x0], $0xffff;
	(pc) =	sbr.rel @p0 .LBB2_93-.Ltmp45, $4  }
0x7ed: {  	v2 =	vld.idx.msk [tilespmem:v0+s5+$0x0], $0xffff  }
0x7ee: {  	s1 =	sadd.s32 $0x200, s1;
	v0 =	vld.idx.msk [tilespmem:v1+s5+$0x0], $0xffff  }
0x7ef: {  	s25 =	simm.s32 $0x1AA70;
	s6 =	simm.s32 $0x1D870;
	v1 =	vld.idx.msk [tilespmem:v5+s5+$0x0], $0xffff;
	[tilespmem:s1+$0x0] =	vst v6  }
0x7f0: {  	s26 =	sadd.s32 $0x400, s26;
	v5 =	vld.idx.msk [tilespmem:v7+s5+$0x0], $0xffff;
	[tilespmem:s1+$0xFFFFFFA0] =	vst v8  }
0x7f1: {  	[tilespmem:s1+$0xFFFFFFB0] =	vst v4  }
0x7f2: {  	[tilespmem:s1+$0xFFFFFFC0] =	vst v3  }
0x7f3: {  	[tilespmem:s1+$0xFFFFFFD0] =	vst v2  }
0x7f4: {  	[tilespmem:s1+$0xFFFFFFE0] =	vst v0  }
0x7f5: {  	[tilespmem:s1+$0xFFFFFFF0] =	vst v1  }
0x7f6: {  	[tilespmem:s1+$0xFFFFFF90] =	vst v5  }
0x7f7: {  	v0 =	vld [tilespmem:s25+$0x0]  }
0x7f8: {  	v1 =	vld [tilespmem:s25+$0xFFFFFFA0]  }
0x7f9: {  	v2 =	vld [tilespmem:s25+$0xFFFFFFB0]  }
0x7fa: {  	v3 =	vld [tilespmem:s25+$0xFFFFFFC0]  }
0x7fb: {  	v5 =	vld [tilespmem:s25+$0xFFFFFFD0]  }
0x7fc: {  	v6 =	vld [tilespmem:s25+$0xFFFFFFE0]  }
0x7fd: {  	v7 =	vld [tilespmem:s25+$0xFFFFFFF0]  }
0x7fe: {  	v8 =	vld [tilespmem:s25+$0xFFFFFF90]  }
0x7ff: {  	v9 =	vld.idx.msk [tilespmem:v0+s5+$0x0], $0xffff  }
0x800: {  	v10 =	vld.idx.msk [tilespmem:v1+s5+$0x0], $0xffff  }
0x801: {  	v4 =	vld.idx.msk [tilespmem:v2+s5+$0x0], $0xffff  }
0x802: {  	v3 =	vld.idx.msk [tilespmem:v3+s5+$0x0], $0xffff  }
0x803: {  	v2 =	vld.idx.msk [tilespmem:v5+s5+$0x0], $0xffff  }
0x804: {  	v0 =	vld.idx.msk [tilespmem:v6+s5+$0x0], $0xffff  }
0x805: {  	v1 =	vld.idx.msk [tilespmem:v7+s5+$0x0], $0xffff;
	[tilespmem:s6+$0x0] =	vst v9  }
0x806: {  	s21 =	simm.s32 $0x0;
	s26 =	simm.s32 $0x1AE70;
	v5 =	vld.idx.msk [tilespmem:v8+s5+$0x0], $0xffff;
	[tilespmem:s6+$0xFFFFFFA0] =	vst v10  }
.LBB2_95:
0x807: {  	v6 =	vld [tilespmem:s26+$0x0];
	s21 =	sadd.s32 $0x80, s21;
	[tilespmem:s6+$0xFFFFFFB0] =	vst v4  }
0x808: {  	v4 =	vld [tilespmem:s26+$0xFFFFFFA0];
	p0 =	slt.u32 s21, $0x380;
	[tilespmem:s6+$0xFFFFFFC0] =	vst v3  }
0x809: {  	v3 =	vld [tilespmem:s26+$0xFFFFFFB0];
	[tilespmem:s6+$0xFFFFFFD0] =	vst v2  }
0x80a: {  	v2 =	vld [tilespmem:s26+$0xFFFFFFC0];
	[tilespmem:s6+$0xFFFFFFE0] =	vst v0  }
0x80b: {  	v0 =	vld [tilespmem:s26+$0xFFFFFFD0];
	[tilespmem:s6+$0xFFFFFFF0] =	vst v1  }
0x80c: {  	v1 =	vld [tilespmem:s26+$0xFFFFFFE0];
	[tilespmem:s6+$0xFFFFFF90] =	vst v5  }
0x80d: {  	v5 =	vld [tilespmem:s26+$0xFFFFFFF0]  }
0x80e: {  	v7 =	vld [tilespmem:s26+$0xFFFFFF90]  }
0x80f: {  	v6 =	vld.idx.msk [tilespmem:v6+s5+$0x0], $0xffff  }
0x810: {  	v8 =	vld.idx.msk [tilespmem:v4+s5+$0x0], $0xffff  }
0x811: {  	v4 =	vld.idx.msk [tilespmem:v3+s5+$0x0], $0xffff  }
.Ltmp46:
0x812: {  	v3 =	vld.idx.msk [tilespmem:v2+s5+$0x0], $0xffff;
	(pc) =	sbr.rel @p0 .LBB2_95-.Ltmp46, $4  }
0x813: {  	v2 =	vld.idx.msk [tilespmem:v0+s5+$0x0], $0xffff  }
0x814: {  	s6 =	sadd.s32 $0x200, s6;
	v0 =	vld.idx.msk [tilespmem:v1+s5+$0x0], $0xffff  }
0x815: {  	s25 =	simm.s32 $0x1AAF0;
	s1 =	simm.s32 $0x1D8F0;
	v1 =	vld.idx.msk [tilespmem:v5+s5+$0x0], $0xffff;
	[tilespmem:s6+$0x0] =	vst v6  }
0x816: {  	s26 =	sadd.s32 $0x400, s26;
	v5 =	vld.idx.msk [tilespmem:v7+s5+$0x0], $0xffff;
	[tilespmem:s6+$0xFFFFFFA0] =	vst v8  }
0x817: {  	[tilespmem:s6+$0xFFFFFFB0] =	vst v4  }
0x818: {  	[tilespmem:s6+$0xFFFFFFC0] =	vst v3  }
0x819: {  	[tilespmem:s6+$0xFFFFFFD0] =	vst v2  }
0x81a: {  	[tilespmem:s6+$0xFFFFFFE0] =	vst v0  }
0x81b: {  	[tilespmem:s6+$0xFFFFFFF0] =	vst v1  }
0x81c: {  	[tilespmem:s6+$0xFFFFFF90] =	vst v5  }
0x81d: {  	v0 =	vld [tilespmem:s25+$0x0]  }
0x81e: {  	v1 =	vld [tilespmem:s25+$0xFFFFFFA0]  }
0x81f: {  	v2 =	vld [tilespmem:s25+$0xFFFFFFB0]  }
0x820: {  	v3 =	vld [tilespmem:s25+$0xFFFFFFC0]  }
0x821: {  	v6 =	vld [tilespmem:s25+$0xFFFFFFD0]  }
0x822: {  	v7 =	vld [tilespmem:s25+$0xFFFFFFE0]  }
0x823: {  	v8 =	vld [tilespmem:s25+$0xFFFFFFF0]  }
0x824: {  	v9 =	vld [tilespmem:s25+$0xFFFFFF90]  }
0x825: {  	v10 =	vld.idx.msk [tilespmem:v0+s5+$0x0], $0xffff  }
0x826: {  	v11 =	vld.idx.msk [tilespmem:v1+s5+$0x0], $0xffff  }
0x827: {  	v5 =	vld.idx.msk [tilespmem:v2+s5+$0x0], $0xffff  }
0x828: {  	v4 =	vld.idx.msk [tilespmem:v3+s5+$0x0], $0xffff  }
0x829: {  	v3 =	vld.idx.msk [tilespmem:v6+s5+$0x0], $0xffff  }
0x82a: {  	v1 =	vld.idx.msk [tilespmem:v7+s5+$0x0], $0xffff  }
0x82b: {  	v0 =	vld.idx.msk [tilespmem:v8+s5+$0x0], $0xffff;
	[tilespmem:s1+$0x0] =	vst v10  }
0x82c: {  	s21 =	simm.s32 $0x1AEF0;
	s6 =	simm.s32 $0x0;
	v2 =	vld.idx.msk [tilespmem:v9+s5+$0x0], $0xffff;
	[tilespmem:s1+$0xFFFFFFA0] =	vst v11  }
.LBB2_97:
0x82d: {  	v6 =	vld [tilespmem:s21+$0x0];
	s6 =	sadd.s32 $0x80, s6;
	[tilespmem:s1+$0xFFFFFFB0] =	vst v5  }
0x82e: {  	v5 =	vld [tilespmem:s21+$0xFFFFFFA0];
	p0 =	slt.u32 s6, $0x380;
	[tilespmem:s1+$0xFFFFFFC0] =	vst v4  }
0x82f: {  	v4 =	vld [tilespmem:s21+$0xFFFFFFB0];
	[tilespmem:s1+$0xFFFFFFD0] =	vst v3  }
0x830: {  	v3 =	vld [tilespmem:s21+$0xFFFFFFC0];
	[tilespmem:s1+$0xFFFFFFE0] =	vst v1  }
0x831: {  	v1 =	vld [tilespmem:s21+$0xFFFFFFD0];
	[tilespmem:s1+$0xFFFFFFF0] =	vst v0  }
0x832: {  	v0 =	vld [tilespmem:s21+$0xFFFFFFE0];
	[tilespmem:s1+$0xFFFFFF90] =	vst v2  }
0x833: {  	v2 =	vld [tilespmem:s21+$0xFFFFFFF0]  }
0x834: {  	v7 =	vld [tilespmem:s21+$0xFFFFFF90]  }
0x835: {  	v6 =	vld.idx.msk [tilespmem:v6+s5+$0x0], $0xffff  }
0x836: {  	v8 =	vld.idx.msk [tilespmem:v5+s5+$0x0], $0xffff  }
0x837: {  	v5 =	vld.idx.msk [tilespmem:v4+s5+$0x0], $0xffff  }
.Ltmp47:
0x838: {  	v4 =	vld.idx.msk [tilespmem:v3+s5+$0x0], $0xffff;
	(pc) =	sbr.rel @p0 .LBB2_97-.Ltmp47, $4  }
0x839: {  	v3 =	vld.idx.msk [tilespmem:v1+s5+$0x0], $0xffff  }
0x83a: {  	s1 =	sadd.s32 $0x200, s1;
	v1 =	vld.idx.msk [tilespmem:v0+s5+$0x0], $0xffff  }
0x83b: {  	v0 =	vld.idx.msk [tilespmem:v2+s5+$0x0], $0xffff;
	[tilespmem:s1+$0x0] =	vst v6  }
0x83c: {  	s21 =	sadd.s32 $0x400, s21;
	v2 =	vld.idx.msk [tilespmem:v7+s5+$0x0], $0xffff;
	[tilespmem:s1+$0xFFFFFFA0] =	vst v8  }
0x83d: {  	[tilespmem:s1+$0xFFFFFFB0] =	vst v5  }
0x83e: {  	[tilespmem:s1+$0xFFFFFFC0] =	vst v4  }
0x83f: {  	[tilespmem:s1+$0xFFFFFFD0] =	vst v3  }
0x840: {  	[tilespmem:s1+$0xFFFFFFE0] =	vst v1  }
0x841: {  	s6 =	rddreg [dreg:$0xf]  }
0x842: {  	s6 =	sadd.s32 s6, s20  }
0x843: {  	[tilespmem:s1+$0xFFFFFFF0] =	vst v0;
	s6 =	sshrl.u32 s6, $0x3  }
0x844: {  	[tilespmem:s1+$0xFFFFFF90] =	vst v2;
	s1 =	sadd.s32 s4, s6  }
0x845: {  	[hbm4b:s1+s23] =	stream.strided.scatter [tilespmem:s9], [sflag:$0x3], $0x200, s30, s23, $0x38;
	[tilespmem:$0x1E700] =	vst v63  }
0x846: {  	s6 =	sadd.s32 $0x80, s1  }
0x847: {  	[hbm4b:s6+s23] =	stream.strided.scatter [tilespmem:s10], [sflag:$0x3], $0x200, s30, s23, $0x38;
	[tilespmem:$0x1E700] =	vst v63  }
0x848: {  	s29 =	sadd.s32 $0x100, s1  }
0x849: {  	[hbm4b:s29+s23] =	stream.strided.scatter [tilespmem:s11], [sflag:$0x3], $0x200, s30, s23, $0x38;
	[tilespmem:$0x1E700] =	vst v63  }
0x84a: {  	s20 =	sadd.s32 $0x180, s1  }
0x84b: {  	[hbm4b:s20+s23] =	stream.strided.scatter [tilespmem:s12], [sflag:$0x3], $0x200, s30, s23, $0x38;
	[tilespmem:$0x1E700] =	vst v63  }
0x84c: {  	s21 =	sadd.s32 $0x200, s1  }
0x84d: {  	[hbm4b:s21+s23] =	stream.strided.scatter [tilespmem:s13], [sflag:$0x3], $0x200, s30, s23, $0x38;
	[tilespmem:$0x1E700] =	vst v63  }
0x84e: {  	s25 =	sadd.s32 $0x280, s1  }
0x84f: {  	[hbm4b:s25+s23] =	stream.strided.scatter [tilespmem:s14], [sflag:$0x3], $0x200, s30, s23, $0x38;
	[tilespmem:$0x1E700] =	vst v63  }
0x850: {  	s26 =	sadd.s32 $0x300, s1  }
0x851: {  	[hbm4b:s26+s23] =	stream.strided.scatter [tilespmem:s15], [sflag:$0x3], $0x200, s30, s23, $0x38;
	[tilespmem:$0x1E700] =	vst v63  }
0x852: {  	s1 =	sadd.s32 $0x380, s1  }
0x853: {  	[hbm4b:s1+s23] =	stream.strided.scatter [tilespmem:s16], [sflag:$0x3], $0x200, s30, s23, $0x38;
	[tilespmem:$0x1E700] =	vst v63  }
0x854: {  	_ =	swait.ge [sflag:s28], $0x800  }
0x855: {  	[sflag:s28] =	ssyncset.done $0x0  }
0x856: {  	[sflag:s28] =	ssyncadd.s32 $0xFFFFF800  }
0x857: {  	_ =	swait.ge [sflag:s17], $0x1000  }
0x858: {  	[sflag:s17] =	ssyncset.done $0x0  }
0x859: {  	s29 =	simm.s32 $0x18740;
	[sflag:s17] =	ssyncadd.s32 $0xFFFFF000  }
0x85a: {  	v0 =	vld [tilespmem:s29+$0x30]  }
0x85b: {  	v1 =	vld [tilespmem:s29+$0xFFFFFFD0]  }
0x85c: {  	v2 =	vld [tilespmem:s29+$0xFFFFFFE0]  }
0x85d: {  	v3 =	vld [tilespmem:s29+$0xFFFFFFF0]  }
0x85e: {  	v5 =	vld [tilespmem:s29+$0x0]  }
0x85f: {  	v6 =	vld [tilespmem:s29+$0x10]  }
0x860: {  	v7 =	vld [tilespmem:s29+$0x20]  }
0x861: {  	v8 =	vld [tilespmem:s29+$0xFFFFFFC0]  }
0x862: {  	v9 =	vld.idx.msk [tilespmem:v0+s5+$0x0], $0xffff  }
0x863: {  	v10 =	vld.idx.msk [tilespmem:v1+s5+$0x0], $0xffff  }
0x864: {  	v4 =	vld.idx.msk [tilespmem:v2+s5+$0x0], $0xffff  }
0x865: {  	v3 =	vld.idx.msk [tilespmem:v3+s5+$0x0], $0xffff  }
0x866: {  	v0 =	vld.idx.msk [tilespmem:v5+s5+$0x0], $0xffff  }
0x867: {  	s6 =	simm.s32 $0x1C740;
	v1 =	vld.idx.msk [tilespmem:v6+s5+$0x0], $0xffff  }
0x868: {  	v2 =	vld.idx.msk [tilespmem:v7+s5+$0x0], $0xffff;
	[tilespmem:s6+$0x30] =	vst v9  }
0x869: {  	s20 =	simm.s32 $0x0;
	s21 =	simm.s32 $0x18B40;
	v5 =	vld.idx.msk [tilespmem:v8+s5+$0x0], $0xffff;
	[tilespmem:s6+$0xFFFFFFD0] =	vst v10  }
.LBB2_99:
0x86a: {  	v6 =	vld [tilespmem:s21+$0x30];
	s20 =	sadd.s32 $0x80, s20;
	[tilespmem:s6+$0xFFFFFFE0] =	vst v4  }
0x86b: {  	v4 =	vld [tilespmem:s21+$0xFFFFFFD0];
	p0 =	slt.u32 s20, $0x380;
	[tilespmem:s6+$0xFFFFFFF0] =	vst v3  }
0x86c: {  	v3 =	vld [tilespmem:s21+$0xFFFFFFE0];
	[tilespmem:s6+$0x0] =	vst v0  }
0x86d: {  	v0 =	vld [tilespmem:s21+$0xFFFFFFF0];
	[tilespmem:s6+$0x10] =	vst v1  }
0x86e: {  	v1 =	vld [tilespmem:s21+$0x0];
	[tilespmem:s6+$0x20] =	vst v2  }
0x86f: {  	v2 =	vld [tilespmem:s21+$0x10];
	[tilespmem:s6+$0xFFFFFFC0] =	vst v5  }
0x870: {  	v5 =	vld [tilespmem:s21+$0x20]  }
0x871: {  	v7 =	vld [tilespmem:s21+$0xFFFFFFC0]  }
0x872: {  	v6 =	vld.idx.msk [tilespmem:v6+s5+$0x0], $0xffff  }
0x873: {  	v8 =	vld.idx.msk [tilespmem:v4+s5+$0x0], $0xffff  }
0x874: {  	v4 =	vld.idx.msk [tilespmem:v3+s5+$0x0], $0xffff  }
.Ltmp48:
0x875: {  	v3 =	vld.idx.msk [tilespmem:v0+s5+$0x0], $0xffff;
	(pc) =	sbr.rel @p0 .LBB2_99-.Ltmp48, $4  }
0x876: {  	v0 =	vld.idx.msk [tilespmem:v1+s5+$0x0], $0xffff  }
0x877: {  	s6 =	sadd.s32 $0x200, s6;
	v1 =	vld.idx.msk [tilespmem:v2+s5+$0x0], $0xffff  }
0x878: {  	s25 =	simm.s32 $0x187F0;
	s1 =	simm.s32 $0x1C7F0;
	v2 =	vld.idx.msk [tilespmem:v5+s5+$0x0], $0xffff;
	[tilespmem:s6+$0x30] =	vst v6  }
0x879: {  	s21 =	sadd.s32 $0x400, s21;
	v5 =	vld.idx.msk [tilespmem:v7+s5+$0x0], $0xffff;
	[tilespmem:s6+$0xFFFFFFD0] =	vst v8  }
0x87a: {  	[tilespmem:s6+$0xFFFFFFE0] =	vst v4  }
0x87b: {  	[tilespmem:s6+$0xFFFFFFF0] =	vst v3  }
0x87c: {  	[tilespmem:s6+$0x0] =	vst v0  }
0x87d: {  	[tilespmem:s6+$0x10] =	vst v1  }
0x87e: {  	[tilespmem:s6+$0x20] =	vst v2  }
0x87f: {  	[tilespmem:s6+$0xFFFFFFC0] =	vst v5  }
0x880: {  	v0 =	vld [tilespmem:s25+$0x0]  }
0x881: {  	v1 =	vld [tilespmem:s25+$0xFFFFFFA0]  }
0x882: {  	v2 =	vld [tilespmem:s25+$0xFFFFFFB0]  }
0x883: {  	v3 =	vld [tilespmem:s25+$0xFFFFFFC0]  }
0x884: {  	v4 =	vld [tilespmem:s25+$0xFFFFFFD0]  }
0x885: {  	v6 =	vld [tilespmem:s25+$0xFFFFFFE0]  }
0x886: {  	v7 =	vld [tilespmem:s25+$0xFFFFFFF0]  }
0x887: {  	v8 =	vld [tilespmem:s25+$0xFFFFFF90]  }
0x888: {  	v9 =	vld.idx.msk [tilespmem:v0+s5+$0x0], $0xffff  }
0x889: {  	v10 =	vld.idx.msk [tilespmem:v1+s5+$0x0], $0xffff  }
0x88a: {  	v5 =	vld.idx.msk [tilespmem:v2+s5+$0x0], $0xffff  }
0x88b: {  	v3 =	vld.idx.msk [tilespmem:v3+s5+$0x0], $0xffff  }
0x88c: {  	v2 =	vld.idx.msk [tilespmem:v4+s5+$0x0], $0xffff  }
0x88d: {  	v0 =	vld.idx.msk [tilespmem:v6+s5+$0x0], $0xffff  }
0x88e: {  	v1 =	vld.idx.msk [tilespmem:v7+s5+$0x0], $0xffff;
	[tilespmem:s1+$0x0] =	vst v9  }
0x88f: {  	s20 =	simm.s32 $0x18BF0;
	s6 =	simm.s32 $0x0;
	v4 =	vld.idx.msk [tilespmem:v8+s5+$0x0], $0xffff;
	[tilespmem:s1+$0xFFFFFFA0] =	vst v10  }
.LBB2_101:
0x890: {  	v6 =	vld [tilespmem:s20+$0x0];
	s6 =	sadd.s32 $0x80, s6;
	[tilespmem:s1+$0xFFFFFFB0] =	vst v5  }
0x891: {  	v5 =	vld [tilespmem:s20+$0xFFFFFFA0];
	p0 =	slt.u32 s6, $0x380;
	[tilespmem:s1+$0xFFFFFFC0] =	vst v3  }
0x892: {  	v3 =	vld [tilespmem:s20+$0xFFFFFFB0];
	[tilespmem:s1+$0xFFFFFFD0] =	vst v2  }
0x893: {  	v2 =	vld [tilespmem:s20+$0xFFFFFFC0];
	[tilespmem:s1+$0xFFFFFFE0] =	vst v0  }
0x894: {  	v0 =	vld [tilespmem:s20+$0xFFFFFFD0];
	[tilespmem:s1+$0xFFFFFFF0] =	vst v1  }
0x895: {  	v1 =	vld [tilespmem:s20+$0xFFFFFFE0];
	[tilespmem:s1+$0xFFFFFF90] =	vst v4  }
0x896: {  	v4 =	vld [tilespmem:s20+$0xFFFFFFF0]  }
0x897: {  	v7 =	vld [tilespmem:s20+$0xFFFFFF90]  }
0x898: {  	v6 =	vld.idx.msk [tilespmem:v6+s5+$0x0], $0xffff  }
0x899: {  	v8 =	vld.idx.msk [tilespmem:v5+s5+$0x0], $0xffff  }
0x89a: {  	v5 =	vld.idx.msk [tilespmem:v3+s5+$0x0], $0xffff  }
.Ltmp49:
0x89b: {  	v3 =	vld.idx.msk [tilespmem:v2+s5+$0x0], $0xffff;
	(pc) =	sbr.rel @p0 .LBB2_101-.Ltmp49, $4  }
0x89c: {  	v2 =	vld.idx.msk [tilespmem:v0+s5+$0x0], $0xffff  }
0x89d: {  	s1 =	sadd.s32 $0x200, s1;
	v0 =	vld.idx.msk [tilespmem:v1+s5+$0x0], $0xffff  }
0x89e: {  	v1 =	vld.idx.msk [tilespmem:v4+s5+$0x0], $0xffff;
	[tilespmem:s1+$0x0] =	vst v6  }
0x89f: {  	s20 =	sadd.s32 $0x400, s20;
	v4 =	vld.idx.msk [tilespmem:v7+s5+$0x0], $0xffff;
	[tilespmem:s1+$0xFFFFFFA0] =	vst v8  }
0x8a0: {  	[tilespmem:s1+$0xFFFFFFB0] =	vst v5  }
0x8a1: {  	[tilespmem:s1+$0xFFFFFFC0] =	vst v3  }
0x8a2: {  	[tilespmem:s1+$0xFFFFFFD0] =	vst v2  }
0x8a3: {  	[tilespmem:s1+$0xFFFFFFE0] =	vst v0  }
0x8a4: {  	[tilespmem:s1+$0xFFFFFFF0] =	vst v1  }
0x8a5: {  	[tilespmem:s1+$0xFFFFFF90] =	vst v4  }
0x8a6: {  	s1 =	rddreg [dreg:$0x13]  }
0x8a7: {  	s1 =	sadd.s32 s19, s1  }
0x8a8: {  	[hbm4b:s1+s23] =	stream.strided.scatter [tilespmem:s31], [sflag:$0x3], $0x100, s30, s23, $0x38;
	[tilespmem:$0x1E700] =	vst v63  }
0x8a9: {  	s6 =	sadd.s32 $0x80, s1  }
0x8aa: {  	[hbm4b:s6+s23] =	stream.strided.scatter [tilespmem:s0], [sflag:$0x3], $0x100, s30, s23, $0x38;
	[tilespmem:$0x1E700] =	vst v63  }
0x8ab: {  	s20 =	sadd.s32 $0x100, s1  }
0x8ac: {  	[hbm4b:s20+s23] =	stream.strided.scatter [tilespmem:s2], [sflag:$0x3], $0x100, s30, s23, $0x38;
	[tilespmem:$0x1E700] =	vst v63  }
0x8ad: {  	s21 =	sadd.s32 $0x180, s1  }
0x8ae: {  	[hbm4b:s21+s23] =	stream.strided.scatter [tilespmem:s24], [sflag:$0x3], $0x100, s30, s23, $0x38;
	[tilespmem:$0x1E700] =	vst v63  }
0x8af: {  	s25 =	sadd.s32 $0x200, s1  }
0x8b0: {  	[hbm4b:s25+s23] =	stream.strided.scatter [tilespmem:s8], [sflag:$0x3], $0x100, s30, s23, $0x38;
	[tilespmem:$0x1E700] =	vst v63  }
0x8b1: {  	s26 =	sadd.s32 $0x280, s1  }
0x8b2: {  	[hbm4b:s26+s23] =	stream.strided.scatter [tilespmem:s22], [sflag:$0x3], $0x100, s30, s23, $0x38;
	[tilespmem:$0x1E700] =	vst v63  }
0x8b3: {  	p0 =	seq.s32 s18, $0x19;
	s29 =	sadd.s32 $0x300, s1;
	s6 =	sadd.s32 $0x1, s18  }
0x8b4: {  	[hbm4b:s29+s23] =	stream.strided.scatter [tilespmem:s3], [sflag:$0x3], $0x100, s30, s23, $0x38;
	[tilespmem:$0x1E700] =	vst v63  }
0x8b5: {  	s1 =	sadd.s32 $0x380, s1;
	s18 =	smul.u32 @!p0 $0x30E000, s6  }
0x8b6: {  	[hbm4b:s1+s23] =	stream.strided.scatter [tilespmem:s7], [sflag:$0x3], $0x100, s30, s23, $0x38;
	[tilespmem:$0x1E700] =	vst v63  }
0x8b7: {  	s1 =	rddreg [dreg:$0x5]  }
0x8b8: {  	s19 =	simm.s32 @!p0 $0x400;
	s1 =	sadd.s32 @!p0 s1, s18  }
0x8b9: {  	s20 =	simm.s32 @!p0 $0x0;
	s18 =	rddreg [dreg:$0x1];
	s1 =	sshrl.u32 @!p0 s1, $0x3  }
0x8ba: {  	s21 =	smul.u32 @!p0 $0x1C00, s6;
	s1 =	sadd.s32 @!p0 s18, s1;
	s18 =	simm.s32 @!p0 $0x80  }
0x8bb: {  	[tilespmem:s20], [sflag:$0x1] =	stream.strided.gather @!p0 [hbm4b:s1+s18], $0x18700, s19, s18, $0x38;
	[tilespmem:$0x1E700] =	vst v63  }
0x8bc: {  	s19 =	rddreg [dreg:$0x0]  }
0x8bd: {  	s18 =	simm.s32 @!p0 $0x18700;
	s1 =	sadd.s32 @!p0 s19, s21  }
0x8be: {  	[tilespmem:s18], [sflag:$0x2] =	stream.linear.gather @!p0 [hbm4b:s1+s20], $0x2000, $0x38;
	[tilespmem:$0x1E700] =	vst v63  }
0x8bf: {  	p0 =	sne.s32 s6, $0x1A;
	_ =	swait.ge [sflag:s17], $0x1000  }
.Ltmp50:
0x8c0: {  	[sflag:s17] =	ssyncset.done $0x0;
	(pc) =	sbr.rel @p0 .LBB2_2-.Ltmp50, $4  }
0x8c1: {  	[sflag:s17] =	ssyncadd.s32 $0xFFFFF000  }
0x8c2: {  	_ =	swait.ge [sflag:s17], $0x800  }
0x8c3: {  	[sflag:s17] =	ssyncset.done $0x0  }
0x8c4: {  	s18 =	smov.u32 s6;
	[sflag:s17] =	ssyncadd.s32 $0xFFFFF800  }
0x8c5: {  	s6 =	rddreg [dreg:$0x15]  }
0x8c6: {  	s1 =	rddreg [dreg:$0x14];
	s6 =	sadd.s32 $0x1, s6  }
0x8c7: {  	p0 =	sne.s32 s6, s1  }
.Ltmp51:
0x8c8: {  	_ = 	snop;
	(pc) =	sbr.rel @p0 .LBB2_1-.Ltmp51, $1  }
0x8c9: {  	_ =	sdelay $0x3  }
0x8ca: {  	_ =	sfence.sel $0x180000  }
0x8cb: {  	[bflag:$0x0] =	sbarrier.arrive $0xFFFF  }
0x8cc: {  	_ =	strace $0x90000047  }
0x8cd: {  	s0 =	stileid.u32;
	[bflag:$0x2] =	sbarrier.arrive $0xFFFF  }
0x8ce: {  	p0 =	sne.s32 s0, $0x0;
	s0 =	rddreg [dreg:$0x3]  }
0x8cf: {  	s0 =	sadd.s32 @!p0 $0x100000, s0  }
0x8d0: {  	[sflag:s0] =	ssyncadd.tile.s32 @!p0 $0x1;
	_ =	shalt  }
.Lfunc_end2:
_tile_overlayer_lowered:
.L_overlay_start_2:
0x8d1: {  	(tag) =	ssettag $0x2  }
0x8d2: {  	s0 =	rddreg [dreg:$0x0];
	s2 =	stileid.u32  }
0x8d3: {  	s1 =	rddreg [dreg:$0x1];
	p0 =	sne.s32 s2, $0x0  }
0x8d4: {  	s3 =	rddreg [dreg:$0x2];
	[bflag:$0x3] =	sbarrier.arrive $0xFFFF;
	s2 =	simm.s32 @!p0 $0x1C04  }
0x8d5: {  	[timem:s3], [sflag:s2] =	dma.local @!p0 [hbm:s0], s1  }
0x8d6: {  	s0 =	simm.s32 @!p0 $0x4  }
0x8d7: {  	_ =	swait.ge @!p0 [sflag:s0], s1  }
0x8d8: {  	s1 =	ssub.s32 @!p0 $0x0, s1;
	[sflag:s0] =	ssyncset.done @!p0 $0x0  }
0x8d9: {  	[sflag:s0] =	ssyncadd.s32 @!p0 s1  }
0x8da: {  	[bflag:$0x3] =	sbarrier.arrive $0xFFFF  }
0x8db: {  	_ =	shalt  }

</sc_bundles>
